<compile_context>
chip_gen: v7x
topology: tpu7x:2x2x1
jax: 0.10.2.dev20260603
libtpu: 0.0.44.dev20260713+nightly
codegen_flags: <defaults>
</compile_context>

<pallas_src>
import functools
import jax
import jax.numpy as jnp
from jax import lax
from jax.experimental import pallas as pl
from jax.experimental.pallas import tpu as pltpu
from jax.experimental.pallas import tpu_sc as plsc

N_ROWS = 320000
DIM = 128
HID = 128
NSEG = 1024
BLK = 5000
NSC = 16
NW = 32
SCHUNK = N_ROWS // NSC
NGRP = SCHUNK // 16
TROWS = 128
NTILES = N_ROWS // TROWS
LANE = 16



def _scores_body(x_ref, w1_ref, b1_ref, w2_ref, b2_ref, out_ref):
    x = x_ref[...]
    h = jnp.maximum(
        jnp.dot(x, w1_ref[...].T, preferred_element_type=jnp.float32,
                precision=lax.Precision.DEFAULT)
        + b1_ref[...],
        0.0,
    )
    g = lax.dot_general(
        w2_ref[...], h, (((1,), (1,)), ((), ())),
        preferred_element_type=jnp.float32,
        precision=lax.Precision.DEFAULT)
    out_ref[...] = g.reshape(1, 1, BLK) + b2_ref[0, 0]


def _gate_scores(x, W1, b1, W2, b2):
    nblk = N_ROWS // BLK
    out = pl.pallas_call(
        _scores_body,
        grid=(nblk,),
        in_specs=[
            pl.BlockSpec((BLK, DIM), lambda i: (i, 0)),
            pl.BlockSpec((HID, DIM), lambda i: (0, 0)),
            pl.BlockSpec((1, HID), lambda i: (0, 0)),
            pl.BlockSpec((1, HID), lambda i: (0, 0)),
            pl.BlockSpec((1, 1), lambda i: (0, 0), memory_space=pltpu.SMEM),
        ],
        out_specs=pl.BlockSpec((1, 1, BLK), lambda i: (i, 0, 0)),
        out_shape=jax.ShapeDtypeStruct((nblk, 1, BLK), jnp.float32),
    )(x, W1, b1.reshape(1, HID), W2, b2.reshape(1, 1))
    return out.reshape(N_ROWS)



def _pool_body(x_hbm, batch_hbm, scores_hbm, outpart_hbm,
               sc_buf, bt_buf, mtab, ztab, mrow, zrow,
               mfin, zinv, pbufm, pbufz,
               xbuf, idxbuf, sbuf, wbuf, insem,
               acc, mshr, zshr):
    cid = lax.axis_index("c")
    sid = lax.axis_index("s")
    wid = sid * 2 + cid

    lanes = jnp.arange(LANE, dtype=jnp.int32)

    def zero_body(i, _):
        z16 = jnp.zeros((LANE,), jnp.float32)
        mtab[pl.ds(i * LANE, LANE)] = z16
        ztab[pl.ds(i * LANE, LANE)] = z16
        return 0
    lax.fori_loop(0, NSEG * LANE // LANE, zero_body, 0)

    base = sid * SCHUNK
    pltpu.sync_copy(scores_hbm.at[pl.ds(base, SCHUNK)], sc_buf)
    pltpu.sync_copy(batch_hbm.at[pl.ds(base, SCHUNK)], bt_buf)

    def grp_body(g, _):
        idx = bt_buf[pl.ds(g * LANE, LANE)]
        s = sc_buf[pl.ds(g * LANE, LANE)]
        flat = idx * LANE + lanes
        mo = plsc.load_gather(mtab, [flat])
        zo = plsc.load_gather(ztab, [flat])
        mn = jnp.maximum(mo, s)
        zn = zo * jnp.exp(mo - mn) + jnp.exp(s - mn)
        plsc.store_scatter(mtab, [flat], mn)
        plsc.store_scatter(ztab, [flat], zn)
        return 0
    lax.fori_loop(0, NGRP, grp_body, 0)

    def red_body(sg, _):
        idx0 = (lanes + sg * LANE) * LANE
        m_acc = plsc.load_gather(mtab, [idx0])
        for c in range(1, LANE):
            m_acc = jnp.maximum(m_acc, plsc.load_gather(mtab, [idx0 + c]))
        z_acc = jnp.zeros((LANE,), jnp.float32)
        for c in range(LANE):
            mv = plsc.load_gather(mtab, [idx0 + c])
            zv = plsc.load_gather(ztab, [idx0 + c])
            z_acc = z_acc + zv * jnp.exp(mv - m_acc)
        mrow[pl.ds(sg * LANE, LANE)] = m_acc
        zrow[pl.ds(sg * LANE, LANE)] = z_acc
        return 0
    lax.fori_loop(0, NSEG // LANE, red_body, 0)

    pltpu.sync_copy(mrow, mshr.at[sid])
    pltpu.sync_copy(zrow, zshr.at[sid])

    def zx_body(i, _):
        for c in range(DIM // LANE):
            xbuf[0, i, pl.ds(c * LANE, LANE)] = jnp.zeros((LANE,),
                                                          jnp.float32)
        return 0
    lax.fori_loop(0, NSEG // NSC, zx_body, 0)
    pltpu.sync_copy(xbuf.at[0, pl.ds(0, NSEG // NSC)],
                    acc.at[pl.ds(sid * (NSEG // NSC), NSEG // NSC)])
    plsc.subcore_barrier()

    CCH = 128
    for csi in range(NSEG // CCH):
        pltpu.sync_copy(mshr.at[:, pl.ds(csi * CCH, CCH)], pbufm)
        pltpu.sync_copy(zshr.at[:, pl.ds(csi * CCH, CCH)], pbufz)

        def comb_body(sg, _):
            m_acc = jnp.zeros((LANE,), jnp.float32)

            def max_body(w, m_acc):
                return jnp.maximum(m_acc, pbufm[w, pl.ds(sg * LANE, LANE)])
            m_acc = lax.fori_loop(0, NSC, max_body, m_acc)

            def sum_body(w, z_acc):
                mv = pbufm[w, pl.ds(sg * LANE, LANE)]
                zv = pbufz[w, pl.ds(sg * LANE, LANE)]
                return z_acc + zv * jnp.exp(mv - m_acc)
            z_acc = lax.fori_loop(0, NSC, sum_body,
                                  jnp.zeros((LANE,), jnp.float32))

            off = csi * CCH + sg * LANE
            mfin[pl.ds(off, LANE)] = m_acc
            zinv[pl.ds(off, LANE)] = 1.0 / (z_acc + 1e-9)
            return 0
        lax.fori_loop(0, CCH // LANE, comb_body, 0)

    nfull = NTILES // NW
    nrem = NTILES - nfull * NW
    ntiles_w = nfull + jnp.where(wid < nrem, 1, 0)

    def issue_in(t, b):
        row0 = t * TROWS
        pltpu.async_copy(x_hbm.at[pl.ds(row0, TROWS)], xbuf.at[b], insem)
        pltpu.async_copy(batch_hbm.at[pl.ds(row0, TROWS)], idxbuf.at[b],
                         insem)
        pltpu.async_copy(scores_hbm.at[pl.ds(row0, TROWS)], sbuf.at[b],
                         insem)

    def wait_in(t, b):
        row0 = t * TROWS
        pltpu.make_async_copy(x_hbm.at[pl.ds(row0, TROWS)], xbuf.at[b],
                              insem).wait()
        pltpu.make_async_copy(batch_hbm.at[pl.ds(row0, TROWS)],
                              idxbuf.at[b], insem).wait()
        pltpu.make_async_copy(scores_hbm.at[pl.ds(row0, TROWS)],
                              sbuf.at[b], insem).wait()

    issue_in(wid, 0)

    def tile_body(k, _):
        b = lax.rem(k, 2)
        t = wid + k * NW

        @pl.when(k + 1 < ntiles_w)
        def _():
            issue_in(wid + (k + 1) * NW, 1 - b)

        wait_in(t, b)

        for g in range(TROWS // LANE):
            idx = idxbuf[b, pl.ds(g * LANE, LANE)]
            s = sbuf[b, pl.ds(g * LANE, LANE)]
            m = plsc.load_gather(mfin, [idx])
            zi = plsc.load_gather(zinv, [idx])
            wbuf[pl.ds(g * LANE, LANE)] = jnp.exp(s - m) * zi

        def row_body(jj, _):
            j0 = jj * 8
            for u in range(8):
                wj = plsc.load_gather(
                    wbuf, [jnp.full((LANE,), 0, jnp.int32) + (j0 + u)])
                for c in range(DIM // LANE):
                    xbuf[b, j0 + u, pl.ds(c * LANE, LANE)] = (
                        xbuf[b, j0 + u, pl.ds(c * LANE, LANE)] * wj)
            return 0
        lax.fori_loop(0, TROWS // 8, row_body, 0)

        pltpu.sync_copy(xbuf.at[b], acc.at[idxbuf.at[b]], add=True)
        return 0
    lax.fori_loop(0, ntiles_w, tile_body, 0)

    plsc.subcore_barrier()
    pltpu.sync_copy(acc.at[pl.ds(sid * (NSEG // NSC), NSEG // NSC)],
                    outpart_hbm.at[cid, pl.ds(sid * (NSEG // NSC),
                                              NSEG // NSC)])


def _pool(x, batch, scores):
    mesh = plsc.VectorSubcoreMesh(core_axis_name="c", subcore_axis_name="s")
    f = functools.partial(
        pl.kernel,
        mesh=mesh,
        compiler_params=pltpu.CompilerParams(needs_layout_passes=False),
        out_type=jax.ShapeDtypeStruct((2, NSEG, DIM), jnp.float32),
        scratch_types=[
            pltpu.VMEM((SCHUNK,), jnp.float32),
            pltpu.VMEM((SCHUNK,), jnp.int32),
            pltpu.VMEM((NSEG * LANE,), jnp.float32),
            pltpu.VMEM((NSEG * LANE,), jnp.float32),
            pltpu.VMEM((NSEG,), jnp.float32),
            pltpu.VMEM((NSEG,), jnp.float32),
            pltpu.VMEM((NSEG,), jnp.float32),
            pltpu.VMEM((NSEG,), jnp.float32),
            pltpu.VMEM((NSC, 128), jnp.float32),
            pltpu.VMEM((NSC, 128), jnp.float32),
            pltpu.VMEM((2, TROWS, DIM), jnp.float32),
            pltpu.VMEM((2, TROWS), jnp.int32),
            pltpu.VMEM((2, TROWS), jnp.float32),
            pltpu.VMEM((TROWS,), jnp.float32),
            pltpu.SemaphoreType.DMA,
            pltpu.VMEM_SHARED((NSEG, DIM), jnp.float32),
            pltpu.VMEM_SHARED((NSC, NSEG), jnp.float32),
            pltpu.VMEM_SHARED((NSC, NSEG), jnp.float32),
        ],
    )(_pool_body)
    return f(x, batch, scores)



def _sum_body(p_ref, out_ref):
    out_ref[...] = p_ref[0] + p_ref[1]


def _sum_partials(outpart):
    return pl.pallas_call(
        _sum_body,
        out_shape=jax.ShapeDtypeStruct((NSEG, DIM), jnp.float32),
    )(outpart)



def kernel(x, batch, W1, b1, W2, b2):
    scores = _gate_scores(x, W1, b1, W2, b2)
    outpart = _pool(x, batch, scores)
    return _sum_partials(outpart)

# --- scband reference (transcript-rebuilt; emitter-appended) ---
"""Pipeline reference for scband-global-attention-pool-16312285790334 (READ-ONLY COPY).

The authoritative reference and input builder live on the scoring server;
editing this copy changes nothing except your own understanding.
"""

import jax, jax.numpy as jnp
import numpy as np

N = 320000
D = 128
H = 128
S = 1024


def setup_inputs(seed: int = 0) -> dict:
    key = jax.random.key(seed)
    k1, k2, k3, k4, k5 = jax.random.split(key, 5)
    x = jax.random.normal(k1, (N, D), dtype=jnp.float32)
    batch = jnp.sort(jax.random.randint(k2, (N,), 0, S)).astype(jnp.int32)
    # gate = Linear(D->H), ReLU, Linear(H->1)
    W1 = jax.random.normal(k3, (H, D), dtype=jnp.float32) * (1.0 / np.sqrt(D))
    b1 = jnp.zeros((H,), dtype=jnp.float32)
    W2 = jax.random.normal(k4, (1, H), dtype=jnp.float32) * (1.0 / np.sqrt(H))
    b2 = jnp.zeros((1,), dtype=jnp.float32)
    return {"x": x, "batch": batch, "W1": W1, "b1": b1, "W2": W2, "b2": b2}


def reference(x, batch, W1, b1, W2, b2):
    # gate MLP
    h = jnp.maximum(x @ W1.T + b1, 0.0)
    gate_scores = (h @ W2.T + b2).squeeze(-1)  # [N]
    # scatter_reduce amax with include_self=True over a zeros-initialized
    # tensor of the SAME length as gate_scores (faithful to torch code)
    max_per_batch = jnp.zeros_like(gate_scores).at[batch].max(gate_scores)
    weights = jnp.exp(gate_scores - max_per_batch[batch])
    sum_per_batch = jnp.zeros_like(weights).at[batch].add(weights)
    weights = weights / (sum_per_batch[batch] + 1e-09)
    x_weighted = x * weights[:, None]
    out = jnp.zeros((S, D), dtype=x.dtype).at[batch].add(x_weighted)
    return out

if __name__ == "__main__":
    import jax
    _d = setup_inputs()
    print(jax.jit(kernel)(*tuple(_d.values())))

</pallas_src>

<mosaic_0001>
#map = affine_map<(d0, d1) -> (0, 0)>
#map1 = affine_map<(d0, d1) -> (0)>
#map2 = affine_map<(d0, d1) -> (0, 0, 0)>
module attributes {stable_mosaic.version = 14 : i64} {
  func.func @_pool_body(%arg0: i32, %arg1: i32, %arg2: memref<320000x128xf32, #tpu.memory_space<hbm>>, %arg3: memref<320000xi32, #tpu.memory_space<hbm>>, %arg4: memref<320000xf32, #tpu.memory_space<hbm>>, %arg5: memref<2x1024x128xf32, #tpu.memory_space<hbm>>, %arg6: memref<20000xf32, #tpu.memory_space<vmem>>, %arg7: memref<20000xi32, #tpu.memory_space<vmem>>, %arg8: memref<16384xf32, #tpu.memory_space<vmem>>, %arg9: memref<16384xf32, #tpu.memory_space<vmem>>, %arg10: memref<1024xf32, #tpu.memory_space<vmem>>, %arg11: memref<1024xf32, #tpu.memory_space<vmem>>, %arg12: memref<1024xf32, #tpu.memory_space<vmem>>, %arg13: memref<1024xf32, #tpu.memory_space<vmem>>, %arg14: memref<16x128xf32, #tpu.memory_space<vmem>>, %arg15: memref<16x128xf32, #tpu.memory_space<vmem>>, %arg16: memref<2x128x128xf32, #tpu.memory_space<vmem>>, %arg17: memref<2x128xi32, #tpu.memory_space<vmem>>, %arg18: memref<2x128xf32, #tpu.memory_space<vmem>>, %arg19: memref<128xf32, #tpu.memory_space<vmem>>, %arg20: memref<!tpu.dma_semaphore, #tpu.memory_space<semaphore_mem>>, %arg21: memref<1024x128xf32, #tpu.memory_space<vmem_shared>>, %arg22: memref<16x1024xf32, #tpu.memory_space<vmem_shared>>, %arg23: memref<16x1024xf32, #tpu.memory_space<vmem_shared>>) attributes {dimension_semantics = [#tpu.dimension_semantics<core_parallel>, #tpu.dimension_semantics<subcore_parallel>], iteration_bounds = array<i64: 2, 16>, scalar_prefetch = 0 : i64, scratch_operands = 18 : i64, tpu.core_type = #tpu.core_type<sc_vector_subcore>, window_params = [{transform_indices = #map}, {transform_indices = #map1}, {transform_indices = #map1}, {transform_indices = #map2}]} {
    %mul3A = arith.constant 2 : i32
    %mul3A_0 = arith.muli %arg1, %mul3A : i32
    %add3A = arith.addi %mul3A_0, %arg0 : i32
    %iota3A = tpu.iota {dimensions = array<i32: 0>} : vector<16xi32>
    %scan3A = arith.constant 0 : i32
    %scan3A_1 = arith.constant 0 : i32
    %scan3A_2 = arith.constant 1024 : i32
    %scan3A_3 = arith.addi %scan3A_1, %scan3A_2 : i32
    %scan3A_4 = arith.constant 1 : i32
    %scan3A_5 = scf.for %scan3A_140 = %scan3A_1 to %scan3A_3 step %scan3A_4 iter_args(%scan3A_141 = %scan3A) -> (i32)  : i32 {
      %broadcast_in_dim3A = arith.constant 0.000000e+00 : f32
      %broadcast_in_dim3A_142 = vector.broadcast %broadcast_in_dim3A : f32 to vector<16xf32>
      %mul3A_143 = arith.constant 16 : i32
      %mul3A_144 = arith.muli %scan3A_140, %mul3A_143 : i32
      %swap3A = arith.index_cast %mul3A_144 : i32 to index
      %swap3A_145 = tpu.vector_load %arg8[%swap3A] {strides = array<i32>} : memref<16384xf32, #tpu.memory_space<vmem>>, vector<16xf32>,
      tpu.vector_store %arg8[%swap3A], %broadcast_in_dim3A_142 {strides = array<i32>} : memref<16384xf32, #tpu.memory_space<vmem>>, vector<16xf32>,
      %mul3A_146 = arith.constant 16 : i32
      %mul3A_147 = arith.muli %scan3A_140, %mul3A_146 : i32
      %swap3A_148 = arith.index_cast %mul3A_147 : i32 to index
      %swap3A_149 = tpu.vector_load %arg9[%swap3A_148] {strides = array<i32>} : memref<16384xf32, #tpu.memory_space<vmem>>, vector<16xf32>,
      tpu.vector_store %arg9[%swap3A_148], %broadcast_in_dim3A_142 {strides = array<i32>} : memref<16384xf32, #tpu.memory_space<vmem>>, vector<16xf32>,
      %scan3A_150 = arith.constant 0 : i32
      scf.yield %scan3A_150 : i32
    }
    %scan3A_6 = arith.constant 1024 : i32
    %mul3A_7 = arith.constant 20000 : i32
    %mul3A_8 = arith.muli %arg1, %mul3A_7 : i32
    "tpu.region"() ({
      %run_scoped3A_140 = tpu.sem_alloc : memref<!tpu.dma_semaphore, #tpu.memory_space<semaphore_mem>>
      %dma_start3A_141 = tpu.memref_slice %arg4[%mul3A_8] : memref<320000xf32, #tpu.memory_space<hbm>> -> memref<20000xf32, #tpu.memory_space<hbm>>
      %dma_start3A_142 = tpu.memref_slice %arg4[%mul3A_8] : memref<320000xf32, #tpu.memory_space<hbm>> -> memref<20000xf32, #tpu.memory_space<hbm>>
      tpu.enqueue_dma source(%dma_start3A_142 : memref<20000xf32, #tpu.memory_space<hbm>>) target(%arg6 : memref<20000xf32, #tpu.memory_space<vmem>>) target_semaphore(%run_scoped3A_140 : memref<!tpu.dma_semaphore, #tpu.memory_space<semaphore_mem>>)
      %dma_wait3A = tpu.memref_slice %arg4[%mul3A_8] : memref<320000xf32, #tpu.memory_space<hbm>> -> memref<20000xf32, #tpu.memory_space<hbm>>
      %dma_wait3A_143 = tpu.memref_slice %arg4[%mul3A_8] : memref<320000xf32, #tpu.memory_space<hbm>> -> memref<20000xf32, #tpu.memory_space<hbm>>
      tpu.wait_dma2 semaphore(%run_scoped3A_140 : memref<!tpu.dma_semaphore, #tpu.memory_space<semaphore_mem>>) src(%dma_wait3A_143 : memref<20000xf32, #tpu.memory_space<hbm>>) dst(%arg6 : memref<20000xf32, #tpu.memory_space<vmem>>)
      tpu.yield
    }) : () -> ()
    "tpu.region"() ({
      %run_scoped3A_140 = tpu.sem_alloc : memref<!tpu.dma_semaphore, #tpu.memory_space<semaphore_mem>>
      %dma_start3A_141 = tpu.memref_slice %arg3[%mul3A_8] : memref<320000xi32, #tpu.memory_space<hbm>> -> memref<20000xi32, #tpu.memory_space<hbm>>
      %dma_start3A_142 = tpu.memref_slice %arg3[%mul3A_8] : memref<320000xi32, #tpu.memory_space<hbm>> -> memref<20000xi32, #tpu.memory_space<hbm>>
      tpu.enqueue_dma source(%dma_start3A_142 : memref<20000xi32, #tpu.memory_space<hbm>>) target(%arg7 : memref<20000xi32, #tpu.memory_space<vmem>>) target_semaphore(%run_scoped3A_140 : memref<!tpu.dma_semaphore, #tpu.memory_space<semaphore_mem>>)
      %dma_wait3A = tpu.memref_slice %arg3[%mul3A_8] : memref<320000xi32, #tpu.memory_space<hbm>> -> memref<20000xi32, #tpu.memory_space<hbm>>
      %dma_wait3A_143 = tpu.memref_slice %arg3[%mul3A_8] : memref<320000xi32, #tpu.memory_space<hbm>> -> memref<20000xi32, #tpu.memory_space<hbm>>
      tpu.wait_dma2 semaphore(%run_scoped3A_140 : memref<!tpu.dma_semaphore, #tpu.memory_space<semaphore_mem>>) src(%dma_wait3A_143 : memref<20000xi32, #tpu.memory_space<hbm>>) dst(%arg7 : memref<20000xi32, #tpu.memory_space<vmem>>)
      tpu.yield
    }) : () -> ()
    %scan3A_9 = arith.constant 0 : i32
    %scan3A_10 = arith.constant 0 : i32
    %scan3A_11 = arith.constant 1250 : i32
    %scan3A_12 = arith.addi %scan3A_10, %scan3A_11 : i32
    %scan3A_13 = arith.constant 1 : i32
    %scan3A_14 = scf.for %scan3A_140 = %scan3A_10 to %scan3A_12 step %scan3A_13 iter_args(%scan3A_141 = %scan3A_9) -> (i32)  : i32 {
      %mul3A_142 = arith.constant 16 : i32
      %mul3A_143 = arith.muli %scan3A_140, %mul3A_142 : i32
      %get3A = arith.index_cast %mul3A_143 : i32 to index
      %get3A_144 = tpu.vector_load %arg7[%get3A] {strides = array<i32>} : memref<20000xi32, #tpu.memory_space<vmem>>, vector<16xi32>,
      %mul3A_145 = arith.constant 16 : i32
      %mul3A_146 = arith.muli %scan3A_140, %mul3A_145 : i32
      %get3A_147 = arith.index_cast %mul3A_146 : i32 to index
      %get3A_148 = tpu.vector_load %arg6[%get3A_147] {strides = array<i32>} : memref<20000xf32, #tpu.memory_space<vmem>>, vector<16xf32>,
      %mul3A_149 = arith.constant 16 : i32
      %mul3A_150 = vector.broadcast %mul3A_149 : i32 to vector<16xi32>
      %mul3A_151 = arith.muli %get3A_144, %mul3A_150 : vector<16xi32>
      %add3A_152 = arith.addi %mul3A_151, %iota3A : vector<16xi32>
      %gather3A = tpu.vector_load_idx %arg8[%add3A_152] : memref<16384xf32, #tpu.memory_space<vmem>>[vector<16xi32>], vector<16xf32>,
      %gather3A_153 = tpu.vector_load_idx %arg9[%add3A_152] : memref<16384xf32, #tpu.memory_space<vmem>>[vector<16xi32>], vector<16xf32>,
      %max3A = arith.maximumf %gather3A, %get3A_148 : vector<16xf32>
      %sub3A = arith.subf %gather3A, %max3A : vector<16xf32>
      %exp3A = math.exp %sub3A : vector<16xf32>
      %mul3A_154 = arith.mulf %gather3A_153, %exp3A : vector<16xf32>
      %sub3A_155 = arith.subf %get3A_148, %max3A : vector<16xf32>
      %exp3A_156 = math.exp %sub3A_155 : vector<16xf32>
      %add3A_157 = arith.addf %mul3A_154, %exp3A_156 : vector<16xf32>
      tpu.vector_store_idx %arg8[%add3A_152], %max3A : memref<16384xf32, #tpu.memory_space<vmem>>[vector<16xi32>], vector<16xf32>,
      tpu.vector_store_idx %arg9[%add3A_152], %add3A_157 : memref<16384xf32, #tpu.memory_space<vmem>>[vector<16xi32>], vector<16xf32>,
      %scan3A_158 = arith.constant 0 : i32
      scf.yield %scan3A_158 : i32
    }
    %scan3A_15 = arith.constant 1250 : i32
    %scan3A_16 = arith.constant 0 : i32
    %scan3A_17 = arith.constant 0 : i32
    %scan3A_18 = arith.constant 64 : i32
    %scan3A_19 = arith.addi %scan3A_17, %scan3A_18 : i32
    %scan3A_20 = arith.constant 1 : i32
    %scan3A_21 = scf.for %scan3A_140 = %scan3A_17 to %scan3A_19 step %scan3A_20 iter_args(%scan3A_141 = %scan3A_16) -> (i32)  : i32 {
      %mul3A_142 = arith.constant 16 : i32
      %mul3A_143 = arith.muli %scan3A_140, %mul3A_142 : i32
      %add3A_144 = vector.broadcast %mul3A_143 : i32 to vector<16xi32>
      %add3A_145 = arith.addi %iota3A, %add3A_144 : vector<16xi32>
      %mul3A_146 = arith.constant 16 : i32
      %mul3A_147 = vector.broadcast %mul3A_146 : i32 to vector<16xi32>
      %mul3A_148 = arith.muli %add3A_145, %mul3A_147 : vector<16xi32>
      %gather3A = tpu.vector_load_idx %arg8[%mul3A_148] : memref<16384xf32, #tpu.memory_space<vmem>>[vector<16xi32>], vector<16xf32>,
      %add3A_149 = arith.constant 1 : i32
      %add3A_150 = vector.broadcast %add3A_149 : i32 to vector<16xi32>
      %add3A_151 = arith.addi %mul3A_148, %add3A_150 : vector<16xi32>
      %gather3A_152 = tpu.vector_load_idx %arg8[%add3A_151] : memref<16384xf32, #tpu.memory_space<vmem>>[vector<16xi32>], vector<16xf32>,
      %max3A = arith.maximumf %gather3A, %gather3A_152 : vector<16xf32>
      %add3A_153 = arith.constant 2 : i32
      %add3A_154 = vector.broadcast %add3A_153 : i32 to vector<16xi32>
      %add3A_155 = arith.addi %mul3A_148, %add3A_154 : vector<16xi32>
      %gather3A_156 = tpu.vector_load_idx %arg8[%add3A_155] : memref<16384xf32, #tpu.memory_space<vmem>>[vector<16xi32>], vector<16xf32>,
      %max3A_157 = arith.maximumf %max3A, %gather3A_156 : vector<16xf32>
      %add3A_158 = arith.constant 3 : i32
      %add3A_159 = vector.broadcast %add3A_158 : i32 to vector<16xi32>
      %add3A_160 = arith.addi %mul3A_148, %add3A_159 : vector<16xi32>
      %gather3A_161 = tpu.vector_load_idx %arg8[%add3A_160] : memref<16384xf32, #tpu.memory_space<vmem>>[vector<16xi32>], vector<16xf32>,
      %max3A_162 = arith.maximumf %max3A_157, %gather3A_161 : vector<16xf32>
      %add3A_163 = arith.constant 4 : i32
      %add3A_164 = vector.broadcast %add3A_163 : i32 to vector<16xi32>
      %add3A_165 = arith.addi %mul3A_148, %add3A_164 : vector<16xi32>
      %gather3A_166 = tpu.vector_load_idx %arg8[%add3A_165] : memref<16384xf32, #tpu.memory_space<vmem>>[vector<16xi32>], vector<16xf32>,
      %max3A_167 = arith.maximumf %max3A_162, %gather3A_166 : vector<16xf32>
      %add3A_168 = arith.constant 5 : i32
      %add3A_169 = vector.broadcast %add3A_168 : i32 to vector<16xi32>
      %add3A_170 = arith.addi %mul3A_148, %add3A_169 : vector<16xi32>
      %gather3A_171 = tpu.vector_load_idx %arg8[%add3A_170] : memref<16384xf32, #tpu.memory_space<vmem>>[vector<16xi32>], vector<16xf32>,
      %max3A_172 = arith.maximumf %max3A_167, %gather3A_171 : vector<16xf32>
      %add3A_173 = arith.constant 6 : i32
      %add3A_174 = vector.broadcast %add3A_173 : i32 to vector<16xi32>
      %add3A_175 = arith.addi %mul3A_148, %add3A_174 : vector<16xi32>
      %gather3A_176 = tpu.vector_load_idx %arg8[%add3A_175] : memref<16384xf32, #tpu.memory_space<vmem>>[vector<16xi32>], vector<16xf32>,
      %max3A_177 = arith.maximumf %max3A_172, %gather3A_176 : vector<16xf32>
      %add3A_178 = arith.constant 7 : i32
      %add3A_179 = vector.broadcast %add3A_178 : i32 to vector<16xi32>
      %add3A_180 = arith.addi %mul3A_148, %add3A_179 : vector<16xi32>
      %gather3A_181 = tpu.vector_load_idx %arg8[%add3A_180] : memref<16384xf32, #tpu.memory_space<vmem>>[vector<16xi32>], vector<16xf32>,
      %max3A_182 = arith.maximumf %max3A_177, %gather3A_181 : vector<16xf32>
      %add3A_183 = arith.constant 8 : i32
      %add3A_184 = vector.broadcast %add3A_183 : i32 to vector<16xi32>
      %add3A_185 = arith.addi %mul3A_148, %add3A_184 : vector<16xi32>
      %gather3A_186 = tpu.vector_load_idx %arg8[%add3A_185] : memref<16384xf32, #tpu.memory_space<vmem>>[vector<16xi32>], vector<16xf32>,
      %max3A_187 = arith.maximumf %max3A_182, %gather3A_186 : vector<16xf32>
      %add3A_188 = arith.constant 9 : i32
      %add3A_189 = vector.broadcast %add3A_188 : i32 to vector<16xi32>
      %add3A_190 = arith.addi %mul3A_148, %add3A_189 : vector<16xi32>
      %gather3A_191 = tpu.vector_load_idx %arg8[%add3A_190] : memref<16384xf32, #tpu.memory_space<vmem>>[vector<16xi32>], vector<16xf32>,
      %max3A_192 = arith.maximumf %max3A_187, %gather3A_191 : vector<16xf32>
      %add3A_193 = arith.constant 10 : i32
      %add3A_194 = vector.broadcast %add3A_193 : i32 to vector<16xi32>
      %add3A_195 = arith.addi %mul3A_148, %add3A_194 : vector<16xi32>
      %gather3A_196 = tpu.vector_load_idx %arg8[%add3A_195] : memref<16384xf32, #tpu.memory_space<vmem>>[vector<16xi32>], vector<16xf32>,
      %max3A_197 = arith.maximumf %max3A_192, %gather3A_196 : vector<16xf32>
      %add3A_198 = arith.constant 11 : i32
      %add3A_199 = vector.broadcast %add3A_198 : i32 to vector<16xi32>
      %add3A_200 = arith.addi %mul3A_148, %add3A_199 : vector<16xi32>
      %gather3A_201 = tpu.vector_load_idx %arg8[%add3A_200] : memref<16384xf32, #tpu.memory_space<vmem>>[vector<16xi32>], vector<16xf32>,
      %max3A_202 = arith.maximumf %max3A_197, %gather3A_201 : vector<16xf32>
      %add3A_203 = arith.constant 12 : i32
      %add3A_204 = vector.broadcast %add3A_203 : i32 to vector<16xi32>
      %add3A_205 = arith.addi %mul3A_148, %add3A_204 : vector<16xi32>
      %gather3A_206 = tpu.vector_load_idx %arg8[%add3A_205] : memref<16384xf32, #tpu.memory_space<vmem>>[vector<16xi32>], vector<16xf32>,
      %max3A_207 = arith.maximumf %max3A_202, %gather3A_206 : vector<16xf32>
      %add3A_208 = arith.constant 13 : i32
      %add3A_209 = vector.broadcast %add3A_208 : i32 to vector<16xi32>
      %add3A_210 = arith.addi %mul3A_148, %add3A_209 : vector<16xi32>
      %gather3A_211 = tpu.vector_load_idx %arg8[%add3A_210] : memref<16384xf32, #tpu.memory_space<vmem>>[vector<16xi32>], vector<16xf32>,
      %max3A_212 = arith.maximumf %max3A_207, %gather3A_211 : vector<16xf32>
      %add3A_213 = arith.constant 14 : i32
      %add3A_214 = vector.broadcast %add3A_213 : i32 to vector<16xi32>
      %add3A_215 = arith.addi %mul3A_148, %add3A_214 : vector<16xi32>
      %gather3A_216 = tpu.vector_load_idx %arg8[%add3A_215] : memref<16384xf32, #tpu.memory_space<vmem>>[vector<16xi32>], vector<16xf32>,
      %max3A_217 = arith.maximumf %max3A_212, %gather3A_216 : vector<16xf32>
      %add3A_218 = arith.constant 15 : i32
      %add3A_219 = vector.broadcast %add3A_218 : i32 to vector<16xi32>
      %add3A_220 = arith.addi %mul3A_148, %add3A_219 : vector<16xi32>
      %gather3A_221 = tpu.vector_load_idx %arg8[%add3A_220] : memref<16384xf32, #tpu.memory_space<vmem>>[vector<16xi32>], vector<16xf32>,
      %max3A_222 = arith.maximumf %max3A_217, %gather3A_221 : vector<16xf32>
      %broadcast_in_dim3A = arith.constant 0.000000e+00 : f32
      %broadcast_in_dim3A_223 = vector.broadcast %broadcast_in_dim3A : f32 to vector<16xf32>
      %add3A_224 = arith.constant 0 : i32
      %add3A_225 = vector.broadcast %add3A_224 : i32 to vector<16xi32>
      %add3A_226 = arith.addi %mul3A_148, %add3A_225 : vector<16xi32>
      %gather3A_227 = tpu.vector_load_idx %arg8[%add3A_226] : memref<16384xf32, #tpu.memory_space<vmem>>[vector<16xi32>], vector<16xf32>,
      %add3A_228 = arith.constant 0 : i32
      %add3A_229 = vector.broadcast %add3A_228 : i32 to vector<16xi32>
      %add3A_230 = arith.addi %mul3A_148, %add3A_229 : vector<16xi32>
      %gather3A_231 = tpu.vector_load_idx %arg9[%add3A_230] : memref<16384xf32, #tpu.memory_space<vmem>>[vector<16xi32>], vector<16xf32>,
      %sub3A = arith.subf %gather3A_227, %max3A_222 : vector<16xf32>
      %exp3A = math.exp %sub3A : vector<16xf32>
      %mul3A_232 = arith.mulf %gather3A_231, %exp3A : vector<16xf32>
      %add3A_233 = arith.addf %broadcast_in_dim3A_223, %mul3A_232 : vector<16xf32>
      %add3A_234 = arith.constant 1 : i32
      %add3A_235 = vector.broadcast %add3A_234 : i32 to vector<16xi32>
      %add3A_236 = arith.addi %mul3A_148, %add3A_235 : vector<16xi32>
      %gather3A_237 = tpu.vector_load_idx %arg8[%add3A_236] : memref<16384xf32, #tpu.memory_space<vmem>>[vector<16xi32>], vector<16xf32>,
      %add3A_238 = arith.constant 1 : i32
      %add3A_239 = vector.broadcast %add3A_238 : i32 to vector<16xi32>
      %add3A_240 = arith.addi %mul3A_148, %add3A_239 : vector<16xi32>
      %gather3A_241 = tpu.vector_load_idx %arg9[%add3A_240] : memref<16384xf32, #tpu.memory_space<vmem>>[vector<16xi32>], vector<16xf32>,
      %sub3A_242 = arith.subf %gather3A_237, %max3A_222 : vector<16xf32>
      %exp3A_243 = math.exp %sub3A_242 : vector<16xf32>
      %mul3A_244 = arith.mulf %gather3A_241, %exp3A_243 : vector<16xf32>
      %add3A_245 = arith.addf %add3A_233, %mul3A_244 : vector<16xf32>
      %add3A_246 = arith.constant 2 : i32
      %add3A_247 = vector.broadcast %add3A_246 : i32 to vector<16xi32>
      %add3A_248 = arith.addi %mul3A_148, %add3A_247 : vector<16xi32>
      %gather3A_249 = tpu.vector_load_idx %arg8[%add3A_248] : memref<16384xf32, #tpu.memory_space<vmem>>[vector<16xi32>], vector<16xf32>,
      %add3A_250 = arith.constant 2 : i32
      %add3A_251 = vector.broadcast %add3A_250 : i32 to vector<16xi32>
      %add3A_252 = arith.addi %mul3A_148, %add3A_251 : vector<16xi32>
      %gather3A_253 = tpu.vector_load_idx %arg9[%add3A_252] : memref<16384xf32, #tpu.memory_space<vmem>>[vector<16xi32>], vector<16xf32>,
      %sub3A_254 = arith.subf %gather3A_249, %max3A_222 : vector<16xf32>
      %exp3A_255 = math.exp %sub3A_254 : vector<16xf32>
      %mul3A_256 = arith.mulf %gather3A_253, %exp3A_255 : vector<16xf32>
      %add3A_257 = arith.addf %add3A_245, %mul3A_256 : vector<16xf32>
      %add3A_258 = arith.constant 3 : i32
      %add3A_259 = vector.broadcast %add3A_258 : i32 to vector<16xi32>
      %add3A_260 = arith.addi %mul3A_148, %add3A_259 : vector<16xi32>
      %gather3A_261 = tpu.vector_load_idx %arg8[%add3A_260] : memref<16384xf32, #tpu.memory_space<vmem>>[vector<16xi32>], vector<16xf32>,
      %add3A_262 = arith.constant 3 : i32
      %add3A_263 = vector.broadcast %add3A_262 : i32 to vector<16xi32>
      %add3A_264 = arith.addi %mul3A_148, %add3A_263 : vector<16xi32>
      %gather3A_265 = tpu.vector_load_idx %arg9[%add3A_264] : memref<16384xf32, #tpu.memory_space<vmem>>[vector<16xi32>], vector<16xf32>,
      %sub3A_266 = arith.subf %gather3A_261, %max3A_222 : vector<16xf32>
      %exp3A_267 = math.exp %sub3A_266 : vector<16xf32>
      %mul3A_268 = arith.mulf %gather3A_265, %exp3A_267 : vector<16xf32>
      %add3A_269 = arith.addf %add3A_257, %mul3A_268 : vector<16xf32>
      %add3A_270 = arith.constant 4 : i32
      %add3A_271 = vector.broadcast %add3A_270 : i32 to vector<16xi32>
      %add3A_272 = arith.addi %mul3A_148, %add3A_271 : vector<16xi32>
      %gather3A_273 = tpu.vector_load_idx %arg8[%add3A_272] : memref<16384xf32, #tpu.memory_space<vmem>>[vector<16xi32>], vector<16xf32>,
      %add3A_274 = arith.constant 4 : i32
      %add3A_275 = vector.broadcast %add3A_274 : i32 to vector<16xi32>
      %add3A_276 = arith.addi %mul3A_148, %add3A_275 : vector<16xi32>
      %gather3A_277 = tpu.vector_load_idx %arg9[%add3A_276] : memref<16384xf32, #tpu.memory_space<vmem>>[vector<16xi32>], vector<16xf32>,
      %sub3A_278 = arith.subf %gather3A_273, %max3A_222 : vector<16xf32>
      %exp3A_279 = math.exp %sub3A_278 : vector<16xf32>
      %mul3A_280 = arith.mulf %gather3A_277, %exp3A_279 : vector<16xf32>
      %add3A_281 = arith.addf %add3A_269, %mul3A_280 : vector<16xf32>
      %add3A_282 = arith.constant 5 : i32
      %add3A_283 = vector.broadcast %add3A_282 : i32 to vector<16xi32>
      %add3A_284 = arith.addi %mul3A_148, %add3A_283 : vector<16xi32>
      %gather3A_285 = tpu.vector_load_idx %arg8[%add3A_284] : memref<16384xf32, #tpu.memory_space<vmem>>[vector<16xi32>], vector<16xf32>,
      %add3A_286 = arith.constant 5 : i32
      %add3A_287 = vector.broadcast %add3A_286 : i32 to vector<16xi32>
      %add3A_288 = arith.addi %mul3A_148, %add3A_287 : vector<16xi32>
      %gather3A_289 = tpu.vector_load_idx %arg9[%add3A_288] : memref<16384xf32, #tpu.memory_space<vmem>>[vector<16xi32>], vector<16xf32>,
      %sub3A_290 = arith.subf %gather3A_285, %max3A_222 : vector<16xf32>
      %exp3A_291 = math.exp %sub3A_290 : vector<16xf32>
      %mul3A_292 = arith.mulf %gather3A_289, %exp3A_291 : vector<16xf32>
      %add3A_293 = arith.addf %add3A_281, %mul3A_292 : vector<16xf32>
      %add3A_294 = arith.constant 6 : i32
      %add3A_295 = vector.broadcast %add3A_294 : i32 to vector<16xi32>
      %add3A_296 = arith.addi %mul3A_148, %add3A_295 : vector<16xi32>
      %gather3A_297 = tpu.vector_load_idx %arg8[%add3A_296] : memref<16384xf32, #tpu.memory_space<vmem>>[vector<16xi32>], vector<16xf32>,
      %add3A_298 = arith.constant 6 : i32
      %add3A_299 = vector.broadcast %add3A_298 : i32 to vector<16xi32>
      %add3A_300 = arith.addi %mul3A_148, %add3A_299 : vector<16xi32>
      %gather3A_301 = tpu.vector_load_idx %arg9[%add3A_300] : memref<16384xf32, #tpu.memory_space<vmem>>[vector<16xi32>], vector<16xf32>,
      %sub3A_302 = arith.subf %gather3A_297, %max3A_222 : vector<16xf32>
      %exp3A_303 = math.exp %sub3A_302 : vector<16xf32>
      %mul3A_304 = arith.mulf %gather3A_301, %exp3A_303 : vector<16xf32>
      %add3A_305 = arith.addf %add3A_293, %mul3A_304 : vector<16xf32>
      %add3A_306 = arith.constant 7 : i32
      %add3A_307 = vector.broadcast %add3A_306 : i32 to vector<16xi32>
      %add3A_308 = arith.addi %mul3A_148, %add3A_307 : vector<16xi32>
      %gather3A_309 = tpu.vector_load_idx %arg8[%add3A_308] : memref<16384xf32, #tpu.memory_space<vmem>>[vector<16xi32>], vector<16xf32>,
      %add3A_310 = arith.constant 7 : i32
      %add3A_311 = vector.broadcast %add3A_310 : i32 to vector<16xi32>
      %add3A_312 = arith.addi %mul3A_148, %add3A_311 : vector<16xi32>
      %gather3A_313 = tpu.vector_load_idx %arg9[%add3A_312] : memref<16384xf32, #tpu.memory_space<vmem>>[vector<16xi32>], vector<16xf32>,
      %sub3A_314 = arith.subf %gather3A_309, %max3A_222 : vector<16xf32>
      %exp3A_315 = math.exp %sub3A_314 : vector<16xf32>
      %mul3A_316 = arith.mulf %gather3A_313, %exp3A_315 : vector<16xf32>
      %add3A_317 = arith.addf %add3A_305, %mul3A_316 : vector<16xf32>
      %add3A_318 = arith.constant 8 : i32
      %add3A_319 = vector.broadcast %add3A_318 : i32 to vector<16xi32>
      %add3A_320 = arith.addi %mul3A_148, %add3A_319 : vector<16xi32>
      %gather3A_321 = tpu.vector_load_idx %arg8[%add3A_320] : memref<16384xf32, #tpu.memory_space<vmem>>[vector<16xi32>], vector<16xf32>,
      %add3A_322 = arith.constant 8 : i32
      %add3A_323 = vector.broadcast %add3A_322 : i32 to vector<16xi32>
      %add3A_324 = arith.addi %mul3A_148, %add3A_323 : vector<16xi32>
      %gather3A_325 = tpu.vector_load_idx %arg9[%add3A_324] : memref<16384xf32, #tpu.memory_space<vmem>>[vector<16xi32>], vector<16xf32>,
      %sub3A_326 = arith.subf %gather3A_321, %max3A_222 : vector<16xf32>
      %exp3A_327 = math.exp %sub3A_326 : vector<16xf32>
      %mul3A_328 = arith.mulf %gather3A_325, %exp3A_327 : vector<16xf32>
      %add3A_329 = arith.addf %add3A_317, %mul3A_328 : vector<16xf32>
      %add3A_330 = arith.constant 9 : i32
      %add3A_331 = vector.broadcast %add3A_330 : i32 to vector<16xi32>
      %add3A_332 = arith.addi %mul3A_148, %add3A_331 : vector<16xi32>
      %gather3A_333 = tpu.vector_load_idx %arg8[%add3A_332] : memref<16384xf32, #tpu.memory_space<vmem>>[vector<16xi32>], vector<16xf32>,
      %add3A_334 = arith.constant 9 : i32
      %add3A_335 = vector.broadcast %add3A_334 : i32 to vector<16xi32>
      %add3A_336 = arith.addi %mul3A_148, %add3A_335 : vector<16xi32>
      %gather3A_337 = tpu.vector_load_idx %arg9[%add3A_336] : memref<16384xf32, #tpu.memory_space<vmem>>[vector<16xi32>], vector<16xf32>,
      %sub3A_338 = arith.subf %gather3A_333, %max3A_222 : vector<16xf32>
      %exp3A_339 = math.exp %sub3A_338 : vector<16xf32>
      %mul3A_340 = arith.mulf %gather3A_337, %exp3A_339 : vector<16xf32>
      %add3A_341 = arith.addf %add3A_329, %mul3A_340 : vector<16xf32>
      %add3A_342 = arith.constant 10 : i32
      %add3A_343 = vector.broadcast %add3A_342 : i32 to vector<16xi32>
      %add3A_344 = arith.addi %mul3A_148, %add3A_343 : vector<16xi32>
      %gather3A_345 = tpu.vector_load_idx %arg8[%add3A_344] : memref<16384xf32, #tpu.memory_space<vmem>>[vector<16xi32>], vector<16xf32>,
      %add3A_346 = arith.constant 10 : i32
      %add3A_347 = vector.broadcast %add3A_346 : i32 to vector<16xi32>
      %add3A_348 = arith.addi %mul3A_148, %add3A_347 : vector<16xi32>
      %gather3A_349 = tpu.vector_load_idx %arg9[%add3A_348] : memref<16384xf32, #tpu.memory_space<vmem>>[vector<16xi32>], vector<16xf32>,
      %sub3A_350 = arith.subf %gather3A_345, %max3A_222 : vector<16xf32>
      %exp3A_351 = math.exp %sub3A_350 : vector<16xf32>
      %mul3A_352 = arith.mulf %gather3A_349, %exp3A_351 : vector<16xf32>
      %add3A_353 = arith.addf %add3A_341, %mul3A_352 : vector<16xf32>
      %add3A_354 = arith.constant 11 : i32
      %add3A_355 = vector.broadcast %add3A_354 : i32 to vector<16xi32>
      %add3A_356 = arith.addi %mul3A_148, %add3A_355 : vector<16xi32>
      %gather3A_357 = tpu.vector_load_idx %arg8[%add3A_356] : memref<16384xf32, #tpu.memory_space<vmem>>[vector<16xi32>], vector<16xf32>,
      %add3A_358 = arith.constant 11 : i32
      %add3A_359 = vector.broadcast %add3A_358 : i32 to vector<16xi32>
      %add3A_360 = arith.addi %mul3A_148, %add3A_359 : vector<16xi32>
      %gather3A_361 = tpu.vector_load_idx %arg9[%add3A_360] : memref<16384xf32, #tpu.memory_space<vmem>>[vector<16xi32>], vector<16xf32>,
      %sub3A_362 = arith.subf %gather3A_357, %max3A_222 : vector<16xf32>
      %exp3A_363 = math.exp %sub3A_362 : vector<16xf32>
      %mul3A_364 = arith.mulf %gather3A_361, %exp3A_363 : vector<16xf32>
      %add3A_365 = arith.addf %add3A_353, %mul3A_364 : vector<16xf32>
      %add3A_366 = arith.constant 12 : i32
      %add3A_367 = vector.broadcast %add3A_366 : i32 to vector<16xi32>
      %add3A_368 = arith.addi %mul3A_148, %add3A_367 : vector<16xi32>
      %gather3A_369 = tpu.vector_load_idx %arg8[%add3A_368] : memref<16384xf32, #tpu.memory_space<vmem>>[vector<16xi32>], vector<16xf32>,
      %add3A_370 = arith.constant 12 : i32
      %add3A_371 = vector.broadcast %add3A_370 : i32 to vector<16xi32>
      %add3A_372 = arith.addi %mul3A_148, %add3A_371 : vector<16xi32>
      %gather3A_373 = tpu.vector_load_idx %arg9[%add3A_372] : memref<16384xf32, #tpu.memory_space<vmem>>[vector<16xi32>], vector<16xf32>,
      %sub3A_374 = arith.subf %gather3A_369, %max3A_222 : vector<16xf32>
      %exp3A_375 = math.exp %sub3A_374 : vector<16xf32>
      %mul3A_376 = arith.mulf %gather3A_373, %exp3A_375 : vector<16xf32>
      %add3A_377 = arith.addf %add3A_365, %mul3A_376 : vector<16xf32>
      %add3A_378 = arith.constant 13 : i32
      %add3A_379 = vector.broadcast %add3A_378 : i32 to vector<16xi32>
      %add3A_380 = arith.addi %mul3A_148, %add3A_379 : vector<16xi32>
      %gather3A_381 = tpu.vector_load_idx %arg8[%add3A_380] : memref<16384xf32, #tpu.memory_space<vmem>>[vector<16xi32>], vector<16xf32>,
      %add3A_382 = arith.constant 13 : i32
      %add3A_383 = vector.broadcast %add3A_382 : i32 to vector<16xi32>
      %add3A_384 = arith.addi %mul3A_148, %add3A_383 : vector<16xi32>
      %gather3A_385 = tpu.vector_load_idx %arg9[%add3A_384] : memref<16384xf32, #tpu.memory_space<vmem>>[vector<16xi32>], vector<16xf32>,
      %sub3A_386 = arith.subf %gather3A_381, %max3A_222 : vector<16xf32>
      %exp3A_387 = math.exp %sub3A_386 : vector<16xf32>
      %mul3A_388 = arith.mulf %gather3A_385, %exp3A_387 : vector<16xf32>
      %add3A_389 = arith.addf %add3A_377, %mul3A_388 : vector<16xf32>
      %add3A_390 = arith.constant 14 : i32
      %add3A_391 = vector.broadcast %add3A_390 : i32 to vector<16xi32>
      %add3A_392 = arith.addi %mul3A_148, %add3A_391 : vector<16xi32>
      %gather3A_393 = tpu.vector_load_idx %arg8[%add3A_392] : memref<16384xf32, #tpu.memory_space<vmem>>[vector<16xi32>], vector<16xf32>,
      %add3A_394 = arith.constant 14 : i32
      %add3A_395 = vector.broadcast %add3A_394 : i32 to vector<16xi32>
      %add3A_396 = arith.addi %mul3A_148, %add3A_395 : vector<16xi32>
      %gather3A_397 = tpu.vector_load_idx %arg9[%add3A_396] : memref<16384xf32, #tpu.memory_space<vmem>>[vector<16xi32>], vector<16xf32>,
      %sub3A_398 = arith.subf %gather3A_393, %max3A_222 : vector<16xf32>
      %exp3A_399 = math.exp %sub3A_398 : vector<16xf32>
      %mul3A_400 = arith.mulf %gather3A_397, %exp3A_399 : vector<16xf32>
      %add3A_401 = arith.addf %add3A_389, %mul3A_400 : vector<16xf32>
      %add3A_402 = arith.constant 15 : i32
      %add3A_403 = vector.broadcast %add3A_402 : i32 to vector<16xi32>
      %add3A_404 = arith.addi %mul3A_148, %add3A_403 : vector<16xi32>
      %gather3A_405 = tpu.vector_load_idx %arg8[%add3A_404] : memref<16384xf32, #tpu.memory_space<vmem>>[vector<16xi32>], vector<16xf32>,
      %add3A_406 = arith.constant 15 : i32
      %add3A_407 = vector.broadcast %add3A_406 : i32 to vector<16xi32>
      %add3A_408 = arith.addi %mul3A_148, %add3A_407 : vector<16xi32>
      %gather3A_409 = tpu.vector_load_idx %arg9[%add3A_408] : memref<16384xf32, #tpu.memory_space<vmem>>[vector<16xi32>], vector<16xf32>,
      %sub3A_410 = arith.subf %gather3A_405, %max3A_222 : vector<16xf32>
      %exp3A_411 = math.exp %sub3A_410 : vector<16xf32>
      %mul3A_412 = arith.mulf %gather3A_409, %exp3A_411 : vector<16xf32>
      %add3A_413 = arith.addf %add3A_401, %mul3A_412 : vector<16xf32>
      %mul3A_414 = arith.constant 16 : i32
      %mul3A_415 = arith.muli %scan3A_140, %mul3A_414 : i32
      %swap3A = arith.index_cast %mul3A_415 : i32 to index
      %swap3A_416 = tpu.vector_load %arg10[%swap3A] {strides = array<i32>} : memref<1024xf32, #tpu.memory_space<vmem>>, vector<16xf32>,
      tpu.vector_store %arg10[%swap3A], %max3A_222 {strides = array<i32>} : memref<1024xf32, #tpu.memory_space<vmem>>, vector<16xf32>,
      %mul3A_417 = arith.constant 16 : i32
      %mul3A_418 = arith.muli %scan3A_140, %mul3A_417 : i32
      %swap3A_419 = arith.index_cast %mul3A_418 : i32 to index
      %swap3A_420 = tpu.vector_load %arg11[%swap3A_419] {strides = array<i32>} : memref<1024xf32, #tpu.memory_space<vmem>>, vector<16xf32>,
      tpu.vector_store %arg11[%swap3A_419], %add3A_413 {strides = array<i32>} : memref<1024xf32, #tpu.memory_space<vmem>>, vector<16xf32>,
      %scan3A_421 = arith.constant 0 : i32
      scf.yield %scan3A_421 : i32
    }
    %scan3A_22 = arith.constant 64 : i32
    "tpu.region"() ({
      %run_scoped3A_140 = tpu.sem_alloc : memref<!tpu.dma_semaphore, #tpu.memory_space<semaphore_mem>>
      %dma_start3A_141 = arith.constant 0 : i32
      %dma_start3A_142 = tpu.memref_slice %arg22[%arg1, %dma_start3A_141] : memref<16x1024xf32, #tpu.memory_space<vmem_shared>> -> memref<1x1024xf32, #tpu.memory_space<vmem_shared>>
      %dma_start3A_143 = tpu.memref_squeeze %dma_start3A_142 : memref<1x1024xf32, #tpu.memory_space<vmem_shared>> -> memref<1024xf32, #tpu.memory_space<vmem_shared>>
      %dma_start3A_144 = arith.constant 0 : i32
      %dma_start3A_145 = tpu.memref_slice %arg22[%arg1, %dma_start3A_144] : memref<16x1024xf32, #tpu.memory_space<vmem_shared>> -> memref<1x1024xf32, #tpu.memory_space<vmem_shared>>
      %dma_start3A_146 = tpu.memref_squeeze %dma_start3A_145 : memref<1x1024xf32, #tpu.memory_space<vmem_shared>> -> memref<1024xf32, #tpu.memory_space<vmem_shared>>
      tpu.enqueue_dma source(%arg10 : memref<1024xf32, #tpu.memory_space<vmem>>) target(%dma_start3A_146 : memref<1024xf32, #tpu.memory_space<vmem_shared>>) target_semaphore(%run_scoped3A_140 : memref<!tpu.dma_semaphore, #tpu.memory_space<semaphore_mem>>)
      %dma_wait3A = arith.constant 0 : i32
      %dma_wait3A_147 = tpu.memref_slice %arg22[%arg1, %dma_wait3A] : memref<16x1024xf32, #tpu.memory_space<vmem_shared>> -> memref<1x1024xf32, #tpu.memory_space<vmem_shared>>
      %dma_wait3A_148 = tpu.memref_squeeze %dma_wait3A_147 : memref<1x1024xf32, #tpu.memory_space<vmem_shared>> -> memref<1024xf32, #tpu.memory_space<vmem_shared>>
      %dma_wait3A_149 = arith.constant 0 : i32
      %dma_wait3A_150 = tpu.memref_slice %arg22[%arg1, %dma_wait3A_149] : memref<16x1024xf32, #tpu.memory_space<vmem_shared>> -> memref<1x1024xf32, #tpu.memory_space<vmem_shared>>
      %dma_wait3A_151 = tpu.memref_squeeze %dma_wait3A_150 : memref<1x1024xf32, #tpu.memory_space<vmem_shared>> -> memref<1024xf32, #tpu.memory_space<vmem_shared>>
      tpu.wait_dma2 semaphore(%run_scoped3A_140 : memref<!tpu.dma_semaphore, #tpu.memory_space<semaphore_mem>>) src(%arg10 : memref<1024xf32, #tpu.memory_space<vmem>>) dst(%dma_wait3A_151 : memref<1024xf32, #tpu.memory_space<vmem_shared>>)
      tpu.yield
    }) : () -> ()
    "tpu.region"() ({
      %run_scoped3A_140 = tpu.sem_alloc : memref<!tpu.dma_semaphore, #tpu.memory_space<semaphore_mem>>
      %dma_start3A_141 = arith.constant 0 : i32
      %dma_start3A_142 = tpu.memref_slice %arg23[%arg1, %dma_start3A_141] : memref<16x1024xf32, #tpu.memory_space<vmem_shared>> -> memref<1x1024xf32, #tpu.memory_space<vmem_shared>>
      %dma_start3A_143 = tpu.memref_squeeze %dma_start3A_142 : memref<1x1024xf32, #tpu.memory_space<vmem_shared>> -> memref<1024xf32, #tpu.memory_space<vmem_shared>>
      %dma_start3A_144 = arith.constant 0 : i32
      %dma_start3A_145 = tpu.memref_slice %arg23[%arg1, %dma_start3A_144] : memref<16x1024xf32, #tpu.memory_space<vmem_shared>> -> memref<1x1024xf32, #tpu.memory_space<vmem_shared>>
      %dma_start3A_146 = tpu.memref_squeeze %dma_start3A_145 : memref<1x1024xf32, #tpu.memory_space<vmem_shared>> -> memref<1024xf32, #tpu.memory_space<vmem_shared>>
      tpu.enqueue_dma source(%arg11 : memref<1024xf32, #tpu.memory_space<vmem>>) target(%dma_start3A_146 : memref<1024xf32, #tpu.memory_space<vmem_shared>>) target_semaphore(%run_scoped3A_140 : memref<!tpu.dma_semaphore, #tpu.memory_space<semaphore_mem>>)
      %dma_wait3A = arith.constant 0 : i32
      %dma_wait3A_147 = tpu.memref_slice %arg23[%arg1, %dma_wait3A] : memref<16x1024xf32, #tpu.memory_space<vmem_shared>> -> memref<1x1024xf32, #tpu.memory_space<vmem_shared>>
      %dma_wait3A_148 = tpu.memref_squeeze %dma_wait3A_147 : memref<1x1024xf32, #tpu.memory_space<vmem_shared>> -> memref<1024xf32, #tpu.memory_space<vmem_shared>>
      %dma_wait3A_149 = arith.constant 0 : i32
      %dma_wait3A_150 = tpu.memref_slice %arg23[%arg1, %dma_wait3A_149] : memref<16x1024xf32, #tpu.memory_space<vmem_shared>> -> memref<1x1024xf32, #tpu.memory_space<vmem_shared>>
      %dma_wait3A_151 = tpu.memref_squeeze %dma_wait3A_150 : memref<1x1024xf32, #tpu.memory_space<vmem_shared>> -> memref<1024xf32, #tpu.memory_space<vmem_shared>>
      tpu.wait_dma2 semaphore(%run_scoped3A_140 : memref<!tpu.dma_semaphore, #tpu.memory_space<semaphore_mem>>) src(%arg11 : memref<1024xf32, #tpu.memory_space<vmem>>) dst(%dma_wait3A_151 : memref<1024xf32, #tpu.memory_space<vmem_shared>>)
      tpu.yield
    }) : () -> ()
    %scan3A_23 = arith.constant 0 : i32
    %scan3A_24 = arith.constant 0 : i32
    %scan3A_25 = arith.constant 64 : i32
    %scan3A_26 = arith.addi %scan3A_24, %scan3A_25 : i32
    %scan3A_27 = arith.constant 1 : i32
    %scan3A_28 = scf.for %scan3A_140 = %scan3A_24 to %scan3A_26 step %scan3A_27 iter_args(%scan3A_141 = %scan3A_23) -> (i32)  : i32 {
      %broadcast_in_dim3A = arith.constant 0.000000e+00 : f32
      %broadcast_in_dim3A_142 = vector.broadcast %broadcast_in_dim3A : f32 to vector<16xf32>
      %swap3A = arith.constant 0 : i32
      %swap3A_143 = arith.index_cast %swap3A : i32 to index
      %swap3A_144 = arith.index_cast %scan3A_140 : i32 to index
      %swap3A_145 = arith.constant 0 : index
      %swap3A_146 = tpu.vector_load %arg16[%swap3A_143, %swap3A_144, %swap3A_145] {strides = array<i32>} : memref<2x128x128xf32, #tpu.memory_space<vmem>>, vector<16xf32>,
      tpu.vector_store %arg16[%swap3A_143, %swap3A_144, %swap3A_145], %broadcast_in_dim3A_142 {strides = array<i32>} : memref<2x128x128xf32, #tpu.memory_space<vmem>>, vector<16xf32>,
      %broadcast_in_dim3A_147 = arith.constant 0.000000e+00 : f32
      %broadcast_in_dim3A_148 = vector.broadcast %broadcast_in_dim3A_147 : f32 to vector<16xf32>
      %swap3A_149 = arith.constant 0 : i32
      %swap3A_150 = arith.index_cast %swap3A_149 : i32 to index
      %swap3A_151 = arith.index_cast %scan3A_140 : i32 to index
      %swap3A_152 = arith.constant 16 : index
      %swap3A_153 = tpu.vector_load %arg16[%swap3A_150, %swap3A_151, %swap3A_152] {strides = array<i32>} : memref<2x128x128xf32, #tpu.memory_space<vmem>>, vector<16xf32>,
      tpu.vector_store %arg16[%swap3A_150, %swap3A_151, %swap3A_152], %broadcast_in_dim3A_148 {strides = array<i32>} : memref<2x128x128xf32, #tpu.memory_space<vmem>>, vector<16xf32>,
      %broadcast_in_dim3A_154 = arith.constant 0.000000e+00 : f32
      %broadcast_in_dim3A_155 = vector.broadcast %broadcast_in_dim3A_154 : f32 to vector<16xf32>
      %swap3A_156 = arith.constant 0 : i32
      %swap3A_157 = arith.index_cast %swap3A_156 : i32 to index
      %swap3A_158 = arith.index_cast %scan3A_140 : i32 to index
      %swap3A_159 = arith.constant 32 : index
      %swap3A_160 = tpu.vector_load %arg16[%swap3A_157, %swap3A_158, %swap3A_159] {strides = array<i32>} : memref<2x128x128xf32, #tpu.memory_space<vmem>>, vector<16xf32>,
      tpu.vector_store %arg16[%swap3A_157, %swap3A_158, %swap3A_159], %broadcast_in_dim3A_155 {strides = array<i32>} : memref<2x128x128xf32, #tpu.memory_space<vmem>>, vector<16xf32>,
      %broadcast_in_dim3A_161 = arith.constant 0.000000e+00 : f32
      %broadcast_in_dim3A_162 = vector.broadcast %broadcast_in_dim3A_161 : f32 to vector<16xf32>
      %swap3A_163 = arith.constant 0 : i32
      %swap3A_164 = arith.index_cast %swap3A_163 : i32 to index
      %swap3A_165 = arith.index_cast %scan3A_140 : i32 to index
      %swap3A_166 = arith.constant 48 : index
      %swap3A_167 = tpu.vector_load %arg16[%swap3A_164, %swap3A_165, %swap3A_166] {strides = array<i32>} : memref<2x128x128xf32, #tpu.memory_space<vmem>>, vector<16xf32>,
      tpu.vector_store %arg16[%swap3A_164, %swap3A_165, %swap3A_166], %broadcast_in_dim3A_162 {strides = array<i32>} : memref<2x128x128xf32, #tpu.memory_space<vmem>>, vector<16xf32>,
      %broadcast_in_dim3A_168 = arith.constant 0.000000e+00 : f32
      %broadcast_in_dim3A_169 = vector.broadcast %broadcast_in_dim3A_168 : f32 to vector<16xf32>
      %swap3A_170 = arith.constant 0 : i32
      %swap3A_171 = arith.index_cast %swap3A_170 : i32 to index
      %swap3A_172 = arith.index_cast %scan3A_140 : i32 to index
      %swap3A_173 = arith.constant 64 : index
      %swap3A_174 = tpu.vector_load %arg16[%swap3A_171, %swap3A_172, %swap3A_173] {strides = array<i32>} : memref<2x128x128xf32, #tpu.memory_space<vmem>>, vector<16xf32>,
      tpu.vector_store %arg16[%swap3A_171, %swap3A_172, %swap3A_173], %broadcast_in_dim3A_169 {strides = array<i32>} : memref<2x128x128xf32, #tpu.memory_space<vmem>>, vector<16xf32>,
      %broadcast_in_dim3A_175 = arith.constant 0.000000e+00 : f32
      %broadcast_in_dim3A_176 = vector.broadcast %broadcast_in_dim3A_175 : f32 to vector<16xf32>
      %swap3A_177 = arith.constant 0 : i32
      %swap3A_178 = arith.index_cast %swap3A_177 : i32 to index
      %swap3A_179 = arith.index_cast %scan3A_140 : i32 to index
      %swap3A_180 = arith.constant 80 : index
      %swap3A_181 = tpu.vector_load %arg16[%swap3A_178, %swap3A_179, %swap3A_180] {strides = array<i32>} : memref<2x128x128xf32, #tpu.memory_space<vmem>>, vector<16xf32>,
      tpu.vector_store %arg16[%swap3A_178, %swap3A_179, %swap3A_180], %broadcast_in_dim3A_176 {strides = array<i32>} : memref<2x128x128xf32, #tpu.memory_space<vmem>>, vector<16xf32>,
      %broadcast_in_dim3A_182 = arith.constant 0.000000e+00 : f32
      %broadcast_in_dim3A_183 = vector.broadcast %broadcast_in_dim3A_182 : f32 to vector<16xf32>
      %swap3A_184 = arith.constant 0 : i32
      %swap3A_185 = arith.index_cast %swap3A_184 : i32 to index
      %swap3A_186 = arith.index_cast %scan3A_140 : i32 to index
      %swap3A_187 = arith.constant 96 : index
      %swap3A_188 = tpu.vector_load %arg16[%swap3A_185, %swap3A_186, %swap3A_187] {strides = array<i32>} : memref<2x128x128xf32, #tpu.memory_space<vmem>>, vector<16xf32>,
      tpu.vector_store %arg16[%swap3A_185, %swap3A_186, %swap3A_187], %broadcast_in_dim3A_183 {strides = array<i32>} : memref<2x128x128xf32, #tpu.memory_space<vmem>>, vector<16xf32>,
      %broadcast_in_dim3A_189 = arith.constant 0.000000e+00 : f32
      %broadcast_in_dim3A_190 = vector.broadcast %broadcast_in_dim3A_189 : f32 to vector<16xf32>
      %swap3A_191 = arith.constant 0 : i32
      %swap3A_192 = arith.index_cast %swap3A_191 : i32 to index
      %swap3A_193 = arith.index_cast %scan3A_140 : i32 to index
      %swap3A_194 = arith.constant 112 : index
      %swap3A_195 = tpu.vector_load %arg16[%swap3A_192, %swap3A_193, %swap3A_194] {strides = array<i32>} : memref<2x128x128xf32, #tpu.memory_space<vmem>>, vector<16xf32>,
      tpu.vector_store %arg16[%swap3A_192, %swap3A_193, %swap3A_194], %broadcast_in_dim3A_190 {strides = array<i32>} : memref<2x128x128xf32, #tpu.memory_space<vmem>>, vector<16xf32>,
      %scan3A_196 = arith.constant 0 : i32
      scf.yield %scan3A_196 : i32
    }
    %scan3A_29 = arith.constant 64 : i32
    %mul3A_30 = arith.constant 64 : i32
    %mul3A_31 = arith.muli %arg1, %mul3A_30 : i32
    %run_scoped3A = arith.constant 0 : i32
    "tpu.region"() ({
      %run_scoped3A_140 = tpu.sem_alloc : memref<!tpu.dma_semaphore, #tpu.memory_space<semaphore_mem>>
      %dma_start3A_141 = arith.constant 0 : i32
      %dma_start3A_142 = arith.constant 0 : i32
      %dma_start3A_143 = tpu.memref_slice %arg16[%run_scoped3A, %dma_start3A_141, %dma_start3A_142] : memref<2x128x128xf32, #tpu.memory_space<vmem>> -> memref<1x64x128xf32, #tpu.memory_space<vmem>>
      %dma_start3A_144 = tpu.memref_squeeze %dma_start3A_143 : memref<1x64x128xf32, #tpu.memory_space<vmem>> -> memref<64x128xf32, #tpu.memory_space<vmem>>
      %dma_start3A_145 = arith.constant 0 : i32
      %dma_start3A_146 = tpu.memref_slice %arg21[%mul3A_31, %dma_start3A_145] : memref<1024x128xf32, #tpu.memory_space<vmem_shared>> -> memref<64x128xf32, #tpu.memory_space<vmem_shared>>
      %dma_start3A_147 = arith.constant 0 : i32
      %dma_start3A_148 = tpu.memref_slice %arg21[%mul3A_31, %dma_start3A_147] : memref<1024x128xf32, #tpu.memory_space<vmem_shared>> -> memref<64x128xf32, #tpu.memory_space<vmem_shared>>
      %dma_start3A_149 = arith.constant 0 : i32
      %dma_start3A_150 = arith.constant 0 : i32
      %dma_start3A_151 = tpu.memref_slice %arg16[%run_scoped3A, %dma_start3A_149, %dma_start3A_150] : memref<2x128x128xf32, #tpu.memory_space<vmem>> -> memref<1x64x128xf32, #tpu.memory_space<vmem>>
      %dma_start3A_152 = tpu.memref_squeeze %dma_start3A_151 : memref<1x64x128xf32, #tpu.memory_space<vmem>> -> memref<64x128xf32, #tpu.memory_space<vmem>>
      tpu.enqueue_dma source(%dma_start3A_152 : memref<64x128xf32, #tpu.memory_space<vmem>>) target(%dma_start3A_148 : memref<64x128xf32, #tpu.memory_space<vmem_shared>>) target_semaphore(%run_scoped3A_140 : memref<!tpu.dma_semaphore, #tpu.memory_space<semaphore_mem>>)
      %dma_wait3A = arith.constant 0 : i32
      %dma_wait3A_153 = arith.constant 0 : i32
      %dma_wait3A_154 = tpu.memref_slice %arg16[%run_scoped3A, %dma_wait3A, %dma_wait3A_153] : memref<2x128x128xf32, #tpu.memory_space<vmem>> -> memref<1x64x128xf32, #tpu.memory_space<vmem>>
      %dma_wait3A_155 = tpu.memref_squeeze %dma_wait3A_154 : memref<1x64x128xf32, #tpu.memory_space<vmem>> -> memref<64x128xf32, #tpu.memory_space<vmem>>
      %dma_wait3A_156 = arith.constant 0 : i32
      %dma_wait3A_157 = tpu.memref_slice %arg21[%mul3A_31, %dma_wait3A_156] : memref<1024x128xf32, #tpu.memory_space<vmem_shared>> -> memref<64x128xf32, #tpu.memory_space<vmem_shared>>
      %dma_wait3A_158 = arith.constant 0 : i32
      %dma_wait3A_159 = tpu.memref_slice %arg21[%mul3A_31, %dma_wait3A_158] : memref<1024x128xf32, #tpu.memory_space<vmem_shared>> -> memref<64x128xf32, #tpu.memory_space<vmem_shared>>
      %dma_wait3A_160 = arith.constant 0 : i32
      %dma_wait3A_161 = arith.constant 0 : i32
      %dma_wait3A_162 = tpu.memref_slice %arg16[%run_scoped3A, %dma_wait3A_160, %dma_wait3A_161] : memref<2x128x128xf32, #tpu.memory_space<vmem>> -> memref<1x64x128xf32, #tpu.memory_space<vmem>>
      %dma_wait3A_163 = tpu.memref_squeeze %dma_wait3A_162 : memref<1x64x128xf32, #tpu.memory_space<vmem>> -> memref<64x128xf32, #tpu.memory_space<vmem>>
      tpu.wait_dma2 semaphore(%run_scoped3A_140 : memref<!tpu.dma_semaphore, #tpu.memory_space<semaphore_mem>>) src(%dma_wait3A_163 : memref<64x128xf32, #tpu.memory_space<vmem>>) dst(%dma_wait3A_159 : memref<64x128xf32, #tpu.memory_space<vmem_shared>>)
      tpu.yield
    }) : () -> ()
    %barrier3A = arith.constant 0 : index
    tpu.barrier barrier_id(%barrier3A)
    "tpu.region"() ({
      %run_scoped3A_140 = tpu.sem_alloc : memref<!tpu.dma_semaphore, #tpu.memory_space<semaphore_mem>>
      %dma_start3A_141 = arith.constant 0 : i32
      %dma_start3A_142 = arith.constant 0 : i32
      %dma_start3A_143 = tpu.memref_slice %arg22[%dma_start3A_141, %dma_start3A_142] : memref<16x1024xf32, #tpu.memory_space<vmem_shared>> -> memref<16x128xf32, #tpu.memory_space<vmem_shared>>
      %dma_start3A_144 = arith.constant 0 : i32
      %dma_start3A_145 = arith.constant 0 : i32
      %dma_start3A_146 = tpu.memref_slice %arg22[%dma_start3A_144, %dma_start3A_145] : memref<16x1024xf32, #tpu.memory_space<vmem_shared>> -> memref<16x128xf32, #tpu.memory_space<vmem_shared>>
      tpu.enqueue_dma source(%dma_start3A_146 : memref<16x128xf32, #tpu.memory_space<vmem_shared>>) target(%arg14 : memref<16x128xf32, #tpu.memory_space<vmem>>) target_semaphore(%run_scoped3A_140 : memref<!tpu.dma_semaphore, #tpu.memory_space<semaphore_mem>>)
      %dma_wait3A = arith.constant 0 : i32
      %dma_wait3A_147 = arith.constant 0 : i32
      %dma_wait3A_148 = tpu.memref_slice %arg22[%dma_wait3A, %dma_wait3A_147] : memref<16x1024xf32, #tpu.memory_space<vmem_shared>> -> memref<16x128xf32, #tpu.memory_space<vmem_shared>>
      %dma_wait3A_149 = arith.constant 0 : i32
      %dma_wait3A_150 = arith.constant 0 : i32
      %dma_wait3A_151 = tpu.memref_slice %arg22[%dma_wait3A_149, %dma_wait3A_150] : memref<16x1024xf32, #tpu.memory_space<vmem_shared>> -> memref<16x128xf32, #tpu.memory_space<vmem_shared>>
      tpu.wait_dma2 semaphore(%run_scoped3A_140 : memref<!tpu.dma_semaphore, #tpu.memory_space<semaphore_mem>>) src(%dma_wait3A_151 : memref<16x128xf32, #tpu.memory_space<vmem_shared>>) dst(%arg14 : memref<16x128xf32, #tpu.memory_space<vmem>>)
      tpu.yield
    }) : () -> ()
    "tpu.region"() ({
      %run_scoped3A_140 = tpu.sem_alloc : memref<!tpu.dma_semaphore, #tpu.memory_space<semaphore_mem>>
      %dma_start3A_141 = arith.constant 0 : i32
      %dma_start3A_142 = arith.constant 0 : i32
      %dma_start3A_143 = tpu.memref_slice %arg23[%dma_start3A_141, %dma_start3A_142] : memref<16x1024xf32, #tpu.memory_space<vmem_shared>> -> memref<16x128xf32, #tpu.memory_space<vmem_shared>>
      %dma_start3A_144 = arith.constant 0 : i32
      %dma_start3A_145 = arith.constant 0 : i32
      %dma_start3A_146 = tpu.memref_slice %arg23[%dma_start3A_144, %dma_start3A_145] : memref<16x1024xf32, #tpu.memory_space<vmem_shared>> -> memref<16x128xf32, #tpu.memory_space<vmem_shared>>
      tpu.enqueue_dma source(%dma_start3A_146 : memref<16x128xf32, #tpu.memory_space<vmem_shared>>) target(%arg15 : memref<16x128xf32, #tpu.memory_space<vmem>>) target_semaphore(%run_scoped3A_140 : memref<!tpu.dma_semaphore, #tpu.memory_space<semaphore_mem>>)
      %dma_wait3A = arith.constant 0 : i32
      %dma_wait3A_147 = arith.constant 0 : i32
      %dma_wait3A_148 = tpu.memref_slice %arg23[%dma_wait3A, %dma_wait3A_147] : memref<16x1024xf32, #tpu.memory_space<vmem_shared>> -> memref<16x128xf32, #tpu.memory_space<vmem_shared>>
      %dma_wait3A_149 = arith.constant 0 : i32
      %dma_wait3A_150 = arith.constant 0 : i32
      %dma_wait3A_151 = tpu.memref_slice %arg23[%dma_wait3A_149, %dma_wait3A_150] : memref<16x1024xf32, #tpu.memory_space<vmem_shared>> -> memref<16x128xf32, #tpu.memory_space<vmem_shared>>
      tpu.wait_dma2 semaphore(%run_scoped3A_140 : memref<!tpu.dma_semaphore, #tpu.memory_space<semaphore_mem>>) src(%dma_wait3A_151 : memref<16x128xf32, #tpu.memory_space<vmem_shared>>) dst(%arg15 : memref<16x128xf32, #tpu.memory_space<vmem>>)
      tpu.yield
    }) : () -> ()
    %scan3A_32 = arith.constant 0 : i32
    %scan3A_33 = arith.constant 0 : i32
    %scan3A_34 = arith.constant 8 : i32
    %scan3A_35 = arith.addi %scan3A_33, %scan3A_34 : i32
    %scan3A_36 = arith.constant 1 : i32
    %scan3A_37 = scf.for %scan3A_140 = %scan3A_33 to %scan3A_35 step %scan3A_36 iter_args(%scan3A_141 = %scan3A_32) -> (i32)  : i32 {
      %broadcast_in_dim3A = arith.constant 0.000000e+00 : f32
      %broadcast_in_dim3A_142 = vector.broadcast %broadcast_in_dim3A : f32 to vector<16xf32>
      %scan3A_143 = arith.constant 0 : i32
      %scan3A_144 = arith.constant 16 : i32
      %scan3A_145 = arith.addi %scan3A_143, %scan3A_144 : i32
      %scan3A_146 = arith.constant 1 : i32
      %scan3A_147 = scf.for %scan3A_170 = %scan3A_143 to %scan3A_145 step %scan3A_146 iter_args(%scan3A_171 = %broadcast_in_dim3A_142) -> (vector<16xf32>)  : i32 {
        %mul3A_172 = arith.constant 16 : i32
        %mul3A_173 = arith.muli %scan3A_140, %mul3A_172 : i32
        %get3A = arith.index_cast %scan3A_170 : i32 to index
        %get3A_174 = arith.index_cast %mul3A_173 : i32 to index
        %get3A_175 = tpu.vector_load %arg14[%get3A, %get3A_174] {strides = array<i32>} : memref<16x128xf32, #tpu.memory_space<vmem>>, vector<16xf32>,
        %max3A = arith.maximumf %scan3A_171, %get3A_175 : vector<16xf32>
        scf.yield %max3A : vector<16xf32>
      }
      %scan3A_148 = arith.constant 16 : i32
      %broadcast_in_dim3A_149 = arith.constant 0.000000e+00 : f32
      %broadcast_in_dim3A_150 = vector.broadcast %broadcast_in_dim3A_149 : f32 to vector<16xf32>
      %scan3A_151 = arith.constant 0 : i32
      %scan3A_152 = arith.constant 16 : i32
      %scan3A_153 = arith.addi %scan3A_151, %scan3A_152 : i32
      %scan3A_154 = arith.constant 1 : i32
      %scan3A_155 = scf.for %scan3A_170 = %scan3A_151 to %scan3A_153 step %scan3A_154 iter_args(%scan3A_171 = %broadcast_in_dim3A_150) -> (vector<16xf32>)  : i32 {
        %mul3A_172 = arith.constant 16 : i32
        %mul3A_173 = arith.muli %scan3A_140, %mul3A_172 : i32
        %get3A = arith.index_cast %scan3A_170 : i32 to index
        %get3A_174 = arith.index_cast %mul3A_173 : i32 to index
        %get3A_175 = tpu.vector_load %arg14[%get3A, %get3A_174] {strides = array<i32>} : memref<16x128xf32, #tpu.memory_space<vmem>>, vector<16xf32>,
        %mul3A_176 = arith.constant 16 : i32
        %mul3A_177 = arith.muli %scan3A_140, %mul3A_176 : i32
        %get3A_178 = arith.index_cast %scan3A_170 : i32 to index
        %get3A_179 = arith.index_cast %mul3A_177 : i32 to index
        %get3A_180 = tpu.vector_load %arg15[%get3A_178, %get3A_179] {strides = array<i32>} : memref<16x128xf32, #tpu.memory_space<vmem>>, vector<16xf32>,
        %sub3A = arith.subf %get3A_175, %scan3A_147 : vector<16xf32>
        %exp3A = math.exp %sub3A : vector<16xf32>
        %mul3A_181 = arith.mulf %get3A_180, %exp3A : vector<16xf32>
        %add3A_182 = arith.addf %scan3A_171, %mul3A_181 : vector<16xf32>
        scf.yield %add3A_182 : vector<16xf32>
      }
      %scan3A_156 = arith.constant 16 : i32
      %mul3A_157 = arith.constant 16 : i32
      %mul3A_158 = arith.muli %scan3A_140, %mul3A_157 : i32
      %add3A_159 = arith.constant 0 : i32
      %add3A_160 = arith.addi %add3A_159, %mul3A_158 : i32
      %swap3A = arith.index_cast %add3A_160 : i32 to index
      %swap3A_161 = tpu.vector_load %arg12[%swap3A] {strides = array<i32>} : memref<1024xf32, #tpu.memory_space<vmem>>, vector<16xf32>,
      tpu.vector_store %arg12[%swap3A], %scan3A_147 {strides = array<i32>} : memref<1024xf32, #tpu.memory_space<vmem>>, vector<16xf32>,
      %add3A_162 = arith.constant 9.99999971E-10 : f32
      %add3A_163 = vector.broadcast %add3A_162 : f32 to vector<16xf32>
      %add3A_164 = arith.addf %scan3A_155, %add3A_163 : vector<16xf32>
      %div3A = arith.constant 1.000000e+00 : f32
      %div3A_165 = vector.broadcast %div3A : f32 to vector<16xf32>
      %div3A_166 = arith.divf %div3A_165, %add3A_164 : vector<16xf32>
      %swap3A_167 = arith.index_cast %add3A_160 : i32 to index
      %swap3A_168 = tpu.vector_load %arg13[%swap3A_167] {strides = array<i32>} : memref<1024xf32, #tpu.memory_space<vmem>>, vector<16xf32>,
      tpu.vector_store %arg13[%swap3A_167], %div3A_166 {strides = array<i32>} : memref<1024xf32, #tpu.memory_space<vmem>>, vector<16xf32>,
      %scan3A_169 = arith.constant 0 : i32
      scf.yield %scan3A_169 : i32
    }
    %scan3A_38 = arith.constant 8 : i32
    "tpu.region"() ({
      %run_scoped3A_140 = tpu.sem_alloc : memref<!tpu.dma_semaphore, #tpu.memory_space<semaphore_mem>>
      %dma_start3A_141 = arith.constant 0 : i32
      %dma_start3A_142 = arith.constant 128 : i32
      %dma_start3A_143 = tpu.memref_slice %arg22[%dma_start3A_141, %dma_start3A_142] : memref<16x1024xf32, #tpu.memory_space<vmem_shared>> -> memref<16x128xf32, #tpu.memory_space<vmem_shared>>
      %dma_start3A_144 = arith.constant 0 : i32
      %dma_start3A_145 = arith.constant 128 : i32
      %dma_start3A_146 = tpu.memref_slice %arg22[%dma_start3A_144, %dma_start3A_145] : memref<16x1024xf32, #tpu.memory_space<vmem_shared>> -> memref<16x128xf32, #tpu.memory_space<vmem_shared>>
      tpu.enqueue_dma source(%dma_start3A_146 : memref<16x128xf32, #tpu.memory_space<vmem_shared>>) target(%arg14 : memref<16x128xf32, #tpu.memory_space<vmem>>) target_semaphore(%run_scoped3A_140 : memref<!tpu.dma_semaphore, #tpu.memory_space<semaphore_mem>>)
      %dma_wait3A = arith.constant 0 : i32
      %dma_wait3A_147 = arith.constant 128 : i32
      %dma_wait3A_148 = tpu.memref_slice %arg22[%dma_wait3A, %dma_wait3A_147] : memref<16x1024xf32, #tpu.memory_space<vmem_shared>> -> memref<16x128xf32, #tpu.memory_space<vmem_shared>>
      %dma_wait3A_149 = arith.constant 0 : i32
      %dma_wait3A_150 = arith.constant 128 : i32
      %dma_wait3A_151 = tpu.memref_slice %arg22[%dma_wait3A_149, %dma_wait3A_150] : memref<16x1024xf32, #tpu.memory_space<vmem_shared>> -> memref<16x128xf32, #tpu.memory_space<vmem_shared>>
      tpu.wait_dma2 semaphore(%run_scoped3A_140 : memref<!tpu.dma_semaphore, #tpu.memory_space<semaphore_mem>>) src(%dma_wait3A_151 : memref<16x128xf32, #tpu.memory_space<vmem_shared>>) dst(%arg14 : memref<16x128xf32, #tpu.memory_space<vmem>>)
      tpu.yield
    }) : () -> ()
    "tpu.region"() ({
      %run_scoped3A_140 = tpu.sem_alloc : memref<!tpu.dma_semaphore, #tpu.memory_space<semaphore_mem>>
      %dma_start3A_141 = arith.constant 0 : i32
      %dma_start3A_142 = arith.constant 128 : i32
      %dma_start3A_143 = tpu.memref_slice %arg23[%dma_start3A_141, %dma_start3A_142] : memref<16x1024xf32, #tpu.memory_space<vmem_shared>> -> memref<16x128xf32, #tpu.memory_space<vmem_shared>>
      %dma_start3A_144 = arith.constant 0 : i32
      %dma_start3A_145 = arith.constant 128 : i32
      %dma_start3A_146 = tpu.memref_slice %arg23[%dma_start3A_144, %dma_start3A_145] : memref<16x1024xf32, #tpu.memory_space<vmem_shared>> -> memref<16x128xf32, #tpu.memory_space<vmem_shared>>
      tpu.enqueue_dma source(%dma_start3A_146 : memref<16x128xf32, #tpu.memory_space<vmem_shared>>) target(%arg15 : memref<16x128xf32, #tpu.memory_space<vmem>>) target_semaphore(%run_scoped3A_140 : memref<!tpu.dma_semaphore, #tpu.memory_space<semaphore_mem>>)
      %dma_wait3A = arith.constant 0 : i32
      %dma_wait3A_147 = arith.constant 128 : i32
      %dma_wait3A_148 = tpu.memref_slice %arg23[%dma_wait3A, %dma_wait3A_147] : memref<16x1024xf32, #tpu.memory_space<vmem_shared>> -> memref<16x128xf32, #tpu.memory_space<vmem_shared>>
      %dma_wait3A_149 = arith.constant 0 : i32
      %dma_wait3A_150 = arith.constant 128 : i32
      %dma_wait3A_151 = tpu.memref_slice %arg23[%dma_wait3A_149, %dma_wait3A_150] : memref<16x1024xf32, #tpu.memory_space<vmem_shared>> -> memref<16x128xf32, #tpu.memory_space<vmem_shared>>
      tpu.wait_dma2 semaphore(%run_scoped3A_140 : memref<!tpu.dma_semaphore, #tpu.memory_space<semaphore_mem>>) src(%dma_wait3A_151 : memref<16x128xf32, #tpu.memory_space<vmem_shared>>) dst(%arg15 : memref<16x128xf32, #tpu.memory_space<vmem>>)
      tpu.yield
    }) : () -> ()
    %scan3A_39 = arith.constant 0 : i32
    %scan3A_40 = arith.constant 0 : i32
    %scan3A_41 = arith.constant 8 : i32
    %scan3A_42 = arith.addi %scan3A_40, %scan3A_41 : i32
    %scan3A_43 = arith.constant 1 : i32
    %scan3A_44 = scf.for %scan3A_140 = %scan3A_40 to %scan3A_42 step %scan3A_43 iter_args(%scan3A_141 = %scan3A_39) -> (i32)  : i32 {
      %broadcast_in_dim3A = arith.constant 0.000000e+00 : f32
      %broadcast_in_dim3A_142 = vector.broadcast %broadcast_in_dim3A : f32 to vector<16xf32>
      %scan3A_143 = arith.constant 0 : i32
      %scan3A_144 = arith.constant 16 : i32
      %scan3A_145 = arith.addi %scan3A_143, %scan3A_144 : i32
      %scan3A_146 = arith.constant 1 : i32
      %scan3A_147 = scf.for %scan3A_170 = %scan3A_143 to %scan3A_145 step %scan3A_146 iter_args(%scan3A_171 = %broadcast_in_dim3A_142) -> (vector<16xf32>)  : i32 {
        %mul3A_172 = arith.constant 16 : i32
        %mul3A_173 = arith.muli %scan3A_140, %mul3A_172 : i32
        %get3A = arith.index_cast %scan3A_170 : i32 to index
        %get3A_174 = arith.index_cast %mul3A_173 : i32 to index
        %get3A_175 = tpu.vector_load %arg14[%get3A, %get3A_174] {strides = array<i32>} : memref<16x128xf32, #tpu.memory_space<vmem>>, vector<16xf32>,
        %max3A = arith.maximumf %scan3A_171, %get3A_175 : vector<16xf32>
        scf.yield %max3A : vector<16xf32>
      }
      %scan3A_148 = arith.constant 16 : i32
      %broadcast_in_dim3A_149 = arith.constant 0.000000e+00 : f32
      %broadcast_in_dim3A_150 = vector.broadcast %broadcast_in_dim3A_149 : f32 to vector<16xf32>
      %scan3A_151 = arith.constant 0 : i32
      %scan3A_152 = arith.constant 16 : i32
      %scan3A_153 = arith.addi %scan3A_151, %scan3A_152 : i32
      %scan3A_154 = arith.constant 1 : i32
      %scan3A_155 = scf.for %scan3A_170 = %scan3A_151 to %scan3A_153 step %scan3A_154 iter_args(%scan3A_171 = %broadcast_in_dim3A_150) -> (vector<16xf32>)  : i32 {
        %mul3A_172 = arith.constant 16 : i32
        %mul3A_173 = arith.muli %scan3A_140, %mul3A_172 : i32
        %get3A = arith.index_cast %scan3A_170 : i32 to index
        %get3A_174 = arith.index_cast %mul3A_173 : i32 to index
        %get3A_175 = tpu.vector_load %arg14[%get3A, %get3A_174] {strides = array<i32>} : memref<16x128xf32, #tpu.memory_space<vmem>>, vector<16xf32>,
        %mul3A_176 = arith.constant 16 : i32
        %mul3A_177 = arith.muli %scan3A_140, %mul3A_176 : i32
        %get3A_178 = arith.index_cast %scan3A_170 : i32 to index
        %get3A_179 = arith.index_cast %mul3A_177 : i32 to index
        %get3A_180 = tpu.vector_load %arg15[%get3A_178, %get3A_179] {strides = array<i32>} : memref<16x128xf32, #tpu.memory_space<vmem>>, vector<16xf32>,
        %sub3A = arith.subf %get3A_175, %scan3A_147 : vector<16xf32>
        %exp3A = math.exp %sub3A : vector<16xf32>
        %mul3A_181 = arith.mulf %get3A_180, %exp3A : vector<16xf32>
        %add3A_182 = arith.addf %scan3A_171, %mul3A_181 : vector<16xf32>
        scf.yield %add3A_182 : vector<16xf32>
      }
      %scan3A_156 = arith.constant 16 : i32
      %mul3A_157 = arith.constant 16 : i32
      %mul3A_158 = arith.muli %scan3A_140, %mul3A_157 : i32
      %add3A_159 = arith.constant 128 : i32
      %add3A_160 = arith.addi %add3A_159, %mul3A_158 : i32
      %swap3A = arith.index_cast %add3A_160 : i32 to index
      %swap3A_161 = tpu.vector_load %arg12[%swap3A] {strides = array<i32>} : memref<1024xf32, #tpu.memory_space<vmem>>, vector<16xf32>,
      tpu.vector_store %arg12[%swap3A], %scan3A_147 {strides = array<i32>} : memref<1024xf32, #tpu.memory_space<vmem>>, vector<16xf32>,
      %add3A_162 = arith.constant 9.99999971E-10 : f32
      %add3A_163 = vector.broadcast %add3A_162 : f32 to vector<16xf32>
      %add3A_164 = arith.addf %scan3A_155, %add3A_163 : vector<16xf32>
      %div3A = arith.constant 1.000000e+00 : f32
      %div3A_165 = vector.broadcast %div3A : f32 to vector<16xf32>
      %div3A_166 = arith.divf %div3A_165, %add3A_164 : vector<16xf32>
      %swap3A_167 = arith.index_cast %add3A_160 : i32 to index
      %swap3A_168 = tpu.vector_load %arg13[%swap3A_167] {strides = array<i32>} : memref<1024xf32, #tpu.memory_space<vmem>>, vector<16xf32>,
      tpu.vector_store %arg13[%swap3A_167], %div3A_166 {strides = array<i32>} : memref<1024xf32, #tpu.memory_space<vmem>>, vector<16xf32>,
      %scan3A_169 = arith.constant 0 : i32
      scf.yield %scan3A_169 : i32
    }
    %scan3A_45 = arith.constant 8 : i32
    "tpu.region"() ({
      %run_scoped3A_140 = tpu.sem_alloc : memref<!tpu.dma_semaphore, #tpu.memory_space<semaphore_mem>>
      %dma_start3A_141 = arith.constant 0 : i32
      %dma_start3A_142 = arith.constant 256 : i32
      %dma_start3A_143 = tpu.memref_slice %arg22[%dma_start3A_141, %dma_start3A_142] : memref<16x1024xf32, #tpu.memory_space<vmem_shared>> -> memref<16x128xf32, #tpu.memory_space<vmem_shared>>
      %dma_start3A_144 = arith.constant 0 : i32
      %dma_start3A_145 = arith.constant 256 : i32
      %dma_start3A_146 = tpu.memref_slice %arg22[%dma_start3A_144, %dma_start3A_145] : memref<16x1024xf32, #tpu.memory_space<vmem_shared>> -> memref<16x128xf32, #tpu.memory_space<vmem_shared>>
      tpu.enqueue_dma source(%dma_start3A_146 : memref<16x128xf32, #tpu.memory_space<vmem_shared>>) target(%arg14 : memref<16x128xf32, #tpu.memory_space<vmem>>) target_semaphore(%run_scoped3A_140 : memref<!tpu.dma_semaphore, #tpu.memory_space<semaphore_mem>>)
      %dma_wait3A = arith.constant 0 : i32
      %dma_wait3A_147 = arith.constant 256 : i32
      %dma_wait3A_148 = tpu.memref_slice %arg22[%dma_wait3A, %dma_wait3A_147] : memref<16x1024xf32, #tpu.memory_space<vmem_shared>> -> memref<16x128xf32, #tpu.memory_space<vmem_shared>>
      %dma_wait3A_149 = arith.constant 0 : i32
      %dma_wait3A_150 = arith.constant 256 : i32
      %dma_wait3A_151 = tpu.memref_slice %arg22[%dma_wait3A_149, %dma_wait3A_150] : memref<16x1024xf32, #tpu.memory_space<vmem_shared>> -> memref<16x128xf32, #tpu.memory_space<vmem_shared>>
      tpu.wait_dma2 semaphore(%run_scoped3A_140 : memref<!tpu.dma_semaphore, #tpu.memory_space<semaphore_mem>>) src(%dma_wait3A_151 : memref<16x128xf32, #tpu.memory_space<vmem_shared>>) dst(%arg14 : memref<16x128xf32, #tpu.memory_space<vmem>>)
      tpu.yield
    }) : () -> ()
    "tpu.region"() ({
      %run_scoped3A_140 = tpu.sem_alloc : memref<!tpu.dma_semaphore, #tpu.memory_space<semaphore_mem>>
      %dma_start3A_141 = arith.constant 0 : i32
      %dma_start3A_142 = arith.constant 256 : i32
      %dma_start3A_143 = tpu.memref_slice %arg23[%dma_start3A_141, %dma_start3A_142] : memref<16x1024xf32, #tpu.memory_space<vmem_shared>> -> memref<16x128xf32, #tpu.memory_space<vmem_shared>>
      %dma_start3A_144 = arith.constant 0 : i32
      %dma_start3A_145 = arith.constant 256 : i32
      %dma_start3A_146 = tpu.memref_slice %arg23[%dma_start3A_144, %dma_start3A_145] : memref<16x1024xf32, #tpu.memory_space<vmem_shared>> -> memref<16x128xf32, #tpu.memory_space<vmem_shared>>
      tpu.enqueue_dma source(%dma_start3A_146 : memref<16x128xf32, #tpu.memory_space<vmem_shared>>) target(%arg15 : memref<16x128xf32, #tpu.memory_space<vmem>>) target_semaphore(%run_scoped3A_140 : memref<!tpu.dma_semaphore, #tpu.memory_space<semaphore_mem>>)
      %dma_wait3A = arith.constant 0 : i32
      %dma_wait3A_147 = arith.constant 256 : i32
      %dma_wait3A_148 = tpu.memref_slice %arg23[%dma_wait3A, %dma_wait3A_147] : memref<16x1024xf32, #tpu.memory_space<vmem_shared>> -> memref<16x128xf32, #tpu.memory_space<vmem_shared>>
      %dma_wait3A_149 = arith.constant 0 : i32
      %dma_wait3A_150 = arith.constant 256 : i32
      %dma_wait3A_151 = tpu.memref_slice %arg23[%dma_wait3A_149, %dma_wait3A_150] : memref<16x1024xf32, #tpu.memory_space<vmem_shared>> -> memref<16x128xf32, #tpu.memory_space<vmem_shared>>
      tpu.wait_dma2 semaphore(%run_scoped3A_140 : memref<!tpu.dma_semaphore, #tpu.memory_space<semaphore_mem>>) src(%dma_wait3A_151 : memref<16x128xf32, #tpu.memory_space<vmem_shared>>) dst(%arg15 : memref<16x128xf32, #tpu.memory_space<vmem>>)
      tpu.yield
    }) : () -> ()
    %scan3A_46 = arith.constant 0 : i32
    %scan3A_47 = arith.constant 0 : i32
    %scan3A_48 = arith.constant 8 : i32
    %scan3A_49 = arith.addi %scan3A_47, %scan3A_48 : i32
    %scan3A_50 = arith.constant 1 : i32
    %scan3A_51 = scf.for %scan3A_140 = %scan3A_47 to %scan3A_49 step %scan3A_50 iter_args(%scan3A_141 = %scan3A_46) -> (i32)  : i32 {
      %broadcast_in_dim3A = arith.constant 0.000000e+00 : f32
      %broadcast_in_dim3A_142 = vector.broadcast %broadcast_in_dim3A : f32 to vector<16xf32>
      %scan3A_143 = arith.constant 0 : i32
      %scan3A_144 = arith.constant 16 : i32
      %scan3A_145 = arith.addi %scan3A_143, %scan3A_144 : i32
      %scan3A_146 = arith.constant 1 : i32
      %scan3A_147 = scf.for %scan3A_170 = %scan3A_143 to %scan3A_145 step %scan3A_146 iter_args(%scan3A_171 = %broadcast_in_dim3A_142) -> (vector<16xf32>)  : i32 {
        %mul3A_172 = arith.constant 16 : i32
        %mul3A_173 = arith.muli %scan3A_140, %mul3A_172 : i32
        %get3A = arith.index_cast %scan3A_170 : i32 to index
        %get3A_174 = arith.index_cast %mul3A_173 : i32 to index
        %get3A_175 = tpu.vector_load %arg14[%get3A, %get3A_174] {strides = array<i32>} : memref<16x128xf32, #tpu.memory_space<vmem>>, vector<16xf32>,
        %max3A = arith.maximumf %scan3A_171, %get3A_175 : vector<16xf32>
        scf.yield %max3A : vector<16xf32>
      }
      %scan3A_148 = arith.constant 16 : i32
      %broadcast_in_dim3A_149 = arith.constant 0.000000e+00 : f32
      %broadcast_in_dim3A_150 = vector.broadcast %broadcast_in_dim3A_149 : f32 to vector<16xf32>
      %scan3A_151 = arith.constant 0 : i32
      %scan3A_152 = arith.constant 16 : i32
      %scan3A_153 = arith.addi %scan3A_151, %scan3A_152 : i32
      %scan3A_154 = arith.constant 1 : i32
      %scan3A_155 = scf.for %scan3A_170 = %scan3A_151 to %scan3A_153 step %scan3A_154 iter_args(%scan3A_171 = %broadcast_in_dim3A_150) -> (vector<16xf32>)  : i32 {
        %mul3A_172 = arith.constant 16 : i32
        %mul3A_173 = arith.muli %scan3A_140, %mul3A_172 : i32
        %get3A = arith.index_cast %scan3A_170 : i32 to index
        %get3A_174 = arith.index_cast %mul3A_173 : i32 to index
        %get3A_175 = tpu.vector_load %arg14[%get3A, %get3A_174] {strides = array<i32>} : memref<16x128xf32, #tpu.memory_space<vmem>>, vector<16xf32>,
        %mul3A_176 = arith.constant 16 : i32
        %mul3A_177 = arith.muli %scan3A_140, %mul3A_176 : i32
        %get3A_178 = arith.index_cast %scan3A_170 : i32 to index
        %get3A_179 = arith.index_cast %mul3A_177 : i32 to index
        %get3A_180 = tpu.vector_load %arg15[%get3A_178, %get3A_179] {strides = array<i32>} : memref<16x128xf32, #tpu.memory_space<vmem>>, vector<16xf32>,
        %sub3A = arith.subf %get3A_175, %scan3A_147 : vector<16xf32>
        %exp3A = math.exp %sub3A : vector<16xf32>
        %mul3A_181 = arith.mulf %get3A_180, %exp3A : vector<16xf32>
        %add3A_182 = arith.addf %scan3A_171, %mul3A_181 : vector<16xf32>
        scf.yield %add3A_182 : vector<16xf32>
      }
      %scan3A_156 = arith.constant 16 : i32
      %mul3A_157 = arith.constant 16 : i32
      %mul3A_158 = arith.muli %scan3A_140, %mul3A_157 : i32
      %add3A_159 = arith.constant 256 : i32
      %add3A_160 = arith.addi %add3A_159, %mul3A_158 : i32
      %swap3A = arith.index_cast %add3A_160 : i32 to index
      %swap3A_161 = tpu.vector_load %arg12[%swap3A] {strides = array<i32>} : memref<1024xf32, #tpu.memory_space<vmem>>, vector<16xf32>,
      tpu.vector_store %arg12[%swap3A], %scan3A_147 {strides = array<i32>} : memref<1024xf32, #tpu.memory_space<vmem>>, vector<16xf32>,
      %add3A_162 = arith.constant 9.99999971E-10 : f32
      %add3A_163 = vector.broadcast %add3A_162 : f32 to vector<16xf32>
      %add3A_164 = arith.addf %scan3A_155, %add3A_163 : vector<16xf32>
      %div3A = arith.constant 1.000000e+00 : f32
      %div3A_165 = vector.broadcast %div3A : f32 to vector<16xf32>
      %div3A_166 = arith.divf %div3A_165, %add3A_164 : vector<16xf32>
      %swap3A_167 = arith.index_cast %add3A_160 : i32 to index
      %swap3A_168 = tpu.vector_load %arg13[%swap3A_167] {strides = array<i32>} : memref<1024xf32, #tpu.memory_space<vmem>>, vector<16xf32>,
      tpu.vector_store %arg13[%swap3A_167], %div3A_166 {strides = array<i32>} : memref<1024xf32, #tpu.memory_space<vmem>>, vector<16xf32>,
      %scan3A_169 = arith.constant 0 : i32
      scf.yield %scan3A_169 : i32
    }
    %scan3A_52 = arith.constant 8 : i32
    "tpu.region"() ({
      %run_scoped3A_140 = tpu.sem_alloc : memref<!tpu.dma_semaphore, #tpu.memory_space<semaphore_mem>>
      %dma_start3A_141 = arith.constant 0 : i32
      %dma_start3A_142 = arith.constant 384 : i32
      %dma_start3A_143 = tpu.memref_slice %arg22[%dma_start3A_141, %dma_start3A_142] : memref<16x1024xf32, #tpu.memory_space<vmem_shared>> -> memref<16x128xf32, #tpu.memory_space<vmem_shared>>
      %dma_start3A_144 = arith.constant 0 : i32
      %dma_start3A_145 = arith.constant 384 : i32
      %dma_start3A_146 = tpu.memref_slice %arg22[%dma_start3A_144, %dma_start3A_145] : memref<16x1024xf32, #tpu.memory_space<vmem_shared>> -> memref<16x128xf32, #tpu.memory_space<vmem_shared>>
      tpu.enqueue_dma source(%dma_start3A_146 : memref<16x128xf32, #tpu.memory_space<vmem_shared>>) target(%arg14 : memref<16x128xf32, #tpu.memory_space<vmem>>) target_semaphore(%run_scoped3A_140 : memref<!tpu.dma_semaphore, #tpu.memory_space<semaphore_mem>>)
      %dma_wait3A = arith.constant 0 : i32
      %dma_wait3A_147 = arith.constant 384 : i32
      %dma_wait3A_148 = tpu.memref_slice %arg22[%dma_wait3A, %dma_wait3A_147] : memref<16x1024xf32, #tpu.memory_space<vmem_shared>> -> memref<16x128xf32, #tpu.memory_space<vmem_shared>>
      %dma_wait3A_149 = arith.constant 0 : i32
      %dma_wait3A_150 = arith.constant 384 : i32
      %dma_wait3A_151 = tpu.memref_slice %arg22[%dma_wait3A_149, %dma_wait3A_150] : memref<16x1024xf32, #tpu.memory_space<vmem_shared>> -> memref<16x128xf32, #tpu.memory_space<vmem_shared>>
      tpu.wait_dma2 semaphore(%run_scoped3A_140 : memref<!tpu.dma_semaphore, #tpu.memory_space<semaphore_mem>>) src(%dma_wait3A_151 : memref<16x128xf32, #tpu.memory_space<vmem_shared>>) dst(%arg14 : memref<16x128xf32, #tpu.memory_space<vmem>>)
      tpu.yield
    }) : () -> ()
    "tpu.region"() ({
      %run_scoped3A_140 = tpu.sem_alloc : memref<!tpu.dma_semaphore, #tpu.memory_space<semaphore_mem>>
      %dma_start3A_141 = arith.constant 0 : i32
      %dma_start3A_142 = arith.constant 384 : i32
      %dma_start3A_143 = tpu.memref_slice %arg23[%dma_start3A_141, %dma_start3A_142] : memref<16x1024xf32, #tpu.memory_space<vmem_shared>> -> memref<16x128xf32, #tpu.memory_space<vmem_shared>>
      %dma_start3A_144 = arith.constant 0 : i32
      %dma_start3A_145 = arith.constant 384 : i32
      %dma_start3A_146 = tpu.memref_slice %arg23[%dma_start3A_144, %dma_start3A_145] : memref<16x1024xf32, #tpu.memory_space<vmem_shared>> -> memref<16x128xf32, #tpu.memory_space<vmem_shared>>
      tpu.enqueue_dma source(%dma_start3A_146 : memref<16x128xf32, #tpu.memory_space<vmem_shared>>) target(%arg15 : memref<16x128xf32, #tpu.memory_space<vmem>>) target_semaphore(%run_scoped3A_140 : memref<!tpu.dma_semaphore, #tpu.memory_space<semaphore_mem>>)
      %dma_wait3A = arith.constant 0 : i32
      %dma_wait3A_147 = arith.constant 384 : i32
      %dma_wait3A_148 = tpu.memref_slice %arg23[%dma_wait3A, %dma_wait3A_147] : memref<16x1024xf32, #tpu.memory_space<vmem_shared>> -> memref<16x128xf32, #tpu.memory_space<vmem_shared>>
      %dma_wait3A_149 = arith.constant 0 : i32
      %dma_wait3A_150 = arith.constant 384 : i32
      %dma_wait3A_151 = tpu.memref_slice %arg23[%dma_wait3A_149, %dma_wait3A_150] : memref<16x1024xf32, #tpu.memory_space<vmem_shared>> -> memref<16x128xf32, #tpu.memory_space<vmem_shared>>
      tpu.wait_dma2 semaphore(%run_scoped3A_140 : memref<!tpu.dma_semaphore, #tpu.memory_space<semaphore_mem>>) src(%dma_wait3A_151 : memref<16x128xf32, #tpu.memory_space<vmem_shared>>) dst(%arg15 : memref<16x128xf32, #tpu.memory_space<vmem>>)
      tpu.yield
    }) : () -> ()
    %scan3A_53 = arith.constant 0 : i32
    %scan3A_54 = arith.constant 0 : i32
    %scan3A_55 = arith.constant 8 : i32
    %scan3A_56 = arith.addi %scan3A_54, %scan3A_55 : i32
    %scan3A_57 = arith.constant 1 : i32
    %scan3A_58 = scf.for %scan3A_140 = %scan3A_54 to %scan3A_56 step %scan3A_57 iter_args(%scan3A_141 = %scan3A_53) -> (i32)  : i32 {
      %broadcast_in_dim3A = arith.constant 0.000000e+00 : f32
      %broadcast_in_dim3A_142 = vector.broadcast %broadcast_in_dim3A : f32 to vector<16xf32>
      %scan3A_143 = arith.constant 0 : i32
      %scan3A_144 = arith.constant 16 : i32
      %scan3A_145 = arith.addi %scan3A_143, %scan3A_144 : i32
      %scan3A_146 = arith.constant 1 : i32
      %scan3A_147 = scf.for %scan3A_170 = %scan3A_143 to %scan3A_145 step %scan3A_146 iter_args(%scan3A_171 = %broadcast_in_dim3A_142) -> (vector<16xf32>)  : i32 {
        %mul3A_172 = arith.constant 16 : i32
        %mul3A_173 = arith.muli %scan3A_140, %mul3A_172 : i32
        %get3A = arith.index_cast %scan3A_170 : i32 to index
        %get3A_174 = arith.index_cast %mul3A_173 : i32 to index
        %get3A_175 = tpu.vector_load %arg14[%get3A, %get3A_174] {strides = array<i32>} : memref<16x128xf32, #tpu.memory_space<vmem>>, vector<16xf32>,
        %max3A = arith.maximumf %scan3A_171, %get3A_175 : vector<16xf32>
        scf.yield %max3A : vector<16xf32>
      }
      %scan3A_148 = arith.constant 16 : i32
      %broadcast_in_dim3A_149 = arith.constant 0.000000e+00 : f32
      %broadcast_in_dim3A_150 = vector.broadcast %broadcast_in_dim3A_149 : f32 to vector<16xf32>
      %scan3A_151 = arith.constant 0 : i32
      %scan3A_152 = arith.constant 16 : i32
      %scan3A_153 = arith.addi %scan3A_151, %scan3A_152 : i32
      %scan3A_154 = arith.constant 1 : i32
      %scan3A_155 = scf.for %scan3A_170 = %scan3A_151 to %scan3A_153 step %scan3A_154 iter_args(%scan3A_171 = %broadcast_in_dim3A_150) -> (vector<16xf32>)  : i32 {
        %mul3A_172 = arith.constant 16 : i32
        %mul3A_173 = arith.muli %scan3A_140, %mul3A_172 : i32
        %get3A = arith.index_cast %scan3A_170 : i32 to index
        %get3A_174 = arith.index_cast %mul3A_173 : i32 to index
        %get3A_175 = tpu.vector_load %arg14[%get3A, %get3A_174] {strides = array<i32>} : memref<16x128xf32, #tpu.memory_space<vmem>>, vector<16xf32>,
        %mul3A_176 = arith.constant 16 : i32
        %mul3A_177 = arith.muli %scan3A_140, %mul3A_176 : i32
        %get3A_178 = arith.index_cast %scan3A_170 : i32 to index
        %get3A_179 = arith.index_cast %mul3A_177 : i32 to index
        %get3A_180 = tpu.vector_load %arg15[%get3A_178, %get3A_179] {strides = array<i32>} : memref<16x128xf32, #tpu.memory_space<vmem>>, vector<16xf32>,
        %sub3A = arith.subf %get3A_175, %scan3A_147 : vector<16xf32>
        %exp3A = math.exp %sub3A : vector<16xf32>
        %mul3A_181 = arith.mulf %get3A_180, %exp3A : vector<16xf32>
        %add3A_182 = arith.addf %scan3A_171, %mul3A_181 : vector<16xf32>
        scf.yield %add3A_182 : vector<16xf32>
      }
      %scan3A_156 = arith.constant 16 : i32
      %mul3A_157 = arith.constant 16 : i32
      %mul3A_158 = arith.muli %scan3A_140, %mul3A_157 : i32
      %add3A_159 = arith.constant 384 : i32
      %add3A_160 = arith.addi %add3A_159, %mul3A_158 : i32
      %swap3A = arith.index_cast %add3A_160 : i32 to index
      %swap3A_161 = tpu.vector_load %arg12[%swap3A] {strides = array<i32>} : memref<1024xf32, #tpu.memory_space<vmem>>, vector<16xf32>,
      tpu.vector_store %arg12[%swap3A], %scan3A_147 {strides = array<i32>} : memref<1024xf32, #tpu.memory_space<vmem>>, vector<16xf32>,
      %add3A_162 = arith.constant 9.99999971E-10 : f32
      %add3A_163 = vector.broadcast %add3A_162 : f32 to vector<16xf32>
      %add3A_164 = arith.addf %scan3A_155, %add3A_163 : vector<16xf32>
      %div3A = arith.constant 1.000000e+00 : f32
      %div3A_165 = vector.broadcast %div3A : f32 to vector<16xf32>
      %div3A_166 = arith.divf %div3A_165, %add3A_164 : vector<16xf32>
      %swap3A_167 = arith.index_cast %add3A_160 : i32 to index
      %swap3A_168 = tpu.vector_load %arg13[%swap3A_167] {strides = array<i32>} : memref<1024xf32, #tpu.memory_space<vmem>>, vector<16xf32>,
      tpu.vector_store %arg13[%swap3A_167], %div3A_166 {strides = array<i32>} : memref<1024xf32, #tpu.memory_space<vmem>>, vector<16xf32>,
      %scan3A_169 = arith.constant 0 : i32
      scf.yield %scan3A_169 : i32
    }
    %scan3A_59 = arith.constant 8 : i32
    "tpu.region"() ({
      %run_scoped3A_140 = tpu.sem_alloc : memref<!tpu.dma_semaphore, #tpu.memory_space<semaphore_mem>>
      %dma_start3A_141 = arith.constant 0 : i32
      %dma_start3A_142 = arith.constant 512 : i32
      %dma_start3A_143 = tpu.memref_slice %arg22[%dma_start3A_141, %dma_start3A_142] : memref<16x1024xf32, #tpu.memory_space<vmem_shared>> -> memref<16x128xf32, #tpu.memory_space<vmem_shared>>
      %dma_start3A_144 = arith.constant 0 : i32
      %dma_start3A_145 = arith.constant 512 : i32
      %dma_start3A_146 = tpu.memref_slice %arg22[%dma_start3A_144, %dma_start3A_145] : memref<16x1024xf32, #tpu.memory_space<vmem_shared>> -> memref<16x128xf32, #tpu.memory_space<vmem_shared>>
      tpu.enqueue_dma source(%dma_start3A_146 : memref<16x128xf32, #tpu.memory_space<vmem_shared>>) target(%arg14 : memref<16x128xf32, #tpu.memory_space<vmem>>) target_semaphore(%run_scoped3A_140 : memref<!tpu.dma_semaphore, #tpu.memory_space<semaphore_mem>>)
      %dma_wait3A = arith.constant 0 : i32
      %dma_wait3A_147 = arith.constant 512 : i32
      %dma_wait3A_148 = tpu.memref_slice %arg22[%dma_wait3A, %dma_wait3A_147] : memref<16x1024xf32, #tpu.memory_space<vmem_shared>> -> memref<16x128xf32, #tpu.memory_space<vmem_shared>>
      %dma_wait3A_149 = arith.constant 0 : i32
      %dma_wait3A_150 = arith.constant 512 : i32
      %dma_wait3A_151 = tpu.memref_slice %arg22[%dma_wait3A_149, %dma_wait3A_150] : memref<16x1024xf32, #tpu.memory_space<vmem_shared>> -> memref<16x128xf32, #tpu.memory_space<vmem_shared>>
      tpu.wait_dma2 semaphore(%run_scoped3A_140 : memref<!tpu.dma_semaphore, #tpu.memory_space<semaphore_mem>>) src(%dma_wait3A_151 : memref<16x128xf32, #tpu.memory_space<vmem_shared>>) dst(%arg14 : memref<16x128xf32, #tpu.memory_space<vmem>>)
      tpu.yield
    }) : () -> ()
    "tpu.region"() ({
      %run_scoped3A_140 = tpu.sem_alloc : memref<!tpu.dma_semaphore, #tpu.memory_space<semaphore_mem>>
      %dma_start3A_141 = arith.constant 0 : i32
      %dma_start3A_142 = arith.constant 512 : i32
      %dma_start3A_143 = tpu.memref_slice %arg23[%dma_start3A_141, %dma_start3A_142] : memref<16x1024xf32, #tpu.memory_space<vmem_shared>> -> memref<16x128xf32, #tpu.memory_space<vmem_shared>>
      %dma_start3A_144 = arith.constant 0 : i32
      %dma_start3A_145 = arith.constant 512 : i32
      %dma_start3A_146 = tpu.memref_slice %arg23[%dma_start3A_144, %dma_start3A_145] : memref<16x1024xf32, #tpu.memory_space<vmem_shared>> -> memref<16x128xf32, #tpu.memory_space<vmem_shared>>
      tpu.enqueue_dma source(%dma_start3A_146 : memref<16x128xf32, #tpu.memory_space<vmem_shared>>) target(%arg15 : memref<16x128xf32, #tpu.memory_space<vmem>>) target_semaphore(%run_scoped3A_140 : memref<!tpu.dma_semaphore, #tpu.memory_space<semaphore_mem>>)
      %dma_wait3A = arith.constant 0 : i32
      %dma_wait3A_147 = arith.constant 512 : i32
      %dma_wait3A_148 = tpu.memref_slice %arg23[%dma_wait3A, %dma_wait3A_147] : memref<16x1024xf32, #tpu.memory_space<vmem_shared>> -> memref<16x128xf32, #tpu.memory_space<vmem_shared>>
      %dma_wait3A_149 = arith.constant 0 : i32
      %dma_wait3A_150 = arith.constant 512 : i32
      %dma_wait3A_151 = tpu.memref_slice %arg23[%dma_wait3A_149, %dma_wait3A_150] : memref<16x1024xf32, #tpu.memory_space<vmem_shared>> -> memref<16x128xf32, #tpu.memory_space<vmem_shared>>
      tpu.wait_dma2 semaphore(%run_scoped3A_140 : memref<!tpu.dma_semaphore, #tpu.memory_space<semaphore_mem>>) src(%dma_wait3A_151 : memref<16x128xf32, #tpu.memory_space<vmem_shared>>) dst(%arg15 : memref<16x128xf32, #tpu.memory_space<vmem>>)
      tpu.yield
    }) : () -> ()
    %scan3A_60 = arith.constant 0 : i32
    %scan3A_61 = arith.constant 0 : i32
    %scan3A_62 = arith.constant 8 : i32
    %scan3A_63 = arith.addi %scan3A_61, %scan3A_62 : i32
    %scan3A_64 = arith.constant 1 : i32
    %scan3A_65 = scf.for %scan3A_140 = %scan3A_61 to %scan3A_63 step %scan3A_64 iter_args(%scan3A_141 = %scan3A_60) -> (i32)  : i32 {
      %broadcast_in_dim3A = arith.constant 0.000000e+00 : f32
      %broadcast_in_dim3A_142 = vector.broadcast %broadcast_in_dim3A : f32 to vector<16xf32>
      %scan3A_143 = arith.constant 0 : i32
      %scan3A_144 = arith.constant 16 : i32
      %scan3A_145 = arith.addi %scan3A_143, %scan3A_144 : i32
      %scan3A_146 = arith.constant 1 : i32
      %scan3A_147 = scf.for %scan3A_170 = %scan3A_143 to %scan3A_145 step %scan3A_146 iter_args(%scan3A_171 = %broadcast_in_dim3A_142) -> (vector<16xf32>)  : i32 {
        %mul3A_172 = arith.constant 16 : i32
        %mul3A_173 = arith.muli %scan3A_140, %mul3A_172 : i32
        %get3A = arith.index_cast %scan3A_170 : i32 to index
        %get3A_174 = arith.index_cast %mul3A_173 : i32 to index
        %get3A_175 = tpu.vector_load %arg14[%get3A, %get3A_174] {strides = array<i32>} : memref<16x128xf32, #tpu.memory_space<vmem>>, vector<16xf32>,
        %max3A = arith.maximumf %scan3A_171, %get3A_175 : vector<16xf32>
        scf.yield %max3A : vector<16xf32>
      }
      %scan3A_148 = arith.constant 16 : i32
      %broadcast_in_dim3A_149 = arith.constant 0.000000e+00 : f32
      %broadcast_in_dim3A_150 = vector.broadcast %broadcast_in_dim3A_149 : f32 to vector<16xf32>
      %scan3A_151 = arith.constant 0 : i32
      %scan3A_152 = arith.constant 16 : i32
      %scan3A_153 = arith.addi %scan3A_151, %scan3A_152 : i32
      %scan3A_154 = arith.constant 1 : i32
      %scan3A_155 = scf.for %scan3A_170 = %scan3A_151 to %scan3A_153 step %scan3A_154 iter_args(%scan3A_171 = %broadcast_in_dim3A_150) -> (vector<16xf32>)  : i32 {
        %mul3A_172 = arith.constant 16 : i32
        %mul3A_173 = arith.muli %scan3A_140, %mul3A_172 : i32
        %get3A = arith.index_cast %scan3A_170 : i32 to index
        %get3A_174 = arith.index_cast %mul3A_173 : i32 to index
        %get3A_175 = tpu.vector_load %arg14[%get3A, %get3A_174] {strides = array<i32>} : memref<16x128xf32, #tpu.memory_space<vmem>>, vector<16xf32>,
        %mul3A_176 = arith.constant 16 : i32
        %mul3A_177 = arith.muli %scan3A_140, %mul3A_176 : i32
        %get3A_178 = arith.index_cast %scan3A_170 : i32 to index
        %get3A_179 = arith.index_cast %mul3A_177 : i32 to index
        %get3A_180 = tpu.vector_load %arg15[%get3A_178, %get3A_179] {strides = array<i32>} : memref<16x128xf32, #tpu.memory_space<vmem>>, vector<16xf32>,
        %sub3A = arith.subf %get3A_175, %scan3A_147 : vector<16xf32>
        %exp3A = math.exp %sub3A : vector<16xf32>
        %mul3A_181 = arith.mulf %get3A_180, %exp3A : vector<16xf32>
        %add3A_182 = arith.addf %scan3A_171, %mul3A_181 : vector<16xf32>
        scf.yield %add3A_182 : vector<16xf32>
      }
      %scan3A_156 = arith.constant 16 : i32
      %mul3A_157 = arith.constant 16 : i32
      %mul3A_158 = arith.muli %scan3A_140, %mul3A_157 : i32
      %add3A_159 = arith.constant 512 : i32
      %add3A_160 = arith.addi %add3A_159, %mul3A_158 : i32
      %swap3A = arith.index_cast %add3A_160 : i32 to index
      %swap3A_161 = tpu.vector_load %arg12[%swap3A] {strides = array<i32>} : memref<1024xf32, #tpu.memory_space<vmem>>, vector<16xf32>,
      tpu.vector_store %arg12[%swap3A], %scan3A_147 {strides = array<i32>} : memref<1024xf32, #tpu.memory_space<vmem>>, vector<16xf32>,
      %add3A_162 = arith.constant 9.99999971E-10 : f32
      %add3A_163 = vector.broadcast %add3A_162 : f32 to vector<16xf32>
      %add3A_164 = arith.addf %scan3A_155, %add3A_163 : vector<16xf32>
      %div3A = arith.constant 1.000000e+00 : f32
      %div3A_165 = vector.broadcast %div3A : f32 to vector<16xf32>
      %div3A_166 = arith.divf %div3A_165, %add3A_164 : vector<16xf32>
      %swap3A_167 = arith.index_cast %add3A_160 : i32 to index
      %swap3A_168 = tpu.vector_load %arg13[%swap3A_167] {strides = array<i32>} : memref<1024xf32, #tpu.memory_space<vmem>>, vector<16xf32>,
      tpu.vector_store %arg13[%swap3A_167], %div3A_166 {strides = array<i32>} : memref<1024xf32, #tpu.memory_space<vmem>>, vector<16xf32>,
      %scan3A_169 = arith.constant 0 : i32
      scf.yield %scan3A_169 : i32
    }
    %scan3A_66 = arith.constant 8 : i32
    "tpu.region"() ({
      %run_scoped3A_140 = tpu.sem_alloc : memref<!tpu.dma_semaphore, #tpu.memory_space<semaphore_mem>>
      %dma_start3A_141 = arith.constant 0 : i32
      %dma_start3A_142 = arith.constant 640 : i32
      %dma_start3A_143 = tpu.memref_slice %arg22[%dma_start3A_141, %dma_start3A_142] : memref<16x1024xf32, #tpu.memory_space<vmem_shared>> -> memref<16x128xf32, #tpu.memory_space<vmem_shared>>
      %dma_start3A_144 = arith.constant 0 : i32
      %dma_start3A_145 = arith.constant 640 : i32
      %dma_start3A_146 = tpu.memref_slice %arg22[%dma_start3A_144, %dma_start3A_145] : memref<16x1024xf32, #tpu.memory_space<vmem_shared>> -> memref<16x128xf32, #tpu.memory_space<vmem_shared>>
      tpu.enqueue_dma source(%dma_start3A_146 : memref<16x128xf32, #tpu.memory_space<vmem_shared>>) target(%arg14 : memref<16x128xf32, #tpu.memory_space<vmem>>) target_semaphore(%run_scoped3A_140 : memref<!tpu.dma_semaphore, #tpu.memory_space<semaphore_mem>>)
      %dma_wait3A = arith.constant 0 : i32
      %dma_wait3A_147 = arith.constant 640 : i32
      %dma_wait3A_148 = tpu.memref_slice %arg22[%dma_wait3A, %dma_wait3A_147] : memref<16x1024xf32, #tpu.memory_space<vmem_shared>> -> memref<16x128xf32, #tpu.memory_space<vmem_shared>>
      %dma_wait3A_149 = arith.constant 0 : i32
      %dma_wait3A_150 = arith.constant 640 : i32
      %dma_wait3A_151 = tpu.memref_slice %arg22[%dma_wait3A_149, %dma_wait3A_150] : memref<16x1024xf32, #tpu.memory_space<vmem_shared>> -> memref<16x128xf32, #tpu.memory_space<vmem_shared>>
      tpu.wait_dma2 semaphore(%run_scoped3A_140 : memref<!tpu.dma_semaphore, #tpu.memory_space<semaphore_mem>>) src(%dma_wait3A_151 : memref<16x128xf32, #tpu.memory_space<vmem_shared>>) dst(%arg14 : memref<16x128xf32, #tpu.memory_space<vmem>>)
      tpu.yield
    }) : () -> ()
    "tpu.region"() ({
      %run_scoped3A_140 = tpu.sem_alloc : memref<!tpu.dma_semaphore, #tpu.memory_space<semaphore_mem>>
      %dma_start3A_141 = arith.constant 0 : i32
      %dma_start3A_142 = arith.constant 640 : i32
      %dma_start3A_143 = tpu.memref_slice %arg23[%dma_start3A_141, %dma_start3A_142] : memref<16x1024xf32, #tpu.memory_space<vmem_shared>> -> memref<16x128xf32, #tpu.memory_space<vmem_shared>>
      %dma_start3A_144 = arith.constant 0 : i32
      %dma_start3A_145 = arith.constant 640 : i32
      %dma_start3A_146 = tpu.memref_slice %arg23[%dma_start3A_144, %dma_start3A_145] : memref<16x1024xf32, #tpu.memory_space<vmem_shared>> -> memref<16x128xf32, #tpu.memory_space<vmem_shared>>
      tpu.enqueue_dma source(%dma_start3A_146 : memref<16x128xf32, #tpu.memory_space<vmem_shared>>) target(%arg15 : memref<16x128xf32, #tpu.memory_space<vmem>>) target_semaphore(%run_scoped3A_140 : memref<!tpu.dma_semaphore, #tpu.memory_space<semaphore_mem>>)
      %dma_wait3A = arith.constant 0 : i32
      %dma_wait3A_147 = arith.constant 640 : i32
      %dma_wait3A_148 = tpu.memref_slice %arg23[%dma_wait3A, %dma_wait3A_147] : memref<16x1024xf32, #tpu.memory_space<vmem_shared>> -> memref<16x128xf32, #tpu.memory_space<vmem_shared>>
      %dma_wait3A_149 = arith.constant 0 : i32
      %dma_wait3A_150 = arith.constant 640 : i32
      %dma_wait3A_151 = tpu.memref_slice %arg23[%dma_wait3A_149, %dma_wait3A_150] : memref<16x1024xf32, #tpu.memory_space<vmem_shared>> -> memref<16x128xf32, #tpu.memory_space<vmem_shared>>
      tpu.wait_dma2 semaphore(%run_scoped3A_140 : memref<!tpu.dma_semaphore, #tpu.memory_space<semaphore_mem>>) src(%dma_wait3A_151 : memref<16x128xf32, #tpu.memory_space<vmem_shared>>) dst(%arg15 : memref<16x128xf32, #tpu.memory_space<vmem>>)
      tpu.yield
    }) : () -> ()
    %scan3A_67 = arith.constant 0 : i32
    %scan3A_68 = arith.constant 0 : i32
    %scan3A_69 = arith.constant 8 : i32
    %scan3A_70 = arith.addi %scan3A_68, %scan3A_69 : i32
    %scan3A_71 = arith.constant 1 : i32
    %scan3A_72 = scf.for %scan3A_140 = %scan3A_68 to %scan3A_70 step %scan3A_71 iter_args(%scan3A_141 = %scan3A_67) -> (i32)  : i32 {
      %broadcast_in_dim3A = arith.constant 0.000000e+00 : f32
      %broadcast_in_dim3A_142 = vector.broadcast %broadcast_in_dim3A : f32 to vector<16xf32>
      %scan3A_143 = arith.constant 0 : i32
      %scan3A_144 = arith.constant 16 : i32
      %scan3A_145 = arith.addi %scan3A_143, %scan3A_144 : i32
      %scan3A_146 = arith.constant 1 : i32
      %scan3A_147 = scf.for %scan3A_170 = %scan3A_143 to %scan3A_145 step %scan3A_146 iter_args(%scan3A_171 = %broadcast_in_dim3A_142) -> (vector<16xf32>)  : i32 {
        %mul3A_172 = arith.constant 16 : i32
        %mul3A_173 = arith.muli %scan3A_140, %mul3A_172 : i32
        %get3A = arith.index_cast %scan3A_170 : i32 to index
        %get3A_174 = arith.index_cast %mul3A_173 : i32 to index
        %get3A_175 = tpu.vector_load %arg14[%get3A, %get3A_174] {strides = array<i32>} : memref<16x128xf32, #tpu.memory_space<vmem>>, vector<16xf32>,
        %max3A = arith.maximumf %scan3A_171, %get3A_175 : vector<16xf32>
        scf.yield %max3A : vector<16xf32>
      }
      %scan3A_148 = arith.constant 16 : i32
      %broadcast_in_dim3A_149 = arith.constant 0.000000e+00 : f32
      %broadcast_in_dim3A_150 = vector.broadcast %broadcast_in_dim3A_149 : f32 to vector<16xf32>
      %scan3A_151 = arith.constant 0 : i32
      %scan3A_152 = arith.constant 16 : i32
      %scan3A_153 = arith.addi %scan3A_151, %scan3A_152 : i32
      %scan3A_154 = arith.constant 1 : i32
      %scan3A_155 = scf.for %scan3A_170 = %scan3A_151 to %scan3A_153 step %scan3A_154 iter_args(%scan3A_171 = %broadcast_in_dim3A_150) -> (vector<16xf32>)  : i32 {
        %mul3A_172 = arith.constant 16 : i32
        %mul3A_173 = arith.muli %scan3A_140, %mul3A_172 : i32
        %get3A = arith.index_cast %scan3A_170 : i32 to index
        %get3A_174 = arith.index_cast %mul3A_173 : i32 to index
        %get3A_175 = tpu.vector_load %arg14[%get3A, %get3A_174] {strides = array<i32>} : memref<16x128xf32, #tpu.memory_space<vmem>>, vector<16xf32>,
        %mul3A_176 = arith.constant 16 : i32
        %mul3A_177 = arith.muli %scan3A_140, %mul3A_176 : i32
        %get3A_178 = arith.index_cast %scan3A_170 : i32 to index
        %get3A_179 = arith.index_cast %mul3A_177 : i32 to index
        %get3A_180 = tpu.vector_load %arg15[%get3A_178, %get3A_179] {strides = array<i32>} : memref<16x128xf32, #tpu.memory_space<vmem>>, vector<16xf32>,
        %sub3A = arith.subf %get3A_175, %scan3A_147 : vector<16xf32>
        %exp3A = math.exp %sub3A : vector<16xf32>
        %mul3A_181 = arith.mulf %get3A_180, %exp3A : vector<16xf32>
        %add3A_182 = arith.addf %scan3A_171, %mul3A_181 : vector<16xf32>
        scf.yield %add3A_182 : vector<16xf32>
      }
      %scan3A_156 = arith.constant 16 : i32
      %mul3A_157 = arith.constant 16 : i32
      %mul3A_158 = arith.muli %scan3A_140, %mul3A_157 : i32
      %add3A_159 = arith.constant 640 : i32
      %add3A_160 = arith.addi %add3A_159, %mul3A_158 : i32
      %swap3A = arith.index_cast %add3A_160 : i32 to index
      %swap3A_161 = tpu.vector_load %arg12[%swap3A] {strides = array<i32>} : memref<1024xf32, #tpu.memory_space<vmem>>, vector<16xf32>,
      tpu.vector_store %arg12[%swap3A], %scan3A_147 {strides = array<i32>} : memref<1024xf32, #tpu.memory_space<vmem>>, vector<16xf32>,
      %add3A_162 = arith.constant 9.99999971E-10 : f32
      %add3A_163 = vector.broadcast %add3A_162 : f32 to vector<16xf32>
      %add3A_164 = arith.addf %scan3A_155, %add3A_163 : vector<16xf32>
      %div3A = arith.constant 1.000000e+00 : f32
      %div3A_165 = vector.broadcast %div3A : f32 to vector<16xf32>
      %div3A_166 = arith.divf %div3A_165, %add3A_164 : vector<16xf32>
      %swap3A_167 = arith.index_cast %add3A_160 : i32 to index
      %swap3A_168 = tpu.vector_load %arg13[%swap3A_167] {strides = array<i32>} : memref<1024xf32, #tpu.memory_space<vmem>>, vector<16xf32>,
      tpu.vector_store %arg13[%swap3A_167], %div3A_166 {strides = array<i32>} : memref<1024xf32, #tpu.memory_space<vmem>>, vector<16xf32>,
      %scan3A_169 = arith.constant 0 : i32
      scf.yield %scan3A_169 : i32
    }
    %scan3A_73 = arith.constant 8 : i32
    "tpu.region"() ({
      %run_scoped3A_140 = tpu.sem_alloc : memref<!tpu.dma_semaphore, #tpu.memory_space<semaphore_mem>>
      %dma_start3A_141 = arith.constant 0 : i32
      %dma_start3A_142 = arith.constant 768 : i32
      %dma_start3A_143 = tpu.memref_slice %arg22[%dma_start3A_141, %dma_start3A_142] : memref<16x1024xf32, #tpu.memory_space<vmem_shared>> -> memref<16x128xf32, #tpu.memory_space<vmem_shared>>
      %dma_start3A_144 = arith.constant 0 : i32
      %dma_start3A_145 = arith.constant 768 : i32
      %dma_start3A_146 = tpu.memref_slice %arg22[%dma_start3A_144, %dma_start3A_145] : memref<16x1024xf32, #tpu.memory_space<vmem_shared>> -> memref<16x128xf32, #tpu.memory_space<vmem_shared>>
      tpu.enqueue_dma source(%dma_start3A_146 : memref<16x128xf32, #tpu.memory_space<vmem_shared>>) target(%arg14 : memref<16x128xf32, #tpu.memory_space<vmem>>) target_semaphore(%run_scoped3A_140 : memref<!tpu.dma_semaphore, #tpu.memory_space<semaphore_mem>>)
      %dma_wait3A = arith.constant 0 : i32
      %dma_wait3A_147 = arith.constant 768 : i32
      %dma_wait3A_148 = tpu.memref_slice %arg22[%dma_wait3A, %dma_wait3A_147] : memref<16x1024xf32, #tpu.memory_space<vmem_shared>> -> memref<16x128xf32, #tpu.memory_space<vmem_shared>>
      %dma_wait3A_149 = arith.constant 0 : i32
      %dma_wait3A_150 = arith.constant 768 : i32
      %dma_wait3A_151 = tpu.memref_slice %arg22[%dma_wait3A_149, %dma_wait3A_150] : memref<16x1024xf32, #tpu.memory_space<vmem_shared>> -> memref<16x128xf32, #tpu.memory_space<vmem_shared>>
      tpu.wait_dma2 semaphore(%run_scoped3A_140 : memref<!tpu.dma_semaphore, #tpu.memory_space<semaphore_mem>>) src(%dma_wait3A_151 : memref<16x128xf32, #tpu.memory_space<vmem_shared>>) dst(%arg14 : memref<16x128xf32, #tpu.memory_space<vmem>>)
      tpu.yield
    }) : () -> ()
    "tpu.region"() ({
      %run_scoped3A_140 = tpu.sem_alloc : memref<!tpu.dma_semaphore, #tpu.memory_space<semaphore_mem>>
      %dma_start3A_141 = arith.constant 0 : i32
      %dma_start3A_142 = arith.constant 768 : i32
      %dma_start3A_143 = tpu.memref_slice %arg23[%dma_start3A_141, %dma_start3A_142] : memref<16x1024xf32, #tpu.memory_space<vmem_shared>> -> memref<16x128xf32, #tpu.memory_space<vmem_shared>>
      %dma_start3A_144 = arith.constant 0 : i32
      %dma_start3A_145 = arith.constant 768 : i32
      %dma_start3A_146 = tpu.memref_slice %arg23[%dma_start3A_144, %dma_start3A_145] : memref<16x1024xf32, #tpu.memory_space<vmem_shared>> -> memref<16x128xf32, #tpu.memory_space<vmem_shared>>
      tpu.enqueue_dma source(%dma_start3A_146 : memref<16x128xf32, #tpu.memory_space<vmem_shared>>) target(%arg15 : memref<16x128xf32, #tpu.memory_space<vmem>>) target_semaphore(%run_scoped3A_140 : memref<!tpu.dma_semaphore, #tpu.memory_space<semaphore_mem>>)
      %dma_wait3A = arith.constant 0 : i32
      %dma_wait3A_147 = arith.constant 768 : i32
      %dma_wait3A_148 = tpu.memref_slice %arg23[%dma_wait3A, %dma_wait3A_147] : memref<16x1024xf32, #tpu.memory_space<vmem_shared>> -> memref<16x128xf32, #tpu.memory_space<vmem_shared>>
      %dma_wait3A_149 = arith.constant 0 : i32
      %dma_wait3A_150 = arith.constant 768 : i32
      %dma_wait3A_151 = tpu.memref_slice %arg23[%dma_wait3A_149, %dma_wait3A_150] : memref<16x1024xf32, #tpu.memory_space<vmem_shared>> -> memref<16x128xf32, #tpu.memory_space<vmem_shared>>
      tpu.wait_dma2 semaphore(%run_scoped3A_140 : memref<!tpu.dma_semaphore, #tpu.memory_space<semaphore_mem>>) src(%dma_wait3A_151 : memref<16x128xf32, #tpu.memory_space<vmem_shared>>) dst(%arg15 : memref<16x128xf32, #tpu.memory_space<vmem>>)
      tpu.yield
    }) : () -> ()
    %scan3A_74 = arith.constant 0 : i32
    %scan3A_75 = arith.constant 0 : i32
    %scan3A_76 = arith.constant 8 : i32
    %scan3A_77 = arith.addi %scan3A_75, %scan3A_76 : i32
    %scan3A_78 = arith.constant 1 : i32
    %scan3A_79 = scf.for %scan3A_140 = %scan3A_75 to %scan3A_77 step %scan3A_78 iter_args(%scan3A_141 = %scan3A_74) -> (i32)  : i32 {
      %broadcast_in_dim3A = arith.constant 0.000000e+00 : f32
      %broadcast_in_dim3A_142 = vector.broadcast %broadcast_in_dim3A : f32 to vector<16xf32>
      %scan3A_143 = arith.constant 0 : i32
      %scan3A_144 = arith.constant 16 : i32
      %scan3A_145 = arith.addi %scan3A_143, %scan3A_144 : i32
      %scan3A_146 = arith.constant 1 : i32
      %scan3A_147 = scf.for %scan3A_170 = %scan3A_143 to %scan3A_145 step %scan3A_146 iter_args(%scan3A_171 = %broadcast_in_dim3A_142) -> (vector<16xf32>)  : i32 {
        %mul3A_172 = arith.constant 16 : i32
        %mul3A_173 = arith.muli %scan3A_140, %mul3A_172 : i32
        %get3A = arith.index_cast %scan3A_170 : i32 to index
        %get3A_174 = arith.index_cast %mul3A_173 : i32 to index
        %get3A_175 = tpu.vector_load %arg14[%get3A, %get3A_174] {strides = array<i32>} : memref<16x128xf32, #tpu.memory_space<vmem>>, vector<16xf32>,
        %max3A = arith.maximumf %scan3A_171, %get3A_175 : vector<16xf32>
        scf.yield %max3A : vector<16xf32>
      }
      %scan3A_148 = arith.constant 16 : i32
      %broadcast_in_dim3A_149 = arith.constant 0.000000e+00 : f32
      %broadcast_in_dim3A_150 = vector.broadcast %broadcast_in_dim3A_149 : f32 to vector<16xf32>
      %scan3A_151 = arith.constant 0 : i32
      %scan3A_152 = arith.constant 16 : i32
      %scan3A_153 = arith.addi %scan3A_151, %scan3A_152 : i32
      %scan3A_154 = arith.constant 1 : i32
      %scan3A_155 = scf.for %scan3A_170 = %scan3A_151 to %scan3A_153 step %scan3A_154 iter_args(%scan3A_171 = %broadcast_in_dim3A_150) -> (vector<16xf32>)  : i32 {
        %mul3A_172 = arith.constant 16 : i32
        %mul3A_173 = arith.muli %scan3A_140, %mul3A_172 : i32
        %get3A = arith.index_cast %scan3A_170 : i32 to index
        %get3A_174 = arith.index_cast %mul3A_173 : i32 to index
        %get3A_175 = tpu.vector_load %arg14[%get3A, %get3A_174] {strides = array<i32>} : memref<16x128xf32, #tpu.memory_space<vmem>>, vector<16xf32>,
        %mul3A_176 = arith.constant 16 : i32
        %mul3A_177 = arith.muli %scan3A_140, %mul3A_176 : i32
        %get3A_178 = arith.index_cast %scan3A_170 : i32 to index
        %get3A_179 = arith.index_cast %mul3A_177 : i32 to index
        %get3A_180 = tpu.vector_load %arg15[%get3A_178, %get3A_179] {strides = array<i32>} : memref<16x128xf32, #tpu.memory_space<vmem>>, vector<16xf32>,
        %sub3A = arith.subf %get3A_175, %scan3A_147 : vector<16xf32>
        %exp3A = math.exp %sub3A : vector<16xf32>
        %mul3A_181 = arith.mulf %get3A_180, %exp3A : vector<16xf32>
        %add3A_182 = arith.addf %scan3A_171, %mul3A_181 : vector<16xf32>
        scf.yield %add3A_182 : vector<16xf32>
      }
      %scan3A_156 = arith.constant 16 : i32
      %mul3A_157 = arith.constant 16 : i32
      %mul3A_158 = arith.muli %scan3A_140, %mul3A_157 : i32
      %add3A_159 = arith.constant 768 : i32
      %add3A_160 = arith.addi %add3A_159, %mul3A_158 : i32
      %swap3A = arith.index_cast %add3A_160 : i32 to index
      %swap3A_161 = tpu.vector_load %arg12[%swap3A] {strides = array<i32>} : memref<1024xf32, #tpu.memory_space<vmem>>, vector<16xf32>,
      tpu.vector_store %arg12[%swap3A], %scan3A_147 {strides = array<i32>} : memref<1024xf32, #tpu.memory_space<vmem>>, vector<16xf32>,
      %add3A_162 = arith.constant 9.99999971E-10 : f32
      %add3A_163 = vector.broadcast %add3A_162 : f32 to vector<16xf32>
      %add3A_164 = arith.addf %scan3A_155, %add3A_163 : vector<16xf32>
      %div3A = arith.constant 1.000000e+00 : f32
      %div3A_165 = vector.broadcast %div3A : f32 to vector<16xf32>
      %div3A_166 = arith.divf %div3A_165, %add3A_164 : vector<16xf32>
      %swap3A_167 = arith.index_cast %add3A_160 : i32 to index
      %swap3A_168 = tpu.vector_load %arg13[%swap3A_167] {strides = array<i32>} : memref<1024xf32, #tpu.memory_space<vmem>>, vector<16xf32>,
      tpu.vector_store %arg13[%swap3A_167], %div3A_166 {strides = array<i32>} : memref<1024xf32, #tpu.memory_space<vmem>>, vector<16xf32>,
      %scan3A_169 = arith.constant 0 : i32
      scf.yield %scan3A_169 : i32
    }
    %scan3A_80 = arith.constant 8 : i32
    "tpu.region"() ({
      %run_scoped3A_140 = tpu.sem_alloc : memref<!tpu.dma_semaphore, #tpu.memory_space<semaphore_mem>>
      %dma_start3A_141 = arith.constant 0 : i32
      %dma_start3A_142 = arith.constant 896 : i32
      %dma_start3A_143 = tpu.memref_slice %arg22[%dma_start3A_141, %dma_start3A_142] : memref<16x1024xf32, #tpu.memory_space<vmem_shared>> -> memref<16x128xf32, #tpu.memory_space<vmem_shared>>
      %dma_start3A_144 = arith.constant 0 : i32
      %dma_start3A_145 = arith.constant 896 : i32
      %dma_start3A_146 = tpu.memref_slice %arg22[%dma_start3A_144, %dma_start3A_145] : memref<16x1024xf32, #tpu.memory_space<vmem_shared>> -> memref<16x128xf32, #tpu.memory_space<vmem_shared>>
      tpu.enqueue_dma source(%dma_start3A_146 : memref<16x128xf32, #tpu.memory_space<vmem_shared>>) target(%arg14 : memref<16x128xf32, #tpu.memory_space<vmem>>) target_semaphore(%run_scoped3A_140 : memref<!tpu.dma_semaphore, #tpu.memory_space<semaphore_mem>>)
      %dma_wait3A = arith.constant 0 : i32
      %dma_wait3A_147 = arith.constant 896 : i32
      %dma_wait3A_148 = tpu.memref_slice %arg22[%dma_wait3A, %dma_wait3A_147] : memref<16x1024xf32, #tpu.memory_space<vmem_shared>> -> memref<16x128xf32, #tpu.memory_space<vmem_shared>>
      %dma_wait3A_149 = arith.constant 0 : i32
      %dma_wait3A_150 = arith.constant 896 : i32
      %dma_wait3A_151 = tpu.memref_slice %arg22[%dma_wait3A_149, %dma_wait3A_150] : memref<16x1024xf32, #tpu.memory_space<vmem_shared>> -> memref<16x128xf32, #tpu.memory_space<vmem_shared>>
      tpu.wait_dma2 semaphore(%run_scoped3A_140 : memref<!tpu.dma_semaphore, #tpu.memory_space<semaphore_mem>>) src(%dma_wait3A_151 : memref<16x128xf32, #tpu.memory_space<vmem_shared>>) dst(%arg14 : memref<16x128xf32, #tpu.memory_space<vmem>>)
      tpu.yield
    }) : () -> ()
    "tpu.region"() ({
      %run_scoped3A_140 = tpu.sem_alloc : memref<!tpu.dma_semaphore, #tpu.memory_space<semaphore_mem>>
      %dma_start3A_141 = arith.constant 0 : i32
      %dma_start3A_142 = arith.constant 896 : i32
      %dma_start3A_143 = tpu.memref_slice %arg23[%dma_start3A_141, %dma_start3A_142] : memref<16x1024xf32, #tpu.memory_space<vmem_shared>> -> memref<16x128xf32, #tpu.memory_space<vmem_shared>>
      %dma_start3A_144 = arith.constant 0 : i32
      %dma_start3A_145 = arith.constant 896 : i32
      %dma_start3A_146 = tpu.memref_slice %arg23[%dma_start3A_144, %dma_start3A_145] : memref<16x1024xf32, #tpu.memory_space<vmem_shared>> -> memref<16x128xf32, #tpu.memory_space<vmem_shared>>
      tpu.enqueue_dma source(%dma_start3A_146 : memref<16x128xf32, #tpu.memory_space<vmem_shared>>) target(%arg15 : memref<16x128xf32, #tpu.memory_space<vmem>>) target_semaphore(%run_scoped3A_140 : memref<!tpu.dma_semaphore, #tpu.memory_space<semaphore_mem>>)
      %dma_wait3A = arith.constant 0 : i32
      %dma_wait3A_147 = arith.constant 896 : i32
      %dma_wait3A_148 = tpu.memref_slice %arg23[%dma_wait3A, %dma_wait3A_147] : memref<16x1024xf32, #tpu.memory_space<vmem_shared>> -> memref<16x128xf32, #tpu.memory_space<vmem_shared>>
      %dma_wait3A_149 = arith.constant 0 : i32
      %dma_wait3A_150 = arith.constant 896 : i32
      %dma_wait3A_151 = tpu.memref_slice %arg23[%dma_wait3A_149, %dma_wait3A_150] : memref<16x1024xf32, #tpu.memory_space<vmem_shared>> -> memref<16x128xf32, #tpu.memory_space<vmem_shared>>
      tpu.wait_dma2 semaphore(%run_scoped3A_140 : memref<!tpu.dma_semaphore, #tpu.memory_space<semaphore_mem>>) src(%dma_wait3A_151 : memref<16x128xf32, #tpu.memory_space<vmem_shared>>) dst(%arg15 : memref<16x128xf32, #tpu.memory_space<vmem>>)
      tpu.yield
    }) : () -> ()
    %scan3A_81 = arith.constant 0 : i32
    %scan3A_82 = arith.constant 0 : i32
    %scan3A_83 = arith.constant 8 : i32
    %scan3A_84 = arith.addi %scan3A_82, %scan3A_83 : i32
    %scan3A_85 = arith.constant 1 : i32
    %scan3A_86 = scf.for %scan3A_140 = %scan3A_82 to %scan3A_84 step %scan3A_85 iter_args(%scan3A_141 = %scan3A_81) -> (i32)  : i32 {
      %broadcast_in_dim3A = arith.constant 0.000000e+00 : f32
      %broadcast_in_dim3A_142 = vector.broadcast %broadcast_in_dim3A : f32 to vector<16xf32>
      %scan3A_143 = arith.constant 0 : i32
      %scan3A_144 = arith.constant 16 : i32
      %scan3A_145 = arith.addi %scan3A_143, %scan3A_144 : i32
      %scan3A_146 = arith.constant 1 : i32
      %scan3A_147 = scf.for %scan3A_170 = %scan3A_143 to %scan3A_145 step %scan3A_146 iter_args(%scan3A_171 = %broadcast_in_dim3A_142) -> (vector<16xf32>)  : i32 {
        %mul3A_172 = arith.constant 16 : i32
        %mul3A_173 = arith.muli %scan3A_140, %mul3A_172 : i32
        %get3A = arith.index_cast %scan3A_170 : i32 to index
        %get3A_174 = arith.index_cast %mul3A_173 : i32 to index
        %get3A_175 = tpu.vector_load %arg14[%get3A, %get3A_174] {strides = array<i32>} : memref<16x128xf32, #tpu.memory_space<vmem>>, vector<16xf32>,
        %max3A = arith.maximumf %scan3A_171, %get3A_175 : vector<16xf32>
        scf.yield %max3A : vector<16xf32>
      }
      %scan3A_148 = arith.constant 16 : i32
      %broadcast_in_dim3A_149 = arith.constant 0.000000e+00 : f32
      %broadcast_in_dim3A_150 = vector.broadcast %broadcast_in_dim3A_149 : f32 to vector<16xf32>
      %scan3A_151 = arith.constant 0 : i32
      %scan3A_152 = arith.constant 16 : i32
      %scan3A_153 = arith.addi %scan3A_151, %scan3A_152 : i32
      %scan3A_154 = arith.constant 1 : i32
      %scan3A_155 = scf.for %scan3A_170 = %scan3A_151 to %scan3A_153 step %scan3A_154 iter_args(%scan3A_171 = %broadcast_in_dim3A_150) -> (vector<16xf32>)  : i32 {
        %mul3A_172 = arith.constant 16 : i32
        %mul3A_173 = arith.muli %scan3A_140, %mul3A_172 : i32
        %get3A = arith.index_cast %scan3A_170 : i32 to index
        %get3A_174 = arith.index_cast %mul3A_173 : i32 to index
        %get3A_175 = tpu.vector_load %arg14[%get3A, %get3A_174] {strides = array<i32>} : memref<16x128xf32, #tpu.memory_space<vmem>>, vector<16xf32>,
        %mul3A_176 = arith.constant 16 : i32
        %mul3A_177 = arith.muli %scan3A_140, %mul3A_176 : i32
        %get3A_178 = arith.index_cast %scan3A_170 : i32 to index
        %get3A_179 = arith.index_cast %mul3A_177 : i32 to index
        %get3A_180 = tpu.vector_load %arg15[%get3A_178, %get3A_179] {strides = array<i32>} : memref<16x128xf32, #tpu.memory_space<vmem>>, vector<16xf32>,
        %sub3A = arith.subf %get3A_175, %scan3A_147 : vector<16xf32>
        %exp3A = math.exp %sub3A : vector<16xf32>
        %mul3A_181 = arith.mulf %get3A_180, %exp3A : vector<16xf32>
        %add3A_182 = arith.addf %scan3A_171, %mul3A_181 : vector<16xf32>
        scf.yield %add3A_182 : vector<16xf32>
      }
      %scan3A_156 = arith.constant 16 : i32
      %mul3A_157 = arith.constant 16 : i32
      %mul3A_158 = arith.muli %scan3A_140, %mul3A_157 : i32
      %add3A_159 = arith.constant 896 : i32
      %add3A_160 = arith.addi %add3A_159, %mul3A_158 : i32
      %swap3A = arith.index_cast %add3A_160 : i32 to index
      %swap3A_161 = tpu.vector_load %arg12[%swap3A] {strides = array<i32>} : memref<1024xf32, #tpu.memory_space<vmem>>, vector<16xf32>,
      tpu.vector_store %arg12[%swap3A], %scan3A_147 {strides = array<i32>} : memref<1024xf32, #tpu.memory_space<vmem>>, vector<16xf32>,
      %add3A_162 = arith.constant 9.99999971E-10 : f32
      %add3A_163 = vector.broadcast %add3A_162 : f32 to vector<16xf32>
      %add3A_164 = arith.addf %scan3A_155, %add3A_163 : vector<16xf32>
      %div3A = arith.constant 1.000000e+00 : f32
      %div3A_165 = vector.broadcast %div3A : f32 to vector<16xf32>
      %div3A_166 = arith.divf %div3A_165, %add3A_164 : vector<16xf32>
      %swap3A_167 = arith.index_cast %add3A_160 : i32 to index
      %swap3A_168 = tpu.vector_load %arg13[%swap3A_167] {strides = array<i32>} : memref<1024xf32, #tpu.memory_space<vmem>>, vector<16xf32>,
      tpu.vector_store %arg13[%swap3A_167], %div3A_166 {strides = array<i32>} : memref<1024xf32, #tpu.memory_space<vmem>>, vector<16xf32>,
      %scan3A_169 = arith.constant 0 : i32
      scf.yield %scan3A_169 : i32
    }
    %scan3A_87 = arith.constant 8 : i32
    %lt3A = arith.constant 4 : i32
    %lt3A_88 = arith.cmpi slt, %add3A, %lt3A : i32
    %jit3A = arith.constant 1 : i32
    %jit3A_89 = arith.constant 0 : i32
    %select_n3A = arith.select %lt3A_88, %jit3A, %jit3A_89 : i32
    %add3A_90 = arith.constant 78 : i32
    %add3A_91 = arith.addi %add3A_90, %select_n3A : i32
    %mul3A_92 = arith.constant 128 : i32
    %mul3A_93 = arith.muli %add3A, %mul3A_92 : i32
    %dma_start3A = arith.constant 0 : i32
    %dma_start3A_94 = arith.constant 0 : i32
    %dma_start3A_95 = arith.constant 0 : i32
    %dma_start3A_96 = tpu.memref_slice %arg16[%dma_start3A, %dma_start3A_94, %dma_start3A_95] : memref<2x128x128xf32, #tpu.memory_space<vmem>> -> memref<1x128x128xf32, #tpu.memory_space<vmem>>
    %dma_start3A_97 = tpu.memref_squeeze %dma_start3A_96 : memref<1x128x128xf32, #tpu.memory_space<vmem>> -> memref<128x128xf32, #tpu.memory_space<vmem>>
    %dma_start3A_98 = arith.constant 0 : i32
    %dma_start3A_99 = tpu.memref_slice %arg2[%mul3A_93, %dma_start3A_98] : memref<320000x128xf32, #tpu.memory_space<hbm>> -> memref<128x128xf32, #tpu.memory_space<hbm>>
    %dma_start3A_100 = arith.constant 0 : i32
    %dma_start3A_101 = arith.constant 0 : i32
    %dma_start3A_102 = tpu.memref_slice %arg16[%dma_start3A, %dma_start3A_100, %dma_start3A_101] : memref<2x128x128xf32, #tpu.memory_space<vmem>> -> memref<1x128x128xf32, #tpu.memory_space<vmem>>
    %dma_start3A_103 = tpu.memref_squeeze %dma_start3A_102 : memref<1x128x128xf32, #tpu.memory_space<vmem>> -> memref<128x128xf32, #tpu.memory_space<vmem>>
    %dma_start3A_104 = arith.constant 0 : i32
    %dma_start3A_105 = tpu.memref_slice %arg2[%mul3A_93, %dma_start3A_104] : memref<320000x128xf32, #tpu.memory_space<hbm>> -> memref<128x128xf32, #tpu.memory_space<hbm>>
    tpu.enqueue_dma source(%dma_start3A_105 : memref<128x128xf32, #tpu.memory_space<hbm>>) target(%dma_start3A_103 : memref<128x128xf32, #tpu.memory_space<vmem>>) target_semaphore(%arg20 : memref<!tpu.dma_semaphore, #tpu.memory_space<semaphore_mem>>)
    %dma_start3A_106 = arith.constant 0 : i32
    %dma_start3A_107 = arith.constant 0 : i32
    %dma_start3A_108 = tpu.memref_slice %arg17[%dma_start3A_106, %dma_start3A_107] : memref<2x128xi32, #tpu.memory_space<vmem>> -> memref<1x128xi32, #tpu.memory_space<vmem>>
    %dma_start3A_109 = tpu.memref_squeeze %dma_start3A_108 : memref<1x128xi32, #tpu.memory_space<vmem>> -> memref<128xi32, #tpu.memory_space<vmem>>
    %dma_start3A_110 = tpu.memref_slice %arg3[%mul3A_93] : memref<320000xi32, #tpu.memory_space<hbm>> -> memref<128xi32, #tpu.memory_space<hbm>>
    %dma_start3A_111 = arith.constant 0 : i32
    %dma_start3A_112 = tpu.memref_slice %arg17[%dma_start3A_106, %dma_start3A_111] : memref<2x128xi32, #tpu.memory_space<vmem>> -> memref<1x128xi32, #tpu.memory_space<vmem>>
    %dma_start3A_113 = tpu.memref_squeeze %dma_start3A_112 : memref<1x128xi32, #tpu.memory_space<vmem>> -> memref<128xi32, #tpu.memory_space<vmem>>
    %dma_start3A_114 = tpu.memref_slice %arg3[%mul3A_93] : memref<320000xi32, #tpu.memory_space<hbm>> -> memref<128xi32, #tpu.memory_space<hbm>>
    tpu.enqueue_dma source(%dma_start3A_114 : memref<128xi32, #tpu.memory_space<hbm>>) target(%dma_start3A_113 : memref<128xi32, #tpu.memory_space<vmem>>) target_semaphore(%arg20 : memref<!tpu.dma_semaphore, #tpu.memory_space<semaphore_mem>>)
    %dma_start3A_115 = arith.constant 0 : i32
    %dma_start3A_116 = arith.constant 0 : i32
    %dma_start3A_117 = tpu.memref_slice %arg18[%dma_start3A_115, %dma_start3A_116] : memref<2x128xf32, #tpu.memory_space<vmem>> -> memref<1x128xf32, #tpu.memory_space<vmem>>
    %dma_start3A_118 = tpu.memref_squeeze %dma_start3A_117 : memref<1x128xf32, #tpu.memory_space<vmem>> -> memref<128xf32, #tpu.memory_space<vmem>>
    %dma_start3A_119 = tpu.memref_slice %arg4[%mul3A_93] : memref<320000xf32, #tpu.memory_space<hbm>> -> memref<128xf32, #tpu.memory_space<hbm>>
    %dma_start3A_120 = arith.constant 0 : i32
    %dma_start3A_121 = tpu.memref_slice %arg18[%dma_start3A_115, %dma_start3A_120] : memref<2x128xf32, #tpu.memory_space<vmem>> -> memref<1x128xf32, #tpu.memory_space<vmem>>
    %dma_start3A_122 = tpu.memref_squeeze %dma_start3A_121 : memref<1x128xf32, #tpu.memory_space<vmem>> -> memref<128xf32, #tpu.memory_space<vmem>>
    %dma_start3A_123 = tpu.memref_slice %arg4[%mul3A_93] : memref<320000xf32, #tpu.memory_space<hbm>> -> memref<128xf32, #tpu.memory_space<hbm>>
    tpu.enqueue_dma source(%dma_start3A_123 : memref<128xf32, #tpu.memory_space<hbm>>) target(%dma_start3A_122 : memref<128xf32, #tpu.memory_space<vmem>>) target_semaphore(%arg20 : memref<!tpu.dma_semaphore, #tpu.memory_space<semaphore_mem>>)
    %while3A = arith.constant 0 : i32
    %while3A_124 = arith.constant 0 : i32
    %while3A_125 = arith.subi %add3A_91, %while3A : i32
    %while3A_126 = arith.addi %while3A, %while3A_125 : i32
    %while3A_127 = arith.constant 1 : i32
    %while3A_128 = arith.divsi %while3A_125, %while3A_127 : i32
    %while3A_129 = arith.muli %while3A_128, %while3A_127 : i32
    %while3A_130 = arith.addi %while3A, %while3A_129 : i32
    %while3A_131 = arith.constant 1 : i32
    %while3A_132 = scf.for %while3A_140 = %while3A to %while3A_130 step %while3A_131 iter_args(%while3A_141 = %while3A_124) -> (i32)  : i32 {
      %rem3A = arith.constant 2 : i32
      %rem3A_142 = arith.remsi %while3A_140, %rem3A : i32
      %mul3A_143 = arith.constant 32 : i32
      %mul3A_144 = arith.muli %while3A_140, %mul3A_143 : i32
      %add3A_145 = arith.addi %add3A, %mul3A_144 : i32
      %add3A_146 = arith.constant 1 : i32
      %add3A_147 = arith.addi %while3A_140, %add3A_146 : i32
      %lt3A_148 = arith.cmpi slt, %add3A_147, %add3A_91 : i32
      %convert_element_type3A = arith.extui %lt3A_148 : i1 to i32
      %cond3A = arith.constant 0 : i32
      %cond3A_149 = arith.cmpi ne, %convert_element_type3A, %cond3A : i32
      scf.if %cond3A_149 {
        %add3A_286 = arith.constant 1 : i32
        %add3A_287 = arith.addi %while3A_140, %add3A_286 : i32
        %mul3A_288 = arith.constant 32 : i32
        %mul3A_289 = arith.muli %add3A_287, %mul3A_288 : i32
        %add3A_290 = arith.addi %add3A, %mul3A_289 : i32
        %sub3A_291 = arith.constant 1 : i32
        %sub3A_292 = arith.subi %sub3A_291, %rem3A_142 : i32
        %mul3A_293 = arith.constant 128 : i32
        %mul3A_294 = arith.muli %add3A_290, %mul3A_293 : i32
        %dma_start3A_295 = arith.constant 0 : i32
        %dma_start3A_296 = arith.constant 0 : i32
        %dma_start3A_297 = tpu.memref_slice %arg16[%sub3A_292, %dma_start3A_295, %dma_start3A_296] : memref<2x128x128xf32, #tpu.memory_space<vmem>> -> memref<1x128x128xf32, #tpu.memory_space<vmem>>
        %dma_start3A_298 = tpu.memref_squeeze %dma_start3A_297 : memref<1x128x128xf32, #tpu.memory_space<vmem>> -> memref<128x128xf32, #tpu.memory_space<vmem>>
        %dma_start3A_299 = arith.constant 0 : i32
        %dma_start3A_300 = tpu.memref_slice %arg2[%mul3A_294, %dma_start3A_299] : memref<320000x128xf32, #tpu.memory_space<hbm>> -> memref<128x128xf32, #tpu.memory_space<hbm>>
        %dma_start3A_301 = arith.constant 0 : i32
        %dma_start3A_302 = arith.constant 0 : i32
        %dma_start3A_303 = tpu.memref_slice %arg16[%sub3A_292, %dma_start3A_301, %dma_start3A_302] : memref<2x128x128xf32, #tpu.memory_space<vmem>> -> memref<1x128x128xf32, #tpu.memory_space<vmem>>
        %dma_start3A_304 = tpu.memref_squeeze %dma_start3A_303 : memref<1x128x128xf32, #tpu.memory_space<vmem>> -> memref<128x128xf32, #tpu.memory_space<vmem>>
        %dma_start3A_305 = arith.constant 0 : i32
        %dma_start3A_306 = tpu.memref_slice %arg2[%mul3A_294, %dma_start3A_305] : memref<320000x128xf32, #tpu.memory_space<hbm>> -> memref<128x128xf32, #tpu.memory_space<hbm>>
        tpu.enqueue_dma source(%dma_start3A_306 : memref<128x128xf32, #tpu.memory_space<hbm>>) target(%dma_start3A_304 : memref<128x128xf32, #tpu.memory_space<vmem>>) target_semaphore(%arg20 : memref<!tpu.dma_semaphore, #tpu.memory_space<semaphore_mem>>)
        %dma_start3A_307 = arith.constant 0 : i32
        %dma_start3A_308 = tpu.memref_slice %arg17[%sub3A_292, %dma_start3A_307] : memref<2x128xi32, #tpu.memory_space<vmem>> -> memref<1x128xi32, #tpu.memory_space<vmem>>
        %dma_start3A_309 = tpu.memref_squeeze %dma_start3A_308 : memref<1x128xi32, #tpu.memory_space<vmem>> -> memref<128xi32, #tpu.memory_space<vmem>>
        %dma_start3A_310 = tpu.memref_slice %arg3[%mul3A_294] : memref<320000xi32, #tpu.memory_space<hbm>> -> memref<128xi32, #tpu.memory_space<hbm>>
        %dma_start3A_311 = arith.constant 0 : i32
        %dma_start3A_312 = tpu.memref_slice %arg17[%sub3A_292, %dma_start3A_311] : memref<2x128xi32, #tpu.memory_space<vmem>> -> memref<1x128xi32, #tpu.memory_space<vmem>>
        %dma_start3A_313 = tpu.memref_squeeze %dma_start3A_312 : memref<1x128xi32, #tpu.memory_space<vmem>> -> memref<128xi32, #tpu.memory_space<vmem>>
        %dma_start3A_314 = tpu.memref_slice %arg3[%mul3A_294] : memref<320000xi32, #tpu.memory_space<hbm>> -> memref<128xi32, #tpu.memory_space<hbm>>
        tpu.enqueue_dma source(%dma_start3A_314 : memref<128xi32, #tpu.memory_space<hbm>>) target(%dma_start3A_313 : memref<128xi32, #tpu.memory_space<vmem>>) target_semaphore(%arg20 : memref<!tpu.dma_semaphore, #tpu.memory_space<semaphore_mem>>)
        %dma_start3A_315 = arith.constant 0 : i32
        %dma_start3A_316 = tpu.memref_slice %arg18[%sub3A_292, %dma_start3A_315] : memref<2x128xf32, #tpu.memory_space<vmem>> -> memref<1x128xf32, #tpu.memory_space<vmem>>
        %dma_start3A_317 = tpu.memref_squeeze %dma_start3A_316 : memref<1x128xf32, #tpu.memory_space<vmem>> -> memref<128xf32, #tpu.memory_space<vmem>>
        %dma_start3A_318 = tpu.memref_slice %arg4[%mul3A_294] : memref<320000xf32, #tpu.memory_space<hbm>> -> memref<128xf32, #tpu.memory_space<hbm>>
        %dma_start3A_319 = arith.constant 0 : i32
        %dma_start3A_320 = tpu.memref_slice %arg18[%sub3A_292, %dma_start3A_319] : memref<2x128xf32, #tpu.memory_space<vmem>> -> memref<1x128xf32, #tpu.memory_space<vmem>>
        %dma_start3A_321 = tpu.memref_squeeze %dma_start3A_320 : memref<1x128xf32, #tpu.memory_space<vmem>> -> memref<128xf32, #tpu.memory_space<vmem>>
        %dma_start3A_322 = tpu.memref_slice %arg4[%mul3A_294] : memref<320000xf32, #tpu.memory_space<hbm>> -> memref<128xf32, #tpu.memory_space<hbm>>
        tpu.enqueue_dma source(%dma_start3A_322 : memref<128xf32, #tpu.memory_space<hbm>>) target(%dma_start3A_321 : memref<128xf32, #tpu.memory_space<vmem>>) target_semaphore(%arg20 : memref<!tpu.dma_semaphore, #tpu.memory_space<semaphore_mem>>)
      } else {
      }
      %mul3A_150 = arith.constant 128 : i32
      %mul3A_151 = arith.muli %add3A_145, %mul3A_150 : i32
      %dma_wait3A = arith.constant 0 : i32
      %dma_wait3A_152 = arith.constant 0 : i32
      %dma_wait3A_153 = tpu.memref_slice %arg16[%rem3A_142, %dma_wait3A, %dma_wait3A_152] : memref<2x128x128xf32, #tpu.memory_space<vmem>> -> memref<1x128x128xf32, #tpu.memory_space<vmem>>
      %dma_wait3A_154 = tpu.memref_squeeze %dma_wait3A_153 : memref<1x128x128xf32, #tpu.memory_space<vmem>> -> memref<128x128xf32, #tpu.memory_space<vmem>>
      %dma_wait3A_155 = arith.constant 0 : i32
      %dma_wait3A_156 = tpu.memref_slice %arg2[%mul3A_151, %dma_wait3A_155] : memref<320000x128xf32, #tpu.memory_space<hbm>> -> memref<128x128xf32, #tpu.memory_space<hbm>>
      %dma_wait3A_157 = arith.constant 0 : i32
      %dma_wait3A_158 = arith.constant 0 : i32
      %dma_wait3A_159 = tpu.memref_slice %arg16[%rem3A_142, %dma_wait3A_157, %dma_wait3A_158] : memref<2x128x128xf32, #tpu.memory_space<vmem>> -> memref<1x128x128xf32, #tpu.memory_space<vmem>>
      %dma_wait3A_160 = tpu.memref_squeeze %dma_wait3A_159 : memref<1x128x128xf32, #tpu.memory_space<vmem>> -> memref<128x128xf32, #tpu.memory_space<vmem>>
      %dma_wait3A_161 = arith.constant 0 : i32
      %dma_wait3A_162 = tpu.memref_slice %arg2[%mul3A_151, %dma_wait3A_161] : memref<320000x128xf32, #tpu.memory_space<hbm>> -> memref<128x128xf32, #tpu.memory_space<hbm>>
      tpu.wait_dma2 semaphore(%arg20 : memref<!tpu.dma_semaphore, #tpu.memory_space<semaphore_mem>>) src(%dma_wait3A_162 : memref<128x128xf32, #tpu.memory_space<hbm>>) dst(%dma_wait3A_160 : memref<128x128xf32, #tpu.memory_space<vmem>>)
      %dma_wait3A_163 = arith.constant 0 : i32
      %dma_wait3A_164 = tpu.memref_slice %arg17[%rem3A_142, %dma_wait3A_163] : memref<2x128xi32, #tpu.memory_space<vmem>> -> memref<1x128xi32, #tpu.memory_space<vmem>>
      %dma_wait3A_165 = tpu.memref_squeeze %dma_wait3A_164 : memref<1x128xi32, #tpu.memory_space<vmem>> -> memref<128xi32, #tpu.memory_space<vmem>>
      %dma_wait3A_166 = tpu.memref_slice %arg3[%mul3A_151] : memref<320000xi32, #tpu.memory_space<hbm>> -> memref<128xi32, #tpu.memory_space<hbm>>
      %dma_wait3A_167 = arith.constant 0 : i32
      %dma_wait3A_168 = tpu.memref_slice %arg17[%rem3A_142, %dma_wait3A_167] : memref<2x128xi32, #tpu.memory_space<vmem>> -> memref<1x128xi32, #tpu.memory_space<vmem>>
      %dma_wait3A_169 = tpu.memref_squeeze %dma_wait3A_168 : memref<1x128xi32, #tpu.memory_space<vmem>> -> memref<128xi32, #tpu.memory_space<vmem>>
      %dma_wait3A_170 = tpu.memref_slice %arg3[%mul3A_151] : memref<320000xi32, #tpu.memory_space<hbm>> -> memref<128xi32, #tpu.memory_space<hbm>>
      tpu.wait_dma2 semaphore(%arg20 : memref<!tpu.dma_semaphore, #tpu.memory_space<semaphore_mem>>) src(%dma_wait3A_170 : memref<128xi32, #tpu.memory_space<hbm>>) dst(%dma_wait3A_169 : memref<128xi32, #tpu.memory_space<vmem>>)
      %dma_wait3A_171 = arith.constant 0 : i32
      %dma_wait3A_172 = tpu.memref_slice %arg18[%rem3A_142, %dma_wait3A_171] : memref<2x128xf32, #tpu.memory_space<vmem>> -> memref<1x128xf32, #tpu.memory_space<vmem>>
      %dma_wait3A_173 = tpu.memref_squeeze %dma_wait3A_172 : memref<1x128xf32, #tpu.memory_space<vmem>> -> memref<128xf32, #tpu.memory_space<vmem>>
      %dma_wait3A_174 = tpu.memref_slice %arg4[%mul3A_151] : memref<320000xf32, #tpu.memory_space<hbm>> -> memref<128xf32, #tpu.memory_space<hbm>>
      %dma_wait3A_175 = arith.constant 0 : i32
      %dma_wait3A_176 = tpu.memref_slice %arg18[%rem3A_142, %dma_wait3A_175] : memref<2x128xf32, #tpu.memory_space<vmem>> -> memref<1x128xf32, #tpu.memory_space<vmem>>
      %dma_wait3A_177 = tpu.memref_squeeze %dma_wait3A_176 : memref<1x128xf32, #tpu.memory_space<vmem>> -> memref<128xf32, #tpu.memory_space<vmem>>
      %dma_wait3A_178 = tpu.memref_slice %arg4[%mul3A_151] : memref<320000xf32, #tpu.memory_space<hbm>> -> memref<128xf32, #tpu.memory_space<hbm>>
      tpu.wait_dma2 semaphore(%arg20 : memref<!tpu.dma_semaphore, #tpu.memory_space<semaphore_mem>>) src(%dma_wait3A_178 : memref<128xf32, #tpu.memory_space<hbm>>) dst(%dma_wait3A_177 : memref<128xf32, #tpu.memory_space<vmem>>)
      %get3A = arith.index_cast %rem3A_142 : i32 to index
      %get3A_179 = arith.constant 0 : index
      %get3A_180 = tpu.vector_load %arg17[%get3A, %get3A_179] {strides = array<i32>} : memref<2x128xi32, #tpu.memory_space<vmem>>, vector<16xi32>,
      %get3A_181 = arith.index_cast %rem3A_142 : i32 to index
      %get3A_182 = arith.constant 0 : index
      %get3A_183 = tpu.vector_load %arg18[%get3A_181, %get3A_182] {strides = array<i32>} : memref<2x128xf32, #tpu.memory_space<vmem>>, vector<16xf32>,
      %gather3A = tpu.vector_load_idx %arg12[%get3A_180] : memref<1024xf32, #tpu.memory_space<vmem>>[vector<16xi32>], vector<16xf32>,
      %gather3A_184 = tpu.vector_load_idx %arg13[%get3A_180] : memref<1024xf32, #tpu.memory_space<vmem>>[vector<16xi32>], vector<16xf32>,
      %sub3A = arith.subf %get3A_183, %gather3A : vector<16xf32>
      %exp3A = math.exp %sub3A : vector<16xf32>
      %mul3A_185 = arith.mulf %exp3A, %gather3A_184 : vector<16xf32>
      %swap3A = arith.constant 0 : index
      %swap3A_186 = tpu.vector_load %arg19[%swap3A] {strides = array<i32>} : memref<128xf32, #tpu.memory_space<vmem>>, vector<16xf32>,
      tpu.vector_store %arg19[%swap3A], %mul3A_185 {strides = array<i32>} : memref<128xf32, #tpu.memory_space<vmem>>, vector<16xf32>,
      %get3A_187 = arith.index_cast %rem3A_142 : i32 to index
      %get3A_188 = arith.constant 16 : index
      %get3A_189 = tpu.vector_load %arg17[%get3A_187, %get3A_188] {strides = array<i32>} : memref<2x128xi32, #tpu.memory_space<vmem>>, vector<16xi32>,
      %get3A_190 = arith.index_cast %rem3A_142 : i32 to index
      %get3A_191 = arith.constant 16 : index
      %get3A_192 = tpu.vector_load %arg18[%get3A_190, %get3A_191] {strides = array<i32>} : memref<2x128xf32, #tpu.memory_space<vmem>>, vector<16xf32>,
      %gather3A_193 = tpu.vector_load_idx %arg12[%get3A_189] : memref<1024xf32, #tpu.memory_space<vmem>>[vector<16xi32>], vector<16xf32>,
      %gather3A_194 = tpu.vector_load_idx %arg13[%get3A_189] : memref<1024xf32, #tpu.memory_space<vmem>>[vector<16xi32>], vector<16xf32>,
      %sub3A_195 = arith.subf %get3A_192, %gather3A_193 : vector<16xf32>
      %exp3A_196 = math.exp %sub3A_195 : vector<16xf32>
      %mul3A_197 = arith.mulf %exp3A_196, %gather3A_194 : vector<16xf32>
      %swap3A_198 = arith.constant 16 : index
      %swap3A_199 = tpu.vector_load %arg19[%swap3A_198] {strides = array<i32>} : memref<128xf32, #tpu.memory_space<vmem>>, vector<16xf32>,
      tpu.vector_store %arg19[%swap3A_198], %mul3A_197 {strides = array<i32>} : memref<128xf32, #tpu.memory_space<vmem>>, vector<16xf32>,
      %get3A_200 = arith.index_cast %rem3A_142 : i32 to index
      %get3A_201 = arith.constant 32 : index
      %get3A_202 = tpu.vector_load %arg17[%get3A_200, %get3A_201] {strides = array<i32>} : memref<2x128xi32, #tpu.memory_space<vmem>>, vector<16xi32>,
      %get3A_203 = arith.index_cast %rem3A_142 : i32 to index
      %get3A_204 = arith.constant 32 : index
      %get3A_205 = tpu.vector_load %arg18[%get3A_203, %get3A_204] {strides = array<i32>} : memref<2x128xf32, #tpu.memory_space<vmem>>, vector<16xf32>,
      %gather3A_206 = tpu.vector_load_idx %arg12[%get3A_202] : memref<1024xf32, #tpu.memory_space<vmem>>[vector<16xi32>], vector<16xf32>,
      %gather3A_207 = tpu.vector_load_idx %arg13[%get3A_202] : memref<1024xf32, #tpu.memory_space<vmem>>[vector<16xi32>], vector<16xf32>,
      %sub3A_208 = arith.subf %get3A_205, %gather3A_206 : vector<16xf32>
      %exp3A_209 = math.exp %sub3A_208 : vector<16xf32>
      %mul3A_210 = arith.mulf %exp3A_209, %gather3A_207 : vector<16xf32>
      %swap3A_211 = arith.constant 32 : index
      %swap3A_212 = tpu.vector_load %arg19[%swap3A_211] {strides = array<i32>} : memref<128xf32, #tpu.memory_space<vmem>>, vector<16xf32>,
      tpu.vector_store %arg19[%swap3A_211], %mul3A_210 {strides = array<i32>} : memref<128xf32, #tpu.memory_space<vmem>>, vector<16xf32>,
      %get3A_213 = arith.index_cast %rem3A_142 : i32 to index
      %get3A_214 = arith.constant 48 : index
      %get3A_215 = tpu.vector_load %arg17[%get3A_213, %get3A_214] {strides = array<i32>} : memref<2x128xi32, #tpu.memory_space<vmem>>, vector<16xi32>,
      %get3A_216 = arith.index_cast %rem3A_142 : i32 to index
      %get3A_217 = arith.constant 48 : index
      %get3A_218 = tpu.vector_load %arg18[%get3A_216, %get3A_217] {strides = array<i32>} : memref<2x128xf32, #tpu.memory_space<vmem>>, vector<16xf32>,
      %gather3A_219 = tpu.vector_load_idx %arg12[%get3A_215] : memref<1024xf32, #tpu.memory_space<vmem>>[vector<16xi32>], vector<16xf32>,
      %gather3A_220 = tpu.vector_load_idx %arg13[%get3A_215] : memref<1024xf32, #tpu.memory_space<vmem>>[vector<16xi32>], vector<16xf32>,
      %sub3A_221 = arith.subf %get3A_218, %gather3A_219 : vector<16xf32>
      %exp3A_222 = math.exp %sub3A_221 : vector<16xf32>
      %mul3A_223 = arith.mulf %exp3A_222, %gather3A_220 : vector<16xf32>
      %swap3A_224 = arith.constant 48 : index
      %swap3A_225 = tpu.vector_load %arg19[%swap3A_224] {strides = array<i32>} : memref<128xf32, #tpu.memory_space<vmem>>, vector<16xf32>,
      tpu.vector_store %arg19[%swap3A_224], %mul3A_223 {strides = array<i32>} : memref<128xf32, #tpu.memory_space<vmem>>, vector<16xf32>,
      %get3A_226 = arith.index_cast %rem3A_142 : i32 to index
      %get3A_227 = arith.constant 64 : index
      %get3A_228 = tpu.vector_load %arg17[%get3A_226, %get3A_227] {strides = array<i32>} : memref<2x128xi32, #tpu.memory_space<vmem>>, vector<16xi32>,
      %get3A_229 = arith.index_cast %rem3A_142 : i32 to index
      %get3A_230 = arith.constant 64 : index
      %get3A_231 = tpu.vector_load %arg18[%get3A_229, %get3A_230] {strides = array<i32>} : memref<2x128xf32, #tpu.memory_space<vmem>>, vector<16xf32>,
      %gather3A_232 = tpu.vector_load_idx %arg12[%get3A_228] : memref<1024xf32, #tpu.memory_space<vmem>>[vector<16xi32>], vector<16xf32>,
      %gather3A_233 = tpu.vector_load_idx %arg13[%get3A_228] : memref<1024xf32, #tpu.memory_space<vmem>>[vector<16xi32>], vector<16xf32>,
      %sub3A_234 = arith.subf %get3A_231, %gather3A_232 : vector<16xf32>
      %exp3A_235 = math.exp %sub3A_234 : vector<16xf32>
      %mul3A_236 = arith.mulf %exp3A_235, %gather3A_233 : vector<16xf32>
      %swap3A_237 = arith.constant 64 : index
      %swap3A_238 = tpu.vector_load %arg19[%swap3A_237] {strides = array<i32>} : memref<128xf32, #tpu.memory_space<vmem>>, vector<16xf32>,
      tpu.vector_store %arg19[%swap3A_237], %mul3A_236 {strides = array<i32>} : memref<128xf32, #tpu.memory_space<vmem>>, vector<16xf32>,
      %get3A_239 = arith.index_cast %rem3A_142 : i32 to index
      %get3A_240 = arith.constant 80 : index
      %get3A_241 = tpu.vector_load %arg17[%get3A_239, %get3A_240] {strides = array<i32>} : memref<2x128xi32, #tpu.memory_space<vmem>>, vector<16xi32>,
      %get3A_242 = arith.index_cast %rem3A_142 : i32 to index
      %get3A_243 = arith.constant 80 : index
      %get3A_244 = tpu.vector_load %arg18[%get3A_242, %get3A_243] {strides = array<i32>} : memref<2x128xf32, #tpu.memory_space<vmem>>, vector<16xf32>,
      %gather3A_245 = tpu.vector_load_idx %arg12[%get3A_241] : memref<1024xf32, #tpu.memory_space<vmem>>[vector<16xi32>], vector<16xf32>,
      %gather3A_246 = tpu.vector_load_idx %arg13[%get3A_241] : memref<1024xf32, #tpu.memory_space<vmem>>[vector<16xi32>], vector<16xf32>,
      %sub3A_247 = arith.subf %get3A_244, %gather3A_245 : vector<16xf32>
      %exp3A_248 = math.exp %sub3A_247 : vector<16xf32>
      %mul3A_249 = arith.mulf %exp3A_248, %gather3A_246 : vector<16xf32>
      %swap3A_250 = arith.constant 80 : index
      %swap3A_251 = tpu.vector_load %arg19[%swap3A_250] {strides = array<i32>} : memref<128xf32, #tpu.memory_space<vmem>>, vector<16xf32>,
      tpu.vector_store %arg19[%swap3A_250], %mul3A_249 {strides = array<i32>} : memref<128xf32, #tpu.memory_space<vmem>>, vector<16xf32>,
      %get3A_252 = arith.index_cast %rem3A_142 : i32 to index
      %get3A_253 = arith.constant 96 : index
      %get3A_254 = tpu.vector_load %arg17[%get3A_252, %get3A_253] {strides = array<i32>} : memref<2x128xi32, #tpu.memory_space<vmem>>, vector<16xi32>,
      %get3A_255 = arith.index_cast %rem3A_142 : i32 to index
      %get3A_256 = arith.constant 96 : index
      %get3A_257 = tpu.vector_load %arg18[%get3A_255, %get3A_256] {strides = array<i32>} : memref<2x128xf32, #tpu.memory_space<vmem>>, vector<16xf32>,
      %gather3A_258 = tpu.vector_load_idx %arg12[%get3A_254] : memref<1024xf32, #tpu.memory_space<vmem>>[vector<16xi32>], vector<16xf32>,
      %gather3A_259 = tpu.vector_load_idx %arg13[%get3A_254] : memref<1024xf32, #tpu.memory_space<vmem>>[vector<16xi32>], vector<16xf32>,
      %sub3A_260 = arith.subf %get3A_257, %gather3A_258 : vector<16xf32>
      %exp3A_261 = math.exp %sub3A_260 : vector<16xf32>
      %mul3A_262 = arith.mulf %exp3A_261, %gather3A_259 : vector<16xf32>
      %swap3A_263 = arith.constant 96 : index
      %swap3A_264 = tpu.vector_load %arg19[%swap3A_263] {strides = array<i32>} : memref<128xf32, #tpu.memory_space<vmem>>, vector<16xf32>,
      tpu.vector_store %arg19[%swap3A_263], %mul3A_262 {strides = array<i32>} : memref<128xf32, #tpu.memory_space<vmem>>, vector<16xf32>,
      %get3A_265 = arith.index_cast %rem3A_142 : i32 to index
      %get3A_266 = arith.constant 112 : index
      %get3A_267 = tpu.vector_load %arg17[%get3A_265, %get3A_266] {strides = array<i32>} : memref<2x128xi32, #tpu.memory_space<vmem>>, vector<16xi32>,
      %get3A_268 = arith.index_cast %rem3A_142 : i32 to index
      %get3A_269 = arith.constant 112 : index
      %get3A_270 = tpu.vector_load %arg18[%get3A_268, %get3A_269] {strides = array<i32>} : memref<2x128xf32, #tpu.memory_space<vmem>>, vector<16xf32>,
      %gather3A_271 = tpu.vector_load_idx %arg12[%get3A_267] : memref<1024xf32, #tpu.memory_space<vmem>>[vector<16xi32>], vector<16xf32>,
      %gather3A_272 = tpu.vector_load_idx %arg13[%get3A_267] : memref<1024xf32, #tpu.memory_space<vmem>>[vector<16xi32>], vector<16xf32>,
      %sub3A_273 = arith.subf %get3A_270, %gather3A_271 : vector<16xf32>
      %exp3A_274 = math.exp %sub3A_273 : vector<16xf32>
      %mul3A_275 = arith.mulf %exp3A_274, %gather3A_272 : vector<16xf32>
      %swap3A_276 = arith.constant 112 : index
      %swap3A_277 = tpu.vector_load %arg19[%swap3A_276] {strides = array<i32>} : memref<128xf32, #tpu.memory_space<vmem>>, vector<16xf32>,
      tpu.vector_store %arg19[%swap3A_276], %mul3A_275 {strides = array<i32>} : memref<128xf32, #tpu.memory_space<vmem>>, vector<16xf32>,
      %scan3A_278 = arith.constant 0 : i32
      %scan3A_279 = arith.constant 0 : i32
      %scan3A_280 = arith.constant 16 : i32
      %scan3A_281 = arith.addi %scan3A_279, %scan3A_280 : i32
      %scan3A_282 = arith.constant 1 : i32
      %scan3A_283 = scf.for %scan3A_286 = %scan3A_279 to %scan3A_281 step %scan3A_282 iter_args(%scan3A_287 = %scan3A_278) -> (i32)  : i32 {
        %mul3A_288 = arith.constant 8 : i32
        %mul3A_289 = arith.muli %scan3A_286, %mul3A_288 : i32
        %broadcast_in_dim3A = arith.constant 0 : i32
        %broadcast_in_dim3A_290 = vector.broadcast %broadcast_in_dim3A : i32 to vector<16xi32>
        %add3A_291 = arith.constant 0 : i32
        %add3A_292 = arith.addi %mul3A_289, %add3A_291 : i32
        %add3A_293 = vector.broadcast %add3A_292 : i32 to vector<16xi32>
        %add3A_294 = arith.addi %broadcast_in_dim3A_290, %add3A_293 : vector<16xi32>
        %gather3A_295 = tpu.vector_load_idx %arg19[%add3A_294] : memref<128xf32, #tpu.memory_space<vmem>>[vector<16xi32>], vector<16xf32>,
        %add3A_296 = arith.constant 0 : i32
        %add3A_297 = arith.addi %mul3A_289, %add3A_296 : i32
        %get3A_298 = arith.index_cast %rem3A_142 : i32 to index
        %get3A_299 = arith.index_cast %add3A_297 : i32 to index
        %get3A_300 = arith.constant 0 : index
        %get3A_301 = tpu.vector_load %arg16[%get3A_298, %get3A_299, %get3A_300] {strides = array<i32>} : memref<2x128x128xf32, #tpu.memory_space<vmem>>, vector<16xf32>,
        %mul3A_302 = arith.mulf %get3A_301, %gather3A_295 : vector<16xf32>
        %add3A_303 = arith.constant 0 : i32
        %add3A_304 = arith.addi %mul3A_289, %add3A_303 : i32
        %swap3A_305 = arith.index_cast %rem3A_142 : i32 to index
        %swap3A_306 = arith.index_cast %add3A_304 : i32 to index
        %swap3A_307 = arith.constant 0 : index
        %swap3A_308 = tpu.vector_load %arg16[%swap3A_305, %swap3A_306, %swap3A_307] {strides = array<i32>} : memref<2x128x128xf32, #tpu.memory_space<vmem>>, vector<16xf32>,
        tpu.vector_store %arg16[%swap3A_305, %swap3A_306, %swap3A_307], %mul3A_302 {strides = array<i32>} : memref<2x128x128xf32, #tpu.memory_space<vmem>>, vector<16xf32>,
        %add3A_309 = arith.constant 0 : i32
        %add3A_310 = arith.addi %mul3A_289, %add3A_309 : i32
        %get3A_311 = arith.index_cast %rem3A_142 : i32 to index
        %get3A_312 = arith.index_cast %add3A_310 : i32 to index
        %get3A_313 = arith.constant 16 : index
        %get3A_314 = tpu.vector_load %arg16[%get3A_311, %get3A_312, %get3A_313] {strides = array<i32>} : memref<2x128x128xf32, #tpu.memory_space<vmem>>, vector<16xf32>,
        %mul3A_315 = arith.mulf %get3A_314, %gather3A_295 : vector<16xf32>
        %add3A_316 = arith.constant 0 : i32
        %add3A_317 = arith.addi %mul3A_289, %add3A_316 : i32
        %swap3A_318 = arith.index_cast %rem3A_142 : i32 to index
        %swap3A_319 = arith.index_cast %add3A_317 : i32 to index
        %swap3A_320 = arith.constant 16 : index
        %swap3A_321 = tpu.vector_load %arg16[%swap3A_318, %swap3A_319, %swap3A_320] {strides = array<i32>} : memref<2x128x128xf32, #tpu.memory_space<vmem>>, vector<16xf32>,
        tpu.vector_store %arg16[%swap3A_318, %swap3A_319, %swap3A_320], %mul3A_315 {strides = array<i32>} : memref<2x128x128xf32, #tpu.memory_space<vmem>>, vector<16xf32>,
        %add3A_322 = arith.constant 0 : i32
        %add3A_323 = arith.addi %mul3A_289, %add3A_322 : i32
        %get3A_324 = arith.index_cast %rem3A_142 : i32 to index
        %get3A_325 = arith.index_cast %add3A_323 : i32 to index
        %get3A_326 = arith.constant 32 : index
        %get3A_327 = tpu.vector_load %arg16[%get3A_324, %get3A_325, %get3A_326] {strides = array<i32>} : memref<2x128x128xf32, #tpu.memory_space<vmem>>, vector<16xf32>,
        %mul3A_328 = arith.mulf %get3A_327, %gather3A_295 : vector<16xf32>
        %add3A_329 = arith.constant 0 : i32
        %add3A_330 = arith.addi %mul3A_289, %add3A_329 : i32
        %swap3A_331 = arith.index_cast %rem3A_142 : i32 to index
        %swap3A_332 = arith.index_cast %add3A_330 : i32 to index
        %swap3A_333 = arith.constant 32 : index
        %swap3A_334 = tpu.vector_load %arg16[%swap3A_331, %swap3A_332, %swap3A_333] {strides = array<i32>} : memref<2x128x128xf32, #tpu.memory_space<vmem>>, vector<16xf32>,
        tpu.vector_store %arg16[%swap3A_331, %swap3A_332, %swap3A_333], %mul3A_328 {strides = array<i32>} : memref<2x128x128xf32, #tpu.memory_space<vmem>>, vector<16xf32>,
        %add3A_335 = arith.constant 0 : i32
        %add3A_336 = arith.addi %mul3A_289, %add3A_335 : i32
        %get3A_337 = arith.index_cast %rem3A_142 : i32 to index
        %get3A_338 = arith.index_cast %add3A_336 : i32 to index
        %get3A_339 = arith.constant 48 : index
        %get3A_340 = tpu.vector_load %arg16[%get3A_337, %get3A_338, %get3A_339] {strides = array<i32>} : memref<2x128x128xf32, #tpu.memory_space<vmem>>, vector<16xf32>,
        %mul3A_341 = arith.mulf %get3A_340, %gather3A_295 : vector<16xf32>
        %add3A_342 = arith.constant 0 : i32
        %add3A_343 = arith.addi %mul3A_289, %add3A_342 : i32
        %swap3A_344 = arith.index_cast %rem3A_142 : i32 to index
        %swap3A_345 = arith.index_cast %add3A_343 : i32 to index
        %swap3A_346 = arith.constant 48 : index
        %swap3A_347 = tpu.vector_load %arg16[%swap3A_344, %swap3A_345, %swap3A_346] {strides = array<i32>} : memref<2x128x128xf32, #tpu.memory_space<vmem>>, vector<16xf32>,
        tpu.vector_store %arg16[%swap3A_344, %swap3A_345, %swap3A_346], %mul3A_341 {strides = array<i32>} : memref<2x128x128xf32, #tpu.memory_space<vmem>>, vector<16xf32>,
        %add3A_348 = arith.constant 0 : i32
        %add3A_349 = arith.addi %mul3A_289, %add3A_348 : i32
        %get3A_350 = arith.index_cast %rem3A_142 : i32 to index
        %get3A_351 = arith.index_cast %add3A_349 : i32 to index
        %get3A_352 = arith.constant 64 : index
        %get3A_353 = tpu.vector_load %arg16[%get3A_350, %get3A_351, %get3A_352] {strides = array<i32>} : memref<2x128x128xf32, #tpu.memory_space<vmem>>, vector<16xf32>,
        %mul3A_354 = arith.mulf %get3A_353, %gather3A_295 : vector<16xf32>
        %add3A_355 = arith.constant 0 : i32
        %add3A_356 = arith.addi %mul3A_289, %add3A_355 : i32
        %swap3A_357 = arith.index_cast %rem3A_142 : i32 to index
        %swap3A_358 = arith.index_cast %add3A_356 : i32 to index
        %swap3A_359 = arith.constant 64 : index
        %swap3A_360 = tpu.vector_load %arg16[%swap3A_357, %swap3A_358, %swap3A_359] {strides = array<i32>} : memref<2x128x128xf32, #tpu.memory_space<vmem>>, vector<16xf32>,
        tpu.vector_store %arg16[%swap3A_357, %swap3A_358, %swap3A_359], %mul3A_354 {strides = array<i32>} : memref<2x128x128xf32, #tpu.memory_space<vmem>>, vector<16xf32>,
        %add3A_361 = arith.constant 0 : i32
        %add3A_362 = arith.addi %mul3A_289, %add3A_361 : i32
        %get3A_363 = arith.index_cast %rem3A_142 : i32 to index
        %get3A_364 = arith.index_cast %add3A_362 : i32 to index
        %get3A_365 = arith.constant 80 : index
        %get3A_366 = tpu.vector_load %arg16[%get3A_363, %get3A_364, %get3A_365] {strides = array<i32>} : memref<2x128x128xf32, #tpu.memory_space<vmem>>, vector<16xf32>,
        %mul3A_367 = arith.mulf %get3A_366, %gather3A_295 : vector<16xf32>
        %add3A_368 = arith.constant 0 : i32
        %add3A_369 = arith.addi %mul3A_289, %add3A_368 : i32
        %swap3A_370 = arith.index_cast %rem3A_142 : i32 to index
        %swap3A_371 = arith.index_cast %add3A_369 : i32 to index
        %swap3A_372 = arith.constant 80 : index
        %swap3A_373 = tpu.vector_load %arg16[%swap3A_370, %swap3A_371, %swap3A_372] {strides = array<i32>} : memref<2x128x128xf32, #tpu.memory_space<vmem>>, vector<16xf32>,
        tpu.vector_store %arg16[%swap3A_370, %swap3A_371, %swap3A_372], %mul3A_367 {strides = array<i32>} : memref<2x128x128xf32, #tpu.memory_space<vmem>>, vector<16xf32>,
        %add3A_374 = arith.constant 0 : i32
        %add3A_375 = arith.addi %mul3A_289, %add3A_374 : i32
        %get3A_376 = arith.index_cast %rem3A_142 : i32 to index
        %get3A_377 = arith.index_cast %add3A_375 : i32 to index
        %get3A_378 = arith.constant 96 : index
        %get3A_379 = tpu.vector_load %arg16[%get3A_376, %get3A_377, %get3A_378] {strides = array<i32>} : memref<2x128x128xf32, #tpu.memory_space<vmem>>, vector<16xf32>,
        %mul3A_380 = arith.mulf %get3A_379, %gather3A_295 : vector<16xf32>
        %add3A_381 = arith.constant 0 : i32
        %add3A_382 = arith.addi %mul3A_289, %add3A_381 : i32
        %swap3A_383 = arith.index_cast %rem3A_142 : i32 to index
        %swap3A_384 = arith.index_cast %add3A_382 : i32 to index
        %swap3A_385 = arith.constant 96 : index
        %swap3A_386 = tpu.vector_load %arg16[%swap3A_383, %swap3A_384, %swap3A_385] {strides = array<i32>} : memref<2x128x128xf32, #tpu.memory_space<vmem>>, vector<16xf32>,
        tpu.vector_store %arg16[%swap3A_383, %swap3A_384, %swap3A_385], %mul3A_380 {strides = array<i32>} : memref<2x128x128xf32, #tpu.memory_space<vmem>>, vector<16xf32>,
        %add3A_387 = arith.constant 0 : i32
        %add3A_388 = arith.addi %mul3A_289, %add3A_387 : i32
        %get3A_389 = arith.index_cast %rem3A_142 : i32 to index
        %get3A_390 = arith.index_cast %add3A_388 : i32 to index
        %get3A_391 = arith.constant 112 : index
        %get3A_392 = tpu.vector_load %arg16[%get3A_389, %get3A_390, %get3A_391] {strides = array<i32>} : memref<2x128x128xf32, #tpu.memory_space<vmem>>, vector<16xf32>,
        %mul3A_393 = arith.mulf %get3A_392, %gather3A_295 : vector<16xf32>
        %add3A_394 = arith.constant 0 : i32
        %add3A_395 = arith.addi %mul3A_289, %add3A_394 : i32
        %swap3A_396 = arith.index_cast %rem3A_142 : i32 to index
        %swap3A_397 = arith.index_cast %add3A_395 : i32 to index
        %swap3A_398 = arith.constant 112 : index
        %swap3A_399 = tpu.vector_load %arg16[%swap3A_396, %swap3A_397, %swap3A_398] {strides = array<i32>} : memref<2x128x128xf32, #tpu.memory_space<vmem>>, vector<16xf32>,
        tpu.vector_store %arg16[%swap3A_396, %swap3A_397, %swap3A_398], %mul3A_393 {strides = array<i32>} : memref<2x128x128xf32, #tpu.memory_space<vmem>>, vector<16xf32>,
        %broadcast_in_dim3A_400 = arith.constant 0 : i32
        %broadcast_in_dim3A_401 = vector.broadcast %broadcast_in_dim3A_400 : i32 to vector<16xi32>
        %add3A_402 = arith.constant 1 : i32
        %add3A_403 = arith.addi %mul3A_289, %add3A_402 : i32
        %add3A_404 = vector.broadcast %add3A_403 : i32 to vector<16xi32>
        %add3A_405 = arith.addi %broadcast_in_dim3A_401, %add3A_404 : vector<16xi32>
        %gather3A_406 = tpu.vector_load_idx %arg19[%add3A_405] : memref<128xf32, #tpu.memory_space<vmem>>[vector<16xi32>], vector<16xf32>,
        %add3A_407 = arith.constant 1 : i32
        %add3A_408 = arith.addi %mul3A_289, %add3A_407 : i32
        %get3A_409 = arith.index_cast %rem3A_142 : i32 to index
        %get3A_410 = arith.index_cast %add3A_408 : i32 to index
        %get3A_411 = arith.constant 0 : index
        %get3A_412 = tpu.vector_load %arg16[%get3A_409, %get3A_410, %get3A_411] {strides = array<i32>} : memref<2x128x128xf32, #tpu.memory_space<vmem>>, vector<16xf32>,
        %mul3A_413 = arith.mulf %get3A_412, %gather3A_406 : vector<16xf32>
        %add3A_414 = arith.constant 1 : i32
        %add3A_415 = arith.addi %mul3A_289, %add3A_414 : i32
        %swap3A_416 = arith.index_cast %rem3A_142 : i32 to index
        %swap3A_417 = arith.index_cast %add3A_415 : i32 to index
        %swap3A_418 = arith.constant 0 : index
        %swap3A_419 = tpu.vector_load %arg16[%swap3A_416, %swap3A_417, %swap3A_418] {strides = array<i32>} : memref<2x128x128xf32, #tpu.memory_space<vmem>>, vector<16xf32>,
        tpu.vector_store %arg16[%swap3A_416, %swap3A_417, %swap3A_418], %mul3A_413 {strides = array<i32>} : memref<2x128x128xf32, #tpu.memory_space<vmem>>, vector<16xf32>,
        %add3A_420 = arith.constant 1 : i32
        %add3A_421 = arith.addi %mul3A_289, %add3A_420 : i32
        %get3A_422 = arith.index_cast %rem3A_142 : i32 to index
        %get3A_423 = arith.index_cast %add3A_421 : i32 to index
        %get3A_424 = arith.constant 16 : index
        %get3A_425 = tpu.vector_load %arg16[%get3A_422, %get3A_423, %get3A_424] {strides = array<i32>} : memref<2x128x128xf32, #tpu.memory_space<vmem>>, vector<16xf32>,
        %mul3A_426 = arith.mulf %get3A_425, %gather3A_406 : vector<16xf32>
        %add3A_427 = arith.constant 1 : i32
        %add3A_428 = arith.addi %mul3A_289, %add3A_427 : i32
        %swap3A_429 = arith.index_cast %rem3A_142 : i32 to index
        %swap3A_430 = arith.index_cast %add3A_428 : i32 to index
        %swap3A_431 = arith.constant 16 : index
        %swap3A_432 = tpu.vector_load %arg16[%swap3A_429, %swap3A_430, %swap3A_431] {strides = array<i32>} : memref<2x128x128xf32, #tpu.memory_space<vmem>>, vector<16xf32>,
        tpu.vector_store %arg16[%swap3A_429, %swap3A_430, %swap3A_431], %mul3A_426 {strides = array<i32>} : memref<2x128x128xf32, #tpu.memory_space<vmem>>, vector<16xf32>,
        %add3A_433 = arith.constant 1 : i32
        %add3A_434 = arith.addi %mul3A_289, %add3A_433 : i32
        %get3A_435 = arith.index_cast %rem3A_142 : i32 to index
        %get3A_436 = arith.index_cast %add3A_434 : i32 to index
        %get3A_437 = arith.constant 32 : index
        %get3A_438 = tpu.vector_load %arg16[%get3A_435, %get3A_436, %get3A_437] {strides = array<i32>} : memref<2x128x128xf32, #tpu.memory_space<vmem>>, vector<16xf32>,
        %mul3A_439 = arith.mulf %get3A_438, %gather3A_406 : vector<16xf32>
        %add3A_440 = arith.constant 1 : i32
        %add3A_441 = arith.addi %mul3A_289, %add3A_440 : i32
        %swap3A_442 = arith.index_cast %rem3A_142 : i32 to index
        %swap3A_443 = arith.index_cast %add3A_441 : i32 to index
        %swap3A_444 = arith.constant 32 : index
        %swap3A_445 = tpu.vector_load %arg16[%swap3A_442, %swap3A_443, %swap3A_444] {strides = array<i32>} : memref<2x128x128xf32, #tpu.memory_space<vmem>>, vector<16xf32>,
        tpu.vector_store %arg16[%swap3A_442, %swap3A_443, %swap3A_444], %mul3A_439 {strides = array<i32>} : memref<2x128x128xf32, #tpu.memory_space<vmem>>, vector<16xf32>,
        %add3A_446 = arith.constant 1 : i32
        %add3A_447 = arith.addi %mul3A_289, %add3A_446 : i32
        %get3A_448 = arith.index_cast %rem3A_142 : i32 to index
        %get3A_449 = arith.index_cast %add3A_447 : i32 to index
        %get3A_450 = arith.constant 48 : index
        %get3A_451 = tpu.vector_load %arg16[%get3A_448, %get3A_449, %get3A_450] {strides = array<i32>} : memref<2x128x128xf32, #tpu.memory_space<vmem>>, vector<16xf32>,
        %mul3A_452 = arith.mulf %get3A_451, %gather3A_406 : vector<16xf32>
        %add3A_453 = arith.constant 1 : i32
        %add3A_454 = arith.addi %mul3A_289, %add3A_453 : i32
        %swap3A_455 = arith.index_cast %rem3A_142 : i32 to index
        %swap3A_456 = arith.index_cast %add3A_454 : i32 to index
        %swap3A_457 = arith.constant 48 : index
        %swap3A_458 = tpu.vector_load %arg16[%swap3A_455, %swap3A_456, %swap3A_457] {strides = array<i32>} : memref<2x128x128xf32, #tpu.memory_space<vmem>>, vector<16xf32>,
        tpu.vector_store %arg16[%swap3A_455, %swap3A_456, %swap3A_457], %mul3A_452 {strides = array<i32>} : memref<2x128x128xf32, #tpu.memory_space<vmem>>, vector<16xf32>,
        %add3A_459 = arith.constant 1 : i32
        %add3A_460 = arith.addi %mul3A_289, %add3A_459 : i32
        %get3A_461 = arith.index_cast %rem3A_142 : i32 to index
        %get3A_462 = arith.index_cast %add3A_460 : i32 to index
        %get3A_463 = arith.constant 64 : index
        %get3A_464 = tpu.vector_load %arg16[%get3A_461, %get3A_462, %get3A_463] {strides = array<i32>} : memref<2x128x128xf32, #tpu.memory_space<vmem>>, vector<16xf32>,
        %mul3A_465 = arith.mulf %get3A_464, %gather3A_406 : vector<16xf32>
        %add3A_466 = arith.constant 1 : i32
        %add3A_467 = arith.addi %mul3A_289, %add3A_466 : i32
        %swap3A_468 = arith.index_cast %rem3A_142 : i32 to index
        %swap3A_469 = arith.index_cast %add3A_467 : i32 to index
        %swap3A_470 = arith.constant 64 : index
        %swap3A_471 = tpu.vector_load %arg16[%swap3A_468, %swap3A_469, %swap3A_470] {strides = array<i32>} : memref<2x128x128xf32, #tpu.memory_space<vmem>>, vector<16xf32>,
        tpu.vector_store %arg16[%swap3A_468, %swap3A_469, %swap3A_470], %mul3A_465 {strides = array<i32>} : memref<2x128x128xf32, #tpu.memory_space<vmem>>, vector<16xf32>,
        %add3A_472 = arith.constant 1 : i32
        %add3A_473 = arith.addi %mul3A_289, %add3A_472 : i32
        %get3A_474 = arith.index_cast %rem3A_142 : i32 to index
        %get3A_475 = arith.index_cast %add3A_473 : i32 to index
        %get3A_476 = arith.constant 80 : index
        %get3A_477 = tpu.vector_load %arg16[%get3A_474, %get3A_475, %get3A_476] {strides = array<i32>} : memref<2x128x128xf32, #tpu.memory_space<vmem>>, vector<16xf32>,
        %mul3A_478 = arith.mulf %get3A_477, %gather3A_406 : vector<16xf32>
        %add3A_479 = arith.constant 1 : i32
        %add3A_480 = arith.addi %mul3A_289, %add3A_479 : i32
        %swap3A_481 = arith.index_cast %rem3A_142 : i32 to index
        %swap3A_482 = arith.index_cast %add3A_480 : i32 to index
        %swap3A_483 = arith.constant 80 : index
        %swap3A_484 = tpu.vector_load %arg16[%swap3A_481, %swap3A_482, %swap3A_483] {strides = array<i32>} : memref<2x128x128xf32, #tpu.memory_space<vmem>>, vector<16xf32>,
        tpu.vector_store %arg16[%swap3A_481, %swap3A_482, %swap3A_483], %mul3A_478 {strides = array<i32>} : memref<2x128x128xf32, #tpu.memory_space<vmem>>, vector<16xf32>,
        %add3A_485 = arith.constant 1 : i32
        %add3A_486 = arith.addi %mul3A_289, %add3A_485 : i32
        %get3A_487 = arith.index_cast %rem3A_142 : i32 to index
        %get3A_488 = arith.index_cast %add3A_486 : i32 to index
        %get3A_489 = arith.constant 96 : index
        %get3A_490 = tpu.vector_load %arg16[%get3A_487, %get3A_488, %get3A_489] {strides = array<i32>} : memref<2x128x128xf32, #tpu.memory_space<vmem>>, vector<16xf32>,
        %mul3A_491 = arith.mulf %get3A_490, %gather3A_406 : vector<16xf32>
        %add3A_492 = arith.constant 1 : i32
        %add3A_493 = arith.addi %mul3A_289, %add3A_492 : i32
        %swap3A_494 = arith.index_cast %rem3A_142 : i32 to index
        %swap3A_495 = arith.index_cast %add3A_493 : i32 to index
        %swap3A_496 = arith.constant 96 : index
        %swap3A_497 = tpu.vector_load %arg16[%swap3A_494, %swap3A_495, %swap3A_496] {strides = array<i32>} : memref<2x128x128xf32, #tpu.memory_space<vmem>>, vector<16xf32>,
        tpu.vector_store %arg16[%swap3A_494, %swap3A_495, %swap3A_496], %mul3A_491 {strides = array<i32>} : memref<2x128x128xf32, #tpu.memory_space<vmem>>, vector<16xf32>,
        %add3A_498 = arith.constant 1 : i32
        %add3A_499 = arith.addi %mul3A_289, %add3A_498 : i32
        %get3A_500 = arith.index_cast %rem3A_142 : i32 to index
        %get3A_501 = arith.index_cast %add3A_499 : i32 to index
        %get3A_502 = arith.constant 112 : index
        %get3A_503 = tpu.vector_load %arg16[%get3A_500, %get3A_501, %get3A_502] {strides = array<i32>} : memref<2x128x128xf32, #tpu.memory_space<vmem>>, vector<16xf32>,
        %mul3A_504 = arith.mulf %get3A_503, %gather3A_406 : vector<16xf32>
        %add3A_505 = arith.constant 1 : i32
        %add3A_506 = arith.addi %mul3A_289, %add3A_505 : i32
        %swap3A_507 = arith.index_cast %rem3A_142 : i32 to index
        %swap3A_508 = arith.index_cast %add3A_506 : i32 to index
        %swap3A_509 = arith.constant 112 : index
        %swap3A_510 = tpu.vector_load %arg16[%swap3A_507, %swap3A_508, %swap3A_509] {strides = array<i32>} : memref<2x128x128xf32, #tpu.memory_space<vmem>>, vector<16xf32>,
        tpu.vector_store %arg16[%swap3A_507, %swap3A_508, %swap3A_509], %mul3A_504 {strides = array<i32>} : memref<2x128x128xf32, #tpu.memory_space<vmem>>, vector<16xf32>,
        %broadcast_in_dim3A_511 = arith.constant 0 : i32
        %broadcast_in_dim3A_512 = vector.broadcast %broadcast_in_dim3A_511 : i32 to vector<16xi32>
        %add3A_513 = arith.constant 2 : i32
        %add3A_514 = arith.addi %mul3A_289, %add3A_513 : i32
        %add3A_515 = vector.broadcast %add3A_514 : i32 to vector<16xi32>
        %add3A_516 = arith.addi %broadcast_in_dim3A_512, %add3A_515 : vector<16xi32>
        %gather3A_517 = tpu.vector_load_idx %arg19[%add3A_516] : memref<128xf32, #tpu.memory_space<vmem>>[vector<16xi32>], vector<16xf32>,
        %add3A_518 = arith.constant 2 : i32
        %add3A_519 = arith.addi %mul3A_289, %add3A_518 : i32
        %get3A_520 = arith.index_cast %rem3A_142 : i32 to index
        %get3A_521 = arith.index_cast %add3A_519 : i32 to index
        %get3A_522 = arith.constant 0 : index
        %get3A_523 = tpu.vector_load %arg16[%get3A_520, %get3A_521, %get3A_522] {strides = array<i32>} : memref<2x128x128xf32, #tpu.memory_space<vmem>>, vector<16xf32>,
        %mul3A_524 = arith.mulf %get3A_523, %gather3A_517 : vector<16xf32>
        %add3A_525 = arith.constant 2 : i32
        %add3A_526 = arith.addi %mul3A_289, %add3A_525 : i32
        %swap3A_527 = arith.index_cast %rem3A_142 : i32 to index
        %swap3A_528 = arith.index_cast %add3A_526 : i32 to index
        %swap3A_529 = arith.constant 0 : index
        %swap3A_530 = tpu.vector_load %arg16[%swap3A_527, %swap3A_528, %swap3A_529] {strides = array<i32>} : memref<2x128x128xf32, #tpu.memory_space<vmem>>, vector<16xf32>,
        tpu.vector_store %arg16[%swap3A_527, %swap3A_528, %swap3A_529], %mul3A_524 {strides = array<i32>} : memref<2x128x128xf32, #tpu.memory_space<vmem>>, vector<16xf32>,
        %add3A_531 = arith.constant 2 : i32
        %add3A_532 = arith.addi %mul3A_289, %add3A_531 : i32
        %get3A_533 = arith.index_cast %rem3A_142 : i32 to index
        %get3A_534 = arith.index_cast %add3A_532 : i32 to index
        %get3A_535 = arith.constant 16 : index
        %get3A_536 = tpu.vector_load %arg16[%get3A_533, %get3A_534, %get3A_535] {strides = array<i32>} : memref<2x128x128xf32, #tpu.memory_space<vmem>>, vector<16xf32>,
        %mul3A_537 = arith.mulf %get3A_536, %gather3A_517 : vector<16xf32>
        %add3A_538 = arith.constant 2 : i32
        %add3A_539 = arith.addi %mul3A_289, %add3A_538 : i32
        %swap3A_540 = arith.index_cast %rem3A_142 : i32 to index
        %swap3A_541 = arith.index_cast %add3A_539 : i32 to index
        %swap3A_542 = arith.constant 16 : index
        %swap3A_543 = tpu.vector_load %arg16[%swap3A_540, %swap3A_541, %swap3A_542] {strides = array<i32>} : memref<2x128x128xf32, #tpu.memory_space<vmem>>, vector<16xf32>,
        tpu.vector_store %arg16[%swap3A_540, %swap3A_541, %swap3A_542], %mul3A_537 {strides = array<i32>} : memref<2x128x128xf32, #tpu.memory_space<vmem>>, vector<16xf32>,
        %add3A_544 = arith.constant 2 : i32
        %add3A_545 = arith.addi %mul3A_289, %add3A_544 : i32
        %get3A_546 = arith.index_cast %rem3A_142 : i32 to index
        %get3A_547 = arith.index_cast %add3A_545 : i32 to index
        %get3A_548 = arith.constant 32 : index
        %get3A_549 = tpu.vector_load %arg16[%get3A_546, %get3A_547, %get3A_548] {strides = array<i32>} : memref<2x128x128xf32, #tpu.memory_space<vmem>>, vector<16xf32>,
        %mul3A_550 = arith.mulf %get3A_549, %gather3A_517 : vector<16xf32>
        %add3A_551 = arith.constant 2 : i32
        %add3A_552 = arith.addi %mul3A_289, %add3A_551 : i32
        %swap3A_553 = arith.index_cast %rem3A_142 : i32 to index
        %swap3A_554 = arith.index_cast %add3A_552 : i32 to index
        %swap3A_555 = arith.constant 32 : index
        %swap3A_556 = tpu.vector_load %arg16[%swap3A_553, %swap3A_554, %swap3A_555] {strides = array<i32>} : memref<2x128x128xf32, #tpu.memory_space<vmem>>, vector<16xf32>,
        tpu.vector_store %arg16[%swap3A_553, %swap3A_554, %swap3A_555], %mul3A_550 {strides = array<i32>} : memref<2x128x128xf32, #tpu.memory_space<vmem>>, vector<16xf32>,
        %add3A_557 = arith.constant 2 : i32
        %add3A_558 = arith.addi %mul3A_289, %add3A_557 : i32
        %get3A_559 = arith.index_cast %rem3A_142 : i32 to index
        %get3A_560 = arith.index_cast %add3A_558 : i32 to index
        %get3A_561 = arith.constant 48 : index
        %get3A_562 = tpu.vector_load %arg16[%get3A_559, %get3A_560, %get3A_561] {strides = array<i32>} : memref<2x128x128xf32, #tpu.memory_space<vmem>>, vector<16xf32>,
        %mul3A_563 = arith.mulf %get3A_562, %gather3A_517 : vector<16xf32>
        %add3A_564 = arith.constant 2 : i32
        %add3A_565 = arith.addi %mul3A_289, %add3A_564 : i32
        %swap3A_566 = arith.index_cast %rem3A_142 : i32 to index
        %swap3A_567 = arith.index_cast %add3A_565 : i32 to index
        %swap3A_568 = arith.constant 48 : index
        %swap3A_569 = tpu.vector_load %arg16[%swap3A_566, %swap3A_567, %swap3A_568] {strides = array<i32>} : memref<2x128x128xf32, #tpu.memory_space<vmem>>, vector<16xf32>,
        tpu.vector_store %arg16[%swap3A_566, %swap3A_567, %swap3A_568], %mul3A_563 {strides = array<i32>} : memref<2x128x128xf32, #tpu.memory_space<vmem>>, vector<16xf32>,
        %add3A_570 = arith.constant 2 : i32
        %add3A_571 = arith.addi %mul3A_289, %add3A_570 : i32
        %get3A_572 = arith.index_cast %rem3A_142 : i32 to index
        %get3A_573 = arith.index_cast %add3A_571 : i32 to index
        %get3A_574 = arith.constant 64 : index
        %get3A_575 = tpu.vector_load %arg16[%get3A_572, %get3A_573, %get3A_574] {strides = array<i32>} : memref<2x128x128xf32, #tpu.memory_space<vmem>>, vector<16xf32>,
        %mul3A_576 = arith.mulf %get3A_575, %gather3A_517 : vector<16xf32>
        %add3A_577 = arith.constant 2 : i32
        %add3A_578 = arith.addi %mul3A_289, %add3A_577 : i32
        %swap3A_579 = arith.index_cast %rem3A_142 : i32 to index
        %swap3A_580 = arith.index_cast %add3A_578 : i32 to index
        %swap3A_581 = arith.constant 64 : index
        %swap3A_582 = tpu.vector_load %arg16[%swap3A_579, %swap3A_580, %swap3A_581] {strides = array<i32>} : memref<2x128x128xf32, #tpu.memory_space<vmem>>, vector<16xf32>,
        tpu.vector_store %arg16[%swap3A_579, %swap3A_580, %swap3A_581], %mul3A_576 {strides = array<i32>} : memref<2x128x128xf32, #tpu.memory_space<vmem>>, vector<16xf32>,
        %add3A_583 = arith.constant 2 : i32
        %add3A_584 = arith.addi %mul3A_289, %add3A_583 : i32
        %get3A_585 = arith.index_cast %rem3A_142 : i32 to index
        %get3A_586 = arith.index_cast %add3A_584 : i32 to index
        %get3A_587 = arith.constant 80 : index
        %get3A_588 = tpu.vector_load %arg16[%get3A_585, %get3A_586, %get3A_587] {strides = array<i32>} : memref<2x128x128xf32, #tpu.memory_space<vmem>>, vector<16xf32>,
        %mul3A_589 = arith.mulf %get3A_588, %gather3A_517 : vector<16xf32>
        %add3A_590 = arith.constant 2 : i32
        %add3A_591 = arith.addi %mul3A_289, %add3A_590 : i32
        %swap3A_592 = arith.index_cast %rem3A_142 : i32 to index
        %swap3A_593 = arith.index_cast %add3A_591 : i32 to index
        %swap3A_594 = arith.constant 80 : index
        %swap3A_595 = tpu.vector_load %arg16[%swap3A_592, %swap3A_593, %swap3A_594] {strides = array<i32>} : memref<2x128x128xf32, #tpu.memory_space<vmem>>, vector<16xf32>,
        tpu.vector_store %arg16[%swap3A_592, %swap3A_593, %swap3A_594], %mul3A_589 {strides = array<i32>} : memref<2x128x128xf32, #tpu.memory_space<vmem>>, vector<16xf32>,
        %add3A_596 = arith.constant 2 : i32
        %add3A_597 = arith.addi %mul3A_289, %add3A_596 : i32
        %get3A_598 = arith.index_cast %rem3A_142 : i32 to index
        %get3A_599 = arith.index_cast %add3A_597 : i32 to index
        %get3A_600 = arith.constant 96 : index
        %get3A_601 = tpu.vector_load %arg16[%get3A_598, %get3A_599, %get3A_600] {strides = array<i32>} : memref<2x128x128xf32, #tpu.memory_space<vmem>>, vector<16xf32>,
        %mul3A_602 = arith.mulf %get3A_601, %gather3A_517 : vector<16xf32>
        %add3A_603 = arith.constant 2 : i32
        %add3A_604 = arith.addi %mul3A_289, %add3A_603 : i32
        %swap3A_605 = arith.index_cast %rem3A_142 : i32 to index
        %swap3A_606 = arith.index_cast %add3A_604 : i32 to index
        %swap3A_607 = arith.constant 96 : index
        %swap3A_608 = tpu.vector_load %arg16[%swap3A_605, %swap3A_606, %swap3A_607] {strides = array<i32>} : memref<2x128x128xf32, #tpu.memory_space<vmem>>, vector<16xf32>,
        tpu.vector_store %arg16[%swap3A_605, %swap3A_606, %swap3A_607], %mul3A_602 {strides = array<i32>} : memref<2x128x128xf32, #tpu.memory_space<vmem>>, vector<16xf32>,
        %add3A_609 = arith.constant 2 : i32
        %add3A_610 = arith.addi %mul3A_289, %add3A_609 : i32
        %get3A_611 = arith.index_cast %rem3A_142 : i32 to index
        %get3A_612 = arith.index_cast %add3A_610 : i32 to index
        %get3A_613 = arith.constant 112 : index
        %get3A_614 = tpu.vector_load %arg16[%get3A_611, %get3A_612, %get3A_613] {strides = array<i32>} : memref<2x128x128xf32, #tpu.memory_space<vmem>>, vector<16xf32>,
        %mul3A_615 = arith.mulf %get3A_614, %gather3A_517 : vector<16xf32>
        %add3A_616 = arith.constant 2 : i32
        %add3A_617 = arith.addi %mul3A_289, %add3A_616 : i32
        %swap3A_618 = arith.index_cast %rem3A_142 : i32 to index
        %swap3A_619 = arith.index_cast %add3A_617 : i32 to index
        %swap3A_620 = arith.constant 112 : index
        %swap3A_621 = tpu.vector_load %arg16[%swap3A_618, %swap3A_619, %swap3A_620] {strides = array<i32>} : memref<2x128x128xf32, #tpu.memory_space<vmem>>, vector<16xf32>,
        tpu.vector_store %arg16[%swap3A_618, %swap3A_619, %swap3A_620], %mul3A_615 {strides = array<i32>} : memref<2x128x128xf32, #tpu.memory_space<vmem>>, vector<16xf32>,
        %broadcast_in_dim3A_622 = arith.constant 0 : i32
        %broadcast_in_dim3A_623 = vector.broadcast %broadcast_in_dim3A_622 : i32 to vector<16xi32>
        %add3A_624 = arith.constant 3 : i32
        %add3A_625 = arith.addi %mul3A_289, %add3A_624 : i32
        %add3A_626 = vector.broadcast %add3A_625 : i32 to vector<16xi32>
        %add3A_627 = arith.addi %broadcast_in_dim3A_623, %add3A_626 : vector<16xi32>
        %gather3A_628 = tpu.vector_load_idx %arg19[%add3A_627] : memref<128xf32, #tpu.memory_space<vmem>>[vector<16xi32>], vector<16xf32>,
        %add3A_629 = arith.constant 3 : i32
        %add3A_630 = arith.addi %mul3A_289, %add3A_629 : i32
        %get3A_631 = arith.index_cast %rem3A_142 : i32 to index
        %get3A_632 = arith.index_cast %add3A_630 : i32 to index
        %get3A_633 = arith.constant 0 : index
        %get3A_634 = tpu.vector_load %arg16[%get3A_631, %get3A_632, %get3A_633] {strides = array<i32>} : memref<2x128x128xf32, #tpu.memory_space<vmem>>, vector<16xf32>,
        %mul3A_635 = arith.mulf %get3A_634, %gather3A_628 : vector<16xf32>
        %add3A_636 = arith.constant 3 : i32
        %add3A_637 = arith.addi %mul3A_289, %add3A_636 : i32
        %swap3A_638 = arith.index_cast %rem3A_142 : i32 to index
        %swap3A_639 = arith.index_cast %add3A_637 : i32 to index
        %swap3A_640 = arith.constant 0 : index
        %swap3A_641 = tpu.vector_load %arg16[%swap3A_638, %swap3A_639, %swap3A_640] {strides = array<i32>} : memref<2x128x128xf32, #tpu.memory_space<vmem>>, vector<16xf32>,
        tpu.vector_store %arg16[%swap3A_638, %swap3A_639, %swap3A_640], %mul3A_635 {strides = array<i32>} : memref<2x128x128xf32, #tpu.memory_space<vmem>>, vector<16xf32>,
        %add3A_642 = arith.constant 3 : i32
        %add3A_643 = arith.addi %mul3A_289, %add3A_642 : i32
        %get3A_644 = arith.index_cast %rem3A_142 : i32 to index
        %get3A_645 = arith.index_cast %add3A_643 : i32 to index
        %get3A_646 = arith.constant 16 : index
        %get3A_647 = tpu.vector_load %arg16[%get3A_644, %get3A_645, %get3A_646] {strides = array<i32>} : memref<2x128x128xf32, #tpu.memory_space<vmem>>, vector<16xf32>,
        %mul3A_648 = arith.mulf %get3A_647, %gather3A_628 : vector<16xf32>
        %add3A_649 = arith.constant 3 : i32
        %add3A_650 = arith.addi %mul3A_289, %add3A_649 : i32
        %swap3A_651 = arith.index_cast %rem3A_142 : i32 to index
        %swap3A_652 = arith.index_cast %add3A_650 : i32 to index
        %swap3A_653 = arith.constant 16 : index
        %swap3A_654 = tpu.vector_load %arg16[%swap3A_651, %swap3A_652, %swap3A_653] {strides = array<i32>} : memref<2x128x128xf32, #tpu.memory_space<vmem>>, vector<16xf32>,
        tpu.vector_store %arg16[%swap3A_651, %swap3A_652, %swap3A_653], %mul3A_648 {strides = array<i32>} : memref<2x128x128xf32, #tpu.memory_space<vmem>>, vector<16xf32>,
        %add3A_655 = arith.constant 3 : i32
        %add3A_656 = arith.addi %mul3A_289, %add3A_655 : i32
        %get3A_657 = arith.index_cast %rem3A_142 : i32 to index
        %get3A_658 = arith.index_cast %add3A_656 : i32 to index
        %get3A_659 = arith.constant 32 : index
        %get3A_660 = tpu.vector_load %arg16[%get3A_657, %get3A_658, %get3A_659] {strides = array<i32>} : memref<2x128x128xf32, #tpu.memory_space<vmem>>, vector<16xf32>,
        %mul3A_661 = arith.mulf %get3A_660, %gather3A_628 : vector<16xf32>
        %add3A_662 = arith.constant 3 : i32
        %add3A_663 = arith.addi %mul3A_289, %add3A_662 : i32
        %swap3A_664 = arith.index_cast %rem3A_142 : i32 to index
        %swap3A_665 = arith.index_cast %add3A_663 : i32 to index
        %swap3A_666 = arith.constant 32 : index
        %swap3A_667 = tpu.vector_load %arg16[%swap3A_664, %swap3A_665, %swap3A_666] {strides = array<i32>} : memref<2x128x128xf32, #tpu.memory_space<vmem>>, vector<16xf32>,
        tpu.vector_store %arg16[%swap3A_664, %swap3A_665, %swap3A_666], %mul3A_661 {strides = array<i32>} : memref<2x128x128xf32, #tpu.memory_space<vmem>>, vector<16xf32>,
        %add3A_668 = arith.constant 3 : i32
        %add3A_669 = arith.addi %mul3A_289, %add3A_668 : i32
        %get3A_670 = arith.index_cast %rem3A_142 : i32 to index
        %get3A_671 = arith.index_cast %add3A_669 : i32 to index
        %get3A_672 = arith.constant 48 : index
        %get3A_673 = tpu.vector_load %arg16[%get3A_670, %get3A_671, %get3A_672] {strides = array<i32>} : memref<2x128x128xf32, #tpu.memory_space<vmem>>, vector<16xf32>,
        %mul3A_674 = arith.mulf %get3A_673, %gather3A_628 : vector<16xf32>
        %add3A_675 = arith.constant 3 : i32
        %add3A_676 = arith.addi %mul3A_289, %add3A_675 : i32
        %swap3A_677 = arith.index_cast %rem3A_142 : i32 to index
        %swap3A_678 = arith.index_cast %add3A_676 : i32 to index
        %swap3A_679 = arith.constant 48 : index
        %swap3A_680 = tpu.vector_load %arg16[%swap3A_677, %swap3A_678, %swap3A_679] {strides = array<i32>} : memref<2x128x128xf32, #tpu.memory_space<vmem>>, vector<16xf32>,
        tpu.vector_store %arg16[%swap3A_677, %swap3A_678, %swap3A_679], %mul3A_674 {strides = array<i32>} : memref<2x128x128xf32, #tpu.memory_space<vmem>>, vector<16xf32>,
        %add3A_681 = arith.constant 3 : i32
        %add3A_682 = arith.addi %mul3A_289, %add3A_681 : i32
        %get3A_683 = arith.index_cast %rem3A_142 : i32 to index
        %get3A_684 = arith.index_cast %add3A_682 : i32 to index
        %get3A_685 = arith.constant 64 : index
        %get3A_686 = tpu.vector_load %arg16[%get3A_683, %get3A_684, %get3A_685] {strides = array<i32>} : memref<2x128x128xf32, #tpu.memory_space<vmem>>, vector<16xf32>,
        %mul3A_687 = arith.mulf %get3A_686, %gather3A_628 : vector<16xf32>
        %add3A_688 = arith.constant 3 : i32
        %add3A_689 = arith.addi %mul3A_289, %add3A_688 : i32
        %swap3A_690 = arith.index_cast %rem3A_142 : i32 to index
        %swap3A_691 = arith.index_cast %add3A_689 : i32 to index
        %swap3A_692 = arith.constant 64 : index
        %swap3A_693 = tpu.vector_load %arg16[%swap3A_690, %swap3A_691, %swap3A_692] {strides = array<i32>} : memref<2x128x128xf32, #tpu.memory_space<vmem>>, vector<16xf32>,
        tpu.vector_store %arg16[%swap3A_690, %swap3A_691, %swap3A_692], %mul3A_687 {strides = array<i32>} : memref<2x128x128xf32, #tpu.memory_space<vmem>>, vector<16xf32>,
        %add3A_694 = arith.constant 3 : i32
        %add3A_695 = arith.addi %mul3A_289, %add3A_694 : i32
        %get3A_696 = arith.index_cast %rem3A_142 : i32 to index
        %get3A_697 = arith.index_cast %add3A_695 : i32 to index
        %get3A_698 = arith.constant 80 : index
        %get3A_699 = tpu.vector_load %arg16[%get3A_696, %get3A_697, %get3A_698] {strides = array<i32>} : memref<2x128x128xf32, #tpu.memory_space<vmem>>, vector<16xf32>,
        %mul3A_700 = arith.mulf %get3A_699, %gather3A_628 : vector<16xf32>
        %add3A_701 = arith.constant 3 : i32
        %add3A_702 = arith.addi %mul3A_289, %add3A_701 : i32
        %swap3A_703 = arith.index_cast %rem3A_142 : i32 to index
        %swap3A_704 = arith.index_cast %add3A_702 : i32 to index
        %swap3A_705 = arith.constant 80 : index
        %swap3A_706 = tpu.vector_load %arg16[%swap3A_703, %swap3A_704, %swap3A_705] {strides = array<i32>} : memref<2x128x128xf32, #tpu.memory_space<vmem>>, vector<16xf32>,
        tpu.vector_store %arg16[%swap3A_703, %swap3A_704, %swap3A_705], %mul3A_700 {strides = array<i32>} : memref<2x128x128xf32, #tpu.memory_space<vmem>>, vector<16xf32>,
        %add3A_707 = arith.constant 3 : i32
        %add3A_708 = arith.addi %mul3A_289, %add3A_707 : i32
        %get3A_709 = arith.index_cast %rem3A_142 : i32 to index
        %get3A_710 = arith.index_cast %add3A_708 : i32 to index
        %get3A_711 = arith.constant 96 : index
        %get3A_712 = tpu.vector_load %arg16[%get3A_709, %get3A_710, %get3A_711] {strides = array<i32>} : memref<2x128x128xf32, #tpu.memory_space<vmem>>, vector<16xf32>,
        %mul3A_713 = arith.mulf %get3A_712, %gather3A_628 : vector<16xf32>
        %add3A_714 = arith.constant 3 : i32
        %add3A_715 = arith.addi %mul3A_289, %add3A_714 : i32
        %swap3A_716 = arith.index_cast %rem3A_142 : i32 to index
        %swap3A_717 = arith.index_cast %add3A_715 : i32 to index
        %swap3A_718 = arith.constant 96 : index
        %swap3A_719 = tpu.vector_load %arg16[%swap3A_716, %swap3A_717, %swap3A_718] {strides = array<i32>} : memref<2x128x128xf32, #tpu.memory_space<vmem>>, vector<16xf32>,
        tpu.vector_store %arg16[%swap3A_716, %swap3A_717, %swap3A_718], %mul3A_713 {strides = array<i32>} : memref<2x128x128xf32, #tpu.memory_space<vmem>>, vector<16xf32>,
        %add3A_720 = arith.constant 3 : i32
        %add3A_721 = arith.addi %mul3A_289, %add3A_720 : i32
        %get3A_722 = arith.index_cast %rem3A_142 : i32 to index
        %get3A_723 = arith.index_cast %add3A_721 : i32 to index
        %get3A_724 = arith.constant 112 : index
        %get3A_725 = tpu.vector_load %arg16[%get3A_722, %get3A_723, %get3A_724] {strides = array<i32>} : memref<2x128x128xf32, #tpu.memory_space<vmem>>, vector<16xf32>,
        %mul3A_726 = arith.mulf %get3A_725, %gather3A_628 : vector<16xf32>
        %add3A_727 = arith.constant 3 : i32
        %add3A_728 = arith.addi %mul3A_289, %add3A_727 : i32
        %swap3A_729 = arith.index_cast %rem3A_142 : i32 to index
        %swap3A_730 = arith.index_cast %add3A_728 : i32 to index
        %swap3A_731 = arith.constant 112 : index
        %swap3A_732 = tpu.vector_load %arg16[%swap3A_729, %swap3A_730, %swap3A_731] {strides = array<i32>} : memref<2x128x128xf32, #tpu.memory_space<vmem>>, vector<16xf32>,
        tpu.vector_store %arg16[%swap3A_729, %swap3A_730, %swap3A_731], %mul3A_726 {strides = array<i32>} : memref<2x128x128xf32, #tpu.memory_space<vmem>>, vector<16xf32>,
        %broadcast_in_dim3A_733 = arith.constant 0 : i32
        %broadcast_in_dim3A_734 = vector.broadcast %broadcast_in_dim3A_733 : i32 to vector<16xi32>
        %add3A_735 = arith.constant 4 : i32
        %add3A_736 = arith.addi %mul3A_289, %add3A_735 : i32
        %add3A_737 = vector.broadcast %add3A_736 : i32 to vector<16xi32>
        %add3A_738 = arith.addi %broadcast_in_dim3A_734, %add3A_737 : vector<16xi32>
        %gather3A_739 = tpu.vector_load_idx %arg19[%add3A_738] : memref<128xf32, #tpu.memory_space<vmem>>[vector<16xi32>], vector<16xf32>,
        %add3A_740 = arith.constant 4 : i32
        %add3A_741 = arith.addi %mul3A_289, %add3A_740 : i32
        %get3A_742 = arith.index_cast %rem3A_142 : i32 to index
        %get3A_743 = arith.index_cast %add3A_741 : i32 to index
        %get3A_744 = arith.constant 0 : index
        %get3A_745 = tpu.vector_load %arg16[%get3A_742, %get3A_743, %get3A_744] {strides = array<i32>} : memref<2x128x128xf32, #tpu.memory_space<vmem>>, vector<16xf32>,
        %mul3A_746 = arith.mulf %get3A_745, %gather3A_739 : vector<16xf32>
        %add3A_747 = arith.constant 4 : i32
        %add3A_748 = arith.addi %mul3A_289, %add3A_747 : i32
        %swap3A_749 = arith.index_cast %rem3A_142 : i32 to index
        %swap3A_750 = arith.index_cast %add3A_748 : i32 to index
        %swap3A_751 = arith.constant 0 : index
        %swap3A_752 = tpu.vector_load %arg16[%swap3A_749, %swap3A_750, %swap3A_751] {strides = array<i32>} : memref<2x128x128xf32, #tpu.memory_space<vmem>>, vector<16xf32>,
        tpu.vector_store %arg16[%swap3A_749, %swap3A_750, %swap3A_751], %mul3A_746 {strides = array<i32>} : memref<2x128x128xf32, #tpu.memory_space<vmem>>, vector<16xf32>,
        %add3A_753 = arith.constant 4 : i32
        %add3A_754 = arith.addi %mul3A_289, %add3A_753 : i32
        %get3A_755 = arith.index_cast %rem3A_142 : i32 to index
        %get3A_756 = arith.index_cast %add3A_754 : i32 to index
        %get3A_757 = arith.constant 16 : index
        %get3A_758 = tpu.vector_load %arg16[%get3A_755, %get3A_756, %get3A_757] {strides = array<i32>} : memref<2x128x128xf32, #tpu.memory_space<vmem>>, vector<16xf32>,
        %mul3A_759 = arith.mulf %get3A_758, %gather3A_739 : vector<16xf32>
        %add3A_760 = arith.constant 4 : i32
        %add3A_761 = arith.addi %mul3A_289, %add3A_760 : i32
        %swap3A_762 = arith.index_cast %rem3A_142 : i32 to index
        %swap3A_763 = arith.index_cast %add3A_761 : i32 to index
        %swap3A_764 = arith.constant 16 : index
        %swap3A_765 = tpu.vector_load %arg16[%swap3A_762, %swap3A_763, %swap3A_764] {strides = array<i32>} : memref<2x128x128xf32, #tpu.memory_space<vmem>>, vector<16xf32>,
        tpu.vector_store %arg16[%swap3A_762, %swap3A_763, %swap3A_764], %mul3A_759 {strides = array<i32>} : memref<2x128x128xf32, #tpu.memory_space<vmem>>, vector<16xf32>,
        %add3A_766 = arith.constant 4 : i32
        %add3A_767 = arith.addi %mul3A_289, %add3A_766 : i32
        %get3A_768 = arith.index_cast %rem3A_142 : i32 to index
        %get3A_769 = arith.index_cast %add3A_767 : i32 to index
        %get3A_770 = arith.constant 32 : index
        %get3A_771 = tpu.vector_load %arg16[%get3A_768, %get3A_769, %get3A_770] {strides = array<i32>} : memref<2x128x128xf32, #tpu.memory_space<vmem>>, vector<16xf32>,
        %mul3A_772 = arith.mulf %get3A_771, %gather3A_739 : vector<16xf32>
        %add3A_773 = arith.constant 4 : i32
        %add3A_774 = arith.addi %mul3A_289, %add3A_773 : i32
        %swap3A_775 = arith.index_cast %rem3A_142 : i32 to index
        %swap3A_776 = arith.index_cast %add3A_774 : i32 to index
        %swap3A_777 = arith.constant 32 : index
        %swap3A_778 = tpu.vector_load %arg16[%swap3A_775, %swap3A_776, %swap3A_777] {strides = array<i32>} : memref<2x128x128xf32, #tpu.memory_space<vmem>>, vector<16xf32>,
        tpu.vector_store %arg16[%swap3A_775, %swap3A_776, %swap3A_777], %mul3A_772 {strides = array<i32>} : memref<2x128x128xf32, #tpu.memory_space<vmem>>, vector<16xf32>,
        %add3A_779 = arith.constant 4 : i32
        %add3A_780 = arith.addi %mul3A_289, %add3A_779 : i32
        %get3A_781 = arith.index_cast %rem3A_142 : i32 to index
        %get3A_782 = arith.index_cast %add3A_780 : i32 to index
        %get3A_783 = arith.constant 48 : index
        %get3A_784 = tpu.vector_load %arg16[%get3A_781, %get3A_782, %get3A_783] {strides = array<i32>} : memref<2x128x128xf32, #tpu.memory_space<vmem>>, vector<16xf32>,
        %mul3A_785 = arith.mulf %get3A_784, %gather3A_739 : vector<16xf32>
        %add3A_786 = arith.constant 4 : i32
        %add3A_787 = arith.addi %mul3A_289, %add3A_786 : i32
        %swap3A_788 = arith.index_cast %rem3A_142 : i32 to index
        %swap3A_789 = arith.index_cast %add3A_787 : i32 to index
        %swap3A_790 = arith.constant 48 : index
        %swap3A_791 = tpu.vector_load %arg16[%swap3A_788, %swap3A_789, %swap3A_790] {strides = array<i32>} : memref<2x128x128xf32, #tpu.memory_space<vmem>>, vector<16xf32>,
        tpu.vector_store %arg16[%swap3A_788, %swap3A_789, %swap3A_790], %mul3A_785 {strides = array<i32>} : memref<2x128x128xf32, #tpu.memory_space<vmem>>, vector<16xf32>,
        %add3A_792 = arith.constant 4 : i32
        %add3A_793 = arith.addi %mul3A_289, %add3A_792 : i32
        %get3A_794 = arith.index_cast %rem3A_142 : i32 to index
        %get3A_795 = arith.index_cast %add3A_793 : i32 to index
        %get3A_796 = arith.constant 64 : index
        %get3A_797 = tpu.vector_load %arg16[%get3A_794, %get3A_795, %get3A_796] {strides = array<i32>} : memref<2x128x128xf32, #tpu.memory_space<vmem>>, vector<16xf32>,
        %mul3A_798 = arith.mulf %get3A_797, %gather3A_739 : vector<16xf32>
        %add3A_799 = arith.constant 4 : i32
        %add3A_800 = arith.addi %mul3A_289, %add3A_799 : i32
        %swap3A_801 = arith.index_cast %rem3A_142 : i32 to index
        %swap3A_802 = arith.index_cast %add3A_800 : i32 to index
        %swap3A_803 = arith.constant 64 : index
        %swap3A_804 = tpu.vector_load %arg16[%swap3A_801, %swap3A_802, %swap3A_803] {strides = array<i32>} : memref<2x128x128xf32, #tpu.memory_space<vmem>>, vector<16xf32>,
        tpu.vector_store %arg16[%swap3A_801, %swap3A_802, %swap3A_803], %mul3A_798 {strides = array<i32>} : memref<2x128x128xf32, #tpu.memory_space<vmem>>, vector<16xf32>,
        %add3A_805 = arith.constant 4 : i32
        %add3A_806 = arith.addi %mul3A_289, %add3A_805 : i32
        %get3A_807 = arith.index_cast %rem3A_142 : i32 to index
        %get3A_808 = arith.index_cast %add3A_806 : i32 to index
        %get3A_809 = arith.constant 80 : index
        %get3A_810 = tpu.vector_load %arg16[%get3A_807, %get3A_808, %get3A_809] {strides = array<i32>} : memref<2x128x128xf32, #tpu.memory_space<vmem>>, vector<16xf32>,
        %mul3A_811 = arith.mulf %get3A_810, %gather3A_739 : vector<16xf32>
        %add3A_812 = arith.constant 4 : i32
        %add3A_813 = arith.addi %mul3A_289, %add3A_812 : i32
        %swap3A_814 = arith.index_cast %rem3A_142 : i32 to index
        %swap3A_815 = arith.index_cast %add3A_813 : i32 to index
        %swap3A_816 = arith.constant 80 : index
        %swap3A_817 = tpu.vector_load %arg16[%swap3A_814, %swap3A_815, %swap3A_816] {strides = array<i32>} : memref<2x128x128xf32, #tpu.memory_space<vmem>>, vector<16xf32>,
        tpu.vector_store %arg16[%swap3A_814, %swap3A_815, %swap3A_816], %mul3A_811 {strides = array<i32>} : memref<2x128x128xf32, #tpu.memory_space<vmem>>, vector<16xf32>,
        %add3A_818 = arith.constant 4 : i32
        %add3A_819 = arith.addi %mul3A_289, %add3A_818 : i32
        %get3A_820 = arith.index_cast %rem3A_142 : i32 to index
        %get3A_821 = arith.index_cast %add3A_819 : i32 to index
        %get3A_822 = arith.constant 96 : index
        %get3A_823 = tpu.vector_load %arg16[%get3A_820, %get3A_821, %get3A_822] {strides = array<i32>} : memref<2x128x128xf32, #tpu.memory_space<vmem>>, vector<16xf32>,
        %mul3A_824 = arith.mulf %get3A_823, %gather3A_739 : vector<16xf32>
        %add3A_825 = arith.constant 4 : i32
        %add3A_826 = arith.addi %mul3A_289, %add3A_825 : i32
        %swap3A_827 = arith.index_cast %rem3A_142 : i32 to index
        %swap3A_828 = arith.index_cast %add3A_826 : i32 to index
        %swap3A_829 = arith.constant 96 : index
        %swap3A_830 = tpu.vector_load %arg16[%swap3A_827, %swap3A_828, %swap3A_829] {strides = array<i32>} : memref<2x128x128xf32, #tpu.memory_space<vmem>>, vector<16xf32>,
        tpu.vector_store %arg16[%swap3A_827, %swap3A_828, %swap3A_829], %mul3A_824 {strides = array<i32>} : memref<2x128x128xf32, #tpu.memory_space<vmem>>, vector<16xf32>,
        %add3A_831 = arith.constant 4 : i32
        %add3A_832 = arith.addi %mul3A_289, %add3A_831 : i32
        %get3A_833 = arith.index_cast %rem3A_142 : i32 to index
        %get3A_834 = arith.index_cast %add3A_832 : i32 to index
        %get3A_835 = arith.constant 112 : index
        %get3A_836 = tpu.vector_load %arg16[%get3A_833, %get3A_834, %get3A_835] {strides = array<i32>} : memref<2x128x128xf32, #tpu.memory_space<vmem>>, vector<16xf32>,
        %mul3A_837 = arith.mulf %get3A_836, %gather3A_739 : vector<16xf32>
        %add3A_838 = arith.constant 4 : i32
        %add3A_839 = arith.addi %mul3A_289, %add3A_838 : i32
        %swap3A_840 = arith.index_cast %rem3A_142 : i32 to index
        %swap3A_841 = arith.index_cast %add3A_839 : i32 to index
        %swap3A_842 = arith.constant 112 : index
        %swap3A_843 = tpu.vector_load %arg16[%swap3A_840, %swap3A_841, %swap3A_842] {strides = array<i32>} : memref<2x128x128xf32, #tpu.memory_space<vmem>>, vector<16xf32>,
        tpu.vector_store %arg16[%swap3A_840, %swap3A_841, %swap3A_842], %mul3A_837 {strides = array<i32>} : memref<2x128x128xf32, #tpu.memory_space<vmem>>, vector<16xf32>,
        %broadcast_in_dim3A_844 = arith.constant 0 : i32
        %broadcast_in_dim3A_845 = vector.broadcast %broadcast_in_dim3A_844 : i32 to vector<16xi32>
        %add3A_846 = arith.constant 5 : i32
        %add3A_847 = arith.addi %mul3A_289, %add3A_846 : i32
        %add3A_848 = vector.broadcast %add3A_847 : i32 to vector<16xi32>
        %add3A_849 = arith.addi %broadcast_in_dim3A_845, %add3A_848 : vector<16xi32>
        %gather3A_850 = tpu.vector_load_idx %arg19[%add3A_849] : memref<128xf32, #tpu.memory_space<vmem>>[vector<16xi32>], vector<16xf32>,
        %add3A_851 = arith.constant 5 : i32
        %add3A_852 = arith.addi %mul3A_289, %add3A_851 : i32
        %get3A_853 = arith.index_cast %rem3A_142 : i32 to index
        %get3A_854 = arith.index_cast %add3A_852 : i32 to index
        %get3A_855 = arith.constant 0 : index
        %get3A_856 = tpu.vector_load %arg16[%get3A_853, %get3A_854, %get3A_855] {strides = array<i32>} : memref<2x128x128xf32, #tpu.memory_space<vmem>>, vector<16xf32>,
        %mul3A_857 = arith.mulf %get3A_856, %gather3A_850 : vector<16xf32>
        %add3A_858 = arith.constant 5 : i32
        %add3A_859 = arith.addi %mul3A_289, %add3A_858 : i32
        %swap3A_860 = arith.index_cast %rem3A_142 : i32 to index
        %swap3A_861 = arith.index_cast %add3A_859 : i32 to index
        %swap3A_862 = arith.constant 0 : index
        %swap3A_863 = tpu.vector_load %arg16[%swap3A_860, %swap3A_861, %swap3A_862] {strides = array<i32>} : memref<2x128x128xf32, #tpu.memory_space<vmem>>, vector<16xf32>,
        tpu.vector_store %arg16[%swap3A_860, %swap3A_861, %swap3A_862], %mul3A_857 {strides = array<i32>} : memref<2x128x128xf32, #tpu.memory_space<vmem>>, vector<16xf32>,
        %add3A_864 = arith.constant 5 : i32
        %add3A_865 = arith.addi %mul3A_289, %add3A_864 : i32
        %get3A_866 = arith.index_cast %rem3A_142 : i32 to index
        %get3A_867 = arith.index_cast %add3A_865 : i32 to index
        %get3A_868 = arith.constant 16 : index
        %get3A_869 = tpu.vector_load %arg16[%get3A_866, %get3A_867, %get3A_868] {strides = array<i32>} : memref<2x128x128xf32, #tpu.memory_space<vmem>>, vector<16xf32>,
        %mul3A_870 = arith.mulf %get3A_869, %gather3A_850 : vector<16xf32>
        %add3A_871 = arith.constant 5 : i32
        %add3A_872 = arith.addi %mul3A_289, %add3A_871 : i32
        %swap3A_873 = arith.index_cast %rem3A_142 : i32 to index
        %swap3A_874 = arith.index_cast %add3A_872 : i32 to index
        %swap3A_875 = arith.constant 16 : index
        %swap3A_876 = tpu.vector_load %arg16[%swap3A_873, %swap3A_874, %swap3A_875] {strides = array<i32>} : memref<2x128x128xf32, #tpu.memory_space<vmem>>, vector<16xf32>,
        tpu.vector_store %arg16[%swap3A_873, %swap3A_874, %swap3A_875], %mul3A_870 {strides = array<i32>} : memref<2x128x128xf32, #tpu.memory_space<vmem>>, vector<16xf32>,
        %add3A_877 = arith.constant 5 : i32
        %add3A_878 = arith.addi %mul3A_289, %add3A_877 : i32
        %get3A_879 = arith.index_cast %rem3A_142 : i32 to index
        %get3A_880 = arith.index_cast %add3A_878 : i32 to index
        %get3A_881 = arith.constant 32 : index
        %get3A_882 = tpu.vector_load %arg16[%get3A_879, %get3A_880, %get3A_881] {strides = array<i32>} : memref<2x128x128xf32, #tpu.memory_space<vmem>>, vector<16xf32>,
        %mul3A_883 = arith.mulf %get3A_882, %gather3A_850 : vector<16xf32>
        %add3A_884 = arith.constant 5 : i32
        %add3A_885 = arith.addi %mul3A_289, %add3A_884 : i32
        %swap3A_886 = arith.index_cast %rem3A_142 : i32 to index
        %swap3A_887 = arith.index_cast %add3A_885 : i32 to index
        %swap3A_888 = arith.constant 32 : index
        %swap3A_889 = tpu.vector_load %arg16[%swap3A_886, %swap3A_887, %swap3A_888] {strides = array<i32>} : memref<2x128x128xf32, #tpu.memory_space<vmem>>, vector<16xf32>,
        tpu.vector_store %arg16[%swap3A_886, %swap3A_887, %swap3A_888], %mul3A_883 {strides = array<i32>} : memref<2x128x128xf32, #tpu.memory_space<vmem>>, vector<16xf32>,
        %add3A_890 = arith.constant 5 : i32
        %add3A_891 = arith.addi %mul3A_289, %add3A_890 : i32
        %get3A_892 = arith.index_cast %rem3A_142 : i32 to index
        %get3A_893 = arith.index_cast %add3A_891 : i32 to index
        %get3A_894 = arith.constant 48 : index
        %get3A_895 = tpu.vector_load %arg16[%get3A_892, %get3A_893, %get3A_894] {strides = array<i32>} : memref<2x128x128xf32, #tpu.memory_space<vmem>>, vector<16xf32>,
        %mul3A_896 = arith.mulf %get3A_895, %gather3A_850 : vector<16xf32>
        %add3A_897 = arith.constant 5 : i32
        %add3A_898 = arith.addi %mul3A_289, %add3A_897 : i32
        %swap3A_899 = arith.index_cast %rem3A_142 : i32 to index
        %swap3A_900 = arith.index_cast %add3A_898 : i32 to index
        %swap3A_901 = arith.constant 48 : index
        %swap3A_902 = tpu.vector_load %arg16[%swap3A_899, %swap3A_900, %swap3A_901] {strides = array<i32>} : memref<2x128x128xf32, #tpu.memory_space<vmem>>, vector<16xf32>,
        tpu.vector_store %arg16[%swap3A_899, %swap3A_900, %swap3A_901], %mul3A_896 {strides = array<i32>} : memref<2x128x128xf32, #tpu.memory_space<vmem>>, vector<16xf32>,
        %add3A_903 = arith.constant 5 : i32
        %add3A_904 = arith.addi %mul3A_289, %add3A_903 : i32
        %get3A_905 = arith.index_cast %rem3A_142 : i32 to index
        %get3A_906 = arith.index_cast %add3A_904 : i32 to index
        %get3A_907 = arith.constant 64 : index
        %get3A_908 = tpu.vector_load %arg16[%get3A_905, %get3A_906, %get3A_907] {strides = array<i32>} : memref<2x128x128xf32, #tpu.memory_space<vmem>>, vector<16xf32>,
        %mul3A_909 = arith.mulf %get3A_908, %gather3A_850 : vector<16xf32>
        %add3A_910 = arith.constant 5 : i32
        %add3A_911 = arith.addi %mul3A_289, %add3A_910 : i32
        %swap3A_912 = arith.index_cast %rem3A_142 : i32 to index
        %swap3A_913 = arith.index_cast %add3A_911 : i32 to index
        %swap3A_914 = arith.constant 64 : index
        %swap3A_915 = tpu.vector_load %arg16[%swap3A_912, %swap3A_913, %swap3A_914] {strides = array<i32>} : memref<2x128x128xf32, #tpu.memory_space<vmem>>, vector<16xf32>,
        tpu.vector_store %arg16[%swap3A_912, %swap3A_913, %swap3A_914], %mul3A_909 {strides = array<i32>} : memref<2x128x128xf32, #tpu.memory_space<vmem>>, vector<16xf32>,
        %add3A_916 = arith.constant 5 : i32
        %add3A_917 = arith.addi %mul3A_289, %add3A_916 : i32
        %get3A_918 = arith.index_cast %rem3A_142 : i32 to index
        %get3A_919 = arith.index_cast %add3A_917 : i32 to index
        %get3A_920 = arith.constant 80 : index
        %get3A_921 = tpu.vector_load %arg16[%get3A_918, %get3A_919, %get3A_920] {strides = array<i32>} : memref<2x128x128xf32, #tpu.memory_space<vmem>>, vector<16xf32>,
        %mul3A_922 = arith.mulf %get3A_921, %gather3A_850 : vector<16xf32>
        %add3A_923 = arith.constant 5 : i32
        %add3A_924 = arith.addi %mul3A_289, %add3A_923 : i32
        %swap3A_925 = arith.index_cast %rem3A_142 : i32 to index
        %swap3A_926 = arith.index_cast %add3A_924 : i32 to index
        %swap3A_927 = arith.constant 80 : index
        %swap3A_928 = tpu.vector_load %arg16[%swap3A_925, %swap3A_926, %swap3A_927] {strides = array<i32>} : memref<2x128x128xf32, #tpu.memory_space<vmem>>, vector<16xf32>,
        tpu.vector_store %arg16[%swap3A_925, %swap3A_926, %swap3A_927], %mul3A_922 {strides = array<i32>} : memref<2x128x128xf32, #tpu.memory_space<vmem>>, vector<16xf32>,
        %add3A_929 = arith.constant 5 : i32
        %add3A_930 = arith.addi %mul3A_289, %add3A_929 : i32
        %get3A_931 = arith.index_cast %rem3A_142 : i32 to index
        %get3A_932 = arith.index_cast %add3A_930 : i32 to index
        %get3A_933 = arith.constant 96 : index
        %get3A_934 = tpu.vector_load %arg16[%get3A_931, %get3A_932, %get3A_933] {strides = array<i32>} : memref<2x128x128xf32, #tpu.memory_space<vmem>>, vector<16xf32>,
        %mul3A_935 = arith.mulf %get3A_934, %gather3A_850 : vector<16xf32>
        %add3A_936 = arith.constant 5 : i32
        %add3A_937 = arith.addi %mul3A_289, %add3A_936 : i32
        %swap3A_938 = arith.index_cast %rem3A_142 : i32 to index
        %swap3A_939 = arith.index_cast %add3A_937 : i32 to index
        %swap3A_940 = arith.constant 96 : index
        %swap3A_941 = tpu.vector_load %arg16[%swap3A_938, %swap3A_939, %swap3A_940] {strides = array<i32>} : memref<2x128x128xf32, #tpu.memory_space<vmem>>, vector<16xf32>,
        tpu.vector_store %arg16[%swap3A_938, %swap3A_939, %swap3A_940], %mul3A_935 {strides = array<i32>} : memref<2x128x128xf32, #tpu.memory_space<vmem>>, vector<16xf32>,
        %add3A_942 = arith.constant 5 : i32
        %add3A_943 = arith.addi %mul3A_289, %add3A_942 : i32
        %get3A_944 = arith.index_cast %rem3A_142 : i32 to index
        %get3A_945 = arith.index_cast %add3A_943 : i32 to index
        %get3A_946 = arith.constant 112 : index
        %get3A_947 = tpu.vector_load %arg16[%get3A_944, %get3A_945, %get3A_946] {strides = array<i32>} : memref<2x128x128xf32, #tpu.memory_space<vmem>>, vector<16xf32>,
        %mul3A_948 = arith.mulf %get3A_947, %gather3A_850 : vector<16xf32>
        %add3A_949 = arith.constant 5 : i32
        %add3A_950 = arith.addi %mul3A_289, %add3A_949 : i32
        %swap3A_951 = arith.index_cast %rem3A_142 : i32 to index
        %swap3A_952 = arith.index_cast %add3A_950 : i32 to index
        %swap3A_953 = arith.constant 112 : index
        %swap3A_954 = tpu.vector_load %arg16[%swap3A_951, %swap3A_952, %swap3A_953] {strides = array<i32>} : memref<2x128x128xf32, #tpu.memory_space<vmem>>, vector<16xf32>,
        tpu.vector_store %arg16[%swap3A_951, %swap3A_952, %swap3A_953], %mul3A_948 {strides = array<i32>} : memref<2x128x128xf32, #tpu.memory_space<vmem>>, vector<16xf32>,
        %broadcast_in_dim3A_955 = arith.constant 0 : i32
        %broadcast_in_dim3A_956 = vector.broadcast %broadcast_in_dim3A_955 : i32 to vector<16xi32>
        %add3A_957 = arith.constant 6 : i32
        %add3A_958 = arith.addi %mul3A_289, %add3A_957 : i32
        %add3A_959 = vector.broadcast %add3A_958 : i32 to vector<16xi32>
        %add3A_960 = arith.addi %broadcast_in_dim3A_956, %add3A_959 : vector<16xi32>
        %gather3A_961 = tpu.vector_load_idx %arg19[%add3A_960] : memref<128xf32, #tpu.memory_space<vmem>>[vector<16xi32>], vector<16xf32>,
        %add3A_962 = arith.constant 6 : i32
        %add3A_963 = arith.addi %mul3A_289, %add3A_962 : i32
        %get3A_964 = arith.index_cast %rem3A_142 : i32 to index
        %get3A_965 = arith.index_cast %add3A_963 : i32 to index
        %get3A_966 = arith.constant 0 : index
        %get3A_967 = tpu.vector_load %arg16[%get3A_964, %get3A_965, %get3A_966] {strides = array<i32>} : memref<2x128x128xf32, #tpu.memory_space<vmem>>, vector<16xf32>,
        %mul3A_968 = arith.mulf %get3A_967, %gather3A_961 : vector<16xf32>
        %add3A_969 = arith.constant 6 : i32
        %add3A_970 = arith.addi %mul3A_289, %add3A_969 : i32
        %swap3A_971 = arith.index_cast %rem3A_142 : i32 to index
        %swap3A_972 = arith.index_cast %add3A_970 : i32 to index
        %swap3A_973 = arith.constant 0 : index
        %swap3A_974 = tpu.vector_load %arg16[%swap3A_971, %swap3A_972, %swap3A_973] {strides = array<i32>} : memref<2x128x128xf32, #tpu.memory_space<vmem>>, vector<16xf32>,
        tpu.vector_store %arg16[%swap3A_971, %swap3A_972, %swap3A_973], %mul3A_968 {strides = array<i32>} : memref<2x128x128xf32, #tpu.memory_space<vmem>>, vector<16xf32>,
        %add3A_975 = arith.constant 6 : i32
        %add3A_976 = arith.addi %mul3A_289, %add3A_975 : i32
        %get3A_977 = arith.index_cast %rem3A_142 : i32 to index
        %get3A_978 = arith.index_cast %add3A_976 : i32 to index
        %get3A_979 = arith.constant 16 : index
        %get3A_980 = tpu.vector_load %arg16[%get3A_977, %get3A_978, %get3A_979] {strides = array<i32>} : memref<2x128x128xf32, #tpu.memory_space<vmem>>, vector<16xf32>,
        %mul3A_981 = arith.mulf %get3A_980, %gather3A_961 : vector<16xf32>
        %add3A_982 = arith.constant 6 : i32
        %add3A_983 = arith.addi %mul3A_289, %add3A_982 : i32
        %swap3A_984 = arith.index_cast %rem3A_142 : i32 to index
        %swap3A_985 = arith.index_cast %add3A_983 : i32 to index
        %swap3A_986 = arith.constant 16 : index
        %swap3A_987 = tpu.vector_load %arg16[%swap3A_984, %swap3A_985, %swap3A_986] {strides = array<i32>} : memref<2x128x128xf32, #tpu.memory_space<vmem>>, vector<16xf32>,
        tpu.vector_store %arg16[%swap3A_984, %swap3A_985, %swap3A_986], %mul3A_981 {strides = array<i32>} : memref<2x128x128xf32, #tpu.memory_space<vmem>>, vector<16xf32>,
        %add3A_988 = arith.constant 6 : i32
        %add3A_989 = arith.addi %mul3A_289, %add3A_988 : i32
        %get3A_990 = arith.index_cast %rem3A_142 : i32 to index
        %get3A_991 = arith.index_cast %add3A_989 : i32 to index
        %get3A_992 = arith.constant 32 : index
        %get3A_993 = tpu.vector_load %arg16[%get3A_990, %get3A_991, %get3A_992] {strides = array<i32>} : memref<2x128x128xf32, #tpu.memory_space<vmem>>, vector<16xf32>,
        %mul3A_994 = arith.mulf %get3A_993, %gather3A_961 : vector<16xf32>
        %add3A_995 = arith.constant 6 : i32
        %add3A_996 = arith.addi %mul3A_289, %add3A_995 : i32
        %swap3A_997 = arith.index_cast %rem3A_142 : i32 to index
        %swap3A_998 = arith.index_cast %add3A_996 : i32 to index
        %swap3A_999 = arith.constant 32 : index
        %swap3A_1000 = tpu.vector_load %arg16[%swap3A_997, %swap3A_998, %swap3A_999] {strides = array<i32>} : memref<2x128x128xf32, #tpu.memory_space<vmem>>, vector<16xf32>,
        tpu.vector_store %arg16[%swap3A_997, %swap3A_998, %swap3A_999], %mul3A_994 {strides = array<i32>} : memref<2x128x128xf32, #tpu.memory_space<vmem>>, vector<16xf32>,
        %add3A_1001 = arith.constant 6 : i32
        %add3A_1002 = arith.addi %mul3A_289, %add3A_1001 : i32
        %get3A_1003 = arith.index_cast %rem3A_142 : i32 to index
        %get3A_1004 = arith.index_cast %add3A_1002 : i32 to index
        %get3A_1005 = arith.constant 48 : index
        %get3A_1006 = tpu.vector_load %arg16[%get3A_1003, %get3A_1004, %get3A_1005] {strides = array<i32>} : memref<2x128x128xf32, #tpu.memory_space<vmem>>, vector<16xf32>,
        %mul3A_1007 = arith.mulf %get3A_1006, %gather3A_961 : vector<16xf32>
        %add3A_1008 = arith.constant 6 : i32
        %add3A_1009 = arith.addi %mul3A_289, %add3A_1008 : i32
        %swap3A_1010 = arith.index_cast %rem3A_142 : i32 to index
        %swap3A_1011 = arith.index_cast %add3A_1009 : i32 to index
        %swap3A_1012 = arith.constant 48 : index
        %swap3A_1013 = tpu.vector_load %arg16[%swap3A_1010, %swap3A_1011, %swap3A_1012] {strides = array<i32>} : memref<2x128x128xf32, #tpu.memory_space<vmem>>, vector<16xf32>,
        tpu.vector_store %arg16[%swap3A_1010, %swap3A_1011, %swap3A_1012], %mul3A_1007 {strides = array<i32>} : memref<2x128x128xf32, #tpu.memory_space<vmem>>, vector<16xf32>,
        %add3A_1014 = arith.constant 6 : i32
        %add3A_1015 = arith.addi %mul3A_289, %add3A_1014 : i32
        %get3A_1016 = arith.index_cast %rem3A_142 : i32 to index
        %get3A_1017 = arith.index_cast %add3A_1015 : i32 to index
        %get3A_1018 = arith.constant 64 : index
        %get3A_1019 = tpu.vector_load %arg16[%get3A_1016, %get3A_1017, %get3A_1018] {strides = array<i32>} : memref<2x128x128xf32, #tpu.memory_space<vmem>>, vector<16xf32>,
        %mul3A_1020 = arith.mulf %get3A_1019, %gather3A_961 : vector<16xf32>
        %add3A_1021 = arith.constant 6 : i32
        %add3A_1022 = arith.addi %mul3A_289, %add3A_1021 : i32
        %swap3A_1023 = arith.index_cast %rem3A_142 : i32 to index
        %swap3A_1024 = arith.index_cast %add3A_1022 : i32 to index
        %swap3A_1025 = arith.constant 64 : index
        %swap3A_1026 = tpu.vector_load %arg16[%swap3A_1023, %swap3A_1024, %swap3A_1025] {strides = array<i32>} : memref<2x128x128xf32, #tpu.memory_space<vmem>>, vector<16xf32>,
        tpu.vector_store %arg16[%swap3A_1023, %swap3A_1024, %swap3A_1025], %mul3A_1020 {strides = array<i32>} : memref<2x128x128xf32, #tpu.memory_space<vmem>>, vector<16xf32>,
        %add3A_1027 = arith.constant 6 : i32
        %add3A_1028 = arith.addi %mul3A_289, %add3A_1027 : i32
        %get3A_1029 = arith.index_cast %rem3A_142 : i32 to index
        %get3A_1030 = arith.index_cast %add3A_1028 : i32 to index
        %get3A_1031 = arith.constant 80 : index
        %get3A_1032 = tpu.vector_load %arg16[%get3A_1029, %get3A_1030, %get3A_1031] {strides = array<i32>} : memref<2x128x128xf32, #tpu.memory_space<vmem>>, vector<16xf32>,
        %mul3A_1033 = arith.mulf %get3A_1032, %gather3A_961 : vector<16xf32>
        %add3A_1034 = arith.constant 6 : i32
        %add3A_1035 = arith.addi %mul3A_289, %add3A_1034 : i32
        %swap3A_1036 = arith.index_cast %rem3A_142 : i32 to index
        %swap3A_1037 = arith.index_cast %add3A_1035 : i32 to index
        %swap3A_1038 = arith.constant 80 : index
        %swap3A_1039 = tpu.vector_load %arg16[%swap3A_1036, %swap3A_1037, %swap3A_1038] {strides = array<i32>} : memref<2x128x128xf32, #tpu.memory_space<vmem>>, vector<16xf32>,
        tpu.vector_store %arg16[%swap3A_1036, %swap3A_1037, %swap3A_1038], %mul3A_1033 {strides = array<i32>} : memref<2x128x128xf32, #tpu.memory_space<vmem>>, vector<16xf32>,
        %add3A_1040 = arith.constant 6 : i32
        %add3A_1041 = arith.addi %mul3A_289, %add3A_1040 : i32
        %get3A_1042 = arith.index_cast %rem3A_142 : i32 to index
        %get3A_1043 = arith.index_cast %add3A_1041 : i32 to index
        %get3A_1044 = arith.constant 96 : index
        %get3A_1045 = tpu.vector_load %arg16[%get3A_1042, %get3A_1043, %get3A_1044] {strides = array<i32>} : memref<2x128x128xf32, #tpu.memory_space<vmem>>, vector<16xf32>,
        %mul3A_1046 = arith.mulf %get3A_1045, %gather3A_961 : vector<16xf32>
        %add3A_1047 = arith.constant 6 : i32
        %add3A_1048 = arith.addi %mul3A_289, %add3A_1047 : i32
        %swap3A_1049 = arith.index_cast %rem3A_142 : i32 to index
        %swap3A_1050 = arith.index_cast %add3A_1048 : i32 to index
        %swap3A_1051 = arith.constant 96 : index
        %swap3A_1052 = tpu.vector_load %arg16[%swap3A_1049, %swap3A_1050, %swap3A_1051] {strides = array<i32>} : memref<2x128x128xf32, #tpu.memory_space<vmem>>, vector<16xf32>,
        tpu.vector_store %arg16[%swap3A_1049, %swap3A_1050, %swap3A_1051], %mul3A_1046 {strides = array<i32>} : memref<2x128x128xf32, #tpu.memory_space<vmem>>, vector<16xf32>,
        %add3A_1053 = arith.constant 6 : i32
        %add3A_1054 = arith.addi %mul3A_289, %add3A_1053 : i32
        %get3A_1055 = arith.index_cast %rem3A_142 : i32 to index
        %get3A_1056 = arith.index_cast %add3A_1054 : i32 to index
        %get3A_1057 = arith.constant 112 : index
        %get3A_1058 = tpu.vector_load %arg16[%get3A_1055, %get3A_1056, %get3A_1057] {strides = array<i32>} : memref<2x128x128xf32, #tpu.memory_space<vmem>>, vector<16xf32>,
        %mul3A_1059 = arith.mulf %get3A_1058, %gather3A_961 : vector<16xf32>
        %add3A_1060 = arith.constant 6 : i32
        %add3A_1061 = arith.addi %mul3A_289, %add3A_1060 : i32
        %swap3A_1062 = arith.index_cast %rem3A_142 : i32 to index
        %swap3A_1063 = arith.index_cast %add3A_1061 : i32 to index
        %swap3A_1064 = arith.constant 112 : index
        %swap3A_1065 = tpu.vector_load %arg16[%swap3A_1062, %swap3A_1063, %swap3A_1064] {strides = array<i32>} : memref<2x128x128xf32, #tpu.memory_space<vmem>>, vector<16xf32>,
        tpu.vector_store %arg16[%swap3A_1062, %swap3A_1063, %swap3A_1064], %mul3A_1059 {strides = array<i32>} : memref<2x128x128xf32, #tpu.memory_space<vmem>>, vector<16xf32>,
        %broadcast_in_dim3A_1066 = arith.constant 0 : i32
        %broadcast_in_dim3A_1067 = vector.broadcast %broadcast_in_dim3A_1066 : i32 to vector<16xi32>
        %add3A_1068 = arith.constant 7 : i32
        %add3A_1069 = arith.addi %mul3A_289, %add3A_1068 : i32
        %add3A_1070 = vector.broadcast %add3A_1069 : i32 to vector<16xi32>
        %add3A_1071 = arith.addi %broadcast_in_dim3A_1067, %add3A_1070 : vector<16xi32>
        %gather3A_1072 = tpu.vector_load_idx %arg19[%add3A_1071] : memref<128xf32, #tpu.memory_space<vmem>>[vector<16xi32>], vector<16xf32>,
        %add3A_1073 = arith.constant 7 : i32
        %add3A_1074 = arith.addi %mul3A_289, %add3A_1073 : i32
        %get3A_1075 = arith.index_cast %rem3A_142 : i32 to index
        %get3A_1076 = arith.index_cast %add3A_1074 : i32 to index
        %get3A_1077 = arith.constant 0 : index
        %get3A_1078 = tpu.vector_load %arg16[%get3A_1075, %get3A_1076, %get3A_1077] {strides = array<i32>} : memref<2x128x128xf32, #tpu.memory_space<vmem>>, vector<16xf32>,
        %mul3A_1079 = arith.mulf %get3A_1078, %gather3A_1072 : vector<16xf32>
        %add3A_1080 = arith.constant 7 : i32
        %add3A_1081 = arith.addi %mul3A_289, %add3A_1080 : i32
        %swap3A_1082 = arith.index_cast %rem3A_142 : i32 to index
        %swap3A_1083 = arith.index_cast %add3A_1081 : i32 to index
        %swap3A_1084 = arith.constant 0 : index
        %swap3A_1085 = tpu.vector_load %arg16[%swap3A_1082, %swap3A_1083, %swap3A_1084] {strides = array<i32>} : memref<2x128x128xf32, #tpu.memory_space<vmem>>, vector<16xf32>,
        tpu.vector_store %arg16[%swap3A_1082, %swap3A_1083, %swap3A_1084], %mul3A_1079 {strides = array<i32>} : memref<2x128x128xf32, #tpu.memory_space<vmem>>, vector<16xf32>,
        %add3A_1086 = arith.constant 7 : i32
        %add3A_1087 = arith.addi %mul3A_289, %add3A_1086 : i32
        %get3A_1088 = arith.index_cast %rem3A_142 : i32 to index
        %get3A_1089 = arith.index_cast %add3A_1087 : i32 to index
        %get3A_1090 = arith.constant 16 : index
        %get3A_1091 = tpu.vector_load %arg16[%get3A_1088, %get3A_1089, %get3A_1090] {strides = array<i32>} : memref<2x128x128xf32, #tpu.memory_space<vmem>>, vector<16xf32>,
        %mul3A_1092 = arith.mulf %get3A_1091, %gather3A_1072 : vector<16xf32>
        %add3A_1093 = arith.constant 7 : i32
        %add3A_1094 = arith.addi %mul3A_289, %add3A_1093 : i32
        %swap3A_1095 = arith.index_cast %rem3A_142 : i32 to index
        %swap3A_1096 = arith.index_cast %add3A_1094 : i32 to index
        %swap3A_1097 = arith.constant 16 : index
        %swap3A_1098 = tpu.vector_load %arg16[%swap3A_1095, %swap3A_1096, %swap3A_1097] {strides = array<i32>} : memref<2x128x128xf32, #tpu.memory_space<vmem>>, vector<16xf32>,
        tpu.vector_store %arg16[%swap3A_1095, %swap3A_1096, %swap3A_1097], %mul3A_1092 {strides = array<i32>} : memref<2x128x128xf32, #tpu.memory_space<vmem>>, vector<16xf32>,
        %add3A_1099 = arith.constant 7 : i32
        %add3A_1100 = arith.addi %mul3A_289, %add3A_1099 : i32
        %get3A_1101 = arith.index_cast %rem3A_142 : i32 to index
        %get3A_1102 = arith.index_cast %add3A_1100 : i32 to index
        %get3A_1103 = arith.constant 32 : index
        %get3A_1104 = tpu.vector_load %arg16[%get3A_1101, %get3A_1102, %get3A_1103] {strides = array<i32>} : memref<2x128x128xf32, #tpu.memory_space<vmem>>, vector<16xf32>,
        %mul3A_1105 = arith.mulf %get3A_1104, %gather3A_1072 : vector<16xf32>
        %add3A_1106 = arith.constant 7 : i32
        %add3A_1107 = arith.addi %mul3A_289, %add3A_1106 : i32
        %swap3A_1108 = arith.index_cast %rem3A_142 : i32 to index
        %swap3A_1109 = arith.index_cast %add3A_1107 : i32 to index
        %swap3A_1110 = arith.constant 32 : index
        %swap3A_1111 = tpu.vector_load %arg16[%swap3A_1108, %swap3A_1109, %swap3A_1110] {strides = array<i32>} : memref<2x128x128xf32, #tpu.memory_space<vmem>>, vector<16xf32>,
        tpu.vector_store %arg16[%swap3A_1108, %swap3A_1109, %swap3A_1110], %mul3A_1105 {strides = array<i32>} : memref<2x128x128xf32, #tpu.memory_space<vmem>>, vector<16xf32>,
        %add3A_1112 = arith.constant 7 : i32
        %add3A_1113 = arith.addi %mul3A_289, %add3A_1112 : i32
        %get3A_1114 = arith.index_cast %rem3A_142 : i32 to index
        %get3A_1115 = arith.index_cast %add3A_1113 : i32 to index
        %get3A_1116 = arith.constant 48 : index
        %get3A_1117 = tpu.vector_load %arg16[%get3A_1114, %get3A_1115, %get3A_1116] {strides = array<i32>} : memref<2x128x128xf32, #tpu.memory_space<vmem>>, vector<16xf32>,
        %mul3A_1118 = arith.mulf %get3A_1117, %gather3A_1072 : vector<16xf32>
        %add3A_1119 = arith.constant 7 : i32
        %add3A_1120 = arith.addi %mul3A_289, %add3A_1119 : i32
        %swap3A_1121 = arith.index_cast %rem3A_142 : i32 to index
        %swap3A_1122 = arith.index_cast %add3A_1120 : i32 to index
        %swap3A_1123 = arith.constant 48 : index
        %swap3A_1124 = tpu.vector_load %arg16[%swap3A_1121, %swap3A_1122, %swap3A_1123] {strides = array<i32>} : memref<2x128x128xf32, #tpu.memory_space<vmem>>, vector<16xf32>,
        tpu.vector_store %arg16[%swap3A_1121, %swap3A_1122, %swap3A_1123], %mul3A_1118 {strides = array<i32>} : memref<2x128x128xf32, #tpu.memory_space<vmem>>, vector<16xf32>,
        %add3A_1125 = arith.constant 7 : i32
        %add3A_1126 = arith.addi %mul3A_289, %add3A_1125 : i32
        %get3A_1127 = arith.index_cast %rem3A_142 : i32 to index
        %get3A_1128 = arith.index_cast %add3A_1126 : i32 to index
        %get3A_1129 = arith.constant 64 : index
        %get3A_1130 = tpu.vector_load %arg16[%get3A_1127, %get3A_1128, %get3A_1129] {strides = array<i32>} : memref<2x128x128xf32, #tpu.memory_space<vmem>>, vector<16xf32>,
        %mul3A_1131 = arith.mulf %get3A_1130, %gather3A_1072 : vector<16xf32>
        %add3A_1132 = arith.constant 7 : i32
        %add3A_1133 = arith.addi %mul3A_289, %add3A_1132 : i32
        %swap3A_1134 = arith.index_cast %rem3A_142 : i32 to index
        %swap3A_1135 = arith.index_cast %add3A_1133 : i32 to index
        %swap3A_1136 = arith.constant 64 : index
        %swap3A_1137 = tpu.vector_load %arg16[%swap3A_1134, %swap3A_1135, %swap3A_1136] {strides = array<i32>} : memref<2x128x128xf32, #tpu.memory_space<vmem>>, vector<16xf32>,
        tpu.vector_store %arg16[%swap3A_1134, %swap3A_1135, %swap3A_1136], %mul3A_1131 {strides = array<i32>} : memref<2x128x128xf32, #tpu.memory_space<vmem>>, vector<16xf32>,
        %add3A_1138 = arith.constant 7 : i32
        %add3A_1139 = arith.addi %mul3A_289, %add3A_1138 : i32
        %get3A_1140 = arith.index_cast %rem3A_142 : i32 to index
        %get3A_1141 = arith.index_cast %add3A_1139 : i32 to index
        %get3A_1142 = arith.constant 80 : index
        %get3A_1143 = tpu.vector_load %arg16[%get3A_1140, %get3A_1141, %get3A_1142] {strides = array<i32>} : memref<2x128x128xf32, #tpu.memory_space<vmem>>, vector<16xf32>,
        %mul3A_1144 = arith.mulf %get3A_1143, %gather3A_1072 : vector<16xf32>
        %add3A_1145 = arith.constant 7 : i32
        %add3A_1146 = arith.addi %mul3A_289, %add3A_1145 : i32
        %swap3A_1147 = arith.index_cast %rem3A_142 : i32 to index
        %swap3A_1148 = arith.index_cast %add3A_1146 : i32 to index
        %swap3A_1149 = arith.constant 80 : index
        %swap3A_1150 = tpu.vector_load %arg16[%swap3A_1147, %swap3A_1148, %swap3A_1149] {strides = array<i32>} : memref<2x128x128xf32, #tpu.memory_space<vmem>>, vector<16xf32>,
        tpu.vector_store %arg16[%swap3A_1147, %swap3A_1148, %swap3A_1149], %mul3A_1144 {strides = array<i32>} : memref<2x128x128xf32, #tpu.memory_space<vmem>>, vector<16xf32>,
        %add3A_1151 = arith.constant 7 : i32
        %add3A_1152 = arith.addi %mul3A_289, %add3A_1151 : i32
        %get3A_1153 = arith.index_cast %rem3A_142 : i32 to index
        %get3A_1154 = arith.index_cast %add3A_1152 : i32 to index
        %get3A_1155 = arith.constant 96 : index
        %get3A_1156 = tpu.vector_load %arg16[%get3A_1153, %get3A_1154, %get3A_1155] {strides = array<i32>} : memref<2x128x128xf32, #tpu.memory_space<vmem>>, vector<16xf32>,
        %mul3A_1157 = arith.mulf %get3A_1156, %gather3A_1072 : vector<16xf32>
        %add3A_1158 = arith.constant 7 : i32
        %add3A_1159 = arith.addi %mul3A_289, %add3A_1158 : i32
        %swap3A_1160 = arith.index_cast %rem3A_142 : i32 to index
        %swap3A_1161 = arith.index_cast %add3A_1159 : i32 to index
        %swap3A_1162 = arith.constant 96 : index
        %swap3A_1163 = tpu.vector_load %arg16[%swap3A_1160, %swap3A_1161, %swap3A_1162] {strides = array<i32>} : memref<2x128x128xf32, #tpu.memory_space<vmem>>, vector<16xf32>,
        tpu.vector_store %arg16[%swap3A_1160, %swap3A_1161, %swap3A_1162], %mul3A_1157 {strides = array<i32>} : memref<2x128x128xf32, #tpu.memory_space<vmem>>, vector<16xf32>,
        %add3A_1164 = arith.constant 7 : i32
        %add3A_1165 = arith.addi %mul3A_289, %add3A_1164 : i32
        %get3A_1166 = arith.index_cast %rem3A_142 : i32 to index
        %get3A_1167 = arith.index_cast %add3A_1165 : i32 to index
        %get3A_1168 = arith.constant 112 : index
        %get3A_1169 = tpu.vector_load %arg16[%get3A_1166, %get3A_1167, %get3A_1168] {strides = array<i32>} : memref<2x128x128xf32, #tpu.memory_space<vmem>>, vector<16xf32>,
        %mul3A_1170 = arith.mulf %get3A_1169, %gather3A_1072 : vector<16xf32>
        %add3A_1171 = arith.constant 7 : i32
        %add3A_1172 = arith.addi %mul3A_289, %add3A_1171 : i32
        %swap3A_1173 = arith.index_cast %rem3A_142 : i32 to index
        %swap3A_1174 = arith.index_cast %add3A_1172 : i32 to index
        %swap3A_1175 = arith.constant 112 : index
        %swap3A_1176 = tpu.vector_load %arg16[%swap3A_1173, %swap3A_1174, %swap3A_1175] {strides = array<i32>} : memref<2x128x128xf32, #tpu.memory_space<vmem>>, vector<16xf32>,
        tpu.vector_store %arg16[%swap3A_1173, %swap3A_1174, %swap3A_1175], %mul3A_1170 {strides = array<i32>} : memref<2x128x128xf32, #tpu.memory_space<vmem>>, vector<16xf32>,
        %scan3A_1177 = arith.constant 0 : i32
        scf.yield %scan3A_1177 : i32
      }
      %scan3A_284 = arith.constant 16 : i32
      "tpu.region"() ({
        %run_scoped3A_286 = tpu.sem_alloc : memref<!tpu.dma_semaphore, #tpu.memory_space<semaphore_mem>>
        %dma_start3A_287 = arith.constant 0 : i32
        %dma_start3A_288 = arith.constant 0 : i32
        %dma_start3A_289 = tpu.memref_slice %arg16[%rem3A_142, %dma_start3A_287, %dma_start3A_288] : memref<2x128x128xf32, #tpu.memory_space<vmem>> -> memref<1x128x128xf32, #tpu.memory_space<vmem>>
        %dma_start3A_290 = tpu.memref_squeeze %dma_start3A_289 : memref<1x128x128xf32, #tpu.memory_space<vmem>> -> memref<128x128xf32, #tpu.memory_space<vmem>>
        %dma_start3A_291 = arith.constant 0 : i32
        %dma_start3A_292 = tpu.memref_slice %arg17[%rem3A_142, %dma_start3A_291] : memref<2x128xi32, #tpu.memory_space<vmem>> -> memref<1x128xi32, #tpu.memory_space<vmem>>
        %dma_start3A_293 = tpu.memref_squeeze %dma_start3A_292 : memref<1x128xi32, #tpu.memory_space<vmem>> -> memref<128xi32, #tpu.memory_space<vmem>>
        %dma_start3A_294 = arith.constant 0 : i32
        %dma_start3A_295 = arith.constant 0 : i32
        %dma_start3A_296 = tpu.memref_slice %arg21[%dma_start3A_294, %dma_start3A_295] : memref<1024x128xf32, #tpu.memory_space<vmem_shared>> -> memref<1024x128xf32, #tpu.memory_space<vmem_shared>>
        tpu.enqueue_indirect_dma source(%dma_start3A_290 : memref<128x128xf32, #tpu.memory_space<vmem>>) target(%dma_start3A_296 : memref<1024x128xf32, #tpu.memory_space<vmem_shared>>) offsets(%dma_start3A_293 : memref<128xi32, #tpu.memory_space<vmem>>) semaphore(%run_scoped3A_286 : memref<!tpu.dma_semaphore, #tpu.memory_space<semaphore_mem>>) {add = true}
        %dma_wait3A_297 = arith.constant 0 : i32
        %dma_wait3A_298 = arith.constant 0 : i32
        %dma_wait3A_299 = tpu.memref_slice %arg16[%rem3A_142, %dma_wait3A_297, %dma_wait3A_298] : memref<2x128x128xf32, #tpu.memory_space<vmem>> -> memref<1x128x128xf32, #tpu.memory_space<vmem>>
        %dma_wait3A_300 = tpu.memref_squeeze %dma_wait3A_299 : memref<1x128x128xf32, #tpu.memory_space<vmem>> -> memref<128x128xf32, #tpu.memory_space<vmem>>
        %dma_wait3A_301 = arith.constant 0 : i32
        %dma_wait3A_302 = tpu.memref_slice %arg17[%rem3A_142, %dma_wait3A_301] : memref<2x128xi32, #tpu.memory_space<vmem>> -> memref<1x128xi32, #tpu.memory_space<vmem>>
        %dma_wait3A_303 = tpu.memref_squeeze %dma_wait3A_302 : memref<1x128xi32, #tpu.memory_space<vmem>> -> memref<128xi32, #tpu.memory_space<vmem>>
        %dma_wait3A_304 = arith.constant 0 : i32
        %dma_wait3A_305 = arith.constant 0 : i32
        %dma_wait3A_306 = tpu.memref_slice %arg21[%dma_wait3A_304, %dma_wait3A_305] : memref<1024x128xf32, #tpu.memory_space<vmem_shared>> -> memref<1024x128xf32, #tpu.memory_space<vmem_shared>>
        tpu.wait_indirect_dma semaphore(%run_scoped3A_286 : memref<!tpu.dma_semaphore, #tpu.memory_space<semaphore_mem>>) src(%dma_wait3A_300 : memref<128x128xf32, #tpu.memory_space<vmem>>) dst(%dma_wait3A_306 : memref<1024x128xf32, #tpu.memory_space<vmem_shared>>)
        tpu.yield
      }) : () -> ()
      %while3A_285 = arith.constant 0 : i32
      scf.yield %while3A_285 : i32
    }
    %while3A_133 = arith.constant 1 : i32
    %while3A_134 = scf.for %while3A_140 = %while3A_130 to %while3A_126 step %while3A_133 iter_args(%while3A_141 = %while3A_132) -> (i32)  : i32 {
      %rem3A = arith.constant 2 : i32
      %rem3A_142 = arith.remsi %while3A_140, %rem3A : i32
      %mul3A_143 = arith.constant 32 : i32
      %mul3A_144 = arith.muli %while3A_140, %mul3A_143 : i32
      %add3A_145 = arith.addi %add3A, %mul3A_144 : i32
      %add3A_146 = arith.constant 1 : i32
      %add3A_147 = arith.addi %while3A_140, %add3A_146 : i32
      %lt3A_148 = arith.cmpi slt, %add3A_147, %add3A_91 : i32
      %convert_element_type3A = arith.extui %lt3A_148 : i1 to i32
      %cond3A = arith.constant 0 : i32
      %cond3A_149 = arith.cmpi ne, %convert_element_type3A, %cond3A : i32
      scf.if %cond3A_149 {
        %add3A_286 = arith.constant 1 : i32
        %add3A_287 = arith.addi %while3A_140, %add3A_286 : i32
        %mul3A_288 = arith.constant 32 : i32
        %mul3A_289 = arith.muli %add3A_287, %mul3A_288 : i32
        %add3A_290 = arith.addi %add3A, %mul3A_289 : i32
        %sub3A_291 = arith.constant 1 : i32
        %sub3A_292 = arith.subi %sub3A_291, %rem3A_142 : i32
        %mul3A_293 = arith.constant 128 : i32
        %mul3A_294 = arith.muli %add3A_290, %mul3A_293 : i32
        %dma_start3A_295 = arith.constant 0 : i32
        %dma_start3A_296 = arith.constant 0 : i32
        %dma_start3A_297 = tpu.memref_slice %arg16[%sub3A_292, %dma_start3A_295, %dma_start3A_296] : memref<2x128x128xf32, #tpu.memory_space<vmem>> -> memref<1x128x128xf32, #tpu.memory_space<vmem>>
        %dma_start3A_298 = tpu.memref_squeeze %dma_start3A_297 : memref<1x128x128xf32, #tpu.memory_space<vmem>> -> memref<128x128xf32, #tpu.memory_space<vmem>>
        %dma_start3A_299 = arith.constant 0 : i32
        %dma_start3A_300 = tpu.memref_slice %arg2[%mul3A_294, %dma_start3A_299] : memref<320000x128xf32, #tpu.memory_space<hbm>> -> memref<128x128xf32, #tpu.memory_space<hbm>>
        %dma_start3A_301 = arith.constant 0 : i32
        %dma_start3A_302 = arith.constant 0 : i32
        %dma_start3A_303 = tpu.memref_slice %arg16[%sub3A_292, %dma_start3A_301, %dma_start3A_302] : memref<2x128x128xf32, #tpu.memory_space<vmem>> -> memref<1x128x128xf32, #tpu.memory_space<vmem>>
        %dma_start3A_304 = tpu.memref_squeeze %dma_start3A_303 : memref<1x128x128xf32, #tpu.memory_space<vmem>> -> memref<128x128xf32, #tpu.memory_space<vmem>>
        %dma_start3A_305 = arith.constant 0 : i32
        %dma_start3A_306 = tpu.memref_slice %arg2[%mul3A_294, %dma_start3A_305] : memref<320000x128xf32, #tpu.memory_space<hbm>> -> memref<128x128xf32, #tpu.memory_space<hbm>>
        tpu.enqueue_dma source(%dma_start3A_306 : memref<128x128xf32, #tpu.memory_space<hbm>>) target(%dma_start3A_304 : memref<128x128xf32, #tpu.memory_space<vmem>>) target_semaphore(%arg20 : memref<!tpu.dma_semaphore, #tpu.memory_space<semaphore_mem>>)
        %dma_start3A_307 = arith.constant 0 : i32
        %dma_start3A_308 = tpu.memref_slice %arg17[%sub3A_292, %dma_start3A_307] : memref<2x128xi32, #tpu.memory_space<vmem>> -> memref<1x128xi32, #tpu.memory_space<vmem>>
        %dma_start3A_309 = tpu.memref_squeeze %dma_start3A_308 : memref<1x128xi32, #tpu.memory_space<vmem>> -> memref<128xi32, #tpu.memory_space<vmem>>
        %dma_start3A_310 = tpu.memref_slice %arg3[%mul3A_294] : memref<320000xi32, #tpu.memory_space<hbm>> -> memref<128xi32, #tpu.memory_space<hbm>>
        %dma_start3A_311 = arith.constant 0 : i32
        %dma_start3A_312 = tpu.memref_slice %arg17[%sub3A_292, %dma_start3A_311] : memref<2x128xi32, #tpu.memory_space<vmem>> -> memref<1x128xi32, #tpu.memory_space<vmem>>
        %dma_start3A_313 = tpu.memref_squeeze %dma_start3A_312 : memref<1x128xi32, #tpu.memory_space<vmem>> -> memref<128xi32, #tpu.memory_space<vmem>>
        %dma_start3A_314 = tpu.memref_slice %arg3[%mul3A_294] : memref<320000xi32, #tpu.memory_space<hbm>> -> memref<128xi32, #tpu.memory_space<hbm>>
        tpu.enqueue_dma source(%dma_start3A_314 : memref<128xi32, #tpu.memory_space<hbm>>) target(%dma_start3A_313 : memref<128xi32, #tpu.memory_space<vmem>>) target_semaphore(%arg20 : memref<!tpu.dma_semaphore, #tpu.memory_space<semaphore_mem>>)
        %dma_start3A_315 = arith.constant 0 : i32
        %dma_start3A_316 = tpu.memref_slice %arg18[%sub3A_292, %dma_start3A_315] : memref<2x128xf32, #tpu.memory_space<vmem>> -> memref<1x128xf32, #tpu.memory_space<vmem>>
        %dma_start3A_317 = tpu.memref_squeeze %dma_start3A_316 : memref<1x128xf32, #tpu.memory_space<vmem>> -> memref<128xf32, #tpu.memory_space<vmem>>
        %dma_start3A_318 = tpu.memref_slice %arg4[%mul3A_294] : memref<320000xf32, #tpu.memory_space<hbm>> -> memref<128xf32, #tpu.memory_space<hbm>>
        %dma_start3A_319 = arith.constant 0 : i32
        %dma_start3A_320 = tpu.memref_slice %arg18[%sub3A_292, %dma_start3A_319] : memref<2x128xf32, #tpu.memory_space<vmem>> -> memref<1x128xf32, #tpu.memory_space<vmem>>
        %dma_start3A_321 = tpu.memref_squeeze %dma_start3A_320 : memref<1x128xf32, #tpu.memory_space<vmem>> -> memref<128xf32, #tpu.memory_space<vmem>>
        %dma_start3A_322 = tpu.memref_slice %arg4[%mul3A_294] : memref<320000xf32, #tpu.memory_space<hbm>> -> memref<128xf32, #tpu.memory_space<hbm>>
        tpu.enqueue_dma source(%dma_start3A_322 : memref<128xf32, #tpu.memory_space<hbm>>) target(%dma_start3A_321 : memref<128xf32, #tpu.memory_space<vmem>>) target_semaphore(%arg20 : memref<!tpu.dma_semaphore, #tpu.memory_space<semaphore_mem>>)
      } else {
      }
      %mul3A_150 = arith.constant 128 : i32
      %mul3A_151 = arith.muli %add3A_145, %mul3A_150 : i32
      %dma_wait3A = arith.constant 0 : i32
      %dma_wait3A_152 = arith.constant 0 : i32
      %dma_wait3A_153 = tpu.memref_slice %arg16[%rem3A_142, %dma_wait3A, %dma_wait3A_152] : memref<2x128x128xf32, #tpu.memory_space<vmem>> -> memref<1x128x128xf32, #tpu.memory_space<vmem>>
      %dma_wait3A_154 = tpu.memref_squeeze %dma_wait3A_153 : memref<1x128x128xf32, #tpu.memory_space<vmem>> -> memref<128x128xf32, #tpu.memory_space<vmem>>
      %dma_wait3A_155 = arith.constant 0 : i32
      %dma_wait3A_156 = tpu.memref_slice %arg2[%mul3A_151, %dma_wait3A_155] : memref<320000x128xf32, #tpu.memory_space<hbm>> -> memref<128x128xf32, #tpu.memory_space<hbm>>
      %dma_wait3A_157 = arith.constant 0 : i32
      %dma_wait3A_158 = arith.constant 0 : i32
      %dma_wait3A_159 = tpu.memref_slice %arg16[%rem3A_142, %dma_wait3A_157, %dma_wait3A_158] : memref<2x128x128xf32, #tpu.memory_space<vmem>> -> memref<1x128x128xf32, #tpu.memory_space<vmem>>
      %dma_wait3A_160 = tpu.memref_squeeze %dma_wait3A_159 : memref<1x128x128xf32, #tpu.memory_space<vmem>> -> memref<128x128xf32, #tpu.memory_space<vmem>>
      %dma_wait3A_161 = arith.constant 0 : i32
      %dma_wait3A_162 = tpu.memref_slice %arg2[%mul3A_151, %dma_wait3A_161] : memref<320000x128xf32, #tpu.memory_space<hbm>> -> memref<128x128xf32, #tpu.memory_space<hbm>>
      tpu.wait_dma2 semaphore(%arg20 : memref<!tpu.dma_semaphore, #tpu.memory_space<semaphore_mem>>) src(%dma_wait3A_162 : memref<128x128xf32, #tpu.memory_space<hbm>>) dst(%dma_wait3A_160 : memref<128x128xf32, #tpu.memory_space<vmem>>)
      %dma_wait3A_163 = arith.constant 0 : i32
      %dma_wait3A_164 = tpu.memref_slice %arg17[%rem3A_142, %dma_wait3A_163] : memref<2x128xi32, #tpu.memory_space<vmem>> -> memref<1x128xi32, #tpu.memory_space<vmem>>
      %dma_wait3A_165 = tpu.memref_squeeze %dma_wait3A_164 : memref<1x128xi32, #tpu.memory_space<vmem>> -> memref<128xi32, #tpu.memory_space<vmem>>
      %dma_wait3A_166 = tpu.memref_slice %arg3[%mul3A_151] : memref<320000xi32, #tpu.memory_space<hbm>> -> memref<128xi32, #tpu.memory_space<hbm>>
      %dma_wait3A_167 = arith.constant 0 : i32
      %dma_wait3A_168 = tpu.memref_slice %arg17[%rem3A_142, %dma_wait3A_167] : memref<2x128xi32, #tpu.memory_space<vmem>> -> memref<1x128xi32, #tpu.memory_space<vmem>>
      %dma_wait3A_169 = tpu.memref_squeeze %dma_wait3A_168 : memref<1x128xi32, #tpu.memory_space<vmem>> -> memref<128xi32, #tpu.memory_space<vmem>>
      %dma_wait3A_170 = tpu.memref_slice %arg3[%mul3A_151] : memref<320000xi32, #tpu.memory_space<hbm>> -> memref<128xi32, #tpu.memory_space<hbm>>
      tpu.wait_dma2 semaphore(%arg20 : memref<!tpu.dma_semaphore, #tpu.memory_space<semaphore_mem>>) src(%dma_wait3A_170 : memref<128xi32, #tpu.memory_space<hbm>>) dst(%dma_wait3A_169 : memref<128xi32, #tpu.memory_space<vmem>>)
      %dma_wait3A_171 = arith.constant 0 : i32
      %dma_wait3A_172 = tpu.memref_slice %arg18[%rem3A_142, %dma_wait3A_171] : memref<2x128xf32, #tpu.memory_space<vmem>> -> memref<1x128xf32, #tpu.memory_space<vmem>>
      %dma_wait3A_173 = tpu.memref_squeeze %dma_wait3A_172 : memref<1x128xf32, #tpu.memory_space<vmem>> -> memref<128xf32, #tpu.memory_space<vmem>>
      %dma_wait3A_174 = tpu.memref_slice %arg4[%mul3A_151] : memref<320000xf32, #tpu.memory_space<hbm>> -> memref<128xf32, #tpu.memory_space<hbm>>
      %dma_wait3A_175 = arith.constant 0 : i32
      %dma_wait3A_176 = tpu.memref_slice %arg18[%rem3A_142, %dma_wait3A_175] : memref<2x128xf32, #tpu.memory_space<vmem>> -> memref<1x128xf32, #tpu.memory_space<vmem>>
      %dma_wait3A_177 = tpu.memref_squeeze %dma_wait3A_176 : memref<1x128xf32, #tpu.memory_space<vmem>> -> memref<128xf32, #tpu.memory_space<vmem>>
      %dma_wait3A_178 = tpu.memref_slice %arg4[%mul3A_151] : memref<320000xf32, #tpu.memory_space<hbm>> -> memref<128xf32, #tpu.memory_space<hbm>>
      tpu.wait_dma2 semaphore(%arg20 : memref<!tpu.dma_semaphore, #tpu.memory_space<semaphore_mem>>) src(%dma_wait3A_178 : memref<128xf32, #tpu.memory_space<hbm>>) dst(%dma_wait3A_177 : memref<128xf32, #tpu.memory_space<vmem>>)
      %get3A = arith.index_cast %rem3A_142 : i32 to index
      %get3A_179 = arith.constant 0 : index
      %get3A_180 = tpu.vector_load %arg17[%get3A, %get3A_179] {strides = array<i32>} : memref<2x128xi32, #tpu.memory_space<vmem>>, vector<16xi32>,
      %get3A_181 = arith.index_cast %rem3A_142 : i32 to index
      %get3A_182 = arith.constant 0 : index
      %get3A_183 = tpu.vector_load %arg18[%get3A_181, %get3A_182] {strides = array<i32>} : memref<2x128xf32, #tpu.memory_space<vmem>>, vector<16xf32>,
      %gather3A = tpu.vector_load_idx %arg12[%get3A_180] : memref<1024xf32, #tpu.memory_space<vmem>>[vector<16xi32>], vector<16xf32>,
      %gather3A_184 = tpu.vector_load_idx %arg13[%get3A_180] : memref<1024xf32, #tpu.memory_space<vmem>>[vector<16xi32>], vector<16xf32>,
      %sub3A = arith.subf %get3A_183, %gather3A : vector<16xf32>
      %exp3A = math.exp %sub3A : vector<16xf32>
      %mul3A_185 = arith.mulf %exp3A, %gather3A_184 : vector<16xf32>
      %swap3A = arith.constant 0 : index
      %swap3A_186 = tpu.vector_load %arg19[%swap3A] {strides = array<i32>} : memref<128xf32, #tpu.memory_space<vmem>>, vector<16xf32>,
      tpu.vector_store %arg19[%swap3A], %mul3A_185 {strides = array<i32>} : memref<128xf32, #tpu.memory_space<vmem>>, vector<16xf32>,
      %get3A_187 = arith.index_cast %rem3A_142 : i32 to index
      %get3A_188 = arith.constant 16 : index
      %get3A_189 = tpu.vector_load %arg17[%get3A_187, %get3A_188] {strides = array<i32>} : memref<2x128xi32, #tpu.memory_space<vmem>>, vector<16xi32>,
      %get3A_190 = arith.index_cast %rem3A_142 : i32 to index
      %get3A_191 = arith.constant 16 : index
      %get3A_192 = tpu.vector_load %arg18[%get3A_190, %get3A_191] {strides = array<i32>} : memref<2x128xf32, #tpu.memory_space<vmem>>, vector<16xf32>,
      %gather3A_193 = tpu.vector_load_idx %arg12[%get3A_189] : memref<1024xf32, #tpu.memory_space<vmem>>[vector<16xi32>], vector<16xf32>,
      %gather3A_194 = tpu.vector_load_idx %arg13[%get3A_189] : memref<1024xf32, #tpu.memory_space<vmem>>[vector<16xi32>], vector<16xf32>,
      %sub3A_195 = arith.subf %get3A_192, %gather3A_193 : vector<16xf32>
      %exp3A_196 = math.exp %sub3A_195 : vector<16xf32>
      %mul3A_197 = arith.mulf %exp3A_196, %gather3A_194 : vector<16xf32>
      %swap3A_198 = arith.constant 16 : index
      %swap3A_199 = tpu.vector_load %arg19[%swap3A_198] {strides = array<i32>} : memref<128xf32, #tpu.memory_space<vmem>>, vector<16xf32>,
      tpu.vector_store %arg19[%swap3A_198], %mul3A_197 {strides = array<i32>} : memref<128xf32, #tpu.memory_space<vmem>>, vector<16xf32>,
      %get3A_200 = arith.index_cast %rem3A_142 : i32 to index
      %get3A_201 = arith.constant 32 : index
      %get3A_202 = tpu.vector_load %arg17[%get3A_200, %get3A_201] {strides = array<i32>} : memref<2x128xi32, #tpu.memory_space<vmem>>, vector<16xi32>,
      %get3A_203 = arith.index_cast %rem3A_142 : i32 to index
      %get3A_204 = arith.constant 32 : index
      %get3A_205 = tpu.vector_load %arg18[%get3A_203, %get3A_204] {strides = array<i32>} : memref<2x128xf32, #tpu.memory_space<vmem>>, vector<16xf32>,
      %gather3A_206 = tpu.vector_load_idx %arg12[%get3A_202] : memref<1024xf32, #tpu.memory_space<vmem>>[vector<16xi32>], vector<16xf32>,
      %gather3A_207 = tpu.vector_load_idx %arg13[%get3A_202] : memref<1024xf32, #tpu.memory_space<vmem>>[vector<16xi32>], vector<16xf32>,
      %sub3A_208 = arith.subf %get3A_205, %gather3A_206 : vector<16xf32>
      %exp3A_209 = math.exp %sub3A_208 : vector<16xf32>
      %mul3A_210 = arith.mulf %exp3A_209, %gather3A_207 : vector<16xf32>
      %swap3A_211 = arith.constant 32 : index
      %swap3A_212 = tpu.vector_load %arg19[%swap3A_211] {strides = array<i32>} : memref<128xf32, #tpu.memory_space<vmem>>, vector<16xf32>,
      tpu.vector_store %arg19[%swap3A_211], %mul3A_210 {strides = array<i32>} : memref<128xf32, #tpu.memory_space<vmem>>, vector<16xf32>,
      %get3A_213 = arith.index_cast %rem3A_142 : i32 to index
      %get3A_214 = arith.constant 48 : index
      %get3A_215 = tpu.vector_load %arg17[%get3A_213, %get3A_214] {strides = array<i32>} : memref<2x128xi32, #tpu.memory_space<vmem>>, vector<16xi32>,
      %get3A_216 = arith.index_cast %rem3A_142 : i32 to index
      %get3A_217 = arith.constant 48 : index
      %get3A_218 = tpu.vector_load %arg18[%get3A_216, %get3A_217] {strides = array<i32>} : memref<2x128xf32, #tpu.memory_space<vmem>>, vector<16xf32>,
      %gather3A_219 = tpu.vector_load_idx %arg12[%get3A_215] : memref<1024xf32, #tpu.memory_space<vmem>>[vector<16xi32>], vector<16xf32>,
      %gather3A_220 = tpu.vector_load_idx %arg13[%get3A_215] : memref<1024xf32, #tpu.memory_space<vmem>>[vector<16xi32>], vector<16xf32>,
      %sub3A_221 = arith.subf %get3A_218, %gather3A_219 : vector<16xf32>
      %exp3A_222 = math.exp %sub3A_221 : vector<16xf32>
      %mul3A_223 = arith.mulf %exp3A_222, %gather3A_220 : vector<16xf32>
      %swap3A_224 = arith.constant 48 : index
      %swap3A_225 = tpu.vector_load %arg19[%swap3A_224] {strides = array<i32>} : memref<128xf32, #tpu.memory_space<vmem>>, vector<16xf32>,
      tpu.vector_store %arg19[%swap3A_224], %mul3A_223 {strides = array<i32>} : memref<128xf32, #tpu.memory_space<vmem>>, vector<16xf32>,
      %get3A_226 = arith.index_cast %rem3A_142 : i32 to index
      %get3A_227 = arith.constant 64 : index
      %get3A_228 = tpu.vector_load %arg17[%get3A_226, %get3A_227] {strides = array<i32>} : memref<2x128xi32, #tpu.memory_space<vmem>>, vector<16xi32>,
      %get3A_229 = arith.index_cast %rem3A_142 : i32 to index
      %get3A_230 = arith.constant 64 : index
      %get3A_231 = tpu.vector_load %arg18[%get3A_229, %get3A_230] {strides = array<i32>} : memref<2x128xf32, #tpu.memory_space<vmem>>, vector<16xf32>,
      %gather3A_232 = tpu.vector_load_idx %arg12[%get3A_228] : memref<1024xf32, #tpu.memory_space<vmem>>[vector<16xi32>], vector<16xf32>,
      %gather3A_233 = tpu.vector_load_idx %arg13[%get3A_228] : memref<1024xf32, #tpu.memory_space<vmem>>[vector<16xi32>], vector<16xf32>,
      %sub3A_234 = arith.subf %get3A_231, %gather3A_232 : vector<16xf32>
      %exp3A_235 = math.exp %sub3A_234 : vector<16xf32>
      %mul3A_236 = arith.mulf %exp3A_235, %gather3A_233 : vector<16xf32>
      %swap3A_237 = arith.constant 64 : index
      %swap3A_238 = tpu.vector_load %arg19[%swap3A_237] {strides = array<i32>} : memref<128xf32, #tpu.memory_space<vmem>>, vector<16xf32>,
      tpu.vector_store %arg19[%swap3A_237], %mul3A_236 {strides = array<i32>} : memref<128xf32, #tpu.memory_space<vmem>>, vector<16xf32>,
      %get3A_239 = arith.index_cast %rem3A_142 : i32 to index
      %get3A_240 = arith.constant 80 : index
      %get3A_241 = tpu.vector_load %arg17[%get3A_239, %get3A_240] {strides = array<i32>} : memref<2x128xi32, #tpu.memory_space<vmem>>, vector<16xi32>,
      %get3A_242 = arith.index_cast %rem3A_142 : i32 to index
      %get3A_243 = arith.constant 80 : index
      %get3A_244 = tpu.vector_load %arg18[%get3A_242, %get3A_243] {strides = array<i32>} : memref<2x128xf32, #tpu.memory_space<vmem>>, vector<16xf32>,
      %gather3A_245 = tpu.vector_load_idx %arg12[%get3A_241] : memref<1024xf32, #tpu.memory_space<vmem>>[vector<16xi32>], vector<16xf32>,
      %gather3A_246 = tpu.vector_load_idx %arg13[%get3A_241] : memref<1024xf32, #tpu.memory_space<vmem>>[vector<16xi32>], vector<16xf32>,
      %sub3A_247 = arith.subf %get3A_244, %gather3A_245 : vector<16xf32>
      %exp3A_248 = math.exp %sub3A_247 : vector<16xf32>
      %mul3A_249 = arith.mulf %exp3A_248, %gather3A_246 : vector<16xf32>
      %swap3A_250 = arith.constant 80 : index
      %swap3A_251 = tpu.vector_load %arg19[%swap3A_250] {strides = array<i32>} : memref<128xf32, #tpu.memory_space<vmem>>, vector<16xf32>,
      tpu.vector_store %arg19[%swap3A_250], %mul3A_249 {strides = array<i32>} : memref<128xf32, #tpu.memory_space<vmem>>, vector<16xf32>,
      %get3A_252 = arith.index_cast %rem3A_142 : i32 to index
      %get3A_253 = arith.constant 96 : index
      %get3A_254 = tpu.vector_load %arg17[%get3A_252, %get3A_253] {strides = array<i32>} : memref<2x128xi32, #tpu.memory_space<vmem>>, vector<16xi32>,
      %get3A_255 = arith.index_cast %rem3A_142 : i32 to index
      %get3A_256 = arith.constant 96 : index
      %get3A_257 = tpu.vector_load %arg18[%get3A_255, %get3A_256] {strides = array<i32>} : memref<2x128xf32, #tpu.memory_space<vmem>>, vector<16xf32>,
      %gather3A_258 = tpu.vector_load_idx %arg12[%get3A_254] : memref<1024xf32, #tpu.memory_space<vmem>>[vector<16xi32>], vector<16xf32>,
      %gather3A_259 = tpu.vector_load_idx %arg13[%get3A_254] : memref<1024xf32, #tpu.memory_space<vmem>>[vector<16xi32>], vector<16xf32>,
      %sub3A_260 = arith.subf %get3A_257, %gather3A_258 : vector<16xf32>
      %exp3A_261 = math.exp %sub3A_260 : vector<16xf32>
      %mul3A_262 = arith.mulf %exp3A_261, %gather3A_259 : vector<16xf32>
      %swap3A_263 = arith.constant 96 : index
      %swap3A_264 = tpu.vector_load %arg19[%swap3A_263] {strides = array<i32>} : memref<128xf32, #tpu.memory_space<vmem>>, vector<16xf32>,
      tpu.vector_store %arg19[%swap3A_263], %mul3A_262 {strides = array<i32>} : memref<128xf32, #tpu.memory_space<vmem>>, vector<16xf32>,
      %get3A_265 = arith.index_cast %rem3A_142 : i32 to index
      %get3A_266 = arith.constant 112 : index
      %get3A_267 = tpu.vector_load %arg17[%get3A_265, %get3A_266] {strides = array<i32>} : memref<2x128xi32, #tpu.memory_space<vmem>>, vector<16xi32>,
      %get3A_268 = arith.index_cast %rem3A_142 : i32 to index
      %get3A_269 = arith.constant 112 : index
      %get3A_270 = tpu.vector_load %arg18[%get3A_268, %get3A_269] {strides = array<i32>} : memref<2x128xf32, #tpu.memory_space<vmem>>, vector<16xf32>,
      %gather3A_271 = tpu.vector_load_idx %arg12[%get3A_267] : memref<1024xf32, #tpu.memory_space<vmem>>[vector<16xi32>], vector<16xf32>,
      %gather3A_272 = tpu.vector_load_idx %arg13[%get3A_267] : memref<1024xf32, #tpu.memory_space<vmem>>[vector<16xi32>], vector<16xf32>,
      %sub3A_273 = arith.subf %get3A_270, %gather3A_271 : vector<16xf32>
      %exp3A_274 = math.exp %sub3A_273 : vector<16xf32>
      %mul3A_275 = arith.mulf %exp3A_274, %gather3A_272 : vector<16xf32>
      %swap3A_276 = arith.constant 112 : index
      %swap3A_277 = tpu.vector_load %arg19[%swap3A_276] {strides = array<i32>} : memref<128xf32, #tpu.memory_space<vmem>>, vector<16xf32>,
      tpu.vector_store %arg19[%swap3A_276], %mul3A_275 {strides = array<i32>} : memref<128xf32, #tpu.memory_space<vmem>>, vector<16xf32>,
      %scan3A_278 = arith.constant 0 : i32
      %scan3A_279 = arith.constant 0 : i32
      %scan3A_280 = arith.constant 16 : i32
      %scan3A_281 = arith.addi %scan3A_279, %scan3A_280 : i32
      %scan3A_282 = arith.constant 1 : i32
      %scan3A_283 = scf.for %scan3A_286 = %scan3A_279 to %scan3A_281 step %scan3A_282 iter_args(%scan3A_287 = %scan3A_278) -> (i32)  : i32 {
        %mul3A_288 = arith.constant 8 : i32
        %mul3A_289 = arith.muli %scan3A_286, %mul3A_288 : i32
        %broadcast_in_dim3A = arith.constant 0 : i32
        %broadcast_in_dim3A_290 = vector.broadcast %broadcast_in_dim3A : i32 to vector<16xi32>
        %add3A_291 = arith.constant 0 : i32
        %add3A_292 = arith.addi %mul3A_289, %add3A_291 : i32
        %add3A_293 = vector.broadcast %add3A_292 : i32 to vector<16xi32>
        %add3A_294 = arith.addi %broadcast_in_dim3A_290, %add3A_293 : vector<16xi32>
        %gather3A_295 = tpu.vector_load_idx %arg19[%add3A_294] : memref<128xf32, #tpu.memory_space<vmem>>[vector<16xi32>], vector<16xf32>,
        %add3A_296 = arith.constant 0 : i32
        %add3A_297 = arith.addi %mul3A_289, %add3A_296 : i32
        %get3A_298 = arith.index_cast %rem3A_142 : i32 to index
        %get3A_299 = arith.index_cast %add3A_297 : i32 to index
        %get3A_300 = arith.constant 0 : index
        %get3A_301 = tpu.vector_load %arg16[%get3A_298, %get3A_299, %get3A_300] {strides = array<i32>} : memref<2x128x128xf32, #tpu.memory_space<vmem>>, vector<16xf32>,
        %mul3A_302 = arith.mulf %get3A_301, %gather3A_295 : vector<16xf32>
        %add3A_303 = arith.constant 0 : i32
        %add3A_304 = arith.addi %mul3A_289, %add3A_303 : i32
        %swap3A_305 = arith.index_cast %rem3A_142 : i32 to index
        %swap3A_306 = arith.index_cast %add3A_304 : i32 to index
        %swap3A_307 = arith.constant 0 : index
        %swap3A_308 = tpu.vector_load %arg16[%swap3A_305, %swap3A_306, %swap3A_307] {strides = array<i32>} : memref<2x128x128xf32, #tpu.memory_space<vmem>>, vector<16xf32>,
        tpu.vector_store %arg16[%swap3A_305, %swap3A_306, %swap3A_307], %mul3A_302 {strides = array<i32>} : memref<2x128x128xf32, #tpu.memory_space<vmem>>, vector<16xf32>,
        %add3A_309 = arith.constant 0 : i32
        %add3A_310 = arith.addi %mul3A_289, %add3A_309 : i32
        %get3A_311 = arith.index_cast %rem3A_142 : i32 to index
        %get3A_312 = arith.index_cast %add3A_310 : i32 to index
        %get3A_313 = arith.constant 16 : index
        %get3A_314 = tpu.vector_load %arg16[%get3A_311, %get3A_312, %get3A_313] {strides = array<i32>} : memref<2x128x128xf32, #tpu.memory_space<vmem>>, vector<16xf32>,
        %mul3A_315 = arith.mulf %get3A_314, %gather3A_295 : vector<16xf32>
        %add3A_316 = arith.constant 0 : i32
        %add3A_317 = arith.addi %mul3A_289, %add3A_316 : i32
        %swap3A_318 = arith.index_cast %rem3A_142 : i32 to index
        %swap3A_319 = arith.index_cast %add3A_317 : i32 to index
        %swap3A_320 = arith.constant 16 : index
        %swap3A_321 = tpu.vector_load %arg16[%swap3A_318, %swap3A_319, %swap3A_320] {strides = array<i32>} : memref<2x128x128xf32, #tpu.memory_space<vmem>>, vector<16xf32>,
        tpu.vector_store %arg16[%swap3A_318, %swap3A_319, %swap3A_320], %mul3A_315 {strides = array<i32>} : memref<2x128x128xf32, #tpu.memory_space<vmem>>, vector<16xf32>,
        %add3A_322 = arith.constant 0 : i32
        %add3A_323 = arith.addi %mul3A_289, %add3A_322 : i32
        %get3A_324 = arith.index_cast %rem3A_142 : i32 to index
        %get3A_325 = arith.index_cast %add3A_323 : i32 to index
        %get3A_326 = arith.constant 32 : index
        %get3A_327 = tpu.vector_load %arg16[%get3A_324, %get3A_325, %get3A_326] {strides = array<i32>} : memref<2x128x128xf32, #tpu.memory_space<vmem>>, vector<16xf32>,
        %mul3A_328 = arith.mulf %get3A_327, %gather3A_295 : vector<16xf32>
        %add3A_329 = arith.constant 0 : i32
        %add3A_330 = arith.addi %mul3A_289, %add3A_329 : i32
        %swap3A_331 = arith.index_cast %rem3A_142 : i32 to index
        %swap3A_332 = arith.index_cast %add3A_330 : i32 to index
        %swap3A_333 = arith.constant 32 : index
        %swap3A_334 = tpu.vector_load %arg16[%swap3A_331, %swap3A_332, %swap3A_333] {strides = array<i32>} : memref<2x128x128xf32, #tpu.memory_space<vmem>>, vector<16xf32>,
        tpu.vector_store %arg16[%swap3A_331, %swap3A_332, %swap3A_333], %mul3A_328 {strides = array<i32>} : memref<2x128x128xf32, #tpu.memory_space<vmem>>, vector<16xf32>,
        %add3A_335 = arith.constant 0 : i32
        %add3A_336 = arith.addi %mul3A_289, %add3A_335 : i32
        %get3A_337 = arith.index_cast %rem3A_142 : i32 to index
        %get3A_338 = arith.index_cast %add3A_336 : i32 to index
        %get3A_339 = arith.constant 48 : index
        %get3A_340 = tpu.vector_load %arg16[%get3A_337, %get3A_338, %get3A_339] {strides = array<i32>} : memref<2x128x128xf32, #tpu.memory_space<vmem>>, vector<16xf32>,
        %mul3A_341 = arith.mulf %get3A_340, %gather3A_295 : vector<16xf32>
        %add3A_342 = arith.constant 0 : i32
        %add3A_343 = arith.addi %mul3A_289, %add3A_342 : i32
        %swap3A_344 = arith.index_cast %rem3A_142 : i32 to index
        %swap3A_345 = arith.index_cast %add3A_343 : i32 to index
        %swap3A_346 = arith.constant 48 : index
        %swap3A_347 = tpu.vector_load %arg16[%swap3A_344, %swap3A_345, %swap3A_346] {strides = array<i32>} : memref<2x128x128xf32, #tpu.memory_space<vmem>>, vector<16xf32>,
        tpu.vector_store %arg16[%swap3A_344, %swap3A_345, %swap3A_346], %mul3A_341 {strides = array<i32>} : memref<2x128x128xf32, #tpu.memory_space<vmem>>, vector<16xf32>,
        %add3A_348 = arith.constant 0 : i32
        %add3A_349 = arith.addi %mul3A_289, %add3A_348 : i32
        %get3A_350 = arith.index_cast %rem3A_142 : i32 to index
        %get3A_351 = arith.index_cast %add3A_349 : i32 to index
        %get3A_352 = arith.constant 64 : index
        %get3A_353 = tpu.vector_load %arg16[%get3A_350, %get3A_351, %get3A_352] {strides = array<i32>} : memref<2x128x128xf32, #tpu.memory_space<vmem>>, vector<16xf32>,
        %mul3A_354 = arith.mulf %get3A_353, %gather3A_295 : vector<16xf32>
        %add3A_355 = arith.constant 0 : i32
        %add3A_356 = arith.addi %mul3A_289, %add3A_355 : i32
        %swap3A_357 = arith.index_cast %rem3A_142 : i32 to index
        %swap3A_358 = arith.index_cast %add3A_356 : i32 to index
        %swap3A_359 = arith.constant 64 : index
        %swap3A_360 = tpu.vector_load %arg16[%swap3A_357, %swap3A_358, %swap3A_359] {strides = array<i32>} : memref<2x128x128xf32, #tpu.memory_space<vmem>>, vector<16xf32>,
        tpu.vector_store %arg16[%swap3A_357, %swap3A_358, %swap3A_359], %mul3A_354 {strides = array<i32>} : memref<2x128x128xf32, #tpu.memory_space<vmem>>, vector<16xf32>,
        %add3A_361 = arith.constant 0 : i32
        %add3A_362 = arith.addi %mul3A_289, %add3A_361 : i32
        %get3A_363 = arith.index_cast %rem3A_142 : i32 to index
        %get3A_364 = arith.index_cast %add3A_362 : i32 to index
        %get3A_365 = arith.constant 80 : index
        %get3A_366 = tpu.vector_load %arg16[%get3A_363, %get3A_364, %get3A_365] {strides = array<i32>} : memref<2x128x128xf32, #tpu.memory_space<vmem>>, vector<16xf32>,
        %mul3A_367 = arith.mulf %get3A_366, %gather3A_295 : vector<16xf32>
        %add3A_368 = arith.constant 0 : i32
        %add3A_369 = arith.addi %mul3A_289, %add3A_368 : i32
        %swap3A_370 = arith.index_cast %rem3A_142 : i32 to index
        %swap3A_371 = arith.index_cast %add3A_369 : i32 to index
        %swap3A_372 = arith.constant 80 : index
        %swap3A_373 = tpu.vector_load %arg16[%swap3A_370, %swap3A_371, %swap3A_372] {strides = array<i32>} : memref<2x128x128xf32, #tpu.memory_space<vmem>>, vector<16xf32>,
        tpu.vector_store %arg16[%swap3A_370, %swap3A_371, %swap3A_372], %mul3A_367 {strides = array<i32>} : memref<2x128x128xf32, #tpu.memory_space<vmem>>, vector<16xf32>,
        %add3A_374 = arith.constant 0 : i32
        %add3A_375 = arith.addi %mul3A_289, %add3A_374 : i32
        %get3A_376 = arith.index_cast %rem3A_142 : i32 to index
        %get3A_377 = arith.index_cast %add3A_375 : i32 to index
        %get3A_378 = arith.constant 96 : index
        %get3A_379 = tpu.vector_load %arg16[%get3A_376, %get3A_377, %get3A_378] {strides = array<i32>} : memref<2x128x128xf32, #tpu.memory_space<vmem>>, vector<16xf32>,
        %mul3A_380 = arith.mulf %get3A_379, %gather3A_295 : vector<16xf32>
        %add3A_381 = arith.constant 0 : i32
        %add3A_382 = arith.addi %mul3A_289, %add3A_381 : i32
        %swap3A_383 = arith.index_cast %rem3A_142 : i32 to index
        %swap3A_384 = arith.index_cast %add3A_382 : i32 to index
        %swap3A_385 = arith.constant 96 : index
        %swap3A_386 = tpu.vector_load %arg16[%swap3A_383, %swap3A_384, %swap3A_385] {strides = array<i32>} : memref<2x128x128xf32, #tpu.memory_space<vmem>>, vector<16xf32>,
        tpu.vector_store %arg16[%swap3A_383, %swap3A_384, %swap3A_385], %mul3A_380 {strides = array<i32>} : memref<2x128x128xf32, #tpu.memory_space<vmem>>, vector<16xf32>,
        %add3A_387 = arith.constant 0 : i32
        %add3A_388 = arith.addi %mul3A_289, %add3A_387 : i32
        %get3A_389 = arith.index_cast %rem3A_142 : i32 to index
        %get3A_390 = arith.index_cast %add3A_388 : i32 to index
        %get3A_391 = arith.constant 112 : index
        %get3A_392 = tpu.vector_load %arg16[%get3A_389, %get3A_390, %get3A_391] {strides = array<i32>} : memref<2x128x128xf32, #tpu.memory_space<vmem>>, vector<16xf32>,
        %mul3A_393 = arith.mulf %get3A_392, %gather3A_295 : vector<16xf32>
        %add3A_394 = arith.constant 0 : i32
        %add3A_395 = arith.addi %mul3A_289, %add3A_394 : i32
        %swap3A_396 = arith.index_cast %rem3A_142 : i32 to index
        %swap3A_397 = arith.index_cast %add3A_395 : i32 to index
        %swap3A_398 = arith.constant 112 : index
        %swap3A_399 = tpu.vector_load %arg16[%swap3A_396, %swap3A_397, %swap3A_398] {strides = array<i32>} : memref<2x128x128xf32, #tpu.memory_space<vmem>>, vector<16xf32>,
        tpu.vector_store %arg16[%swap3A_396, %swap3A_397, %swap3A_398], %mul3A_393 {strides = array<i32>} : memref<2x128x128xf32, #tpu.memory_space<vmem>>, vector<16xf32>,
        %broadcast_in_dim3A_400 = arith.constant 0 : i32
        %broadcast_in_dim3A_401 = vector.broadcast %broadcast_in_dim3A_400 : i32 to vector<16xi32>
        %add3A_402 = arith.constant 1 : i32
        %add3A_403 = arith.addi %mul3A_289, %add3A_402 : i32
        %add3A_404 = vector.broadcast %add3A_403 : i32 to vector<16xi32>
        %add3A_405 = arith.addi %broadcast_in_dim3A_401, %add3A_404 : vector<16xi32>
        %gather3A_406 = tpu.vector_load_idx %arg19[%add3A_405] : memref<128xf32, #tpu.memory_space<vmem>>[vector<16xi32>], vector<16xf32>,
        %add3A_407 = arith.constant 1 : i32
        %add3A_408 = arith.addi %mul3A_289, %add3A_407 : i32
        %get3A_409 = arith.index_cast %rem3A_142 : i32 to index
        %get3A_410 = arith.index_cast %add3A_408 : i32 to index
        %get3A_411 = arith.constant 0 : index
        %get3A_412 = tpu.vector_load %arg16[%get3A_409, %get3A_410, %get3A_411] {strides = array<i32>} : memref<2x128x128xf32, #tpu.memory_space<vmem>>, vector<16xf32>,
        %mul3A_413 = arith.mulf %get3A_412, %gather3A_406 : vector<16xf32>
        %add3A_414 = arith.constant 1 : i32
        %add3A_415 = arith.addi %mul3A_289, %add3A_414 : i32
        %swap3A_416 = arith.index_cast %rem3A_142 : i32 to index
        %swap3A_417 = arith.index_cast %add3A_415 : i32 to index
        %swap3A_418 = arith.constant 0 : index
        %swap3A_419 = tpu.vector_load %arg16[%swap3A_416, %swap3A_417, %swap3A_418] {strides = array<i32>} : memref<2x128x128xf32, #tpu.memory_space<vmem>>, vector<16xf32>,
        tpu.vector_store %arg16[%swap3A_416, %swap3A_417, %swap3A_418], %mul3A_413 {strides = array<i32>} : memref<2x128x128xf32, #tpu.memory_space<vmem>>, vector<16xf32>,
        %add3A_420 = arith.constant 1 : i32
        %add3A_421 = arith.addi %mul3A_289, %add3A_420 : i32
        %get3A_422 = arith.index_cast %rem3A_142 : i32 to index
        %get3A_423 = arith.index_cast %add3A_421 : i32 to index
        %get3A_424 = arith.constant 16 : index
        %get3A_425 = tpu.vector_load %arg16[%get3A_422, %get3A_423, %get3A_424] {strides = array<i32>} : memref<2x128x128xf32, #tpu.memory_space<vmem>>, vector<16xf32>,
        %mul3A_426 = arith.mulf %get3A_425, %gather3A_406 : vector<16xf32>
        %add3A_427 = arith.constant 1 : i32
        %add3A_428 = arith.addi %mul3A_289, %add3A_427 : i32
        %swap3A_429 = arith.index_cast %rem3A_142 : i32 to index
        %swap3A_430 = arith.index_cast %add3A_428 : i32 to index
        %swap3A_431 = arith.constant 16 : index
        %swap3A_432 = tpu.vector_load %arg16[%swap3A_429, %swap3A_430, %swap3A_431] {strides = array<i32>} : memref<2x128x128xf32, #tpu.memory_space<vmem>>, vector<16xf32>,
        tpu.vector_store %arg16[%swap3A_429, %swap3A_430, %swap3A_431], %mul3A_426 {strides = array<i32>} : memref<2x128x128xf32, #tpu.memory_space<vmem>>, vector<16xf32>,
        %add3A_433 = arith.constant 1 : i32
        %add3A_434 = arith.addi %mul3A_289, %add3A_433 : i32
        %get3A_435 = arith.index_cast %rem3A_142 : i32 to index
        %get3A_436 = arith.index_cast %add3A_434 : i32 to index
        %get3A_437 = arith.constant 32 : index
        %get3A_438 = tpu.vector_load %arg16[%get3A_435, %get3A_436, %get3A_437] {strides = array<i32>} : memref<2x128x128xf32, #tpu.memory_space<vmem>>, vector<16xf32>,
        %mul3A_439 = arith.mulf %get3A_438, %gather3A_406 : vector<16xf32>
        %add3A_440 = arith.constant 1 : i32
        %add3A_441 = arith.addi %mul3A_289, %add3A_440 : i32
        %swap3A_442 = arith.index_cast %rem3A_142 : i32 to index
        %swap3A_443 = arith.index_cast %add3A_441 : i32 to index
        %swap3A_444 = arith.constant 32 : index
        %swap3A_445 = tpu.vector_load %arg16[%swap3A_442, %swap3A_443, %swap3A_444] {strides = array<i32>} : memref<2x128x128xf32, #tpu.memory_space<vmem>>, vector<16xf32>,
        tpu.vector_store %arg16[%swap3A_442, %swap3A_443, %swap3A_444], %mul3A_439 {strides = array<i32>} : memref<2x128x128xf32, #tpu.memory_space<vmem>>, vector<16xf32>,
        %add3A_446 = arith.constant 1 : i32
        %add3A_447 = arith.addi %mul3A_289, %add3A_446 : i32
        %get3A_448 = arith.index_cast %rem3A_142 : i32 to index
        %get3A_449 = arith.index_cast %add3A_447 : i32 to index
        %get3A_450 = arith.constant 48 : index
        %get3A_451 = tpu.vector_load %arg16[%get3A_448, %get3A_449, %get3A_450] {strides = array<i32>} : memref<2x128x128xf32, #tpu.memory_space<vmem>>, vector<16xf32>,
        %mul3A_452 = arith.mulf %get3A_451, %gather3A_406 : vector<16xf32>
        %add3A_453 = arith.constant 1 : i32
        %add3A_454 = arith.addi %mul3A_289, %add3A_453 : i32
        %swap3A_455 = arith.index_cast %rem3A_142 : i32 to index
        %swap3A_456 = arith.index_cast %add3A_454 : i32 to index
        %swap3A_457 = arith.constant 48 : index
        %swap3A_458 = tpu.vector_load %arg16[%swap3A_455, %swap3A_456, %swap3A_457] {strides = array<i32>} : memref<2x128x128xf32, #tpu.memory_space<vmem>>, vector<16xf32>,
        tpu.vector_store %arg16[%swap3A_455, %swap3A_456, %swap3A_457], %mul3A_452 {strides = array<i32>} : memref<2x128x128xf32, #tpu.memory_space<vmem>>, vector<16xf32>,
        %add3A_459 = arith.constant 1 : i32
        %add3A_460 = arith.addi %mul3A_289, %add3A_459 : i32
        %get3A_461 = arith.index_cast %rem3A_142 : i32 to index
        %get3A_462 = arith.index_cast %add3A_460 : i32 to index
        %get3A_463 = arith.constant 64 : index
        %get3A_464 = tpu.vector_load %arg16[%get3A_461, %get3A_462, %get3A_463] {strides = array<i32>} : memref<2x128x128xf32, #tpu.memory_space<vmem>>, vector<16xf32>,
        %mul3A_465 = arith.mulf %get3A_464, %gather3A_406 : vector<16xf32>
        %add3A_466 = arith.constant 1 : i32
        %add3A_467 = arith.addi %mul3A_289, %add3A_466 : i32
        %swap3A_468 = arith.index_cast %rem3A_142 : i32 to index
        %swap3A_469 = arith.index_cast %add3A_467 : i32 to index
        %swap3A_470 = arith.constant 64 : index
        %swap3A_471 = tpu.vector_load %arg16[%swap3A_468, %swap3A_469, %swap3A_470] {strides = array<i32>} : memref<2x128x128xf32, #tpu.memory_space<vmem>>, vector<16xf32>,
        tpu.vector_store %arg16[%swap3A_468, %swap3A_469, %swap3A_470], %mul3A_465 {strides = array<i32>} : memref<2x128x128xf32, #tpu.memory_space<vmem>>, vector<16xf32>,
        %add3A_472 = arith.constant 1 : i32
        %add3A_473 = arith.addi %mul3A_289, %add3A_472 : i32
        %get3A_474 = arith.index_cast %rem3A_142 : i32 to index
        %get3A_475 = arith.index_cast %add3A_473 : i32 to index
        %get3A_476 = arith.constant 80 : index
        %get3A_477 = tpu.vector_load %arg16[%get3A_474, %get3A_475, %get3A_476] {strides = array<i32>} : memref<2x128x128xf32, #tpu.memory_space<vmem>>, vector<16xf32>,
        %mul3A_478 = arith.mulf %get3A_477, %gather3A_406 : vector<16xf32>
        %add3A_479 = arith.constant 1 : i32
        %add3A_480 = arith.addi %mul3A_289, %add3A_479 : i32
        %swap3A_481 = arith.index_cast %rem3A_142 : i32 to index
        %swap3A_482 = arith.index_cast %add3A_480 : i32 to index
        %swap3A_483 = arith.constant 80 : index
        %swap3A_484 = tpu.vector_load %arg16[%swap3A_481, %swap3A_482, %swap3A_483] {strides = array<i32>} : memref<2x128x128xf32, #tpu.memory_space<vmem>>, vector<16xf32>,
        tpu.vector_store %arg16[%swap3A_481, %swap3A_482, %swap3A_483], %mul3A_478 {strides = array<i32>} : memref<2x128x128xf32, #tpu.memory_space<vmem>>, vector<16xf32>,
        %add3A_485 = arith.constant 1 : i32
        %add3A_486 = arith.addi %mul3A_289, %add3A_485 : i32
        %get3A_487 = arith.index_cast %rem3A_142 : i32 to index
        %get3A_488 = arith.index_cast %add3A_486 : i32 to index
        %get3A_489 = arith.constant 96 : index
        %get3A_490 = tpu.vector_load %arg16[%get3A_487, %get3A_488, %get3A_489] {strides = array<i32>} : memref<2x128x128xf32, #tpu.memory_space<vmem>>, vector<16xf32>,
        %mul3A_491 = arith.mulf %get3A_490, %gather3A_406 : vector<16xf32>
        %add3A_492 = arith.constant 1 : i32
        %add3A_493 = arith.addi %mul3A_289, %add3A_492 : i32
        %swap3A_494 = arith.index_cast %rem3A_142 : i32 to index
        %swap3A_495 = arith.index_cast %add3A_493 : i32 to index
        %swap3A_496 = arith.constant 96 : index
        %swap3A_497 = tpu.vector_load %arg16[%swap3A_494, %swap3A_495, %swap3A_496] {strides = array<i32>} : memref<2x128x128xf32, #tpu.memory_space<vmem>>, vector<16xf32>,
        tpu.vector_store %arg16[%swap3A_494, %swap3A_495, %swap3A_496], %mul3A_491 {strides = array<i32>} : memref<2x128x128xf32, #tpu.memory_space<vmem>>, vector<16xf32>,
        %add3A_498 = arith.constant 1 : i32
        %add3A_499 = arith.addi %mul3A_289, %add3A_498 : i32
        %get3A_500 = arith.index_cast %rem3A_142 : i32 to index
        %get3A_501 = arith.index_cast %add3A_499 : i32 to index
        %get3A_502 = arith.constant 112 : index
        %get3A_503 = tpu.vector_load %arg16[%get3A_500, %get3A_501, %get3A_502] {strides = array<i32>} : memref<2x128x128xf32, #tpu.memory_space<vmem>>, vector<16xf32>,
        %mul3A_504 = arith.mulf %get3A_503, %gather3A_406 : vector<16xf32>
        %add3A_505 = arith.constant 1 : i32
        %add3A_506 = arith.addi %mul3A_289, %add3A_505 : i32
        %swap3A_507 = arith.index_cast %rem3A_142 : i32 to index
        %swap3A_508 = arith.index_cast %add3A_506 : i32 to index
        %swap3A_509 = arith.constant 112 : index
        %swap3A_510 = tpu.vector_load %arg16[%swap3A_507, %swap3A_508, %swap3A_509] {strides = array<i32>} : memref<2x128x128xf32, #tpu.memory_space<vmem>>, vector<16xf32>,
        tpu.vector_store %arg16[%swap3A_507, %swap3A_508, %swap3A_509], %mul3A_504 {strides = array<i32>} : memref<2x128x128xf32, #tpu.memory_space<vmem>>, vector<16xf32>,
        %broadcast_in_dim3A_511 = arith.constant 0 : i32
        %broadcast_in_dim3A_512 = vector.broadcast %broadcast_in_dim3A_511 : i32 to vector<16xi32>
        %add3A_513 = arith.constant 2 : i32
        %add3A_514 = arith.addi %mul3A_289, %add3A_513 : i32
        %add3A_515 = vector.broadcast %add3A_514 : i32 to vector<16xi32>
        %add3A_516 = arith.addi %broadcast_in_dim3A_512, %add3A_515 : vector<16xi32>
        %gather3A_517 = tpu.vector_load_idx %arg19[%add3A_516] : memref<128xf32, #tpu.memory_space<vmem>>[vector<16xi32>], vector<16xf32>,
        %add3A_518 = arith.constant 2 : i32
        %add3A_519 = arith.addi %mul3A_289, %add3A_518 : i32
        %get3A_520 = arith.index_cast %rem3A_142 : i32 to index
        %get3A_521 = arith.index_cast %add3A_519 : i32 to index
        %get3A_522 = arith.constant 0 : index
        %get3A_523 = tpu.vector_load %arg16[%get3A_520, %get3A_521, %get3A_522] {strides = array<i32>} : memref<2x128x128xf32, #tpu.memory_space<vmem>>, vector<16xf32>,
        %mul3A_524 = arith.mulf %get3A_523, %gather3A_517 : vector<16xf32>
        %add3A_525 = arith.constant 2 : i32
        %add3A_526 = arith.addi %mul3A_289, %add3A_525 : i32
        %swap3A_527 = arith.index_cast %rem3A_142 : i32 to index
        %swap3A_528 = arith.index_cast %add3A_526 : i32 to index
        %swap3A_529 = arith.constant 0 : index
        %swap3A_530 = tpu.vector_load %arg16[%swap3A_527, %swap3A_528, %swap3A_529] {strides = array<i32>} : memref<2x128x128xf32, #tpu.memory_space<vmem>>, vector<16xf32>,
        tpu.vector_store %arg16[%swap3A_527, %swap3A_528, %swap3A_529], %mul3A_524 {strides = array<i32>} : memref<2x128x128xf32, #tpu.memory_space<vmem>>, vector<16xf32>,
        %add3A_531 = arith.constant 2 : i32
        %add3A_532 = arith.addi %mul3A_289, %add3A_531 : i32
        %get3A_533 = arith.index_cast %rem3A_142 : i32 to index
        %get3A_534 = arith.index_cast %add3A_532 : i32 to index
        %get3A_535 = arith.constant 16 : index
        %get3A_536 = tpu.vector_load %arg16[%get3A_533, %get3A_534, %get3A_535] {strides = array<i32>} : memref<2x128x128xf32, #tpu.memory_space<vmem>>, vector<16xf32>,
        %mul3A_537 = arith.mulf %get3A_536, %gather3A_517 : vector<16xf32>
        %add3A_538 = arith.constant 2 : i32
        %add3A_539 = arith.addi %mul3A_289, %add3A_538 : i32
        %swap3A_540 = arith.index_cast %rem3A_142 : i32 to index
        %swap3A_541 = arith.index_cast %add3A_539 : i32 to index
        %swap3A_542 = arith.constant 16 : index
        %swap3A_543 = tpu.vector_load %arg16[%swap3A_540, %swap3A_541, %swap3A_542] {strides = array<i32>} : memref<2x128x128xf32, #tpu.memory_space<vmem>>, vector<16xf32>,
        tpu.vector_store %arg16[%swap3A_540, %swap3A_541, %swap3A_542], %mul3A_537 {strides = array<i32>} : memref<2x128x128xf32, #tpu.memory_space<vmem>>, vector<16xf32>,
        %add3A_544 = arith.constant 2 : i32
        %add3A_545 = arith.addi %mul3A_289, %add3A_544 : i32
        %get3A_546 = arith.index_cast %rem3A_142 : i32 to index
        %get3A_547 = arith.index_cast %add3A_545 : i32 to index
        %get3A_548 = arith.constant 32 : index
        %get3A_549 = tpu.vector_load %arg16[%get3A_546, %get3A_547, %get3A_548] {strides = array<i32>} : memref<2x128x128xf32, #tpu.memory_space<vmem>>, vector<16xf32>,
        %mul3A_550 = arith.mulf %get3A_549, %gather3A_517 : vector<16xf32>
        %add3A_551 = arith.constant 2 : i32
        %add3A_552 = arith.addi %mul3A_289, %add3A_551 : i32
        %swap3A_553 = arith.index_cast %rem3A_142 : i32 to index
        %swap3A_554 = arith.index_cast %add3A_552 : i32 to index
        %swap3A_555 = arith.constant 32 : index
        %swap3A_556 = tpu.vector_load %arg16[%swap3A_553, %swap3A_554, %swap3A_555] {strides = array<i32>} : memref<2x128x128xf32, #tpu.memory_space<vmem>>, vector<16xf32>,
        tpu.vector_store %arg16[%swap3A_553, %swap3A_554, %swap3A_555], %mul3A_550 {strides = array<i32>} : memref<2x128x128xf32, #tpu.memory_space<vmem>>, vector<16xf32>,
        %add3A_557 = arith.constant 2 : i32
        %add3A_558 = arith.addi %mul3A_289, %add3A_557 : i32
        %get3A_559 = arith.index_cast %rem3A_142 : i32 to index
        %get3A_560 = arith.index_cast %add3A_558 : i32 to index
        %get3A_561 = arith.constant 48 : index
        %get3A_562 = tpu.vector_load %arg16[%get3A_559, %get3A_560, %get3A_561] {strides = array<i32>} : memref<2x128x128xf32, #tpu.memory_space<vmem>>, vector<16xf32>,
        %mul3A_563 = arith.mulf %get3A_562, %gather3A_517 : vector<16xf32>
        %add3A_564 = arith.constant 2 : i32
        %add3A_565 = arith.addi %mul3A_289, %add3A_564 : i32
        %swap3A_566 = arith.index_cast %rem3A_142 : i32 to index
        %swap3A_567 = arith.index_cast %add3A_565 : i32 to index
        %swap3A_568 = arith.constant 48 : index
        %swap3A_569 = tpu.vector_load %arg16[%swap3A_566, %swap3A_567, %swap3A_568] {strides = array<i32>} : memref<2x128x128xf32, #tpu.memory_space<vmem>>, vector<16xf32>,
        tpu.vector_store %arg16[%swap3A_566, %swap3A_567, %swap3A_568], %mul3A_563 {strides = array<i32>} : memref<2x128x128xf32, #tpu.memory_space<vmem>>, vector<16xf32>,
        %add3A_570 = arith.constant 2 : i32
        %add3A_571 = arith.addi %mul3A_289, %add3A_570 : i32
        %get3A_572 = arith.index_cast %rem3A_142 : i32 to index
        %get3A_573 = arith.index_cast %add3A_571 : i32 to index
        %get3A_574 = arith.constant 64 : index
        %get3A_575 = tpu.vector_load %arg16[%get3A_572, %get3A_573, %get3A_574] {strides = array<i32>} : memref<2x128x128xf32, #tpu.memory_space<vmem>>, vector<16xf32>,
        %mul3A_576 = arith.mulf %get3A_575, %gather3A_517 : vector<16xf32>
        %add3A_577 = arith.constant 2 : i32
        %add3A_578 = arith.addi %mul3A_289, %add3A_577 : i32
        %swap3A_579 = arith.index_cast %rem3A_142 : i32 to index
        %swap3A_580 = arith.index_cast %add3A_578 : i32 to index
        %swap3A_581 = arith.constant 64 : index
        %swap3A_582 = tpu.vector_load %arg16[%swap3A_579, %swap3A_580, %swap3A_581] {strides = array<i32>} : memref<2x128x128xf32, #tpu.memory_space<vmem>>, vector<16xf32>,
        tpu.vector_store %arg16[%swap3A_579, %swap3A_580, %swap3A_581], %mul3A_576 {strides = array<i32>} : memref<2x128x128xf32, #tpu.memory_space<vmem>>, vector<16xf32>,
        %add3A_583 = arith.constant 2 : i32
        %add3A_584 = arith.addi %mul3A_289, %add3A_583 : i32
        %get3A_585 = arith.index_cast %rem3A_142 : i32 to index
        %get3A_586 = arith.index_cast %add3A_584 : i32 to index
        %get3A_587 = arith.constant 80 : index
        %get3A_588 = tpu.vector_load %arg16[%get3A_585, %get3A_586, %get3A_587] {strides = array<i32>} : memref<2x128x128xf32, #tpu.memory_space<vmem>>, vector<16xf32>,
        %mul3A_589 = arith.mulf %get3A_588, %gather3A_517 : vector<16xf32>
        %add3A_590 = arith.constant 2 : i32
        %add3A_591 = arith.addi %mul3A_289, %add3A_590 : i32
        %swap3A_592 = arith.index_cast %rem3A_142 : i32 to index
        %swap3A_593 = arith.index_cast %add3A_591 : i32 to index
        %swap3A_594 = arith.constant 80 : index
        %swap3A_595 = tpu.vector_load %arg16[%swap3A_592, %swap3A_593, %swap3A_594] {strides = array<i32>} : memref<2x128x128xf32, #tpu.memory_space<vmem>>, vector<16xf32>,
        tpu.vector_store %arg16[%swap3A_592, %swap3A_593, %swap3A_594], %mul3A_589 {strides = array<i32>} : memref<2x128x128xf32, #tpu.memory_space<vmem>>, vector<16xf32>,
        %add3A_596 = arith.constant 2 : i32
        %add3A_597 = arith.addi %mul3A_289, %add3A_596 : i32
        %get3A_598 = arith.index_cast %rem3A_142 : i32 to index
        %get3A_599 = arith.index_cast %add3A_597 : i32 to index
        %get3A_600 = arith.constant 96 : index
        %get3A_601 = tpu.vector_load %arg16[%get3A_598, %get3A_599, %get3A_600] {strides = array<i32>} : memref<2x128x128xf32, #tpu.memory_space<vmem>>, vector<16xf32>,
        %mul3A_602 = arith.mulf %get3A_601, %gather3A_517 : vector<16xf32>
        %add3A_603 = arith.constant 2 : i32
        %add3A_604 = arith.addi %mul3A_289, %add3A_603 : i32
        %swap3A_605 = arith.index_cast %rem3A_142 : i32 to index
        %swap3A_606 = arith.index_cast %add3A_604 : i32 to index
        %swap3A_607 = arith.constant 96 : index
        %swap3A_608 = tpu.vector_load %arg16[%swap3A_605, %swap3A_606, %swap3A_607] {strides = array<i32>} : memref<2x128x128xf32, #tpu.memory_space<vmem>>, vector<16xf32>,
        tpu.vector_store %arg16[%swap3A_605, %swap3A_606, %swap3A_607], %mul3A_602 {strides = array<i32>} : memref<2x128x128xf32, #tpu.memory_space<vmem>>, vector<16xf32>,
        %add3A_609 = arith.constant 2 : i32
        %add3A_610 = arith.addi %mul3A_289, %add3A_609 : i32
        %get3A_611 = arith.index_cast %rem3A_142 : i32 to index
        %get3A_612 = arith.index_cast %add3A_610 : i32 to index
        %get3A_613 = arith.constant 112 : index
        %get3A_614 = tpu.vector_load %arg16[%get3A_611, %get3A_612, %get3A_613] {strides = array<i32>} : memref<2x128x128xf32, #tpu.memory_space<vmem>>, vector<16xf32>,
        %mul3A_615 = arith.mulf %get3A_614, %gather3A_517 : vector<16xf32>
        %add3A_616 = arith.constant 2 : i32
        %add3A_617 = arith.addi %mul3A_289, %add3A_616 : i32
        %swap3A_618 = arith.index_cast %rem3A_142 : i32 to index
        %swap3A_619 = arith.index_cast %add3A_617 : i32 to index
        %swap3A_620 = arith.constant 112 : index
        %swap3A_621 = tpu.vector_load %arg16[%swap3A_618, %swap3A_619, %swap3A_620] {strides = array<i32>} : memref<2x128x128xf32, #tpu.memory_space<vmem>>, vector<16xf32>,
        tpu.vector_store %arg16[%swap3A_618, %swap3A_619, %swap3A_620], %mul3A_615 {strides = array<i32>} : memref<2x128x128xf32, #tpu.memory_space<vmem>>, vector<16xf32>,
        %broadcast_in_dim3A_622 = arith.constant 0 : i32
        %broadcast_in_dim3A_623 = vector.broadcast %broadcast_in_dim3A_622 : i32 to vector<16xi32>
        %add3A_624 = arith.constant 3 : i32
        %add3A_625 = arith.addi %mul3A_289, %add3A_624 : i32
        %add3A_626 = vector.broadcast %add3A_625 : i32 to vector<16xi32>
        %add3A_627 = arith.addi %broadcast_in_dim3A_623, %add3A_626 : vector<16xi32>
        %gather3A_628 = tpu.vector_load_idx %arg19[%add3A_627] : memref<128xf32, #tpu.memory_space<vmem>>[vector<16xi32>], vector<16xf32>,
        %add3A_629 = arith.constant 3 : i32
        %add3A_630 = arith.addi %mul3A_289, %add3A_629 : i32
        %get3A_631 = arith.index_cast %rem3A_142 : i32 to index
        %get3A_632 = arith.index_cast %add3A_630 : i32 to index
        %get3A_633 = arith.constant 0 : index
        %get3A_634 = tpu.vector_load %arg16[%get3A_631, %get3A_632, %get3A_633] {strides = array<i32>} : memref<2x128x128xf32, #tpu.memory_space<vmem>>, vector<16xf32>,
        %mul3A_635 = arith.mulf %get3A_634, %gather3A_628 : vector<16xf32>
        %add3A_636 = arith.constant 3 : i32
        %add3A_637 = arith.addi %mul3A_289, %add3A_636 : i32
        %swap3A_638 = arith.index_cast %rem3A_142 : i32 to index
        %swap3A_639 = arith.index_cast %add3A_637 : i32 to index
        %swap3A_640 = arith.constant 0 : index
        %swap3A_641 = tpu.vector_load %arg16[%swap3A_638, %swap3A_639, %swap3A_640] {strides = array<i32>} : memref<2x128x128xf32, #tpu.memory_space<vmem>>, vector<16xf32>,
        tpu.vector_store %arg16[%swap3A_638, %swap3A_639, %swap3A_640], %mul3A_635 {strides = array<i32>} : memref<2x128x128xf32, #tpu.memory_space<vmem>>, vector<16xf32>,
        %add3A_642 = arith.constant 3 : i32
        %add3A_643 = arith.addi %mul3A_289, %add3A_642 : i32
        %get3A_644 = arith.index_cast %rem3A_142 : i32 to index
        %get3A_645 = arith.index_cast %add3A_643 : i32 to index
        %get3A_646 = arith.constant 16 : index
        %get3A_647 = tpu.vector_load %arg16[%get3A_644, %get3A_645, %get3A_646] {strides = array<i32>} : memref<2x128x128xf32, #tpu.memory_space<vmem>>, vector<16xf32>,
        %mul3A_648 = arith.mulf %get3A_647, %gather3A_628 : vector<16xf32>
        %add3A_649 = arith.constant 3 : i32
        %add3A_650 = arith.addi %mul3A_289, %add3A_649 : i32
        %swap3A_651 = arith.index_cast %rem3A_142 : i32 to index
        %swap3A_652 = arith.index_cast %add3A_650 : i32 to index
        %swap3A_653 = arith.constant 16 : index
        %swap3A_654 = tpu.vector_load %arg16[%swap3A_651, %swap3A_652, %swap3A_653] {strides = array<i32>} : memref<2x128x128xf32, #tpu.memory_space<vmem>>, vector<16xf32>,
        tpu.vector_store %arg16[%swap3A_651, %swap3A_652, %swap3A_653], %mul3A_648 {strides = array<i32>} : memref<2x128x128xf32, #tpu.memory_space<vmem>>, vector<16xf32>,
        %add3A_655 = arith.constant 3 : i32
        %add3A_656 = arith.addi %mul3A_289, %add3A_655 : i32
        %get3A_657 = arith.index_cast %rem3A_142 : i32 to index
        %get3A_658 = arith.index_cast %add3A_656 : i32 to index
        %get3A_659 = arith.constant 32 : index
        %get3A_660 = tpu.vector_load %arg16[%get3A_657, %get3A_658, %get3A_659] {strides = array<i32>} : memref<2x128x128xf32, #tpu.memory_space<vmem>>, vector<16xf32>,
        %mul3A_661 = arith.mulf %get3A_660, %gather3A_628 : vector<16xf32>
        %add3A_662 = arith.constant 3 : i32
        %add3A_663 = arith.addi %mul3A_289, %add3A_662 : i32
        %swap3A_664 = arith.index_cast %rem3A_142 : i32 to index
        %swap3A_665 = arith.index_cast %add3A_663 : i32 to index
        %swap3A_666 = arith.constant 32 : index
        %swap3A_667 = tpu.vector_load %arg16[%swap3A_664, %swap3A_665, %swap3A_666] {strides = array<i32>} : memref<2x128x128xf32, #tpu.memory_space<vmem>>, vector<16xf32>,
        tpu.vector_store %arg16[%swap3A_664, %swap3A_665, %swap3A_666], %mul3A_661 {strides = array<i32>} : memref<2x128x128xf32, #tpu.memory_space<vmem>>, vector<16xf32>,
        %add3A_668 = arith.constant 3 : i32
        %add3A_669 = arith.addi %mul3A_289, %add3A_668 : i32
        %get3A_670 = arith.index_cast %rem3A_142 : i32 to index
        %get3A_671 = arith.index_cast %add3A_669 : i32 to index
        %get3A_672 = arith.constant 48 : index
        %get3A_673 = tpu.vector_load %arg16[%get3A_670, %get3A_671, %get3A_672] {strides = array<i32>} : memref<2x128x128xf32, #tpu.memory_space<vmem>>, vector<16xf32>,
        %mul3A_674 = arith.mulf %get3A_673, %gather3A_628 : vector<16xf32>
        %add3A_675 = arith.constant 3 : i32
        %add3A_676 = arith.addi %mul3A_289, %add3A_675 : i32
        %swap3A_677 = arith.index_cast %rem3A_142 : i32 to index
        %swap3A_678 = arith.index_cast %add3A_676 : i32 to index
        %swap3A_679 = arith.constant 48 : index
        %swap3A_680 = tpu.vector_load %arg16[%swap3A_677, %swap3A_678, %swap3A_679] {strides = array<i32>} : memref<2x128x128xf32, #tpu.memory_space<vmem>>, vector<16xf32>,
        tpu.vector_store %arg16[%swap3A_677, %swap3A_678, %swap3A_679], %mul3A_674 {strides = array<i32>} : memref<2x128x128xf32, #tpu.memory_space<vmem>>, vector<16xf32>,
        %add3A_681 = arith.constant 3 : i32
        %add3A_682 = arith.addi %mul3A_289, %add3A_681 : i32
        %get3A_683 = arith.index_cast %rem3A_142 : i32 to index
        %get3A_684 = arith.index_cast %add3A_682 : i32 to index
        %get3A_685 = arith.constant 64 : index
        %get3A_686 = tpu.vector_load %arg16[%get3A_683, %get3A_684, %get3A_685] {strides = array<i32>} : memref<2x128x128xf32, #tpu.memory_space<vmem>>, vector<16xf32>,
        %mul3A_687 = arith.mulf %get3A_686, %gather3A_628 : vector<16xf32>
        %add3A_688 = arith.constant 3 : i32
        %add3A_689 = arith.addi %mul3A_289, %add3A_688 : i32
        %swap3A_690 = arith.index_cast %rem3A_142 : i32 to index
        %swap3A_691 = arith.index_cast %add3A_689 : i32 to index
        %swap3A_692 = arith.constant 64 : index
        %swap3A_693 = tpu.vector_load %arg16[%swap3A_690, %swap3A_691, %swap3A_692] {strides = array<i32>} : memref<2x128x128xf32, #tpu.memory_space<vmem>>, vector<16xf32>,
        tpu.vector_store %arg16[%swap3A_690, %swap3A_691, %swap3A_692], %mul3A_687 {strides = array<i32>} : memref<2x128x128xf32, #tpu.memory_space<vmem>>, vector<16xf32>,
        %add3A_694 = arith.constant 3 : i32
        %add3A_695 = arith.addi %mul3A_289, %add3A_694 : i32
        %get3A_696 = arith.index_cast %rem3A_142 : i32 to index
        %get3A_697 = arith.index_cast %add3A_695 : i32 to index
        %get3A_698 = arith.constant 80 : index
        %get3A_699 = tpu.vector_load %arg16[%get3A_696, %get3A_697, %get3A_698] {strides = array<i32>} : memref<2x128x128xf32, #tpu.memory_space<vmem>>, vector<16xf32>,
        %mul3A_700 = arith.mulf %get3A_699, %gather3A_628 : vector<16xf32>
        %add3A_701 = arith.constant 3 : i32
        %add3A_702 = arith.addi %mul3A_289, %add3A_701 : i32
        %swap3A_703 = arith.index_cast %rem3A_142 : i32 to index
        %swap3A_704 = arith.index_cast %add3A_702 : i32 to index
        %swap3A_705 = arith.constant 80 : index
        %swap3A_706 = tpu.vector_load %arg16[%swap3A_703, %swap3A_704, %swap3A_705] {strides = array<i32>} : memref<2x128x128xf32, #tpu.memory_space<vmem>>, vector<16xf32>,
        tpu.vector_store %arg16[%swap3A_703, %swap3A_704, %swap3A_705], %mul3A_700 {strides = array<i32>} : memref<2x128x128xf32, #tpu.memory_space<vmem>>, vector<16xf32>,
        %add3A_707 = arith.constant 3 : i32
        %add3A_708 = arith.addi %mul3A_289, %add3A_707 : i32
        %get3A_709 = arith.index_cast %rem3A_142 : i32 to index
        %get3A_710 = arith.index_cast %add3A_708 : i32 to index
        %get3A_711 = arith.constant 96 : index
        %get3A_712 = tpu.vector_load %arg16[%get3A_709, %get3A_710, %get3A_711] {strides = array<i32>} : memref<2x128x128xf32, #tpu.memory_space<vmem>>, vector<16xf32>,
        %mul3A_713 = arith.mulf %get3A_712, %gather3A_628 : vector<16xf32>
        %add3A_714 = arith.constant 3 : i32
        %add3A_715 = arith.addi %mul3A_289, %add3A_714 : i32
        %swap3A_716 = arith.index_cast %rem3A_142 : i32 to index
        %swap3A_717 = arith.index_cast %add3A_715 : i32 to index
        %swap3A_718 = arith.constant 96 : index
        %swap3A_719 = tpu.vector_load %arg16[%swap3A_716, %swap3A_717, %swap3A_718] {strides = array<i32>} : memref<2x128x128xf32, #tpu.memory_space<vmem>>, vector<16xf32>,
        tpu.vector_store %arg16[%swap3A_716, %swap3A_717, %swap3A_718], %mul3A_713 {strides = array<i32>} : memref<2x128x128xf32, #tpu.memory_space<vmem>>, vector<16xf32>,
        %add3A_720 = arith.constant 3 : i32
        %add3A_721 = arith.addi %mul3A_289, %add3A_720 : i32
        %get3A_722 = arith.index_cast %rem3A_142 : i32 to index
        %get3A_723 = arith.index_cast %add3A_721 : i32 to index
        %get3A_724 = arith.constant 112 : index
        %get3A_725 = tpu.vector_load %arg16[%get3A_722, %get3A_723, %get3A_724] {strides = array<i32>} : memref<2x128x128xf32, #tpu.memory_space<vmem>>, vector<16xf32>,
        %mul3A_726 = arith.mulf %get3A_725, %gather3A_628 : vector<16xf32>
        %add3A_727 = arith.constant 3 : i32
        %add3A_728 = arith.addi %mul3A_289, %add3A_727 : i32
        %swap3A_729 = arith.index_cast %rem3A_142 : i32 to index
        %swap3A_730 = arith.index_cast %add3A_728 : i32 to index
        %swap3A_731 = arith.constant 112 : index
        %swap3A_732 = tpu.vector_load %arg16[%swap3A_729, %swap3A_730, %swap3A_731] {strides = array<i32>} : memref<2x128x128xf32, #tpu.memory_space<vmem>>, vector<16xf32>,
        tpu.vector_store %arg16[%swap3A_729, %swap3A_730, %swap3A_731], %mul3A_726 {strides = array<i32>} : memref<2x128x128xf32, #tpu.memory_space<vmem>>, vector<16xf32>,
        %broadcast_in_dim3A_733 = arith.constant 0 : i32
        %broadcast_in_dim3A_734 = vector.broadcast %broadcast_in_dim3A_733 : i32 to vector<16xi32>
        %add3A_735 = arith.constant 4 : i32
        %add3A_736 = arith.addi %mul3A_289, %add3A_735 : i32
        %add3A_737 = vector.broadcast %add3A_736 : i32 to vector<16xi32>
        %add3A_738 = arith.addi %broadcast_in_dim3A_734, %add3A_737 : vector<16xi32>
        %gather3A_739 = tpu.vector_load_idx %arg19[%add3A_738] : memref<128xf32, #tpu.memory_space<vmem>>[vector<16xi32>], vector<16xf32>,
        %add3A_740 = arith.constant 4 : i32
        %add3A_741 = arith.addi %mul3A_289, %add3A_740 : i32
        %get3A_742 = arith.index_cast %rem3A_142 : i32 to index
        %get3A_743 = arith.index_cast %add3A_741 : i32 to index
        %get3A_744 = arith.constant 0 : index
        %get3A_745 = tpu.vector_load %arg16[%get3A_742, %get3A_743, %get3A_744] {strides = array<i32>} : memref<2x128x128xf32, #tpu.memory_space<vmem>>, vector<16xf32>,
        %mul3A_746 = arith.mulf %get3A_745, %gather3A_739 : vector<16xf32>
        %add3A_747 = arith.constant 4 : i32
        %add3A_748 = arith.addi %mul3A_289, %add3A_747 : i32
        %swap3A_749 = arith.index_cast %rem3A_142 : i32 to index
        %swap3A_750 = arith.index_cast %add3A_748 : i32 to index
        %swap3A_751 = arith.constant 0 : index
        %swap3A_752 = tpu.vector_load %arg16[%swap3A_749, %swap3A_750, %swap3A_751] {strides = array<i32>} : memref<2x128x128xf32, #tpu.memory_space<vmem>>, vector<16xf32>,
        tpu.vector_store %arg16[%swap3A_749, %swap3A_750, %swap3A_751], %mul3A_746 {strides = array<i32>} : memref<2x128x128xf32, #tpu.memory_space<vmem>>, vector<16xf32>,
        %add3A_753 = arith.constant 4 : i32
        %add3A_754 = arith.addi %mul3A_289, %add3A_753 : i32
        %get3A_755 = arith.index_cast %rem3A_142 : i32 to index
        %get3A_756 = arith.index_cast %add3A_754 : i32 to index
        %get3A_757 = arith.constant 16 : index
        %get3A_758 = tpu.vector_load %arg16[%get3A_755, %get3A_756, %get3A_757] {strides = array<i32>} : memref<2x128x128xf32, #tpu.memory_space<vmem>>, vector<16xf32>,
        %mul3A_759 = arith.mulf %get3A_758, %gather3A_739 : vector<16xf32>
        %add3A_760 = arith.constant 4 : i32
        %add3A_761 = arith.addi %mul3A_289, %add3A_760 : i32
        %swap3A_762 = arith.index_cast %rem3A_142 : i32 to index
        %swap3A_763 = arith.index_cast %add3A_761 : i32 to index
        %swap3A_764 = arith.constant 16 : index
        %swap3A_765 = tpu.vector_load %arg16[%swap3A_762, %swap3A_763, %swap3A_764] {strides = array<i32>} : memref<2x128x128xf32, #tpu.memory_space<vmem>>, vector<16xf32>,
        tpu.vector_store %arg16[%swap3A_762, %swap3A_763, %swap3A_764], %mul3A_759 {strides = array<i32>} : memref<2x128x128xf32, #tpu.memory_space<vmem>>, vector<16xf32>,
        %add3A_766 = arith.constant 4 : i32
        %add3A_767 = arith.addi %mul3A_289, %add3A_766 : i32
        %get3A_768 = arith.index_cast %rem3A_142 : i32 to index
        %get3A_769 = arith.index_cast %add3A_767 : i32 to index
        %get3A_770 = arith.constant 32 : index
        %get3A_771 = tpu.vector_load %arg16[%get3A_768, %get3A_769, %get3A_770] {strides = array<i32>} : memref<2x128x128xf32, #tpu.memory_space<vmem>>, vector<16xf32>,
        %mul3A_772 = arith.mulf %get3A_771, %gather3A_739 : vector<16xf32>
        %add3A_773 = arith.constant 4 : i32
        %add3A_774 = arith.addi %mul3A_289, %add3A_773 : i32
        %swap3A_775 = arith.index_cast %rem3A_142 : i32 to index
        %swap3A_776 = arith.index_cast %add3A_774 : i32 to index
        %swap3A_777 = arith.constant 32 : index
        %swap3A_778 = tpu.vector_load %arg16[%swap3A_775, %swap3A_776, %swap3A_777] {strides = array<i32>} : memref<2x128x128xf32, #tpu.memory_space<vmem>>, vector<16xf32>,
        tpu.vector_store %arg16[%swap3A_775, %swap3A_776, %swap3A_777], %mul3A_772 {strides = array<i32>} : memref<2x128x128xf32, #tpu.memory_space<vmem>>, vector<16xf32>,
        %add3A_779 = arith.constant 4 : i32
        %add3A_780 = arith.addi %mul3A_289, %add3A_779 : i32
        %get3A_781 = arith.index_cast %rem3A_142 : i32 to index
        %get3A_782 = arith.index_cast %add3A_780 : i32 to index
        %get3A_783 = arith.constant 48 : index
        %get3A_784 = tpu.vector_load %arg16[%get3A_781, %get3A_782, %get3A_783] {strides = array<i32>} : memref<2x128x128xf32, #tpu.memory_space<vmem>>, vector<16xf32>,
        %mul3A_785 = arith.mulf %get3A_784, %gather3A_739 : vector<16xf32>
        %add3A_786 = arith.constant 4 : i32
        %add3A_787 = arith.addi %mul3A_289, %add3A_786 : i32
        %swap3A_788 = arith.index_cast %rem3A_142 : i32 to index
        %swap3A_789 = arith.index_cast %add3A_787 : i32 to index
        %swap3A_790 = arith.constant 48 : index
        %swap3A_791 = tpu.vector_load %arg16[%swap3A_788, %swap3A_789, %swap3A_790] {strides = array<i32>} : memref<2x128x128xf32, #tpu.memory_space<vmem>>, vector<16xf32>,
        tpu.vector_store %arg16[%swap3A_788, %swap3A_789, %swap3A_790], %mul3A_785 {strides = array<i32>} : memref<2x128x128xf32, #tpu.memory_space<vmem>>, vector<16xf32>,
        %add3A_792 = arith.constant 4 : i32
        %add3A_793 = arith.addi %mul3A_289, %add3A_792 : i32
        %get3A_794 = arith.index_cast %rem3A_142 : i32 to index
        %get3A_795 = arith.index_cast %add3A_793 : i32 to index
        %get3A_796 = arith.constant 64 : index
        %get3A_797 = tpu.vector_load %arg16[%get3A_794, %get3A_795, %get3A_796] {strides = array<i32>} : memref<2x128x128xf32, #tpu.memory_space<vmem>>, vector<16xf32>,
        %mul3A_798 = arith.mulf %get3A_797, %gather3A_739 : vector<16xf32>
        %add3A_799 = arith.constant 4 : i32
        %add3A_800 = arith.addi %mul3A_289, %add3A_799 : i32
        %swap3A_801 = arith.index_cast %rem3A_142 : i32 to index
        %swap3A_802 = arith.index_cast %add3A_800 : i32 to index
        %swap3A_803 = arith.constant 64 : index
        %swap3A_804 = tpu.vector_load %arg16[%swap3A_801, %swap3A_802, %swap3A_803] {strides = array<i32>} : memref<2x128x128xf32, #tpu.memory_space<vmem>>, vector<16xf32>,
        tpu.vector_store %arg16[%swap3A_801, %swap3A_802, %swap3A_803], %mul3A_798 {strides = array<i32>} : memref<2x128x128xf32, #tpu.memory_space<vmem>>, vector<16xf32>,
        %add3A_805 = arith.constant 4 : i32
        %add3A_806 = arith.addi %mul3A_289, %add3A_805 : i32
        %get3A_807 = arith.index_cast %rem3A_142 : i32 to index
        %get3A_808 = arith.index_cast %add3A_806 : i32 to index
        %get3A_809 = arith.constant 80 : index
        %get3A_810 = tpu.vector_load %arg16[%get3A_807, %get3A_808, %get3A_809] {strides = array<i32>} : memref<2x128x128xf32, #tpu.memory_space<vmem>>, vector<16xf32>,
        %mul3A_811 = arith.mulf %get3A_810, %gather3A_739 : vector<16xf32>
        %add3A_812 = arith.constant 4 : i32
        %add3A_813 = arith.addi %mul3A_289, %add3A_812 : i32
        %swap3A_814 = arith.index_cast %rem3A_142 : i32 to index
        %swap3A_815 = arith.index_cast %add3A_813 : i32 to index
        %swap3A_816 = arith.constant 80 : index
        %swap3A_817 = tpu.vector_load %arg16[%swap3A_814, %swap3A_815, %swap3A_816] {strides = array<i32>} : memref<2x128x128xf32, #tpu.memory_space<vmem>>, vector<16xf32>,
        tpu.vector_store %arg16[%swap3A_814, %swap3A_815, %swap3A_816], %mul3A_811 {strides = array<i32>} : memref<2x128x128xf32, #tpu.memory_space<vmem>>, vector<16xf32>,
        %add3A_818 = arith.constant 4 : i32
        %add3A_819 = arith.addi %mul3A_289, %add3A_818 : i32
        %get3A_820 = arith.index_cast %rem3A_142 : i32 to index
        %get3A_821 = arith.index_cast %add3A_819 : i32 to index
        %get3A_822 = arith.constant 96 : index
        %get3A_823 = tpu.vector_load %arg16[%get3A_820, %get3A_821, %get3A_822] {strides = array<i32>} : memref<2x128x128xf32, #tpu.memory_space<vmem>>, vector<16xf32>,
        %mul3A_824 = arith.mulf %get3A_823, %gather3A_739 : vector<16xf32>
        %add3A_825 = arith.constant 4 : i32
        %add3A_826 = arith.addi %mul3A_289, %add3A_825 : i32
        %swap3A_827 = arith.index_cast %rem3A_142 : i32 to index
        %swap3A_828 = arith.index_cast %add3A_826 : i32 to index
        %swap3A_829 = arith.constant 96 : index
        %swap3A_830 = tpu.vector_load %arg16[%swap3A_827, %swap3A_828, %swap3A_829] {strides = array<i32>} : memref<2x128x128xf32, #tpu.memory_space<vmem>>, vector<16xf32>,
        tpu.vector_store %arg16[%swap3A_827, %swap3A_828, %swap3A_829], %mul3A_824 {strides = array<i32>} : memref<2x128x128xf32, #tpu.memory_space<vmem>>, vector<16xf32>,
        %add3A_831 = arith.constant 4 : i32
        %add3A_832 = arith.addi %mul3A_289, %add3A_831 : i32
        %get3A_833 = arith.index_cast %rem3A_142 : i32 to index
        %get3A_834 = arith.index_cast %add3A_832 : i32 to index
        %get3A_835 = arith.constant 112 : index
        %get3A_836 = tpu.vector_load %arg16[%get3A_833, %get3A_834, %get3A_835] {strides = array<i32>} : memref<2x128x128xf32, #tpu.memory_space<vmem>>, vector<16xf32>,
        %mul3A_837 = arith.mulf %get3A_836, %gather3A_739 : vector<16xf32>
        %add3A_838 = arith.constant 4 : i32
        %add3A_839 = arith.addi %mul3A_289, %add3A_838 : i32
        %swap3A_840 = arith.index_cast %rem3A_142 : i32 to index
        %swap3A_841 = arith.index_cast %add3A_839 : i32 to index
        %swap3A_842 = arith.constant 112 : index
        %swap3A_843 = tpu.vector_load %arg16[%swap3A_840, %swap3A_841, %swap3A_842] {strides = array<i32>} : memref<2x128x128xf32, #tpu.memory_space<vmem>>, vector<16xf32>,
        tpu.vector_store %arg16[%swap3A_840, %swap3A_841, %swap3A_842], %mul3A_837 {strides = array<i32>} : memref<2x128x128xf32, #tpu.memory_space<vmem>>, vector<16xf32>,
        %broadcast_in_dim3A_844 = arith.constant 0 : i32
        %broadcast_in_dim3A_845 = vector.broadcast %broadcast_in_dim3A_844 : i32 to vector<16xi32>
        %add3A_846 = arith.constant 5 : i32
        %add3A_847 = arith.addi %mul3A_289, %add3A_846 : i32
        %add3A_848 = vector.broadcast %add3A_847 : i32 to vector<16xi32>
        %add3A_849 = arith.addi %broadcast_in_dim3A_845, %add3A_848 : vector<16xi32>
        %gather3A_850 = tpu.vector_load_idx %arg19[%add3A_849] : memref<128xf32, #tpu.memory_space<vmem>>[vector<16xi32>], vector<16xf32>,
        %add3A_851 = arith.constant 5 : i32
        %add3A_852 = arith.addi %mul3A_289, %add3A_851 : i32
        %get3A_853 = arith.index_cast %rem3A_142 : i32 to index
        %get3A_854 = arith.index_cast %add3A_852 : i32 to index
        %get3A_855 = arith.constant 0 : index
        %get3A_856 = tpu.vector_load %arg16[%get3A_853, %get3A_854, %get3A_855] {strides = array<i32>} : memref<2x128x128xf32, #tpu.memory_space<vmem>>, vector<16xf32>,
        %mul3A_857 = arith.mulf %get3A_856, %gather3A_850 : vector<16xf32>
        %add3A_858 = arith.constant 5 : i32
        %add3A_859 = arith.addi %mul3A_289, %add3A_858 : i32
        %swap3A_860 = arith.index_cast %rem3A_142 : i32 to index
        %swap3A_861 = arith.index_cast %add3A_859 : i32 to index
        %swap3A_862 = arith.constant 0 : index
        %swap3A_863 = tpu.vector_load %arg16[%swap3A_860, %swap3A_861, %swap3A_862] {strides = array<i32>} : memref<2x128x128xf32, #tpu.memory_space<vmem>>, vector<16xf32>,
        tpu.vector_store %arg16[%swap3A_860, %swap3A_861, %swap3A_862], %mul3A_857 {strides = array<i32>} : memref<2x128x128xf32, #tpu.memory_space<vmem>>, vector<16xf32>,
        %add3A_864 = arith.constant 5 : i32
        %add3A_865 = arith.addi %mul3A_289, %add3A_864 : i32
        %get3A_866 = arith.index_cast %rem3A_142 : i32 to index
        %get3A_867 = arith.index_cast %add3A_865 : i32 to index
        %get3A_868 = arith.constant 16 : index
        %get3A_869 = tpu.vector_load %arg16[%get3A_866, %get3A_867, %get3A_868] {strides = array<i32>} : memref<2x128x128xf32, #tpu.memory_space<vmem>>, vector<16xf32>,
        %mul3A_870 = arith.mulf %get3A_869, %gather3A_850 : vector<16xf32>
        %add3A_871 = arith.constant 5 : i32
        %add3A_872 = arith.addi %mul3A_289, %add3A_871 : i32
        %swap3A_873 = arith.index_cast %rem3A_142 : i32 to index
        %swap3A_874 = arith.index_cast %add3A_872 : i32 to index
        %swap3A_875 = arith.constant 16 : index
        %swap3A_876 = tpu.vector_load %arg16[%swap3A_873, %swap3A_874, %swap3A_875] {strides = array<i32>} : memref<2x128x128xf32, #tpu.memory_space<vmem>>, vector<16xf32>,
        tpu.vector_store %arg16[%swap3A_873, %swap3A_874, %swap3A_875], %mul3A_870 {strides = array<i32>} : memref<2x128x128xf32, #tpu.memory_space<vmem>>, vector<16xf32>,
        %add3A_877 = arith.constant 5 : i32
        %add3A_878 = arith.addi %mul3A_289, %add3A_877 : i32
        %get3A_879 = arith.index_cast %rem3A_142 : i32 to index
        %get3A_880 = arith.index_cast %add3A_878 : i32 to index
        %get3A_881 = arith.constant 32 : index
        %get3A_882 = tpu.vector_load %arg16[%get3A_879, %get3A_880, %get3A_881] {strides = array<i32>} : memref<2x128x128xf32, #tpu.memory_space<vmem>>, vector<16xf32>,
        %mul3A_883 = arith.mulf %get3A_882, %gather3A_850 : vector<16xf32>
        %add3A_884 = arith.constant 5 : i32
        %add3A_885 = arith.addi %mul3A_289, %add3A_884 : i32
        %swap3A_886 = arith.index_cast %rem3A_142 : i32 to index
        %swap3A_887 = arith.index_cast %add3A_885 : i32 to index
        %swap3A_888 = arith.constant 32 : index
        %swap3A_889 = tpu.vector_load %arg16[%swap3A_886, %swap3A_887, %swap3A_888] {strides = array<i32>} : memref<2x128x128xf32, #tpu.memory_space<vmem>>, vector<16xf32>,
        tpu.vector_store %arg16[%swap3A_886, %swap3A_887, %swap3A_888], %mul3A_883 {strides = array<i32>} : memref<2x128x128xf32, #tpu.memory_space<vmem>>, vector<16xf32>,
        %add3A_890 = arith.constant 5 : i32
        %add3A_891 = arith.addi %mul3A_289, %add3A_890 : i32
        %get3A_892 = arith.index_cast %rem3A_142 : i32 to index
        %get3A_893 = arith.index_cast %add3A_891 : i32 to index
        %get3A_894 = arith.constant 48 : index
        %get3A_895 = tpu.vector_load %arg16[%get3A_892, %get3A_893, %get3A_894] {strides = array<i32>} : memref<2x128x128xf32, #tpu.memory_space<vmem>>, vector<16xf32>,
        %mul3A_896 = arith.mulf %get3A_895, %gather3A_850 : vector<16xf32>
        %add3A_897 = arith.constant 5 : i32
        %add3A_898 = arith.addi %mul3A_289, %add3A_897 : i32
        %swap3A_899 = arith.index_cast %rem3A_142 : i32 to index
        %swap3A_900 = arith.index_cast %add3A_898 : i32 to index
        %swap3A_901 = arith.constant 48 : index
        %swap3A_902 = tpu.vector_load %arg16[%swap3A_899, %swap3A_900, %swap3A_901] {strides = array<i32>} : memref<2x128x128xf32, #tpu.memory_space<vmem>>, vector<16xf32>,
        tpu.vector_store %arg16[%swap3A_899, %swap3A_900, %swap3A_901], %mul3A_896 {strides = array<i32>} : memref<2x128x128xf32, #tpu.memory_space<vmem>>, vector<16xf32>,
        %add3A_903 = arith.constant 5 : i32
        %add3A_904 = arith.addi %mul3A_289, %add3A_903 : i32
        %get3A_905 = arith.index_cast %rem3A_142 : i32 to index
        %get3A_906 = arith.index_cast %add3A_904 : i32 to index
        %get3A_907 = arith.constant 64 : index
        %get3A_908 = tpu.vector_load %arg16[%get3A_905, %get3A_906, %get3A_907] {strides = array<i32>} : memref<2x128x128xf32, #tpu.memory_space<vmem>>, vector<16xf32>,
        %mul3A_909 = arith.mulf %get3A_908, %gather3A_850 : vector<16xf32>
        %add3A_910 = arith.constant 5 : i32
        %add3A_911 = arith.addi %mul3A_289, %add3A_910 : i32
        %swap3A_912 = arith.index_cast %rem3A_142 : i32 to index
        %swap3A_913 = arith.index_cast %add3A_911 : i32 to index
        %swap3A_914 = arith.constant 64 : index
        %swap3A_915 = tpu.vector_load %arg16[%swap3A_912, %swap3A_913, %swap3A_914] {strides = array<i32>} : memref<2x128x128xf32, #tpu.memory_space<vmem>>, vector<16xf32>,
        tpu.vector_store %arg16[%swap3A_912, %swap3A_913, %swap3A_914], %mul3A_909 {strides = array<i32>} : memref<2x128x128xf32, #tpu.memory_space<vmem>>, vector<16xf32>,
        %add3A_916 = arith.constant 5 : i32
        %add3A_917 = arith.addi %mul3A_289, %add3A_916 : i32
        %get3A_918 = arith.index_cast %rem3A_142 : i32 to index
        %get3A_919 = arith.index_cast %add3A_917 : i32 to index
        %get3A_920 = arith.constant 80 : index
        %get3A_921 = tpu.vector_load %arg16[%get3A_918, %get3A_919, %get3A_920] {strides = array<i32>} : memref<2x128x128xf32, #tpu.memory_space<vmem>>, vector<16xf32>,
        %mul3A_922 = arith.mulf %get3A_921, %gather3A_850 : vector<16xf32>
        %add3A_923 = arith.constant 5 : i32
        %add3A_924 = arith.addi %mul3A_289, %add3A_923 : i32
        %swap3A_925 = arith.index_cast %rem3A_142 : i32 to index
        %swap3A_926 = arith.index_cast %add3A_924 : i32 to index
        %swap3A_927 = arith.constant 80 : index
        %swap3A_928 = tpu.vector_load %arg16[%swap3A_925, %swap3A_926, %swap3A_927] {strides = array<i32>} : memref<2x128x128xf32, #tpu.memory_space<vmem>>, vector<16xf32>,
        tpu.vector_store %arg16[%swap3A_925, %swap3A_926, %swap3A_927], %mul3A_922 {strides = array<i32>} : memref<2x128x128xf32, #tpu.memory_space<vmem>>, vector<16xf32>,
        %add3A_929 = arith.constant 5 : i32
        %add3A_930 = arith.addi %mul3A_289, %add3A_929 : i32
        %get3A_931 = arith.index_cast %rem3A_142 : i32 to index
        %get3A_932 = arith.index_cast %add3A_930 : i32 to index
        %get3A_933 = arith.constant 96 : index
        %get3A_934 = tpu.vector_load %arg16[%get3A_931, %get3A_932, %get3A_933] {strides = array<i32>} : memref<2x128x128xf32, #tpu.memory_space<vmem>>, vector<16xf32>,
        %mul3A_935 = arith.mulf %get3A_934, %gather3A_850 : vector<16xf32>
        %add3A_936 = arith.constant 5 : i32
        %add3A_937 = arith.addi %mul3A_289, %add3A_936 : i32
        %swap3A_938 = arith.index_cast %rem3A_142 : i32 to index
        %swap3A_939 = arith.index_cast %add3A_937 : i32 to index
        %swap3A_940 = arith.constant 96 : index
        %swap3A_941 = tpu.vector_load %arg16[%swap3A_938, %swap3A_939, %swap3A_940] {strides = array<i32>} : memref<2x128x128xf32, #tpu.memory_space<vmem>>, vector<16xf32>,
        tpu.vector_store %arg16[%swap3A_938, %swap3A_939, %swap3A_940], %mul3A_935 {strides = array<i32>} : memref<2x128x128xf32, #tpu.memory_space<vmem>>, vector<16xf32>,
        %add3A_942 = arith.constant 5 : i32
        %add3A_943 = arith.addi %mul3A_289, %add3A_942 : i32
        %get3A_944 = arith.index_cast %rem3A_142 : i32 to index
        %get3A_945 = arith.index_cast %add3A_943 : i32 to index
        %get3A_946 = arith.constant 112 : index
        %get3A_947 = tpu.vector_load %arg16[%get3A_944, %get3A_945, %get3A_946] {strides = array<i32>} : memref<2x128x128xf32, #tpu.memory_space<vmem>>, vector<16xf32>,
        %mul3A_948 = arith.mulf %get3A_947, %gather3A_850 : vector<16xf32>
        %add3A_949 = arith.constant 5 : i32
        %add3A_950 = arith.addi %mul3A_289, %add3A_949 : i32
        %swap3A_951 = arith.index_cast %rem3A_142 : i32 to index
        %swap3A_952 = arith.index_cast %add3A_950 : i32 to index
        %swap3A_953 = arith.constant 112 : index
        %swap3A_954 = tpu.vector_load %arg16[%swap3A_951, %swap3A_952, %swap3A_953] {strides = array<i32>} : memref<2x128x128xf32, #tpu.memory_space<vmem>>, vector<16xf32>,
        tpu.vector_store %arg16[%swap3A_951, %swap3A_952, %swap3A_953], %mul3A_948 {strides = array<i32>} : memref<2x128x128xf32, #tpu.memory_space<vmem>>, vector<16xf32>,
        %broadcast_in_dim3A_955 = arith.constant 0 : i32
        %broadcast_in_dim3A_956 = vector.broadcast %broadcast_in_dim3A_955 : i32 to vector<16xi32>
        %add3A_957 = arith.constant 6 : i32
        %add3A_958 = arith.addi %mul3A_289, %add3A_957 : i32
        %add3A_959 = vector.broadcast %add3A_958 : i32 to vector<16xi32>
        %add3A_960 = arith.addi %broadcast_in_dim3A_956, %add3A_959 : vector<16xi32>
        %gather3A_961 = tpu.vector_load_idx %arg19[%add3A_960] : memref<128xf32, #tpu.memory_space<vmem>>[vector<16xi32>], vector<16xf32>,
        %add3A_962 = arith.constant 6 : i32
        %add3A_963 = arith.addi %mul3A_289, %add3A_962 : i32
        %get3A_964 = arith.index_cast %rem3A_142 : i32 to index
        %get3A_965 = arith.index_cast %add3A_963 : i32 to index
        %get3A_966 = arith.constant 0 : index
        %get3A_967 = tpu.vector_load %arg16[%get3A_964, %get3A_965, %get3A_966] {strides = array<i32>} : memref<2x128x128xf32, #tpu.memory_space<vmem>>, vector<16xf32>,
        %mul3A_968 = arith.mulf %get3A_967, %gather3A_961 : vector<16xf32>
        %add3A_969 = arith.constant 6 : i32
        %add3A_970 = arith.addi %mul3A_289, %add3A_969 : i32
        %swap3A_971 = arith.index_cast %rem3A_142 : i32 to index
        %swap3A_972 = arith.index_cast %add3A_970 : i32 to index
        %swap3A_973 = arith.constant 0 : index
        %swap3A_974 = tpu.vector_load %arg16[%swap3A_971, %swap3A_972, %swap3A_973] {strides = array<i32>} : memref<2x128x128xf32, #tpu.memory_space<vmem>>, vector<16xf32>,
        tpu.vector_store %arg16[%swap3A_971, %swap3A_972, %swap3A_973], %mul3A_968 {strides = array<i32>} : memref<2x128x128xf32, #tpu.memory_space<vmem>>, vector<16xf32>,
        %add3A_975 = arith.constant 6 : i32
        %add3A_976 = arith.addi %mul3A_289, %add3A_975 : i32
        %get3A_977 = arith.index_cast %rem3A_142 : i32 to index
        %get3A_978 = arith.index_cast %add3A_976 : i32 to index
        %get3A_979 = arith.constant 16 : index
        %get3A_980 = tpu.vector_load %arg16[%get3A_977, %get3A_978, %get3A_979] {strides = array<i32>} : memref<2x128x128xf32, #tpu.memory_space<vmem>>, vector<16xf32>,
        %mul3A_981 = arith.mulf %get3A_980, %gather3A_961 : vector<16xf32>
        %add3A_982 = arith.constant 6 : i32
        %add3A_983 = arith.addi %mul3A_289, %add3A_982 : i32
        %swap3A_984 = arith.index_cast %rem3A_142 : i32 to index
        %swap3A_985 = arith.index_cast %add3A_983 : i32 to index
        %swap3A_986 = arith.constant 16 : index
        %swap3A_987 = tpu.vector_load %arg16[%swap3A_984, %swap3A_985, %swap3A_986] {strides = array<i32>} : memref<2x128x128xf32, #tpu.memory_space<vmem>>, vector<16xf32>,
        tpu.vector_store %arg16[%swap3A_984, %swap3A_985, %swap3A_986], %mul3A_981 {strides = array<i32>} : memref<2x128x128xf32, #tpu.memory_space<vmem>>, vector<16xf32>,
        %add3A_988 = arith.constant 6 : i32
        %add3A_989 = arith.addi %mul3A_289, %add3A_988 : i32
        %get3A_990 = arith.index_cast %rem3A_142 : i32 to index
        %get3A_991 = arith.index_cast %add3A_989 : i32 to index
        %get3A_992 = arith.constant 32 : index
        %get3A_993 = tpu.vector_load %arg16[%get3A_990, %get3A_991, %get3A_992] {strides = array<i32>} : memref<2x128x128xf32, #tpu.memory_space<vmem>>, vector<16xf32>,
        %mul3A_994 = arith.mulf %get3A_993, %gather3A_961 : vector<16xf32>
        %add3A_995 = arith.constant 6 : i32
        %add3A_996 = arith.addi %mul3A_289, %add3A_995 : i32
        %swap3A_997 = arith.index_cast %rem3A_142 : i32 to index
        %swap3A_998 = arith.index_cast %add3A_996 : i32 to index
        %swap3A_999 = arith.constant 32 : index
        %swap3A_1000 = tpu.vector_load %arg16[%swap3A_997, %swap3A_998, %swap3A_999] {strides = array<i32>} : memref<2x128x128xf32, #tpu.memory_space<vmem>>, vector<16xf32>,
        tpu.vector_store %arg16[%swap3A_997, %swap3A_998, %swap3A_999], %mul3A_994 {strides = array<i32>} : memref<2x128x128xf32, #tpu.memory_space<vmem>>, vector<16xf32>,
        %add3A_1001 = arith.constant 6 : i32
        %add3A_1002 = arith.addi %mul3A_289, %add3A_1001 : i32
        %get3A_1003 = arith.index_cast %rem3A_142 : i32 to index
        %get3A_1004 = arith.index_cast %add3A_1002 : i32 to index
        %get3A_1005 = arith.constant 48 : index
        %get3A_1006 = tpu.vector_load %arg16[%get3A_1003, %get3A_1004, %get3A_1005] {strides = array<i32>} : memref<2x128x128xf32, #tpu.memory_space<vmem>>, vector<16xf32>,
        %mul3A_1007 = arith.mulf %get3A_1006, %gather3A_961 : vector<16xf32>
        %add3A_1008 = arith.constant 6 : i32
        %add3A_1009 = arith.addi %mul3A_289, %add3A_1008 : i32
        %swap3A_1010 = arith.index_cast %rem3A_142 : i32 to index
        %swap3A_1011 = arith.index_cast %add3A_1009 : i32 to index
        %swap3A_1012 = arith.constant 48 : index
        %swap3A_1013 = tpu.vector_load %arg16[%swap3A_1010, %swap3A_1011, %swap3A_1012] {strides = array<i32>} : memref<2x128x128xf32, #tpu.memory_space<vmem>>, vector<16xf32>,
        tpu.vector_store %arg16[%swap3A_1010, %swap3A_1011, %swap3A_1012], %mul3A_1007 {strides = array<i32>} : memref<2x128x128xf32, #tpu.memory_space<vmem>>, vector<16xf32>,
        %add3A_1014 = arith.constant 6 : i32
        %add3A_1015 = arith.addi %mul3A_289, %add3A_1014 : i32
        %get3A_1016 = arith.index_cast %rem3A_142 : i32 to index
        %get3A_1017 = arith.index_cast %add3A_1015 : i32 to index
        %get3A_1018 = arith.constant 64 : index
        %get3A_1019 = tpu.vector_load %arg16[%get3A_1016, %get3A_1017, %get3A_1018] {strides = array<i32>} : memref<2x128x128xf32, #tpu.memory_space<vmem>>, vector<16xf32>,
        %mul3A_1020 = arith.mulf %get3A_1019, %gather3A_961 : vector<16xf32>
        %add3A_1021 = arith.constant 6 : i32
        %add3A_1022 = arith.addi %mul3A_289, %add3A_1021 : i32
        %swap3A_1023 = arith.index_cast %rem3A_142 : i32 to index
        %swap3A_1024 = arith.index_cast %add3A_1022 : i32 to index
        %swap3A_1025 = arith.constant 64 : index
        %swap3A_1026 = tpu.vector_load %arg16[%swap3A_1023, %swap3A_1024, %swap3A_1025] {strides = array<i32>} : memref<2x128x128xf32, #tpu.memory_space<vmem>>, vector<16xf32>,
        tpu.vector_store %arg16[%swap3A_1023, %swap3A_1024, %swap3A_1025], %mul3A_1020 {strides = array<i32>} : memref<2x128x128xf32, #tpu.memory_space<vmem>>, vector<16xf32>,
        %add3A_1027 = arith.constant 6 : i32
        %add3A_1028 = arith.addi %mul3A_289, %add3A_1027 : i32
        %get3A_1029 = arith.index_cast %rem3A_142 : i32 to index
        %get3A_1030 = arith.index_cast %add3A_1028 : i32 to index
        %get3A_1031 = arith.constant 80 : index
        %get3A_1032 = tpu.vector_load %arg16[%get3A_1029, %get3A_1030, %get3A_1031] {strides = array<i32>} : memref<2x128x128xf32, #tpu.memory_space<vmem>>, vector<16xf32>,
        %mul3A_1033 = arith.mulf %get3A_1032, %gather3A_961 : vector<16xf32>
        %add3A_1034 = arith.constant 6 : i32
        %add3A_1035 = arith.addi %mul3A_289, %add3A_1034 : i32
        %swap3A_1036 = arith.index_cast %rem3A_142 : i32 to index
        %swap3A_1037 = arith.index_cast %add3A_1035 : i32 to index
        %swap3A_1038 = arith.constant 80 : index
        %swap3A_1039 = tpu.vector_load %arg16[%swap3A_1036, %swap3A_1037, %swap3A_1038] {strides = array<i32>} : memref<2x128x128xf32, #tpu.memory_space<vmem>>, vector<16xf32>,
        tpu.vector_store %arg16[%swap3A_1036, %swap3A_1037, %swap3A_1038], %mul3A_1033 {strides = array<i32>} : memref<2x128x128xf32, #tpu.memory_space<vmem>>, vector<16xf32>,
        %add3A_1040 = arith.constant 6 : i32
        %add3A_1041 = arith.addi %mul3A_289, %add3A_1040 : i32
        %get3A_1042 = arith.index_cast %rem3A_142 : i32 to index
        %get3A_1043 = arith.index_cast %add3A_1041 : i32 to index
        %get3A_1044 = arith.constant 96 : index
        %get3A_1045 = tpu.vector_load %arg16[%get3A_1042, %get3A_1043, %get3A_1044] {strides = array<i32>} : memref<2x128x128xf32, #tpu.memory_space<vmem>>, vector<16xf32>,
        %mul3A_1046 = arith.mulf %get3A_1045, %gather3A_961 : vector<16xf32>
        %add3A_1047 = arith.constant 6 : i32
        %add3A_1048 = arith.addi %mul3A_289, %add3A_1047 : i32
        %swap3A_1049 = arith.index_cast %rem3A_142 : i32 to index
        %swap3A_1050 = arith.index_cast %add3A_1048 : i32 to index
        %swap3A_1051 = arith.constant 96 : index
        %swap3A_1052 = tpu.vector_load %arg16[%swap3A_1049, %swap3A_1050, %swap3A_1051] {strides = array<i32>} : memref<2x128x128xf32, #tpu.memory_space<vmem>>, vector<16xf32>,
        tpu.vector_store %arg16[%swap3A_1049, %swap3A_1050, %swap3A_1051], %mul3A_1046 {strides = array<i32>} : memref<2x128x128xf32, #tpu.memory_space<vmem>>, vector<16xf32>,
        %add3A_1053 = arith.constant 6 : i32
        %add3A_1054 = arith.addi %mul3A_289, %add3A_1053 : i32
        %get3A_1055 = arith.index_cast %rem3A_142 : i32 to index
        %get3A_1056 = arith.index_cast %add3A_1054 : i32 to index
        %get3A_1057 = arith.constant 112 : index
        %get3A_1058 = tpu.vector_load %arg16[%get3A_1055, %get3A_1056, %get3A_1057] {strides = array<i32>} : memref<2x128x128xf32, #tpu.memory_space<vmem>>, vector<16xf32>,
        %mul3A_1059 = arith.mulf %get3A_1058, %gather3A_961 : vector<16xf32>
        %add3A_1060 = arith.constant 6 : i32
        %add3A_1061 = arith.addi %mul3A_289, %add3A_1060 : i32
        %swap3A_1062 = arith.index_cast %rem3A_142 : i32 to index
        %swap3A_1063 = arith.index_cast %add3A_1061 : i32 to index
        %swap3A_1064 = arith.constant 112 : index
        %swap3A_1065 = tpu.vector_load %arg16[%swap3A_1062, %swap3A_1063, %swap3A_1064] {strides = array<i32>} : memref<2x128x128xf32, #tpu.memory_space<vmem>>, vector<16xf32>,
        tpu.vector_store %arg16[%swap3A_1062, %swap3A_1063, %swap3A_1064], %mul3A_1059 {strides = array<i32>} : memref<2x128x128xf32, #tpu.memory_space<vmem>>, vector<16xf32>,
        %broadcast_in_dim3A_1066 = arith.constant 0 : i32
        %broadcast_in_dim3A_1067 = vector.broadcast %broadcast_in_dim3A_1066 : i32 to vector<16xi32>
        %add3A_1068 = arith.constant 7 : i32
        %add3A_1069 = arith.addi %mul3A_289, %add3A_1068 : i32
        %add3A_1070 = vector.broadcast %add3A_1069 : i32 to vector<16xi32>
        %add3A_1071 = arith.addi %broadcast_in_dim3A_1067, %add3A_1070 : vector<16xi32>
        %gather3A_1072 = tpu.vector_load_idx %arg19[%add3A_1071] : memref<128xf32, #tpu.memory_space<vmem>>[vector<16xi32>], vector<16xf32>,
        %add3A_1073 = arith.constant 7 : i32
        %add3A_1074 = arith.addi %mul3A_289, %add3A_1073 : i32
        %get3A_1075 = arith.index_cast %rem3A_142 : i32 to index
        %get3A_1076 = arith.index_cast %add3A_1074 : i32 to index
        %get3A_1077 = arith.constant 0 : index
        %get3A_1078 = tpu.vector_load %arg16[%get3A_1075, %get3A_1076, %get3A_1077] {strides = array<i32>} : memref<2x128x128xf32, #tpu.memory_space<vmem>>, vector<16xf32>,
        %mul3A_1079 = arith.mulf %get3A_1078, %gather3A_1072 : vector<16xf32>
        %add3A_1080 = arith.constant 7 : i32
        %add3A_1081 = arith.addi %mul3A_289, %add3A_1080 : i32
        %swap3A_1082 = arith.index_cast %rem3A_142 : i32 to index
        %swap3A_1083 = arith.index_cast %add3A_1081 : i32 to index
        %swap3A_1084 = arith.constant 0 : index
        %swap3A_1085 = tpu.vector_load %arg16[%swap3A_1082, %swap3A_1083, %swap3A_1084] {strides = array<i32>} : memref<2x128x128xf32, #tpu.memory_space<vmem>>, vector<16xf32>,
        tpu.vector_store %arg16[%swap3A_1082, %swap3A_1083, %swap3A_1084], %mul3A_1079 {strides = array<i32>} : memref<2x128x128xf32, #tpu.memory_space<vmem>>, vector<16xf32>,
        %add3A_1086 = arith.constant 7 : i32
        %add3A_1087 = arith.addi %mul3A_289, %add3A_1086 : i32
        %get3A_1088 = arith.index_cast %rem3A_142 : i32 to index
        %get3A_1089 = arith.index_cast %add3A_1087 : i32 to index
        %get3A_1090 = arith.constant 16 : index
        %get3A_1091 = tpu.vector_load %arg16[%get3A_1088, %get3A_1089, %get3A_1090] {strides = array<i32>} : memref<2x128x128xf32, #tpu.memory_space<vmem>>, vector<16xf32>,
        %mul3A_1092 = arith.mulf %get3A_1091, %gather3A_1072 : vector<16xf32>
        %add3A_1093 = arith.constant 7 : i32
        %add3A_1094 = arith.addi %mul3A_289, %add3A_1093 : i32
        %swap3A_1095 = arith.index_cast %rem3A_142 : i32 to index
        %swap3A_1096 = arith.index_cast %add3A_1094 : i32 to index
        %swap3A_1097 = arith.constant 16 : index
        %swap3A_1098 = tpu.vector_load %arg16[%swap3A_1095, %swap3A_1096, %swap3A_1097] {strides = array<i32>} : memref<2x128x128xf32, #tpu.memory_space<vmem>>, vector<16xf32>,
        tpu.vector_store %arg16[%swap3A_1095, %swap3A_1096, %swap3A_1097], %mul3A_1092 {strides = array<i32>} : memref<2x128x128xf32, #tpu.memory_space<vmem>>, vector<16xf32>,
        %add3A_1099 = arith.constant 7 : i32
        %add3A_1100 = arith.addi %mul3A_289, %add3A_1099 : i32
        %get3A_1101 = arith.index_cast %rem3A_142 : i32 to index
        %get3A_1102 = arith.index_cast %add3A_1100 : i32 to index
        %get3A_1103 = arith.constant 32 : index
        %get3A_1104 = tpu.vector_load %arg16[%get3A_1101, %get3A_1102, %get3A_1103] {strides = array<i32>} : memref<2x128x128xf32, #tpu.memory_space<vmem>>, vector<16xf32>,
        %mul3A_1105 = arith.mulf %get3A_1104, %gather3A_1072 : vector<16xf32>
        %add3A_1106 = arith.constant 7 : i32
        %add3A_1107 = arith.addi %mul3A_289, %add3A_1106 : i32
        %swap3A_1108 = arith.index_cast %rem3A_142 : i32 to index
        %swap3A_1109 = arith.index_cast %add3A_1107 : i32 to index
        %swap3A_1110 = arith.constant 32 : index
        %swap3A_1111 = tpu.vector_load %arg16[%swap3A_1108, %swap3A_1109, %swap3A_1110] {strides = array<i32>} : memref<2x128x128xf32, #tpu.memory_space<vmem>>, vector<16xf32>,
        tpu.vector_store %arg16[%swap3A_1108, %swap3A_1109, %swap3A_1110], %mul3A_1105 {strides = array<i32>} : memref<2x128x128xf32, #tpu.memory_space<vmem>>, vector<16xf32>,
        %add3A_1112 = arith.constant 7 : i32
        %add3A_1113 = arith.addi %mul3A_289, %add3A_1112 : i32
        %get3A_1114 = arith.index_cast %rem3A_142 : i32 to index
        %get3A_1115 = arith.index_cast %add3A_1113 : i32 to index
        %get3A_1116 = arith.constant 48 : index
        %get3A_1117 = tpu.vector_load %arg16[%get3A_1114, %get3A_1115, %get3A_1116] {strides = array<i32>} : memref<2x128x128xf32, #tpu.memory_space<vmem>>, vector<16xf32>,
        %mul3A_1118 = arith.mulf %get3A_1117, %gather3A_1072 : vector<16xf32>
        %add3A_1119 = arith.constant 7 : i32
        %add3A_1120 = arith.addi %mul3A_289, %add3A_1119 : i32
        %swap3A_1121 = arith.index_cast %rem3A_142 : i32 to index
        %swap3A_1122 = arith.index_cast %add3A_1120 : i32 to index
        %swap3A_1123 = arith.constant 48 : index
        %swap3A_1124 = tpu.vector_load %arg16[%swap3A_1121, %swap3A_1122, %swap3A_1123] {strides = array<i32>} : memref<2x128x128xf32, #tpu.memory_space<vmem>>, vector<16xf32>,
        tpu.vector_store %arg16[%swap3A_1121, %swap3A_1122, %swap3A_1123], %mul3A_1118 {strides = array<i32>} : memref<2x128x128xf32, #tpu.memory_space<vmem>>, vector<16xf32>,
        %add3A_1125 = arith.constant 7 : i32
        %add3A_1126 = arith.addi %mul3A_289, %add3A_1125 : i32
        %get3A_1127 = arith.index_cast %rem3A_142 : i32 to index
        %get3A_1128 = arith.index_cast %add3A_1126 : i32 to index
        %get3A_1129 = arith.constant 64 : index
        %get3A_1130 = tpu.vector_load %arg16[%get3A_1127, %get3A_1128, %get3A_1129] {strides = array<i32>} : memref<2x128x128xf32, #tpu.memory_space<vmem>>, vector<16xf32>,
        %mul3A_1131 = arith.mulf %get3A_1130, %gather3A_1072 : vector<16xf32>
        %add3A_1132 = arith.constant 7 : i32
        %add3A_1133 = arith.addi %mul3A_289, %add3A_1132 : i32
        %swap3A_1134 = arith.index_cast %rem3A_142 : i32 to index
        %swap3A_1135 = arith.index_cast %add3A_1133 : i32 to index
        %swap3A_1136 = arith.constant 64 : index
        %swap3A_1137 = tpu.vector_load %arg16[%swap3A_1134, %swap3A_1135, %swap3A_1136] {strides = array<i32>} : memref<2x128x128xf32, #tpu.memory_space<vmem>>, vector<16xf32>,
        tpu.vector_store %arg16[%swap3A_1134, %swap3A_1135, %swap3A_1136], %mul3A_1131 {strides = array<i32>} : memref<2x128x128xf32, #tpu.memory_space<vmem>>, vector<16xf32>,
        %add3A_1138 = arith.constant 7 : i32
        %add3A_1139 = arith.addi %mul3A_289, %add3A_1138 : i32
        %get3A_1140 = arith.index_cast %rem3A_142 : i32 to index
        %get3A_1141 = arith.index_cast %add3A_1139 : i32 to index
        %get3A_1142 = arith.constant 80 : index
        %get3A_1143 = tpu.vector_load %arg16[%get3A_1140, %get3A_1141, %get3A_1142] {strides = array<i32>} : memref<2x128x128xf32, #tpu.memory_space<vmem>>, vector<16xf32>,
        %mul3A_1144 = arith.mulf %get3A_1143, %gather3A_1072 : vector<16xf32>
        %add3A_1145 = arith.constant 7 : i32
        %add3A_1146 = arith.addi %mul3A_289, %add3A_1145 : i32
        %swap3A_1147 = arith.index_cast %rem3A_142 : i32 to index
        %swap3A_1148 = arith.index_cast %add3A_1146 : i32 to index
        %swap3A_1149 = arith.constant 80 : index
        %swap3A_1150 = tpu.vector_load %arg16[%swap3A_1147, %swap3A_1148, %swap3A_1149] {strides = array<i32>} : memref<2x128x128xf32, #tpu.memory_space<vmem>>, vector<16xf32>,
        tpu.vector_store %arg16[%swap3A_1147, %swap3A_1148, %swap3A_1149], %mul3A_1144 {strides = array<i32>} : memref<2x128x128xf32, #tpu.memory_space<vmem>>, vector<16xf32>,
        %add3A_1151 = arith.constant 7 : i32
        %add3A_1152 = arith.addi %mul3A_289, %add3A_1151 : i32
        %get3A_1153 = arith.index_cast %rem3A_142 : i32 to index
        %get3A_1154 = arith.index_cast %add3A_1152 : i32 to index
        %get3A_1155 = arith.constant 96 : index
        %get3A_1156 = tpu.vector_load %arg16[%get3A_1153, %get3A_1154, %get3A_1155] {strides = array<i32>} : memref<2x128x128xf32, #tpu.memory_space<vmem>>, vector<16xf32>,
        %mul3A_1157 = arith.mulf %get3A_1156, %gather3A_1072 : vector<16xf32>
        %add3A_1158 = arith.constant 7 : i32
        %add3A_1159 = arith.addi %mul3A_289, %add3A_1158 : i32
        %swap3A_1160 = arith.index_cast %rem3A_142 : i32 to index
        %swap3A_1161 = arith.index_cast %add3A_1159 : i32 to index
        %swap3A_1162 = arith.constant 96 : index
        %swap3A_1163 = tpu.vector_load %arg16[%swap3A_1160, %swap3A_1161, %swap3A_1162] {strides = array<i32>} : memref<2x128x128xf32, #tpu.memory_space<vmem>>, vector<16xf32>,
        tpu.vector_store %arg16[%swap3A_1160, %swap3A_1161, %swap3A_1162], %mul3A_1157 {strides = array<i32>} : memref<2x128x128xf32, #tpu.memory_space<vmem>>, vector<16xf32>,
        %add3A_1164 = arith.constant 7 : i32
        %add3A_1165 = arith.addi %mul3A_289, %add3A_1164 : i32
        %get3A_1166 = arith.index_cast %rem3A_142 : i32 to index
        %get3A_1167 = arith.index_cast %add3A_1165 : i32 to index
        %get3A_1168 = arith.constant 112 : index
        %get3A_1169 = tpu.vector_load %arg16[%get3A_1166, %get3A_1167, %get3A_1168] {strides = array<i32>} : memref<2x128x128xf32, #tpu.memory_space<vmem>>, vector<16xf32>,
        %mul3A_1170 = arith.mulf %get3A_1169, %gather3A_1072 : vector<16xf32>
        %add3A_1171 = arith.constant 7 : i32
        %add3A_1172 = arith.addi %mul3A_289, %add3A_1171 : i32
        %swap3A_1173 = arith.index_cast %rem3A_142 : i32 to index
        %swap3A_1174 = arith.index_cast %add3A_1172 : i32 to index
        %swap3A_1175 = arith.constant 112 : index
        %swap3A_1176 = tpu.vector_load %arg16[%swap3A_1173, %swap3A_1174, %swap3A_1175] {strides = array<i32>} : memref<2x128x128xf32, #tpu.memory_space<vmem>>, vector<16xf32>,
        tpu.vector_store %arg16[%swap3A_1173, %swap3A_1174, %swap3A_1175], %mul3A_1170 {strides = array<i32>} : memref<2x128x128xf32, #tpu.memory_space<vmem>>, vector<16xf32>,
        %scan3A_1177 = arith.constant 0 : i32
        scf.yield %scan3A_1177 : i32
      }
      %scan3A_284 = arith.constant 16 : i32
      "tpu.region"() ({
        %run_scoped3A_286 = tpu.sem_alloc : memref<!tpu.dma_semaphore, #tpu.memory_space<semaphore_mem>>
        %dma_start3A_287 = arith.constant 0 : i32
        %dma_start3A_288 = arith.constant 0 : i32
        %dma_start3A_289 = tpu.memref_slice %arg16[%rem3A_142, %dma_start3A_287, %dma_start3A_288] : memref<2x128x128xf32, #tpu.memory_space<vmem>> -> memref<1x128x128xf32, #tpu.memory_space<vmem>>
        %dma_start3A_290 = tpu.memref_squeeze %dma_start3A_289 : memref<1x128x128xf32, #tpu.memory_space<vmem>> -> memref<128x128xf32, #tpu.memory_space<vmem>>
        %dma_start3A_291 = arith.constant 0 : i32
        %dma_start3A_292 = tpu.memref_slice %arg17[%rem3A_142, %dma_start3A_291] : memref<2x128xi32, #tpu.memory_space<vmem>> -> memref<1x128xi32, #tpu.memory_space<vmem>>
        %dma_start3A_293 = tpu.memref_squeeze %dma_start3A_292 : memref<1x128xi32, #tpu.memory_space<vmem>> -> memref<128xi32, #tpu.memory_space<vmem>>
        %dma_start3A_294 = arith.constant 0 : i32
        %dma_start3A_295 = arith.constant 0 : i32
        %dma_start3A_296 = tpu.memref_slice %arg21[%dma_start3A_294, %dma_start3A_295] : memref<1024x128xf32, #tpu.memory_space<vmem_shared>> -> memref<1024x128xf32, #tpu.memory_space<vmem_shared>>
        tpu.enqueue_indirect_dma source(%dma_start3A_290 : memref<128x128xf32, #tpu.memory_space<vmem>>) target(%dma_start3A_296 : memref<1024x128xf32, #tpu.memory_space<vmem_shared>>) offsets(%dma_start3A_293 : memref<128xi32, #tpu.memory_space<vmem>>) semaphore(%run_scoped3A_286 : memref<!tpu.dma_semaphore, #tpu.memory_space<semaphore_mem>>) {add = true}
        %dma_wait3A_297 = arith.constant 0 : i32
        %dma_wait3A_298 = arith.constant 0 : i32
        %dma_wait3A_299 = tpu.memref_slice %arg16[%rem3A_142, %dma_wait3A_297, %dma_wait3A_298] : memref<2x128x128xf32, #tpu.memory_space<vmem>> -> memref<1x128x128xf32, #tpu.memory_space<vmem>>
        %dma_wait3A_300 = tpu.memref_squeeze %dma_wait3A_299 : memref<1x128x128xf32, #tpu.memory_space<vmem>> -> memref<128x128xf32, #tpu.memory_space<vmem>>
        %dma_wait3A_301 = arith.constant 0 : i32
        %dma_wait3A_302 = tpu.memref_slice %arg17[%rem3A_142, %dma_wait3A_301] : memref<2x128xi32, #tpu.memory_space<vmem>> -> memref<1x128xi32, #tpu.memory_space<vmem>>
        %dma_wait3A_303 = tpu.memref_squeeze %dma_wait3A_302 : memref<1x128xi32, #tpu.memory_space<vmem>> -> memref<128xi32, #tpu.memory_space<vmem>>
        %dma_wait3A_304 = arith.constant 0 : i32
        %dma_wait3A_305 = arith.constant 0 : i32
        %dma_wait3A_306 = tpu.memref_slice %arg21[%dma_wait3A_304, %dma_wait3A_305] : memref<1024x128xf32, #tpu.memory_space<vmem_shared>> -> memref<1024x128xf32, #tpu.memory_space<vmem_shared>>
        tpu.wait_indirect_dma semaphore(%run_scoped3A_286 : memref<!tpu.dma_semaphore, #tpu.memory_space<semaphore_mem>>) src(%dma_wait3A_300 : memref<128x128xf32, #tpu.memory_space<vmem>>) dst(%dma_wait3A_306 : memref<1024x128xf32, #tpu.memory_space<vmem_shared>>)
        tpu.yield
      }) : () -> ()
      %while3A_285 = arith.constant 0 : i32
      scf.yield %while3A_285 : i32
    }
    %barrier3A_135 = arith.constant 0 : index
    tpu.barrier barrier_id(%barrier3A_135)
    %mul3A_136 = arith.constant 64 : i32
    %mul3A_137 = arith.muli %arg1, %mul3A_136 : i32
    %mul3A_138 = arith.constant 64 : i32
    %mul3A_139 = arith.muli %arg1, %mul3A_138 : i32
    "tpu.region"() ({
      %run_scoped3A_140 = tpu.sem_alloc : memref<!tpu.dma_semaphore, #tpu.memory_space<semaphore_mem>>
      %dma_start3A_141 = arith.constant 0 : i32
      %dma_start3A_142 = tpu.memref_slice %arg5[%arg0, %mul3A_139, %dma_start3A_141] : memref<2x1024x128xf32, #tpu.memory_space<hbm>> -> memref<1x64x128xf32, #tpu.memory_space<hbm>>
      %dma_start3A_143 = tpu.memref_squeeze %dma_start3A_142 : memref<1x64x128xf32, #tpu.memory_space<hbm>> -> memref<64x128xf32, #tpu.memory_space<hbm>>
      %dma_start3A_144 = arith.constant 0 : i32
      %dma_start3A_145 = tpu.memref_slice %arg21[%mul3A_137, %dma_start3A_144] : memref<1024x128xf32, #tpu.memory_space<vmem_shared>> -> memref<64x128xf32, #tpu.memory_space<vmem_shared>>
      tpu.enqueue_dma source(%dma_start3A_145 : memref<64x128xf32, #tpu.memory_space<vmem_shared>>) target(%dma_start3A_143 : memref<64x128xf32, #tpu.memory_space<hbm>>) target_semaphore(%run_scoped3A_140 : memref<!tpu.dma_semaphore, #tpu.memory_space<semaphore_mem>>)
      %dma_wait3A = arith.constant 0 : i32
      %dma_wait3A_146 = tpu.memref_slice %arg5[%arg0, %mul3A_139, %dma_wait3A] : memref<2x1024x128xf32, #tpu.memory_space<hbm>> -> memref<1x64x128xf32, #tpu.memory_space<hbm>>
      %dma_wait3A_147 = tpu.memref_squeeze %dma_wait3A_146 : memref<1x64x128xf32, #tpu.memory_space<hbm>> -> memref<64x128xf32, #tpu.memory_space<hbm>>
      %dma_wait3A_148 = arith.constant 0 : i32
      %dma_wait3A_149 = tpu.memref_slice %arg21[%mul3A_137, %dma_wait3A_148] : memref<1024x128xf32, #tpu.memory_space<vmem_shared>> -> memref<64x128xf32, #tpu.memory_space<vmem_shared>>
      tpu.wait_dma2 semaphore(%run_scoped3A_140 : memref<!tpu.dma_semaphore, #tpu.memory_space<semaphore_mem>>) src(%dma_wait3A_149 : memref<64x128xf32, #tpu.memory_space<vmem_shared>>) dst(%dma_wait3A_147 : memref<64x128xf32, #tpu.memory_space<hbm>>)
      tpu.yield
    }) : () -> ()
    return
  }
}

module attributes {stable_mosaic.version = 14 : i64} {
  func.func @_sum_body(%arg0: memref<2x1024x128xf32, #tpu.memory_space<vmem>>, %arg1: memref<1024x128xf32, #tpu.memory_space<vmem>>) attributes {dimension_semantics = [], scalar_prefetch = 0 : i64, scratch_operands = 0 : i64, tpu.core_type = #tpu.core_type<tc>} {
    %get3A = arith.constant 0 : index
    %get3A_0 = arith.constant 0 : index
    %get3A_1 = arith.constant 0 : index
    %get3A_2 = vector.load %arg0[%get3A, %get3A_0, %get3A_1] : memref<2x1024x128xf32, #tpu.memory_space<vmem>>, vector<1x1024x128xf32>
    %get3A_3 = vector.shape_cast %get3A_2 : vector<1x1024x128xf32> to vector<1024x128xf32>
    %get3A_4 = arith.constant 1 : index
    %get3A_5 = arith.constant 0 : index
    %get3A_6 = arith.constant 0 : index
    %get3A_7 = vector.load %arg0[%get3A_4, %get3A_5, %get3A_6] : memref<2x1024x128xf32, #tpu.memory_space<vmem>>, vector<1x1024x128xf32>
    %get3A_8 = vector.shape_cast %get3A_7 : vector<1x1024x128xf32> to vector<1024x128xf32>
    %add3A = arith.addf %get3A_3, %get3A_8 : vector<1024x128xf32>
    %swap3A = arith.constant 0 : index
    %swap3A_9 = arith.constant 0 : index
    %swap3A_10 = vector.load %arg1[%swap3A, %swap3A_9] : memref<1024x128xf32, #tpu.memory_space<vmem>>, vector<1024x128xf32>
    tpu.vector_store %arg1[%swap3A, %swap3A_9], %add3A {strides = array<i32>} : memref<1024x128xf32, #tpu.memory_space<vmem>>, vector<1024x128xf32>,
    return
  }
}

module attributes {stable_mosaic.version = 14 : i64} {
  func.func @_scores_body(%arg0: i32, %arg1: memref<5000x128xf32, #tpu.memory_space<vmem>>, %arg2: memref<128x128xf32, #tpu.memory_space<vmem>>, %arg3: memref<1x128xf32, #tpu.memory_space<vmem>>, %arg4: memref<1x128xf32, #tpu.memory_space<vmem>>, %arg5: memref<1x1xf32, #tpu.memory_space<smem>>, %arg6: memref<1x1x5000xf32, #tpu.memory_space<vmem>>) attributes {dimension_semantics = [#tpu.dimension_semantics<arbitrary>], iteration_bounds = array<i64: 64>, scalar_prefetch = 0 : i64, scratch_operands = 0 : i64, tpu.core_type = #tpu.core_type<tc>, window_params = [{transform_indices = @transform_0, window_bounds = array<i64: 5000, 128>}, {pipeline_mode = #tpu.pipeline_mode<synchronous>, transform_indices = @transform_1, window_bounds = array<i64: 128, 128>}, {pipeline_mode = #tpu.pipeline_mode<synchronous>, transform_indices = @transform_2, window_bounds = array<i64: 1, 128>}, {pipeline_mode = #tpu.pipeline_mode<synchronous>, transform_indices = @transform_3, window_bounds = array<i64: 1, 128>}, {transform_indices = @transform_4, window_bounds = array<i64: 1, 1>}, {transform_indices = @transform_5, window_bounds = array<i64: 1, 1, 5000>}]} {
    %get3A = arith.constant 0 : index
    %get3A_0 = arith.constant 0 : index
    %get3A_1 = vector.load %arg1[%get3A, %get3A_0] : memref<5000x128xf32, #tpu.memory_space<vmem>>, vector<5000x128xf32>
    %get3A_2 = arith.constant 0 : index
    %get3A_3 = arith.constant 0 : index
    %get3A_4 = vector.load %arg2[%get3A_2, %get3A_3] : memref<128x128xf32, #tpu.memory_space<vmem>>, vector<128x128xf32>
    %transpose3A = tpu.transpose %get3A_4, [1, 0] : vector<128x128xf32> -> vector<128x128xf32>
    %dot_general3A = arith.constant dense<0.000000e+00> : vector<5000x128xf32>
    %dot_general3A_5 = tpu.matmul %get3A_1, %transpose3A, %dot_general3A {dimension_numbers = #tpu.dot_dimension_numbers<[1], [0], [0], [1], [0, 0, 1, 1], [], []>, transpose_lhs_hint = false} : vector<5000x128xf32>, vector<128x128xf32>, vector<5000x128xf32> -> vector<5000x128xf32>
    %get3A_6 = arith.constant 0 : index
    %get3A_7 = arith.constant 0 : index
    %get3A_8 = vector.load %arg3[%get3A_6, %get3A_7] : memref<1x128xf32, #tpu.memory_space<vmem>>, vector<1x128xf32>
    %add3A = vector.broadcast %get3A_8 : vector<1x128xf32> to vector<5000x128xf32>
    %add3A_9 = arith.addf %dot_general3A_5, %add3A : vector<5000x128xf32>
    %max3A = arith.constant 0.000000e+00 : f32
    %max3A_10 = vector.broadcast %max3A : f32 to vector<5000x128xf32>
    %max3A_11 = arith.maximumf %add3A_9, %max3A_10 : vector<5000x128xf32>
    %get3A_12 = arith.constant 0 : index
    %get3A_13 = arith.constant 0 : index
    %get3A_14 = vector.load %arg4[%get3A_12, %get3A_13] : memref<1x128xf32, #tpu.memory_space<vmem>>, vector<1x128xf32>
    %dot_general3A_15 = arith.constant dense<0.000000e+00> : vector<1x5000xf32>
    %dot_general3A_16 = tpu.matmul %get3A_14, %max3A_11, %dot_general3A_15 {dimension_numbers = #tpu.dot_dimension_numbers<[1], [1], [0], [0], [0, 0, 1, 0], [], []>, transpose_lhs_hint = false} : vector<1x128xf32>, vector<5000x128xf32>, vector<1x5000xf32> -> vector<1x5000xf32>
    %reshape3A = vector.shape_cast %dot_general3A_16 : vector<1x5000xf32> to vector<1x1x5000xf32>
    %get3A_17 = arith.constant 0 : index
    %get3A_18 = arith.constant 0 : index
    %get3A_19 = memref.load %arg5[%get3A_17, %get3A_18] : memref<1x1xf32, #tpu.memory_space<smem>>
    %add3A_20 = vector.broadcast %get3A_19 : f32 to vector<1x1x5000xf32>
    %add3A_21 = arith.addf %reshape3A, %add3A_20 : vector<1x1x5000xf32>
    %swap3A = arith.constant 0 : index
    %swap3A_22 = arith.constant 0 : index
    %swap3A_23 = arith.constant 0 : index
    %swap3A_24 = vector.load %arg6[%swap3A, %swap3A_22, %swap3A_23] : memref<1x1x5000xf32, #tpu.memory_space<vmem>>, vector<1x1x5000xf32>
    tpu.vector_store %arg6[%swap3A, %swap3A_22, %swap3A_23], %add3A_21 {strides = array<i32>} : memref<1x1x5000xf32, #tpu.memory_space<vmem>>, vector<1x1x5000xf32>,
    return
  }
  func.func @transform_0(%arg0: i32) -> (i32, i32) {
    %c0_i32 = arith.constant 0 : i32
    %c0_i32_0 = arith.constant 0 : i32
    return %arg0, %c0_i32 : i32, i32
  }
  func.func @transform_1(%arg0: i32) -> (i32, i32) {
    %c0_i32 = arith.constant 0 : i32
    %c0_i32_0 = arith.constant 0 : i32
    %c0_i32_1 = arith.constant 0 : i32
    return %c0_i32, %c0_i32_0 : i32, i32
  }
  func.func @transform_2(%arg0: i32) -> (i32, i32) {
    %c0_i32 = arith.constant 0 : i32
    %c0_i32_0 = arith.constant 0 : i32
    %c0_i32_1 = arith.constant 0 : i32
    return %c0_i32, %c0_i32_0 : i32, i32
  }
  func.func @transform_3(%arg0: i32) -> (i32, i32) {
    %c0_i32 = arith.constant 0 : i32
    %c0_i32_0 = arith.constant 0 : i32
    %c0_i32_1 = arith.constant 0 : i32
    return %c0_i32, %c0_i32_0 : i32, i32
  }
  func.func @transform_4(%arg0: i32) -> (i32, i32) {
    %c0_i32 = arith.constant 0 : i32
    %c0_i32_0 = arith.constant 0 : i32
    %c0_i32_1 = arith.constant 0 : i32
    return %c0_i32, %c0_i32_0 : i32, i32
  }
  func.func @transform_5(%arg0: i32) -> (i32, i32, i32) {
    %c0_i32 = arith.constant 0 : i32
    %c0_i32_0 = arith.constant 0 : i32
    %c0_i32_1 = arith.constant 0 : i32
    return %arg0, %c0_i32, %c0_i32_0 : i32, i32, i32
  }
}

</mosaic_0001>

<sc_bundles>
// kernel: kernel.5.cloned.1.call-start
scs
__scs_entry_jumppad:
0x0: {  	(pc) =	sbr.rel $0x88, $3  }
0x1: {  	(tag) =	ssettag $0x0;
	lr =	simm.s32 $0x1  }
0x2: {  	[smem:$0x3F9B] =	sst lr;
	_ =	strace $0xD0000000  }
0x3: {  	_ = 	snop  }
0x4: {  	_ = 	snop  }
0x5: {  	_ = 	snop  }
0x6: {  	_ = 	snop  }
0x7: {  	_ = 	snop  }
__scs_overlays_trampoline_lowered:
0x8: {  	[smem:$0x3FAA] =	sst s0  }
0x9: {  	[smem:$0x3FAB] =	sst s1  }
0xa: {  	[smem:$0x3FAC] =	sst s2  }
0xb: {  	[smem:$0x3FAD] =	sst s3  }
0xc: {  	[smem:$0x3FAE] =	sst s4  }
0xd: {  	[smem:$0x3FAF] =	sst s5  }
0xe: {  	[smem:$0x3FB0] =	sst s6  }
0xf: {  	[smem:$0x3FB1] =	sst s7  }
0x10: {  	[smem:$0x3FB2] =	sst s8  }
0x11: {  	[smem:$0x3FB3] =	sst s9;
	s0 =	simm.s32 @!p0 $0x0  }
0x12: {  	s1 =	sld [smem:$0x3F99];
	s0 =	simm.s32 @p0 $0x1  }
0x13: {  	[smem:$0x3FB4] =	sst s0;
	s0 =	simm.s32 @!p1 $0x0  }
0x14: {  	s2 =	sld [smem:$0x3F98];
	s0 =	simm.s32 @p1 $0x1  }
0x15: {  	[smem:$0x3FB5] =	sst s0;
	s0 =	simm.s32 @!p2 $0x0  }
0x16: {  	s3 =	sld [smem:$0x3FDB];
	s0 =	simm.s32 @p2 $0x1  }
0x17: {  	s4 =	simm.s32 $0x1BF5;
	[smem:$0x3FB7] =	sst s0  }
0x18: {  	s0 =	sld [smem:$0x3F9A];
	_ =	swait.ge [sflag:s4], $0x0  }
0x19: {  	s7 =	sld [smem:$0x3F9B]  }
0x1a: {  	s8 =	sadd.s32 $0xFFFFE003, lr  }
0x1b: {  	s9 =	sadd.s32 $0xFFFFFEF7, lr;
	s5 =	simm.s32 $0xFFFFFFFF;
	p2 =	slt.u32 s8, $0xFFFFF086  }
0x1c: {  	p1 =	slt.u32 s9, $0xF7A;
	s5 =	simm.s32 @!p2 $0x0  }
0x1d: {  	s5 =	simm.s32 @p1 $0x1;
	p0 =	seq.s32 s7, s2  }
0x1e: {  	s7 =	smul.u32 @!p0 $0xF7A, s2;
	p2 =	seq.s32 @!p0 s5, $0x0  }
0x1f: {  	s9 =	smul.u32 $0xF7A, s1;
	s8 =	simm.s32 @!p0 $0x1BF5;
	p2 =	por !p2, p0  }
0x20: {  	[sflag:s8] =	ssyncset.s32 @!p0 $0xFFFFF086;
	s6 =	sadd.s32 @!p0 s3, s7;
	s7 =	simm.s32 @!p0 $0x108  }
0x21: {  	s3 =	sadd.s32 s3, s9;
	s6 =	sadd.s32 @!p0 $0x88, s6;
	s7 =	simm.s32 @p2 $0x1082  }
0x22: {  	[simem:s7], [sflag:s8] =	dma.local @!p0 [hbm:s6], $0xF7A  }
0x23: {  	s9 =	sor.u32 $0xD0000000, s2;
	s6 =	simm.s32 $0x108;
	_ =	swait.ge @!p0 [sflag:s8], $0x0  }
0x24: {  	s3 =	sadd.s32 $0x88, s3;
	s6 =	simm.s32 @!p1 $0x1082;
	[sflag:s4] =	ssyncset.s32 $0xFFFFF086  }
0x25: {  	[simem:s6], [sflag:s4] =	dma.local [hbm:s3], $0xF7A  }
0x26: {  	[smem:$0x3F9B] =	sst s1;
	(tag) =	ssettag s2;
	_ =	strace s9  }
0x27: {  	s1 =	sld [smem:$0x3FAB]  }
0x28: {  	s2 =	sld [smem:$0x3FAC]  }
0x29: {  	s4 =	sld [smem:$0x3FAE]  }
0x2a: {  	p0 =	seq.s32 s5, $0x0;
	s5 =	sld [smem:$0x3FAF]  }
0x2b: {  	s6 =	sld [smem:$0x3FB0]  }
0x2c: {  	s7 =	sld [smem:$0x3FB1]  }
0x2d: {  	s3 =	simm.s32 $0x108;
	s8 =	sld [smem:$0x3FB2]  }
0x2e: {  	s3 =	simm.s32 @!p0 $0x1082;
	s9 =	sld [smem:$0x3FB3]  }
0x2f: {  	lr =	sadd.s32 s0, s3;
	s0 =	sld [smem:$0x3FAA]  }
0x30: {  	s3 =	sld [smem:$0x3FAD]  }
0x31: {  	[smem:$0x3FB6] =	sst s10  }
0x32: {  	s10 =	sld [smem:$0x3FB4];
	_ =	sdelay $0x3  }
0x33: {  	p0 =	seq.s32 s10, $0x1;
	s10 =	sld [smem:$0x3FB6];
	_ =	sdelay $0x3  }
0x34: {  	[smem:$0x3FB6] =	sst s10  }
0x35: {  	s10 =	sld [smem:$0x3FB5];
	_ =	sdelay $0x3  }
0x36: {  	p1 =	seq.s32 s10, $0x1;
	s10 =	sld [smem:$0x3FB6];
	_ =	sdelay $0x3  }
0x37: {  	[smem:$0x3FB6] =	sst s10  }
0x38: {  	s10 =	sld [smem:$0x3FB7]  }
0x39: {  	_ = 	snop;
	(pc) =	sbr.ind lr, $3  }
0x3a: {  	_ = 	snop  }
0x3b: {  	_ = 	snop  }
0x3c: {  	p2 =	seq.s32 s10, $0x1;
	s10 =	sld [smem:$0x3FB6]  }
0x3d: {  	_ =	shalt  }
0x3e: {  	_ =	shalt  }
0x3f: {  	_ =	shalt  }
0x40: {  	_ =	shalt  }
0x41: {  	_ =	shalt  }
0x42: {  	_ =	shalt  }
0x43: {  	_ =	shalt  }
0x44: {  	_ =	shalt  }
0x45: {  	_ =	shalt  }
0x46: {  	_ =	shalt  }
0x47: {  	_ =	shalt  }
0x48: {  	_ =	shalt  }
0x49: {  	_ =	shalt  }
0x4a: {  	_ =	shalt  }
0x4b: {  	_ =	shalt  }
0x4c: {  	_ =	shalt  }
0x4d: {  	_ =	shalt  }
0x4e: {  	_ =	shalt  }
0x4f: {  	_ =	shalt  }
0x50: {  	_ =	shalt  }
0x51: {  	_ =	shalt  }
0x52: {  	_ =	shalt  }
0x53: {  	_ =	shalt  }
0x54: {  	_ =	shalt  }
0x55: {  	_ =	shalt  }
0x56: {  	_ =	shalt  }
0x57: {  	_ =	shalt  }
0x58: {  	_ =	shalt  }
0x59: {  	_ =	shalt  }
0x5a: {  	_ =	shalt  }
0x5b: {  	_ =	shalt  }
0x5c: {  	_ =	shalt  }
0x5d: {  	_ =	shalt  }
0x5e: {  	_ =	shalt  }
0x5f: {  	_ =	shalt  }
0x60: {  	_ =	shalt  }
0x61: {  	_ =	shalt  }
0x62: {  	_ =	shalt  }
0x63: {  	_ =	shalt  }
0x64: {  	_ =	shalt  }
0x65: {  	_ =	shalt  }
0x66: {  	_ =	shalt  }
0x67: {  	_ =	shalt  }
0x68: {  	_ =	shalt  }
0x69: {  	_ =	shalt  }
0x6a: {  	_ =	shalt  }
0x6b: {  	_ =	shalt  }
0x6c: {  	_ =	shalt  }
0x6d: {  	_ =	shalt  }
0x6e: {  	_ =	shalt  }
0x6f: {  	_ =	shalt  }
0x70: {  	_ =	shalt  }
0x71: {  	_ =	shalt  }
0x72: {  	_ =	shalt  }
0x73: {  	_ =	shalt  }
0x74: {  	_ =	shalt  }
0x75: {  	_ =	shalt  }
0x76: {  	_ =	shalt  }
0x77: {  	_ =	shalt  }
0x78: {  	_ =	shalt  }
0x79: {  	_ =	shalt  }
0x7a: {  	_ =	shalt  }
0x7b: {  	_ =	shalt  }
0x7c: {  	_ =	shalt  }
0x7d: {  	_ =	shalt  }
0x7e: {  	_ =	shalt  }
0x7f: {  	_ =	shalt  }
0x80: {  	_ =	shalt  }
0x81: {  	_ =	shalt  }
0x82: {  	_ =	shalt  }
0x83: {  	_ =	shalt  }
0x84: {  	_ =	shalt  }
0x85: {  	_ =	shalt  }
0x86: {  	_ =	shalt  }
0x87: {  	_ =	shalt  }
.Lfunc_end0:
.L_simem_size_0:
called_computation_lowered:
.L_overlay_start_0:
0x88: {  	s2 =	sld [smem:$0x3FD9]  }
0x89: {  	s3 =	sld [smem:$0x3FFE];
	_ =	sdelay $0x1  }
0x8a: {  	s1 =	srdreg.scid  }
0x8b: {  	s0 =	sand.u32 $0x1, s1  }
0x8c: {  	s17 =	sshll.u32 s0, $0xA;
	s2 =	sadd.s32 s3, s2  }
0x8d: {  	s2 =	sadd.s32 s2, s17  }
0x8e: {  	[smem:$0x3FC2] =	sst s2  }
0x8f: {  	_ = 	snop  }
0x90: {  	s2 =	sld [smem:$0x3FC9]  }
0x91: {  	s18 =	sld [smem:$0x3FC8];
	(tm) =	ssettm $0x1  }
0x92: {  	s4 =	sld [smem:$0x3FFB];
	_ =	sdelay $0x3  }
0x93: {  	_ =	strace s4  }
0x94: {  	s4 =	sld [smem:$0x3FFC];
	_ =	sdelay $0x3  }
0x95: {  	_ =	strace s4  }
0x96: {  	s4 =	sld [smem:$0x3FFD];
	_ =	sdelay $0x3  }
0x97: {  	_ =	strace s4  }
0x98: {  	_ =	strace $0x8FFFFFFF  }
0x99: {  	s19 =	sld [smem:$0x3FDB];
	_ =	sdelay $0x1  }
0x9a: {  	s5 =	simm.s32 $_scs_section_size  }
0x9b: {  	s6 =	simm.s32 $_size__tile_overlayer_lowered;
	s7 =	simm.s32 $_tile_overlayer_lowered  }
0x9c: {  	s22 =	simm.s32 $0x1BFF;
	s21 =	sshll.u32 s7, $0x1;
	s4 =	sadd.s32 s5, s19  }
0x9d: {  	s8 =	simm.s32 $0x0;
	s20 =	sshll.u32 s6, $0x1;
	s6 =	sadd.s32 s21, s4  }
0x9e: {  	[timem:s8], [sflag:s22] =	dma.local [hbm:s6], s20  }
0x9f: {  	_ =	swait.ge [sflag:s22], s20  }
0xa0: {  	s5 =	ssub.s32 $0x0, s20;
	[sflag:s22] =	ssyncset.done $0x0  }
0xa1: {  	[sflag:s22] =	ssyncadd.s32 s5;
	_ =	sdelay $0x1  }
0xa2: {  	s23 =	simm.s32 $0x1B8B  }
0xa3: {  	_ =	swait.ge [sflag:s23], $0x1  }
0xa4: {  	[sflag:s23] =	ssyncset.done $0x0  }
0xa5: {  	s25 =	simm.s32 $0x1B8E;
	s24 =	sld [smem:$0x3FFE];
	[sflag:s23] =	ssyncadd.s32 $0xFFFFFFFF  }
0xa6: {  	s26 =	simm.s32 $execute0_lowered;
	[smem:$0x3FD2] =	sst s25  }
0xa7: {  	s6 =	sshll.u32 s26, $0x1;
	_ =	strace $0x80000046;
	[dreg:$0x1] =	wrdreg $0xFFFFFFFF  }
0xa8: {  	s28 =	simm.s32 $_size_execute0_lowered;
	s4 =	sadd.s32 s4, s6;
	[dreg:$0x0] =	wrdreg $0x0  }
0xa9: {  	s6 =	sshll.u32 s28, $0x1;
	[dreg:$0x2] =	wrdreg s4  }
0xaa: {  	[dreg:$0x3] =	wrdreg s6  }
0xab: {  	[dreg:$0x4] =	wrdreg $0xC0  }
0xac: {  	_ =	task [dreg:s8], $0x5FFFF  }
0xad: {  	[dreg:$0x1] =	wrdreg $0xFFFFFFFF  }
0xae: {  	[dreg:$0x0] =	wrdreg $0x60  }
0xaf: {  	[dreg:$0x2] =	wrdreg s2  }
0xb0: {  	[dreg:$0x3] =	wrdreg s18  }
0xb1: {  	[dreg:$0x4] =	wrdreg s24  }
0xb2: {  	[dreg:$0x5] =	wrdreg $0x1BF800  }
0xb3: {  	[dreg:$0x6] =	wrdreg $0x1DF800  }
0xb4: {  	[dreg:$0x7] =	wrdreg $0x1E3800  }
0xb5: {  	[dreg:$0x8] =	wrdreg $0x9  }
0xb6: {  	_ =	task.clear_ibuf [dreg:s8], $0x9FFFF;
	_ =	strace $0x90000046  }
0xb7: {  	s29 =	simm.s32 $0x9;
	_ =	strace $0x80000048  }
0xb8: {  	_ =	swait.ge [sflag:s29], $0x1  }
0xb9: {  	[sflag:s29] =	ssyncadd.s32 $0xFFFFFFFF  }
0xba: {  	_ =	strace $0x90000048  }
0xbb: {  	_ =	sfence  }
0xbc: {  	s30 =	sld [smem:$0x0];
	_ =	sdelay $0x2  }
0xbd: {  	s31 =	sshll.u32 s1, $0xD;
	s1 =	sshrl.u32 s1, $0x2  }
0xbe: {  	s3 =	sand.u32 $0x4000, s31;
	s1 =	sadd.s32 s1, s30  }
0xbf: {  	s0 =	sor.u32 s3, s0;
	s1 =	sshll.u32 s1, $0x11  }
0xc0: {  	s0 =	sor.u32 s1, s0  }
0xc1: {  	s0 =	sadd.s32 $0x8F2B, s0  }
0xc2: {  	[sflag:s0] =	ssyncadd.remote.s32 $0x1  }
0xc3: {  	_ =	sfence.sel $0xFFFF  }
0xc4: {  	[dreg:$0x0] =	wrdreg $0xFFFFFFFF;
	(pc) =	sbr.abs _section_cstart, $3  }
0xc5: {  	[dreg:$0x1] =	wrdreg $0xFFFFFFFF  }
0xc6: {  	_ =	task.clear_ibuf [dreg:s8], $0x2FFFF;
	_ =	strace $0x9FFFFFFF  }
0xc7: {  	(tm) =	ssettm $0x7FFFFFFF  }
tec
execute0_lowered:
.L_overlay_start_1:
0x0: {  	(tag) =	ssettag $0x1  }
0x1: {  	s1 =	rddreg [dreg:$0x0]  }
0x2: {  	s2 =	rddreg [dreg:$0x1]  }
0x3: {  	s0 =	rddreg [dreg:$0x2]  }
0x4: {  	s3 =	rddreg [dreg:$0x3]  }
0x5: {  	s12 =	rddreg [dreg:$0x4]  }
0x6: {  	s15 =	rddreg [dreg:$0x5]  }
0x7: {  	s7 =	simm.s32 $0x0;
	s14 =	stileid.u32;
	s4 =	srdreg.scid  }
0x8: {  	s31 =	simm.s32 $0x13D00;
	[smem:$0x7FF] =	sst s7;
	s5 =	sshll.u32 s14, $0xA  }
0x9: {  	s4 =	sand.u32 $0x1, s4;
	s8 =	sadd.s32 $0x800, s0;
	s10 =	smul.u32 $0x9C4, s14  }
0xa: {  	s11 =	sshll.u32 s14, $0x7;
	s26 =	sshll.u32 s14, $0x1;
	s30 =	sshll.u32 s14, $0xD  }
0xb: {  	s16 =	sadd.s32 $0x400, s15;
	s17 =	sadd.s32 $0x800, s12;
	s18 =	sadd.s32 $0x800, s15  }
0xc: {  	s19 =	sadd.s32 $0xC00, s12;
	p0 =	slt.u32 s14, $0x2;
	s25 =	sadd.s32 $0xC00, s15  }
0xd: {  	s14 =	simm.s32 $0x400;
	_ =	strace $0x80000047;
	[dreg:$0xc] =	wrdreg s16  }
0xe: {  	s0 =	sadd.s32 s5, s0;
	s6 =	ssub.s32 $0x2, s4;
	[dreg:$0xd] =	wrdreg s17  }
0xf: {  	s5 =	sor.u32 s11, s5;
	s13 =	sadd.s32 s30, s3;
	[dreg:$0xe] =	wrdreg s18  }
0x10: {  	s11 =	sadd.s32 $0x400, s12;
	[dreg:$0xf] =	wrdreg s19;
	s19 =	simm.s32 $0x4F  }
0x11: {  	[dreg:$0x15] =	wrdreg s25;
	s30 =	sadd.s32 $0x1400, s15;
	s16 =	simm.s32 $0x1  }
0x12: {  	s17 =	simm.s32 $0x12500;
	s18 =	simm.s32 $0x12900;
	s9 =	sshrl.u32 s6, $0x1  }
0x13: {  	s28 =	sadd.s32 s8, s10;
	s5 =	sand.u32 $0x2380, s5;
	[dreg:$0xb] =	wrdreg s11  }
0x14: {  	s10 =	sadd.s32 s2, s10;
	s19 =	simm.s32 @!p0 $0x4E;
	[dreg:$0x19] =	wrdreg s30  }
0x15: {  	s11 =	simm.s32 $0xDD00;
	s6 =	ssub.s32 s6, s9;
	[dreg:$0x7] =	wrdreg s28  }
0x16: {  	s9 =	sor.u32 s4, s26;
	[dreg:$0x8] =	wrdreg s10;
	s29 =	sadd.s32 s5, s12  }
0x17: {  	s5 =	sadd.s32 s5, s15;
	s4 =	sshll.u32 s4, $0xE;
	[dreg:$0x9] =	wrdreg s29  }
0x18: {  	s26 =	sadd.s32 $0x1000, s12;
	s28 =	sadd.s32 $0x1000, s15;
	[dreg:$0xa] =	wrdreg s5  }
0x19: {  	s10 =	simm.s32 $0x9D00;
	s20 =	sshll.u32 s9, $0xB;
	[dreg:$0x16] =	wrdreg s26  }
0x1a: {  	s21 =	sshll.u32 s9, $0x4;
	s24 =	smax.u32 s6, $0x1;
	[dreg:$0x17] =	wrdreg s28  }
0x1b: {  	s0 =	sadd.s32 s4, s0;
	s29 =	sadd.s32 $0x1400, s12;
	[dreg:$0x14] =	wrdreg s24  }
0x1c: {  	s4 =	sadd.s32 $0x1C00, s12;
	s5 =	sadd.s32 s1, s20;
	[dreg:$0x18] =	wrdreg s29  }
0x1d: {  	s6 =	sadd.s32 $0x1C00, s15;
	s22 =	sadd.s32 s2, s21;
	[dreg:$0x10] =	wrdreg s5  }
0x1e: {  	s23 =	sadd.s32 s8, s21;
	s0 =	sadd.s32 $0xA600, s0;
	[dreg:$0x11] =	wrdreg s22  }
0x1f: {  	v0 =	vlaneseq.u32;
	s20 =	simm.s32 $0x1BF00;
	[dreg:$0x12] =	wrdreg s23;
	s23 =	sshll.u32 s9, $0x7  }
0x20: {  	v2 =	vmul.u32 $0x10, v0;
	[dreg:$0x13] =	wrdreg s0;
	s0 =	sadd.s32 $0x1800, s12;
	s5 =	sadd.s32 $0x1800, s15  }
0x21: {  	v1 =	vimm.f32 $0.0e+00;
	s9 =	simm.s32 $0x2;
	s12 =	simm.s32 $0x80;
	s15 =	simm.s32 $0x2000  }
.LBB2_1:
0x22: {  	s21 =	simm.s32 $0x40;
	s22 =	simm.s32 $0x0  }
.LBB2_2:
0x23: {  	p0 =	sne.s32 s21, $0xFFC0;
	[tilespmem:s22+$0x9D00] =	vst v1;
	s24 =	smov.u32 s21;
	s21 =	sadd.s32 $0x40, s21  }
.Ltmp0:
0x24: {  	[tilespmem:s22+$0xDD00] =	vst v1;
	(pc) =	sbr.rel @p0 .LBB2_2-.Ltmp0, $2  }
0x25: {  	_ =	sdelay $0x2  }
0x26: {  	s22 =	sshra.s32 s24, $0x2  }
0x27: {  	[tilespmem:s22+$0x9D00] =	vst v1  }
0x28: {  	[tilespmem:s22+$0xDD00] =	vst v1;
	s21 =	simm.s32 $0x0;
	s29 =	rddreg [dreg:$0x7]  }
0x29: {  	[tilespmem:s21], [sflag:$0x2] =	stream.linear.gather [hbm4b:s29+s21], $0x4E20, $0x38;
	[tilespmem:$0x1E780] =	vst v63  }
0x2a: {  	_ =	swait.ge [sflag:s9], $0x4E20  }
0x2b: {  	[sflag:s9] =	ssyncset.done $0x0  }
0x2c: {  	s24 =	simm.s32 $0x4E80;
	s30 =	rddreg [dreg:$0x8];
	[sflag:s9] =	ssyncadd.s32 $0xFFFFB1E0  }
0x2d: {  	[tilespmem:s24], [sflag:$0x2] =	stream.linear.gather [hbm4b:s30+s21], $0x4E20, $0x38;
	[tilespmem:$0x1E780] =	vst v63  }
0x2e: {  	_ =	swait.ge [sflag:s9], $0x4E20  }
0x2f: {  	[sflag:s9] =	ssyncset.done $0x0  }
0x30: {  	s22 =	simm.s32 $0x0;
	[sflag:s9] =	ssyncadd.s32 $0xFFFFB1E0  }
.LBB2_4:
0x31: {  	s24 =	sshra.s32 s22, $0x2  }
0x32: {  	v3 =	vld [tilespmem:s24+$0x4E80];
	_ =	sdelay $0x4  }
0x33: {  	v3 =	vshll.u32 v3, $0x4  }
0x34: {  	v3 =	vor.u32 v0, v3;
	_ =	sdelay $0x3  }
0x35: {  	v4 =	vld [tilespmem:s24+$0x0]  }
0x36: {  	v5 =	vld.idx.msk [tilespmem:v3+s10+$0x0], $0xffff;
	_ =	sdelay $0x4  }
0x37: {  	v6 =	vmax.f32 v5, v4  }
0x38: {  	v5 =	vsub.f32 v5, v6;
	_ =	sdelay $0x1  }
0x39: {  	v4 =	vsub.f32 v4, v6;
	v5 =	vmul.f32 $1.442695020e+00, v5;
	_ =	sdelay $0x1  }
0x3a: {  	v4 =	vmul.f32 $1.442695020e+00, v4;
	(erf) = vpow2.f32 v5;
	_ =	sdelay $0x1  }
0x3b: {  	(erf) = vpow2.f32 v4;
	_ =	sdelay $0x2  }
0x3c: {  	v62 =	vld.idx.msk [tilespmem:v3+s11+$0x0], $0xffff;
	_ =	sdelay $0x3  }
0x3d: {  	p0 =	sne.s32 s22, $0x13840;
	v5 =	vpop (erf)  }
.Ltmp1:
0x3e: {  	v4 =	vmul.f32 v5, v62;
	(pc) =	sbr.rel @p0 .LBB2_4-.Ltmp1, $4  }
0x3f: {  	v63 =	vpop (erf)  }
0x40: {  	v4 =	vadd.f32 v4, v63  }
0x41: {  	[tilespmem:v3+s10+$0x0] =	vst.idx.msk $0xffff, v6  }
0x42: {  	s22 =	sadd.s32 $0x40, s22;
	[tilespmem:v3+s11+$0x0] =	vst.idx.msk $0xffff, v4  }
0x43: {  	v3 =	vmov s21  }
0x44: {  	v3 =	vshll.u32 v3, $0x4  }
0x45: {  	v3 =	vor.u32 v2, v3  }
0x46: {  	v4 =	vor.u32 $0x1, v3  }
0x47: {  	v5 =	vor.u32 $0x2, v3  }
0x48: {  	v6 =	vor.u32 $0x3, v3  }
0x49: {  	v7 =	vor.u32 $0x4, v3  }
0x4a: {  	v9 =	vor.u32 $0x5, v3;
	v10 =	vld.idx.msk [tilespmem:v3+s10+$0x0], $0xffff  }
0x4b: {  	v11 =	vor.u32 $0x6, v3;
	v8 =	vld.idx.msk [tilespmem:v4+s10+$0x0], $0xffff  }
0x4c: {  	v13 =	vor.u32 $0x7, v3;
	v12 =	vld.idx.msk [tilespmem:v5+s10+$0x0], $0xffff  }
0x4d: {  	v15 =	vor.u32 $0x8, v3;
	v14 =	vld.idx.msk [tilespmem:v6+s10+$0x0], $0xffff  }
0x4e: {  	v17 =	vor.u32 $0x9, v3;
	v16 =	vld.idx.msk [tilespmem:v7+s10+$0x0], $0xffff  }
0x4f: {  	v19 =	vor.u32 $0xA, v3;
	v18 =	vld.idx.msk [tilespmem:v9+s10+$0x0], $0xffff  }
0x50: {  	v21 =	vor.u32 $0xB, v3;
	v20 =	vld.idx.msk [tilespmem:v11+s10+$0x0], $0xffff;
	v22 =	vmax.f32 v10, v8  }
0x51: {  	v24 =	vor.u32 $0xC, v3;
	v23 =	vld.idx.msk [tilespmem:v13+s10+$0x0], $0xffff;
	v22 =	vmax.f32 v22, v12  }
0x52: {  	v26 =	vor.u32 $0xD, v3;
	v25 =	vld.idx.msk [tilespmem:v15+s10+$0x0], $0xffff;
	v22 =	vmax.f32 v22, v14  }
0x53: {  	v28 =	vor.u32 $0xE, v3;
	v27 =	vld.idx.msk [tilespmem:v17+s10+$0x0], $0xffff;
	v22 =	vmax.f32 v22, v16  }
0x54: {  	v30 =	vor.u32 $0xF, v3;
	v29 =	vld.idx.msk [tilespmem:v19+s10+$0x0], $0xffff;
	v22 =	vmax.f32 v22, v18  }
0x55: {  	v31 =	vld.idx.msk [tilespmem:v21+s10+$0x0], $0xffff;
	v22 =	vmax.f32 v22, v20  }
0x56: {  	v32 =	vld.idx.msk [tilespmem:v24+s10+$0x0], $0xffff;
	v22 =	vmax.f32 v22, v23  }
0x57: {  	v33 =	vld.idx.msk [tilespmem:v26+s10+$0x0], $0xffff;
	v22 =	vmax.f32 v22, v25  }
0x58: {  	v34 =	vld.idx.msk [tilespmem:v28+s10+$0x0], $0xffff;
	v22 =	vmax.f32 v22, v27  }
0x59: {  	v35 =	vld.idx.msk [tilespmem:v30+s10+$0x0], $0xffff;
	v22 =	vmax.f32 v22, v29  }
0x5a: {  	v22 =	vmax.f32 v22, v31  }
0x5b: {  	v22 =	vmax.f32 v22, v32  }
0x5c: {  	v22 =	vmax.f32 v22, v33  }
0x5d: {  	v22 =	vmax.f32 v22, v34  }
0x5e: {  	v22 =	vmax.f32 v22, v35  }
0x5f: {  	v10 =	vsub.f32 v10, v22;
	_ =	sdelay $0x1  }
0x60: {  	v8 =	vsub.f32 v8, v22;
	v10 =	vmul.f32 $1.442695020e+00, v10;
	_ =	sdelay $0x1  }
0x61: {  	v12 =	vsub.f32 v12, v22;
	v8 =	vmul.f32 $1.442695020e+00, v8;
	(erf) = vpow2.f32 v10;
	_ =	sdelay $0x1  }
0x62: {  	v53 =	vsub.f32 v14, v22;
	v52 =	vmul.f32 $1.442695020e+00, v12;
	(erf) = vpow2.f32 v8;
	_ =	sdelay $0x1  }
0x63: {  	v54 =	vsub.f32 v16, v22;
	v8 =	vmul.f32 $1.442695020e+00, v53;
	(erf) = vpow2.f32 v52  }
0x64: {  	v3 =	vld.idx.msk [tilespmem:v3+s11+$0x0], $0xffff  }
0x65: {  	v56 =	vsub.f32 v18, v22;
	v55 =	vmul.f32 $1.442695020e+00, v54;
	(erf) = vpow2.f32 v8  }
0x66: {  	v4 =	vld.idx.msk [tilespmem:v4+s11+$0x0], $0xffff;
	v8 =	vsub.f32 v20, v22  }
0x67: {  	v12 =	vmul.f32 $1.442695020e+00, v56;
	(erf) = vpow2.f32 v55  }
0x68: {  	v5 =	vld.idx.msk [tilespmem:v5+s11+$0x0], $0xffff;
	v57 =	vsub.f32 v23, v22;
	v8 =	vmul.f32 $1.442695020e+00, v8;
	v58 =	vpop (erf)  }
0x69: {  	(erf) = vpow2.f32 v12;
	v3 =	vmul.f32 v58, v3  }
0x6a: {  	v6 =	vld.idx.msk [tilespmem:v6+s11+$0x0], $0xffff;
	v59 =	vsub.f32 v25, v22;
	v10 =	vmul.f32 $1.442695020e+00, v57;
	v60 =	vpop (erf)  }
0x6b: {  	(erf) = vpow2.f32 v8;
	v4 =	vmul.f32 v60, v4;
	v3 =	vadd.f32 $0.0e+00, v3  }
0x6c: {  	v7 =	vld.idx.msk [tilespmem:v7+s11+$0x0], $0xffff;
	v61 =	vsub.f32 v27, v22;
	v8 =	vmul.f32 $1.442695020e+00, v59;
	v62 =	vpop (erf)  }
0x6d: {  	(erf) = vpow2.f32 v10;
	v3 =	vadd.f32 v3, v4;
	v4 =	vmul.f32 v62, v5  }
0x6e: {  	v16 =	vsub.f32 v29, v22;
	v63 =	vmul.f32 $1.442695020e+00, v61;
	v18 =	vpop (erf);
	v5 =	vld.idx.msk [tilespmem:v9+s11+$0x0], $0xffff  }
0x6f: {  	(erf) = vpow2.f32 v8;
	v3 =	vadd.f32 v3, v4;
	v4 =	vmul.f32 v18, v6  }
0x70: {  	v20 =	vsub.f32 v31, v22;
	v8 =	vmul.f32 $1.442695020e+00, v16;
	v23 =	vpop (erf);
	v6 =	vld.idx.msk [tilespmem:v11+s11+$0x0], $0xffff  }
0x71: {  	(erf) = vpow2.f32 v63;
	v3 =	vadd.f32 v3, v4;
	v4 =	vmul.f32 v7, v23  }
0x72: {  	v27 =	vsub.f32 v32, v22;
	v25 =	vmul.f32 $1.442695020e+00, v20;
	v7 =	vld.idx.msk [tilespmem:v13+s11+$0x0], $0xffff;
	v29 =	vpop (erf)  }
0x73: {  	(erf) = vpow2.f32 v8;
	v3 =	vadd.f32 v3, v4;
	v4 =	vmul.f32 v5, v29  }
0x74: {  	v31 =	vsub.f32 v33, v22;
	v8 =	vmul.f32 $1.442695020e+00, v27;
	v32 =	vpop (erf);
	v5 =	vld.idx.msk [tilespmem:v15+s11+$0x0], $0xffff  }
0x75: {  	(erf) = vpow2.f32 v25;
	v3 =	vadd.f32 v3, v4;
	v4 =	vmul.f32 v6, v32  }
0x76: {  	v36 =	vsub.f32 v34, v22;
	v33 =	vmul.f32 $1.442695020e+00, v31;
	v37 =	vpop (erf);
	v6 =	vld.idx.msk [tilespmem:v17+s11+$0x0], $0xffff  }
0x77: {  	(erf) = vpow2.f32 v8;
	v3 =	vadd.f32 v3, v4;
	v4 =	vmul.f32 v7, v37  }
0x78: {  	v8 =	vmul.f32 $1.442695020e+00, v36;
	v39 =	vpop (erf);
	v7 =	vld.idx.msk [tilespmem:v19+s11+$0x0], $0xffff  }
0x79: {  	(erf) = vpow2.f32 v33;
	v3 =	vadd.f32 v3, v4;
	v4 =	vmul.f32 v5, v39  }
0x7a: {  	v38 =	vsub.f32 v35, v22;
	v41 =	vpop (erf);
	v5 =	vld.idx.msk [tilespmem:v21+s11+$0x0], $0xffff  }
0x7b: {  	v3 =	vadd.f32 v3, v4;
	v4 =	vmul.f32 v6, v41  }
0x7c: {  	v40 =	vmul.f32 $1.442695020e+00, v38;
	(erf) = vpow2.f32 v8;
	v8 =	vpop (erf);
	v6 =	vld.idx.msk [tilespmem:v24+s11+$0x0], $0xffff  }
0x7d: {  	v3 =	vadd.f32 v3, v4;
	v4 =	vmul.f32 v7, v8  }
0x7e: {  	(erf) = vpow2.f32 v40;
	v7 =	vld.idx.msk [tilespmem:v26+s11+$0x0], $0xffff;
	v8 =	vpop (erf)  }
0x7f: {  	v3 =	vadd.f32 v3, v4;
	v4 =	vmul.f32 v5, v8  }
0x80: {  	v8 =	vpop (erf)  }
0x81: {  	v5 =	vld.idx.msk [tilespmem:v28+s11+$0x0], $0xffff;
	v3 =	vadd.f32 v3, v4;
	v4 =	vmul.f32 v6, v8  }
0x82: {  	s30 =	simm.s32 $0x10;
	v8 =	vpop (erf)  }
0x83: {  	v6 =	vld.idx.msk [tilespmem:v30+s11+$0x0], $0xffff;
	v3 =	vadd.f32 v3, v4;
	v4 =	vmul.f32 v7, v8;
	v7 =	vmov s30  }
0x84: {  	v7 =	vshll.u32 v7, $0x4  }
0x85: {  	v8 =	vpop (erf)  }
0x86: {  	v3 =	vadd.f32 v3, v4;
	v4 =	vmul.f32 v5, v8  }
0x87: {  	v5 =	vor.u32 v2, v7;
	v7 =	vpop (erf)  }
0x88: {  	v8 =	vor.u32 $0x1, v5;
	v3 =	vadd.f32 v3, v4;
	v4 =	vmul.f32 v6, v7;
	_ =	sdelay $0x1  }
0x89: {  	s21 =	simm.s32 $0x11D00;
	v6 =	vor.u32 $0x2, v5;
	v3 =	vadd.f32 v3, v4  }
0x8a: {  	s22 =	simm.s32 $0x12100;
	[tilespmem:s21+$0x0] =	vst v22;
	v4 =	vor.u32 $0x3, v5  }
0x8b: {  	v7 =	vor.u32 $0x4, v5;
	[tilespmem:s22+$0x0] =	vst v3  }
0x8c: {  	v43 =	vor.u32 $0x5, v5;
	v42 =	vld.idx.msk [tilespmem:v8+s10+$0x0], $0xffff  }
0x8d: {  	v45 =	vor.u32 $0x6, v5;
	v44 =	vld.idx.msk [tilespmem:v5+s10+$0x0], $0xffff  }
0x8e: {  	v14 =	vor.u32 $0x7, v5;
	v46 =	vld.idx.msk [tilespmem:v6+s10+$0x0], $0xffff  }
0x8f: {  	v16 =	vor.u32 $0x8, v5;
	v47 =	vld.idx.msk [tilespmem:v4+s10+$0x0], $0xffff  }
0x90: {  	v18 =	vor.u32 $0x9, v5;
	v48 =	vld.idx.msk [tilespmem:v7+s10+$0x0], $0xffff  }
0x91: {  	v20 =	vor.u32 $0xA, v5;
	v49 =	vld.idx.msk [tilespmem:v43+s10+$0x0], $0xffff  }
0x92: {  	v22 =	vor.u32 $0xB, v5;
	v50 =	vld.idx.msk [tilespmem:v45+s10+$0x0], $0xffff;
	v3 =	vmax.f32 v44, v42  }
0x93: {  	v24 =	vor.u32 $0xC, v5;
	v51 =	vld.idx.msk [tilespmem:v14+s10+$0x0], $0xffff;
	v3 =	vmax.f32 v3, v46  }
0x94: {  	v26 =	vor.u32 $0xD, v5;
	v52 =	vld.idx.msk [tilespmem:v16+s10+$0x0], $0xffff;
	v3 =	vmax.f32 v3, v47  }
0x95: {  	v28 =	vor.u32 $0xE, v5;
	v53 =	vld.idx.msk [tilespmem:v18+s10+$0x0], $0xffff;
	v3 =	vmax.f32 v3, v48  }
0x96: {  	v30 =	vor.u32 $0xF, v5;
	v54 =	vld.idx.msk [tilespmem:v20+s10+$0x0], $0xffff;
	v3 =	vmax.f32 v3, v49  }
0x97: {  	v55 =	vld.idx.msk [tilespmem:v22+s10+$0x0], $0xffff;
	v3 =	vmax.f32 v3, v50  }
0x98: {  	v56 =	vld.idx.msk [tilespmem:v24+s10+$0x0], $0xffff;
	v3 =	vmax.f32 v3, v51  }
0x99: {  	v57 =	vld.idx.msk [tilespmem:v26+s10+$0x0], $0xffff;
	v3 =	vmax.f32 v3, v52  }
0x9a: {  	v58 =	vld.idx.msk [tilespmem:v28+s10+$0x0], $0xffff;
	v3 =	vmax.f32 v3, v53  }
0x9b: {  	v35 =	vld.idx.msk [tilespmem:v30+s10+$0x0], $0xffff;
	v3 =	vmax.f32 v3, v54  }
0x9c: {  	v3 =	vmax.f32 v3, v55  }
0x9d: {  	v3 =	vmax.f32 v3, v56  }
0x9e: {  	v3 =	vmax.f32 v3, v57  }
0x9f: {  	v3 =	vmax.f32 v3, v58  }
0xa0: {  	v3 =	vmax.f32 v3, v35  }
0xa1: {  	v11 =	vsub.f32 v44, v3;
	_ =	sdelay $0x1  }
0xa2: {  	v9 =	vsub.f32 v42, v3;
	v11 =	vmul.f32 $1.442695020e+00, v11;
	_ =	sdelay $0x1  }
0xa3: {  	v13 =	vsub.f32 v46, v3;
	v9 =	vmul.f32 $1.442695020e+00, v9;
	(erf) = vpow2.f32 v11;
	_ =	sdelay $0x1  }
0xa4: {  	v60 =	vsub.f32 v47, v3;
	v59 =	vmul.f32 $1.442695020e+00, v13;
	(erf) = vpow2.f32 v9;
	_ =	sdelay $0x1  }
0xa5: {  	v62 =	vsub.f32 v48, v3;
	v61 =	vmul.f32 $1.442695020e+00, v60;
	(erf) = vpow2.f32 v59  }
0xa6: {  	v5 =	vld.idx.msk [tilespmem:v5+s11+$0x0], $0xffff  }
0xa7: {  	v17 =	vsub.f32 v49, v3;
	v63 =	vmul.f32 $1.442695020e+00, v62;
	(erf) = vpow2.f32 v61  }
0xa8: {  	v8 =	vld.idx.msk [tilespmem:v8+s11+$0x0], $0xffff;
	v19 =	vsub.f32 v50, v3  }
0xa9: {  	v13 =	vmul.f32 $1.442695020e+00, v17;
	(erf) = vpow2.f32 v63  }
0xaa: {  	v6 =	vld.idx.msk [tilespmem:v6+s11+$0x0], $0xffff;
	v21 =	vsub.f32 v51, v3;
	v9 =	vmul.f32 $1.442695020e+00, v19;
	v23 =	vpop (erf)  }
0xab: {  	(erf) = vpow2.f32 v13;
	v5 =	vmul.f32 v23, v5  }
0xac: {  	v4 =	vld.idx.msk [tilespmem:v4+s11+$0x0], $0xffff;
	v36 =	vsub.f32 v52, v3;
	v11 =	vmul.f32 $1.442695020e+00, v21;
	v37 =	vpop (erf)  }
0xad: {  	(erf) = vpow2.f32 v9;
	v8 =	vmul.f32 v37, v8;
	v5 =	vadd.f32 $0.0e+00, v5  }
0xae: {  	v7 =	vld.idx.msk [tilespmem:v7+s11+$0x0], $0xffff;
	v39 =	vsub.f32 v53, v3;
	v38 =	vmul.f32 $1.442695020e+00, v36;
	v40 =	vpop (erf)  }
0xaf: {  	(erf) = vpow2.f32 v11;
	v6 =	vmul.f32 v40, v6;
	v5 =	vadd.f32 v5, v8  }
0xb0: {  	v42 =	vsub.f32 v54, v3;
	v41 =	vmul.f32 $1.442695020e+00, v39;
	v8 =	vld.idx.msk [tilespmem:v43+s11+$0x0], $0xffff;
	v43 =	vpop (erf)  }
0xb1: {  	(erf) = vpow2.f32 v38;
	v4 =	vmul.f32 v43, v4;
	v5 =	vadd.f32 v5, v6  }
0xb2: {  	v44 =	vmul.f32 $1.442695020e+00, v42;
	v46 =	vpop (erf);
	v6 =	vld.idx.msk [tilespmem:v45+s11+$0x0], $0xffff;
	v45 =	vsub.f32 v55, v3  }
0xb3: {  	(erf) = vpow2.f32 v41;
	v4 =	vadd.f32 v5, v4;
	v5 =	vmul.f32 v7, v46  }
0xb4: {  	v48 =	vsub.f32 v56, v3;
	v7 =	vld.idx.msk [tilespmem:v14+s11+$0x0], $0xffff;
	v47 =	vmul.f32 $1.442695020e+00, v45;
	v49 =	vpop (erf)  }
0xb5: {  	(erf) = vpow2.f32 v44;
	v4 =	vadd.f32 v4, v5;
	v5 =	vmul.f32 v8, v49  }
0xb6: {  	v50 =	vmul.f32 $1.442695020e+00, v48;
	v52 =	vpop (erf);
	v8 =	vld.idx.msk [tilespmem:v16+s11+$0x0], $0xffff  }
0xb7: {  	(erf) = vpow2.f32 v47;
	v4 =	vadd.f32 v4, v5;
	v5 =	vmul.f32 v6, v52  }
0xb8: {  	v55 =	vpop (erf);
	v6 =	vld.idx.msk [tilespmem:v18+s11+$0x0], $0xffff  }
0xb9: {  	(erf) = vpow2.f32 v50;
	v4 =	vadd.f32 v4, v5;
	v5 =	vmul.f32 v7, v55  }
0xba: {  	v51 =	vsub.f32 v57, v3;
	v57 =	vpop (erf);
	v7 =	vld.idx.msk [tilespmem:v20+s11+$0x0], $0xffff  }
0xbb: {  	v4 =	vadd.f32 v4, v5;
	v5 =	vmul.f32 v8, v57  }
0xbc: {  	v54 =	vsub.f32 v58, v3;
	v58 =	vpop (erf);
	v8 =	vld.idx.msk [tilespmem:v22+s11+$0x0], $0xffff  }
0xbd: {  	v4 =	vadd.f32 v4, v5;
	v5 =	vmul.f32 v6, v58  }
0xbe: {  	v53 =	vmul.f32 $1.442695020e+00, v51;
	v59 =	vpop (erf);
	v6 =	vld.idx.msk [tilespmem:v24+s11+$0x0], $0xffff  }
0xbf: {  	v4 =	vadd.f32 v4, v5;
	v5 =	vmul.f32 v7, v59  }
0xc0: {  	v56 =	vmul.f32 $1.442695020e+00, v54;
	(erf) = vpow2.f32 v53;
	v60 =	vpop (erf)  }
0xc1: {  	v4 =	vadd.f32 v4, v5;
	v5 =	vmul.f32 v8, v60;
	v8 =	vsub.f32 v35, v3  }
0xc2: {  	(erf) = vpow2.f32 v56;
	v62 =	vpop (erf)  }
0xc3: {  	v4 =	vadd.f32 v4, v5;
	v5 =	vmul.f32 v6, v62;
	v6 =	vmul.f32 $1.442695020e+00, v8;
	_ =	sdelay $0x1  }
0xc4: {  	(erf) = vpow2.f32 v6  }
0xc5: {  	v7 =	vld.idx.msk [tilespmem:v26+s11+$0x0], $0xffff;
	_ =	sdelay $0x1  }
0xc6: {  	v61 =	vld.idx.msk [tilespmem:v28+s11+$0x0], $0xffff;
	_ =	sdelay $0x1  }
0xc7: {  	v8 =	vpop (erf);
	v5 =	vadd.f32 v4, v5;
	v4 =	vld.idx.msk [tilespmem:v30+s11+$0x0], $0xffff  }
0xc8: {  	s24 =	simm.s32 $0x20;
	v8 =	vmul.f32 v7, v8  }
0xc9: {  	v6 =	vmov s24;
	v63 =	vpop (erf)  }
0xca: {  	s24 =	simm.s32 $0x30;
	v7 =	vshll.u32 v6, $0x4;
	v6 =	vmul.f32 v61, v63;
	v5 =	vadd.f32 v5, v8  }
.LBB2_6:
0xcb: {  	p0 =	sne.s32 s24, $0x3F0;
	v13 =	vor.u32 v2, v7;
	v7 =	vpop (erf)  }
0xcc: {  	v14 =	vor.u32 $0x1, v13;
	v5 =	vadd.f32 v5, v6;
	v4 =	vmul.f32 v4, v7;
	_ =	sdelay $0x1  }
0xcd: {  	s21 =	sadd.s32 $0x10, s21;
	v15 =	vor.u32 $0x2, v13;
	v4 =	vadd.f32 v5, v4  }
0xce: {  	s22 =	sadd.s32 $0x10, s22;
	v16 =	vor.u32 $0x3, v13;
	[tilespmem:s21+$0x0] =	vst v3  }
0xcf: {  	v17 =	vor.u32 $0x4, v13;
	[tilespmem:s22+$0x0] =	vst v4  }
0xd0: {  	v19 =	vor.u32 $0x5, v13;
	v18 =	vld.idx.msk [tilespmem:v14+s10+$0x0], $0xffff  }
0xd1: {  	v21 =	vor.u32 $0x6, v13;
	v20 =	vld.idx.msk [tilespmem:v13+s10+$0x0], $0xffff  }
0xd2: {  	v12 =	vor.u32 $0x7, v13;
	v22 =	vld.idx.msk [tilespmem:v15+s10+$0x0], $0xffff  }
0xd3: {  	v11 =	vor.u32 $0x8, v13;
	v23 =	vld.idx.msk [tilespmem:v16+s10+$0x0], $0xffff  }
0xd4: {  	v10 =	vor.u32 $0x9, v13;
	v24 =	vld.idx.msk [tilespmem:v17+s10+$0x0], $0xffff  }
0xd5: {  	v9 =	vor.u32 $0xA, v13;
	v25 =	vld.idx.msk [tilespmem:v19+s10+$0x0], $0xffff  }
0xd6: {  	v8 =	vor.u32 $0xB, v13;
	v26 =	vld.idx.msk [tilespmem:v21+s10+$0x0], $0xffff  }
0xd7: {  	v7 =	vor.u32 $0xC, v13;
	v3 =	vmax.f32 v20, v18;
	v27 =	vld.idx.msk [tilespmem:v12+s10+$0x0], $0xffff  }
0xd8: {  	v6 =	vor.u32 $0xD, v13;
	v3 =	vmax.f32 v3, v22;
	v28 =	vld.idx.msk [tilespmem:v11+s10+$0x0], $0xffff  }
0xd9: {  	v5 =	vor.u32 $0xE, v13;
	v3 =	vmax.f32 v3, v23;
	v29 =	vld.idx.msk [tilespmem:v10+s10+$0x0], $0xffff  }
0xda: {  	v4 =	vor.u32 $0xF, v13;
	v3 =	vmax.f32 v3, v24;
	v30 =	vld.idx.msk [tilespmem:v9+s10+$0x0], $0xffff  }
0xdb: {  	v3 =	vmax.f32 v3, v25;
	v31 =	vld.idx.msk [tilespmem:v8+s10+$0x0], $0xffff  }
0xdc: {  	v3 =	vmax.f32 v3, v26;
	v32 =	vld.idx.msk [tilespmem:v7+s10+$0x0], $0xffff  }
0xdd: {  	v3 =	vmax.f32 v3, v27;
	v33 =	vld.idx.msk [tilespmem:v6+s10+$0x0], $0xffff  }
0xde: {  	v3 =	vmax.f32 v3, v28;
	v34 =	vld.idx.msk [tilespmem:v5+s10+$0x0], $0xffff  }
0xdf: {  	v3 =	vmax.f32 v3, v29;
	v35 =	vld.idx.msk [tilespmem:v4+s10+$0x0], $0xffff  }
0xe0: {  	v3 =	vmax.f32 v3, v30  }
0xe1: {  	v3 =	vmax.f32 v3, v31  }
0xe2: {  	v3 =	vmax.f32 v3, v32  }
0xe3: {  	v3 =	vmax.f32 v3, v33  }
0xe4: {  	v3 =	vmax.f32 v3, v34  }
0xe5: {  	v3 =	vmax.f32 v3, v35  }
0xe6: {  	v20 =	vsub.f32 v20, v3;
	_ =	sdelay $0x1  }
0xe7: {  	v18 =	vsub.f32 v18, v3;
	v20 =	vmul.f32 $1.442695020e+00, v20;
	_ =	sdelay $0x1  }
0xe8: {  	v22 =	vsub.f32 v22, v3;
	v18 =	vmul.f32 $1.442695020e+00, v18;
	(erf) = vpow2.f32 v20;
	_ =	sdelay $0x1  }
0xe9: {  	v20 =	vmul.f32 $1.442695020e+00, v22;
	v22 =	vsub.f32 v23, v3;
	(erf) = vpow2.f32 v18;
	_ =	sdelay $0x1  }
0xea: {  	v18 =	vmul.f32 $1.442695020e+00, v22;
	v22 =	vsub.f32 v24, v3;
	v13 =	vld.idx.msk [tilespmem:v13+s11+$0x0], $0xffff;
	(erf) = vpow2.f32 v20;
	_ =	sdelay $0x1  }
0xeb: {  	v20 =	vmul.f32 $1.442695020e+00, v22;
	v22 =	vsub.f32 v25, v3;
	v14 =	vld.idx.msk [tilespmem:v14+s11+$0x0], $0xffff;
	(erf) = vpow2.f32 v18  }
0xec: {  	v18 =	vsub.f32 v26, v3  }
0xed: {  	v22 =	vmul.f32 $1.442695020e+00, v22;
	v15 =	vld.idx.msk [tilespmem:v15+s11+$0x0], $0xffff;
	(erf) = vpow2.f32 v20  }
0xee: {  	v18 =	vmul.f32 $1.442695020e+00, v18;
	v20 =	vsub.f32 v27, v3;
	v23 =	vpop (erf)  }
0xef: {  	v13 =	vmul.f32 v23, v13;
	v16 =	vld.idx.msk [tilespmem:v16+s11+$0x0], $0xffff;
	(erf) = vpow2.f32 v22  }
0xf0: {  	v20 =	vmul.f32 $1.442695020e+00, v20;
	v22 =	vsub.f32 v28, v3;
	v23 =	vpop (erf)  }
0xf1: {  	v13 =	vadd.f32 $0.0e+00, v13;
	v14 =	vmul.f32 v23, v14;
	v17 =	vld.idx.msk [tilespmem:v17+s11+$0x0], $0xffff;
	(erf) = vpow2.f32 v18  }
0xf2: {  	v24 =	vsub.f32 v29, v3;
	v18 =	vmul.f32 $1.442695020e+00, v22;
	v23 =	vpop (erf)  }
0xf3: {  	v13 =	vadd.f32 v13, v14;
	v14 =	vmul.f32 v23, v15;
	v15 =	vld.idx.msk [tilespmem:v19+s11+$0x0], $0xffff;
	(erf) = vpow2.f32 v20  }
0xf4: {  	v19 =	vmul.f32 $1.442695020e+00, v24;
	v20 =	vsub.f32 v30, v3;
	v22 =	vpop (erf)  }
0xf5: {  	v13 =	vadd.f32 v13, v14;
	v14 =	vmul.f32 v22, v16;
	v16 =	vld.idx.msk [tilespmem:v21+s11+$0x0], $0xffff;
	(erf) = vpow2.f32 v18  }
0xf6: {  	v18 =	vmul.f32 $1.442695020e+00, v20;
	v22 =	vsub.f32 v31, v3;
	v21 =	vpop (erf)  }
0xf7: {  	v13 =	vadd.f32 v13, v14;
	v14 =	vmul.f32 v17, v21;
	v12 =	vld.idx.msk [tilespmem:v12+s11+$0x0], $0xffff;
	(erf) = vpow2.f32 v19  }
0xf8: {  	v17 =	vmul.f32 $1.442695020e+00, v22;
	v21 =	vsub.f32 v32, v3;
	v20 =	vpop (erf)  }
0xf9: {  	v13 =	vadd.f32 v13, v14;
	v14 =	vmul.f32 v15, v20;
	v11 =	vld.idx.msk [tilespmem:v11+s11+$0x0], $0xffff;
	(erf) = vpow2.f32 v18  }
0xfa: {  	v15 =	vmul.f32 $1.442695020e+00, v21;
	v20 =	vsub.f32 v33, v3;
	v19 =	vpop (erf)  }
0xfb: {  	v13 =	vadd.f32 v13, v14;
	v14 =	vmul.f32 v16, v19;
	v10 =	vld.idx.msk [tilespmem:v10+s11+$0x0], $0xffff;
	(erf) = vpow2.f32 v17  }
0xfc: {  	v16 =	vmul.f32 $1.442695020e+00, v20;
	v19 =	vsub.f32 v34, v3;
	v18 =	vpop (erf)  }
0xfd: {  	v13 =	vadd.f32 v13, v14;
	v12 =	vmul.f32 v12, v18;
	v9 =	vld.idx.msk [tilespmem:v9+s11+$0x0], $0xffff;
	(erf) = vpow2.f32 v15  }
0xfe: {  	v14 =	vmul.f32 $1.442695020e+00, v19;
	v18 =	vsub.f32 v35, v3;
	v17 =	vpop (erf)  }
0xff: {  	v19 =	vadd.f32 v13, v12;
	v11 =	vmul.f32 v11, v17;
	v8 =	vld.idx.msk [tilespmem:v8+s11+$0x0], $0xffff;
	(erf) = vpow2.f32 v16  }
0x100: {  	v13 =	vmul.f32 $1.442695020e+00, v18;
	v15 =	vpop (erf)  }
0x101: {  	v16 =	vadd.f32 v19, v11;
	v10 =	vmul.f32 v10, v15;
	v7 =	vld.idx.msk [tilespmem:v7+s11+$0x0], $0xffff;
	(erf) = vpow2.f32 v14  }
0x102: {  	v12 =	vpop (erf)  }
0x103: {  	v10 =	vadd.f32 v16, v10;
	v9 =	vmul.f32 v9, v12;
	v6 =	vld.idx.msk [tilespmem:v6+s11+$0x0], $0xffff;
	(erf) = vpow2.f32 v13  }
0x104: {  	v11 =	vpop (erf)  }
0x105: {  	v9 =	vadd.f32 v10, v9;
	v8 =	vmul.f32 v8, v11;
	v10 =	vld.idx.msk [tilespmem:v5+s11+$0x0], $0xffff  }
0x106: {  	v5 =	vpop (erf)  }
.Ltmp2:
0x107: {  	v9 =	vadd.f32 v9, v8;
	v5 =	vmul.f32 v7, v5;
	v4 =	vld.idx.msk [tilespmem:v4+s11+$0x0], $0xffff;
	(pc) =	sbr.rel @p0 .LBB2_6-.Ltmp2, $4  }
0x108: {  	v7 =	vpop (erf)  }
0x109: {  	v5 =	vadd.f32 v9, v5;
	v6 =	vmul.f32 v6, v7  }
0x10a: {  	v7 =	vmov s24;
	v8 =	vpop (erf)  }
0x10b: {  	s24 =	sadd.s32 $0x10, s24;
	v7 =	vshll.u32 v7, $0x4;
	v5 =	vadd.f32 v5, v6;
	v6 =	vmul.f32 v10, v8  }
0x10c: {  	v7 =	vor.u32 v2, v7;
	v8 =	vpop (erf)  }
0x10d: {  	v9 =	vor.u32 $0x1, v7;
	v5 =	vadd.f32 v5, v6;
	v4 =	vmul.f32 v4, v8;
	_ =	sdelay $0x1  }
0x10e: {  	s21 =	sadd.s32 $0x10, s21;
	v39 =	vor.u32 $0x2, v7;
	v4 =	vadd.f32 v5, v4  }
0x10f: {  	s22 =	sadd.s32 $0x10, s22;
	v40 =	vor.u32 $0x3, v7;
	[tilespmem:s21+$0x0] =	vst v3  }
0x110: {  	v3 =	vor.u32 $0x4, v7;
	[tilespmem:s22+$0x0] =	vst v4  }
0x111: {  	v41 =	vor.u32 $0x5, v7;
	v4 =	vld.idx.msk [tilespmem:v9+s10+$0x0], $0xffff  }
0x112: {  	v11 =	vor.u32 $0x6, v7;
	v10 =	vld.idx.msk [tilespmem:v7+s10+$0x0], $0xffff  }
0x113: {  	v13 =	vor.u32 $0x7, v7;
	v12 =	vld.idx.msk [tilespmem:v39+s10+$0x0], $0xffff  }
0x114: {  	v15 =	vor.u32 $0x8, v7;
	v14 =	vld.idx.msk [tilespmem:v40+s10+$0x0], $0xffff  }
0x115: {  	v17 =	vor.u32 $0x9, v7;
	v16 =	vld.idx.msk [tilespmem:v3+s10+$0x0], $0xffff  }
0x116: {  	v19 =	vor.u32 $0xA, v7;
	v18 =	vld.idx.msk [tilespmem:v41+s10+$0x0], $0xffff  }
0x117: {  	v21 =	vor.u32 $0xB, v7;
	v20 =	vld.idx.msk [tilespmem:v11+s10+$0x0], $0xffff;
	v22 =	vmax.f32 v10, v4  }
0x118: {  	v24 =	vor.u32 $0xC, v7;
	v23 =	vld.idx.msk [tilespmem:v13+s10+$0x0], $0xffff;
	v22 =	vmax.f32 v22, v12  }
0x119: {  	v26 =	vor.u32 $0xD, v7;
	v25 =	vld.idx.msk [tilespmem:v15+s10+$0x0], $0xffff;
	v22 =	vmax.f32 v22, v14  }
0x11a: {  	v28 =	vor.u32 $0xE, v7;
	v27 =	vld.idx.msk [tilespmem:v17+s10+$0x0], $0xffff;
	v22 =	vmax.f32 v22, v16  }
0x11b: {  	v30 =	vor.u32 $0xF, v7;
	v29 =	vld.idx.msk [tilespmem:v19+s10+$0x0], $0xffff;
	v22 =	vmax.f32 v22, v18  }
0x11c: {  	v31 =	vld.idx.msk [tilespmem:v21+s10+$0x0], $0xffff;
	v22 =	vmax.f32 v22, v20  }
0x11d: {  	v32 =	vld.idx.msk [tilespmem:v24+s10+$0x0], $0xffff;
	v22 =	vmax.f32 v22, v23  }
0x11e: {  	v33 =	vld.idx.msk [tilespmem:v26+s10+$0x0], $0xffff;
	v22 =	vmax.f32 v22, v25  }
0x11f: {  	v34 =	vld.idx.msk [tilespmem:v28+s10+$0x0], $0xffff;
	v22 =	vmax.f32 v22, v27  }
0x120: {  	v35 =	vld.idx.msk [tilespmem:v30+s10+$0x0], $0xffff;
	v22 =	vmax.f32 v22, v29  }
0x121: {  	v22 =	vmax.f32 v22, v31  }
0x122: {  	v22 =	vmax.f32 v22, v32  }
0x123: {  	v22 =	vmax.f32 v22, v33  }
0x124: {  	v22 =	vmax.f32 v22, v34  }
0x125: {  	v22 =	vmax.f32 v22, v35  }
0x126: {  	v10 =	vsub.f32 v10, v22;
	_ =	sdelay $0x1  }
0x127: {  	v4 =	vsub.f32 v4, v22;
	v10 =	vmul.f32 $1.442695020e+00, v10;
	_ =	sdelay $0x1  }
0x128: {  	v12 =	vsub.f32 v12, v22;
	v4 =	vmul.f32 $1.442695020e+00, v4;
	(erf) = vpow2.f32 v10;
	_ =	sdelay $0x1  }
0x129: {  	v43 =	vsub.f32 v14, v22;
	v42 =	vmul.f32 $1.442695020e+00, v12;
	(erf) = vpow2.f32 v4;
	_ =	sdelay $0x1  }
0x12a: {  	v45 =	vsub.f32 v16, v22;
	v44 =	vmul.f32 $1.442695020e+00, v43;
	(erf) = vpow2.f32 v42  }
0x12b: {  	v7 =	vld.idx.msk [tilespmem:v7+s11+$0x0], $0xffff  }
0x12c: {  	v47 =	vsub.f32 v18, v22;
	v46 =	vmul.f32 $1.442695020e+00, v45;
	(erf) = vpow2.f32 v44  }
0x12d: {  	v48 =	vld.idx.msk [tilespmem:v9+s11+$0x0], $0xffff;
	v49 =	vsub.f32 v20, v22  }
0x12e: {  	v12 =	vmul.f32 $1.442695020e+00, v47;
	(erf) = vpow2.f32 v46  }
0x12f: {  	v6 =	vld.idx.msk [tilespmem:v39+s11+$0x0], $0xffff;
	v50 =	vsub.f32 v23, v22;
	v9 =	vmul.f32 $1.442695020e+00, v49;
	v51 =	vpop (erf)  }
0x130: {  	(erf) = vpow2.f32 v12;
	v7 =	vmul.f32 v51, v7  }
0x131: {  	v5 =	vld.idx.msk [tilespmem:v40+s11+$0x0], $0xffff;
	v52 =	vsub.f32 v25, v22;
	v10 =	vmul.f32 $1.442695020e+00, v50;
	v53 =	vpop (erf)  }
0x132: {  	(erf) = vpow2.f32 v9;
	v4 =	vmul.f32 v53, v48;
	v7 =	vadd.f32 $0.0e+00, v7  }
0x133: {  	v3 =	vld.idx.msk [tilespmem:v3+s11+$0x0], $0xffff;
	v55 =	vsub.f32 v27, v22;
	v54 =	vmul.f32 $1.442695020e+00, v52;
	v56 =	vpop (erf)  }
0x134: {  	(erf) = vpow2.f32 v10;
	v6 =	vmul.f32 v56, v6;
	v4 =	vadd.f32 v7, v4  }
0x135: {  	v57 =	vld.idx.msk [tilespmem:v41+s11+$0x0], $0xffff;
	v59 =	vsub.f32 v29, v22;
	v58 =	vmul.f32 $1.442695020e+00, v55;
	v60 =	vpop (erf)  }
0x136: {  	(erf) = vpow2.f32 v54;
	v5 =	vmul.f32 v60, v5;
	v4 =	vadd.f32 v4, v6  }
0x137: {  	v61 =	vld.idx.msk [tilespmem:v11+s11+$0x0], $0xffff;
	v63 =	vsub.f32 v31, v22;
	v62 =	vmul.f32 $1.442695020e+00, v59;
	v12 =	vpop (erf)  }
0x138: {  	(erf) = vpow2.f32 v58;
	v3 =	vmul.f32 v3, v12;
	v4 =	vadd.f32 v4, v5  }
0x139: {  	v13 =	vld.idx.msk [tilespmem:v13+s11+$0x0], $0xffff;
	v16 =	vsub.f32 v32, v22;
	v14 =	vmul.f32 $1.442695020e+00, v63;
	v18 =	vpop (erf)  }
0x13a: {  	(erf) = vpow2.f32 v62;
	v20 =	vmul.f32 v57, v18;
	v3 =	vadd.f32 v4, v3  }
0x13b: {  	v23 =	vld.idx.msk [tilespmem:v15+s11+$0x0], $0xffff;
	v27 =	vsub.f32 v33, v22;
	v25 =	vmul.f32 $1.442695020e+00, v16;
	v29 =	vpop (erf)  }
0x13c: {  	(erf) = vpow2.f32 v14;
	v31 =	vmul.f32 v61, v29;
	v3 =	vadd.f32 v3, v20  }
0x13d: {  	v32 =	vld.idx.msk [tilespmem:v17+s11+$0x0], $0xffff;
	v36 =	vsub.f32 v34, v22;
	v33 =	vmul.f32 $1.442695020e+00, v27;
	v37 =	vpop (erf)  }
0x13e: {  	(erf) = vpow2.f32 v25;
	v38 =	vmul.f32 v13, v37;
	v3 =	vadd.f32 v3, v31  }
0x13f: {  	v39 =	vld.idx.msk [tilespmem:v19+s11+$0x0], $0xffff;
	v41 =	vsub.f32 v35, v22;
	v40 =	vmul.f32 $1.442695020e+00, v36;
	v42 =	vpop (erf)  }
0x140: {  	(erf) = vpow2.f32 v33;
	v43 =	vmul.f32 v23, v42;
	v3 =	vadd.f32 v3, v38  }
0x141: {  	v45 =	vmul.f32 $1.442695020e+00, v41;
	v44 =	vld.idx.msk [tilespmem:v21+s11+$0x0], $0xffff;
	v46 =	vpop (erf)  }
0x142: {  	(erf) = vpow2.f32 v40;
	v47 =	vmul.f32 v32, v46;
	v3 =	vadd.f32 v3, v43  }
0x143: {  	v48 =	vld.idx.msk [tilespmem:v24+s11+$0x0], $0xffff;
	v49 =	vpop (erf)  }
0x144: {  	(erf) = vpow2.f32 v45;
	v50 =	vmul.f32 v39, v49;
	v3 =	vadd.f32 v3, v47  }
0x145: {  	v51 =	vld.idx.msk [tilespmem:v26+s11+$0x0], $0xffff;
	v52 =	vpop (erf)  }
0x146: {  	v53 =	vmul.f32 v44, v52;
	v3 =	vadd.f32 v3, v50  }
0x147: {  	v54 =	vld.idx.msk [tilespmem:v28+s11+$0x0], $0xffff;
	v55 =	vpop (erf)  }
0x148: {  	v56 =	vmul.f32 v48, v55;
	v3 =	vadd.f32 v3, v53  }
0x149: {  	v57 =	vld.idx.msk [tilespmem:v30+s11+$0x0], $0xffff;
	v58 =	vpop (erf)  }
0x14a: {  	v59 =	vmul.f32 v51, v58;
	v3 =	vadd.f32 v3, v56  }
0x14b: {  	v60 =	vpop (erf)  }
0x14c: {  	v61 =	vmul.f32 v54, v60;
	v3 =	vadd.f32 v3, v59  }
0x14d: {  	v62 =	vpop (erf)  }
0x14e: {  	v63 =	vmul.f32 v57, v62;
	v3 =	vadd.f32 v3, v61;
	_ =	sdelay $0x1  }
0x14f: {  	s21 =	sadd.s32 $0x10, s21;
	v3 =	vadd.f32 v3, v63  }
0x150: {  	s25 =	sadd.s32 $0x10, s22;
	[tilespmem:s21+$0x0] =	vst v22  }
0x151: {  	s26 =	rddreg [dreg:$0x9];
	s28 =	simm.s32 $0x11D00;
	[tilespmem:s25+$0x0] =	vst v3  }
0x152: {  	[spmem:s26] =	stream.strided.scatter [tilespmem:s28], [sflag:$0x2], $0x400, s14, s12, $0x38;
	[tilespmem:$0x1E780] =	vst v63  }
0x153: {  	_ =	swait.ge [sflag:s9], $0x400  }
0x154: {  	[sflag:s9] =	ssyncset.done $0x0  }
0x155: {  	s30 =	simm.s32 $0x12100;
	s29 =	rddreg [dreg:$0xa];
	[sflag:s9] =	ssyncadd.s32 $0xFFFFFC00  }
0x156: {  	[spmem:s29] =	stream.strided.scatter [tilespmem:s30], [sflag:$0x2], $0x400, s14, s12, $0x38;
	[tilespmem:$0x1E780] =	vst v63  }
0x157: {  	_ =	swait.ge [sflag:s9], $0x400  }
0x158: {  	[sflag:s9] =	ssyncset.done $0x0  }
0x159: {  	s22 =	simm.s32 $0x200;
	s21 =	simm.s32 $0x0;
	[sflag:s9] =	ssyncadd.s32 $0xFFFFFC00  }
.LBB2_8:
0x15a: {  	p0 =	sne.s32 s22, $0x7E00;
	[tilespmem:s21+$0x13D70] =	vst v1  }
0x15b: {  	[tilespmem:s21+$0x13D00] =	vst v1  }
0x15c: {  	[tilespmem:s21+$0x13D10] =	vst v1  }
.Ltmp3:
0x15d: {  	[tilespmem:s21+$0x13D20] =	vst v1;
	(pc) =	sbr.rel @p0 .LBB2_8-.Ltmp3, $4  }
0x15e: {  	[tilespmem:s21+$0x13D30] =	vst v1  }
0x15f: {  	[tilespmem:s21+$0x13D40] =	vst v1  }
0x160: {  	[tilespmem:s21+$0x13D50] =	vst v1  }
0x161: {  	[tilespmem:s21+$0x13D60] =	vst v1;
	s21 =	sshra.s32 s22, $0x2;
	s22 =	sadd.s32 $0x200, s22  }
0x162: {  	[tilespmem:s21+$0x13D70] =	vst v1  }
0x163: {  	[tilespmem:s21+$0x13D00] =	vst v1  }
0x164: {  	[tilespmem:s21+$0x13D10] =	vst v1  }
0x165: {  	[tilespmem:s21+$0x13D20] =	vst v1  }
0x166: {  	[tilespmem:s21+$0x13D30] =	vst v1  }
0x167: {  	[tilespmem:s21+$0x13D40] =	vst v1  }
0x168: {  	[tilespmem:s21+$0x13D50] =	vst v1  }
0x169: {  	[tilespmem:s21+$0x13D60] =	vst v1  }
0x16a: {  	[spmem:s13] =	stream.linear.scatter [tilespmem:s31], [sflag:$0x2], $0x2000, $0x38;
	[tilespmem:$0x1E780] =	vst v63  }
0x16b: {  	_ =	swait.ge [sflag:s9], $0x2000  }
0x16c: {  	[sflag:s9] =	ssyncset.done $0x0  }
0x16d: {  	[sflag:s9] =	ssyncadd.s32 $0xFFFFE000  }
0x16e: {  	[bflag:$0x0] =	sbarrier.arrive $0xFFFF  }
0x16f: {  	s21 =	simm.s32 $0x12D00;
	s22 =	rddreg [dreg:$0x4]  }
0x170: {  	[tilespmem:s21], [sflag:$0x2] =	stream.strided.gather [spmem:s22], $0x800, s15, s14, $0x38;
	[tilespmem:$0x1E780] =	vst v63  }
0x171: {  	_ =	swait.ge [sflag:s9], $0x800  }
0x172: {  	[sflag:s9] =	ssyncset.done $0x0  }
0x173: {  	[sflag:s9] =	ssyncadd.s32 $0xFFFFF800  }
0x174: {  	s22 =	simm.s32 $0x13500;
	s24 =	rddreg [dreg:$0x5]  }
0x175: {  	[tilespmem:s22], [sflag:$0x2] =	stream.strided.gather [spmem:s24], $0x800, s15, s14, $0x38;
	[tilespmem:$0x1E780] =	vst v63  }
0x176: {  	_ =	swait.ge [sflag:s9], $0x800  }
0x177: {  	[sflag:s9] =	ssyncset.done $0x0  }
0x178: {  	s24 =	simm.s32 $0x0;
	[sflag:s9] =	ssyncadd.s32 $0xFFFFF800  }
.LBB2_10:
0x179: {  	s25 =	sshll.u32 s24, $0x4  }
0x17a: {  	s26 =	sand.u32 $0x3FFFFFF0, s25  }
0x17b: {  	v3 =	vld [tilespmem:s26+$0x12D00]  }
0x17c: {  	v4 =	vld [tilespmem:s26+$0x12D80]  }
0x17d: {  	v5 =	vld [tilespmem:s26+$0x12E00]  }
0x17e: {  	v6 =	vld [tilespmem:s26+$0x12E80]  }
0x17f: {  	v7 =	vld [tilespmem:s26+$0x12F00]  }
0x180: {  	v8 =	vld [tilespmem:s26+$0x12F80];
	v3 =	vmax.f32 v3, $0.0e+00  }
0x181: {  	v3 =	vmax.f32 v3, v4;
	v4 =	vld [tilespmem:s26+$0x13000]  }
0x182: {  	v3 =	vmax.f32 v3, v5;
	v5 =	vld [tilespmem:s26+$0x13080]  }
0x183: {  	v3 =	vmax.f32 v3, v6;
	v6 =	vld [tilespmem:s26+$0x13100]  }
0x184: {  	v3 =	vmax.f32 v3, v7;
	v7 =	vld [tilespmem:s26+$0x13180]  }
0x185: {  	v3 =	vmax.f32 v3, v8;
	v8 =	vld [tilespmem:s26+$0x13200]  }
0x186: {  	v9 =	vld [tilespmem:s26+$0x13280];
	v3 =	vmax.f32 v3, v4;
	v4 =	vmov s21  }
0x187: {  	v3 =	vmax.f32 v3, v5;
	v5 =	vld [tilespmem:s26+$0x13300]  }
0x188: {  	v3 =	vmax.f32 v3, v6;
	v6 =	vld [tilespmem:s26+$0x13380]  }
0x189: {  	v3 =	vmax.f32 v3, v7;
	v7 =	vld [tilespmem:s26+$0x13400]  }
0x18a: {  	s30 =	simm.s32 $0x0;
	v3 =	vmax.f32 v3, v8;
	v8 =	vld [tilespmem:s26+$0x13480]  }
0x18b: {  	v3 =	vmax.f32 v3, v9;
	v9 =	vld.idx.msk [tilespmem:v4+s30+$0x0 ss:$0x1], $0xffff  }
0x18c: {  	v3 =	vmax.f32 v3, v5  }
0x18d: {  	s26 =	simm.s32 $0x80;
	v3 =	vmax.f32 v3, v6  }
0x18e: {  	v10 =	vld.idx.msk [tilespmem:v4+s26+$0x0 ss:$0x1], $0xffff;
	v3 =	vmax.f32 v3, v7  }
0x18f: {  	v3 =	vmax.f32 v3, v8  }
0x190: {  	v6 =	vsub.f32 v9, v3;
	_ =	sdelay $0x1  }
0x191: {  	v6 =	vmul.f32 $1.442695020e+00, v6  }
0x192: {  	v7 =	vsub.f32 v10, v3  }
0x193: {  	v5 =	vmov s22;
	(erf) = vpow2.f32 v6  }
0x194: {  	v9 =	vmul.f32 $1.442695020e+00, v7  }
0x195: {  	s28 =	simm.s32 $0x100  }
0x196: {  	v8 =	vld.idx.msk [tilespmem:v4+s28+$0x0 ss:$0x1], $0xffff;
	(erf) = vpow2.f32 v9;
	_ =	sdelay $0x1  }
0x197: {  	v7 =	vld.idx.msk [tilespmem:v5+s30+$0x0 ss:$0x1], $0xffff  }
0x198: {  	s29 =	simm.s32 $0x600;
	v6 =	vimm.f32 $0.0e+00  }
.LBB2_11:
0x199: {  	s30 =	sshra.s32 s29, $0x2;
	p0 =	sne.s32 s29, $0x1E00;
	s29 =	sadd.s32 $0x200, s29  }
.Ltmp4:
0x19a: {  	v9 =	vsub.f32 v8, v3;
	v8 =	vld.idx.msk [tilespmem:v4+s30+$0x0 ss:$0x1], $0xffff;
	(pc) =	sbr.rel @p0 .LBB2_11-.Ltmp4, $3  }
0x19b: {  	v10 =	vpop (erf)  }
0x19c: {  	v9 =	vmul.f32 $1.442695020e+00, v9;
	v10 =	vmul.f32 v10, v7;
	v7 =	vld.idx.msk [tilespmem:v5+s26+$0x0 ss:$0x1], $0xffff;
	s26 =	smov.u32 s28;
	s28 =	smov.u32 s30;
	_ =	sdelay $0x1  }
0x19d: {  	(erf) = vpow2.f32 v9;
	v6 =	vadd.f32 v10, v6  }
0x19e: {  	v4 =	vsub.f32 v8, v3;
	_ =	sdelay $0x1  }
0x19f: {  	v4 =	vmul.f32 $1.442695020e+00, v4;
	_ =	sdelay $0x1  }
0x1a0: {  	(erf) = vpow2.f32 v4;
	_ =	sdelay $0x2  }
0x1a1: {  	v59 =	vld.idx.msk [tilespmem:v5+s26+$0x0 ss:$0x1], $0xffff;
	_ =	sdelay $0x1  }
0x1a2: {  	v60 =	vpop (erf);
	v61 =	vld.idx.msk [tilespmem:v5+s28+$0x0 ss:$0x1], $0xffff  }
0x1a3: {  	v7 =	vmul.f32 v60, v7  }
0x1a4: {  	v62 =	vpop (erf)  }
0x1a5: {  	v6 =	vadd.f32 v7, v6;
	v4 =	vmul.f32 v62, v59  }
0x1a6: {  	v63 =	vpop (erf)  }
0x1a7: {  	v4 =	vadd.f32 v4, v6;
	v5 =	vmul.f32 v63, v61;
	_ =	sdelay $0x1  }
0x1a8: {  	v4 =	vadd.f32 v5, v4;
	_ =	sdelay $0x1  }
0x1a9: {  	v4 =	vadd.f32 $9.999999710e-10, v4;
	_ =	sdelay $0x1  }
0x1aa: {  	(erf) = vrcp.f32 v4;
	_ =	sdelay $0x3  }
0x1ab: {  	s24 =	sadd.s32 $0x1, s24  }
0x1ac: {  	p0 =	sne.s32 s24, $0x8  }
.Ltmp5:
0x1ad: {  	_ = 	snop;
	(pc) =	sbr.rel @p0 .LBB2_10-.Ltmp5, $3  }
0x1ae: {  	_ =	sdelay $0x1  }
0x1af: {  	[tilespmem:s25+$0x12500] =	vst v3;
	v3 =	vpop (erf)  }
0x1b0: {  	s22 =	sadd.s32 $0x10, s22;
	s21 =	sadd.s32 $0x10, s21;
	[tilespmem:s25+$0x12900] =	vst v3  }
0x1b1: {  	s21 =	simm.s32 $0x12D00;
	s22 =	rddreg [dreg:$0xb]  }
0x1b2: {  	[tilespmem:s21], [sflag:$0x2] =	stream.strided.gather [spmem:s22], $0x800, s15, s14, $0x38;
	[tilespmem:$0x1E780] =	vst v63  }
0x1b3: {  	_ =	swait.ge [sflag:s9], $0x800  }
0x1b4: {  	[sflag:s9] =	ssyncset.done $0x0  }
0x1b5: {  	s22 =	simm.s32 $0x13500;
	s24 =	rddreg [dreg:$0xc];
	[sflag:s9] =	ssyncadd.s32 $0xFFFFF800  }
0x1b6: {  	[tilespmem:s22], [sflag:$0x2] =	stream.strided.gather [spmem:s24], $0x800, s15, s14, $0x38;
	[tilespmem:$0x1E780] =	vst v63  }
0x1b7: {  	_ =	swait.ge [sflag:s9], $0x800  }
0x1b8: {  	[sflag:s9] =	ssyncset.done $0x0  }
0x1b9: {  	s24 =	simm.s32 $0x0;
	[sflag:s9] =	ssyncadd.s32 $0xFFFFF800  }
.LBB2_14:
0x1ba: {  	s25 =	sshll.u32 s24, $0x4  }
0x1bb: {  	s26 =	sand.u32 $0x3FFFFFF0, s25  }
0x1bc: {  	v3 =	vld [tilespmem:s26+$0x12D00]  }
0x1bd: {  	v4 =	vld [tilespmem:s26+$0x12D80]  }
0x1be: {  	v5 =	vld [tilespmem:s26+$0x12E00]  }
0x1bf: {  	v6 =	vld [tilespmem:s26+$0x12E80]  }
0x1c0: {  	v7 =	vld [tilespmem:s26+$0x12F00]  }
0x1c1: {  	v8 =	vld [tilespmem:s26+$0x12F80];
	v3 =	vmax.f32 v3, $0.0e+00  }
0x1c2: {  	v3 =	vmax.f32 v3, v4;
	v4 =	vld [tilespmem:s26+$0x13000]  }
0x1c3: {  	v3 =	vmax.f32 v3, v5;
	v5 =	vld [tilespmem:s26+$0x13080]  }
0x1c4: {  	v3 =	vmax.f32 v3, v6;
	v6 =	vld [tilespmem:s26+$0x13100]  }
0x1c5: {  	v3 =	vmax.f32 v3, v7;
	v7 =	vld [tilespmem:s26+$0x13180]  }
0x1c6: {  	v3 =	vmax.f32 v3, v8;
	v8 =	vld [tilespmem:s26+$0x13200]  }
0x1c7: {  	v9 =	vld [tilespmem:s26+$0x13280];
	v3 =	vmax.f32 v3, v4;
	v4 =	vmov s21  }
0x1c8: {  	v3 =	vmax.f32 v3, v5;
	v5 =	vld [tilespmem:s26+$0x13300]  }
0x1c9: {  	v3 =	vmax.f32 v3, v6;
	v6 =	vld [tilespmem:s26+$0x13380]  }
0x1ca: {  	v3 =	vmax.f32 v3, v7;
	v7 =	vld [tilespmem:s26+$0x13400]  }
0x1cb: {  	s30 =	simm.s32 $0x0;
	v3 =	vmax.f32 v3, v8;
	v8 =	vld [tilespmem:s26+$0x13480]  }
0x1cc: {  	v3 =	vmax.f32 v3, v9;
	v9 =	vld.idx.msk [tilespmem:v4+s30+$0x0 ss:$0x1], $0xffff  }
0x1cd: {  	v3 =	vmax.f32 v3, v5  }
0x1ce: {  	s26 =	simm.s32 $0x80;
	v3 =	vmax.f32 v3, v6  }
0x1cf: {  	v10 =	vld.idx.msk [tilespmem:v4+s26+$0x0 ss:$0x1], $0xffff;
	v3 =	vmax.f32 v3, v7  }
0x1d0: {  	v3 =	vmax.f32 v3, v8  }
0x1d1: {  	v6 =	vsub.f32 v9, v3;
	_ =	sdelay $0x1  }
0x1d2: {  	v6 =	vmul.f32 $1.442695020e+00, v6  }
0x1d3: {  	v7 =	vsub.f32 v10, v3  }
0x1d4: {  	v5 =	vmov s22;
	(erf) = vpow2.f32 v6  }
0x1d5: {  	v9 =	vmul.f32 $1.442695020e+00, v7  }
0x1d6: {  	s28 =	simm.s32 $0x100  }
0x1d7: {  	v8 =	vld.idx.msk [tilespmem:v4+s28+$0x0 ss:$0x1], $0xffff;
	(erf) = vpow2.f32 v9;
	_ =	sdelay $0x1  }
0x1d8: {  	v7 =	vld.idx.msk [tilespmem:v5+s30+$0x0 ss:$0x1], $0xffff  }
0x1d9: {  	s29 =	simm.s32 $0x600;
	v6 =	vimm.f32 $0.0e+00  }
.LBB2_15:
0x1da: {  	s30 =	sshra.s32 s29, $0x2;
	p0 =	sne.s32 s29, $0x1E00;
	s29 =	sadd.s32 $0x200, s29  }
.Ltmp6:
0x1db: {  	v9 =	vsub.f32 v8, v3;
	v8 =	vld.idx.msk [tilespmem:v4+s30+$0x0 ss:$0x1], $0xffff;
	(pc) =	sbr.rel @p0 .LBB2_15-.Ltmp6, $3  }
0x1dc: {  	v10 =	vpop (erf)  }
0x1dd: {  	v9 =	vmul.f32 $1.442695020e+00, v9;
	v10 =	vmul.f32 v10, v7;
	v7 =	vld.idx.msk [tilespmem:v5+s26+$0x0 ss:$0x1], $0xffff;
	s26 =	smov.u32 s28;
	s28 =	smov.u32 s30;
	_ =	sdelay $0x1  }
0x1de: {  	(erf) = vpow2.f32 v9;
	v6 =	vadd.f32 v10, v6  }
0x1df: {  	v4 =	vsub.f32 v8, v3;
	_ =	sdelay $0x1  }
0x1e0: {  	v4 =	vmul.f32 $1.442695020e+00, v4;
	_ =	sdelay $0x1  }
0x1e1: {  	(erf) = vpow2.f32 v4;
	_ =	sdelay $0x2  }
0x1e2: {  	v59 =	vld.idx.msk [tilespmem:v5+s26+$0x0 ss:$0x1], $0xffff;
	_ =	sdelay $0x1  }
0x1e3: {  	v60 =	vpop (erf);
	v61 =	vld.idx.msk [tilespmem:v5+s28+$0x0 ss:$0x1], $0xffff  }
0x1e4: {  	v7 =	vmul.f32 v60, v7  }
0x1e5: {  	v62 =	vpop (erf)  }
0x1e6: {  	v6 =	vadd.f32 v7, v6;
	v4 =	vmul.f32 v62, v59  }
0x1e7: {  	v63 =	vpop (erf)  }
0x1e8: {  	v4 =	vadd.f32 v4, v6;
	v5 =	vmul.f32 v63, v61;
	_ =	sdelay $0x1  }
0x1e9: {  	v4 =	vadd.f32 v5, v4;
	_ =	sdelay $0x1  }
0x1ea: {  	v4 =	vadd.f32 $9.999999710e-10, v4;
	_ =	sdelay $0x1  }
0x1eb: {  	(erf) = vrcp.f32 v4;
	_ =	sdelay $0x3  }
0x1ec: {  	s24 =	sadd.s32 $0x1, s24  }
0x1ed: {  	p0 =	sne.s32 s24, $0x8  }
.Ltmp7:
0x1ee: {  	_ = 	snop;
	(pc) =	sbr.rel @p0 .LBB2_14-.Ltmp7, $3  }
0x1ef: {  	_ =	sdelay $0x1  }
0x1f0: {  	[tilespmem:s25+$0x12580] =	vst v3;
	v3 =	vpop (erf)  }
0x1f1: {  	s22 =	sadd.s32 $0x10, s22;
	s21 =	sadd.s32 $0x10, s21;
	[tilespmem:s25+$0x12980] =	vst v3  }
0x1f2: {  	s21 =	simm.s32 $0x12D00;
	s22 =	rddreg [dreg:$0xd]  }
0x1f3: {  	[tilespmem:s21], [sflag:$0x2] =	stream.strided.gather [spmem:s22], $0x800, s15, s14, $0x38;
	[tilespmem:$0x1E780] =	vst v63  }
0x1f4: {  	_ =	swait.ge [sflag:s9], $0x800  }
0x1f5: {  	[sflag:s9] =	ssyncset.done $0x0  }
0x1f6: {  	s22 =	simm.s32 $0x13500;
	s24 =	rddreg [dreg:$0xe];
	[sflag:s9] =	ssyncadd.s32 $0xFFFFF800  }
0x1f7: {  	[tilespmem:s22], [sflag:$0x2] =	stream.strided.gather [spmem:s24], $0x800, s15, s14, $0x38;
	[tilespmem:$0x1E780] =	vst v63  }
0x1f8: {  	_ =	swait.ge [sflag:s9], $0x800  }
0x1f9: {  	[sflag:s9] =	ssyncset.done $0x0  }
0x1fa: {  	s24 =	simm.s32 $0x0;
	[sflag:s9] =	ssyncadd.s32 $0xFFFFF800  }
.LBB2_18:
0x1fb: {  	s25 =	sshll.u32 s24, $0x4  }
0x1fc: {  	s26 =	sand.u32 $0x3FFFFFF0, s25  }
0x1fd: {  	v3 =	vld [tilespmem:s26+$0x12D00]  }
0x1fe: {  	v4 =	vld [tilespmem:s26+$0x12D80]  }
0x1ff: {  	v5 =	vld [tilespmem:s26+$0x12E00]  }
0x200: {  	v6 =	vld [tilespmem:s26+$0x12E80]  }
0x201: {  	v7 =	vld [tilespmem:s26+$0x12F00]  }
0x202: {  	v8 =	vld [tilespmem:s26+$0x12F80];
	v3 =	vmax.f32 v3, $0.0e+00  }
0x203: {  	v3 =	vmax.f32 v3, v4;
	v4 =	vld [tilespmem:s26+$0x13000]  }
0x204: {  	v3 =	vmax.f32 v3, v5;
	v5 =	vld [tilespmem:s26+$0x13080]  }
0x205: {  	v3 =	vmax.f32 v3, v6;
	v6 =	vld [tilespmem:s26+$0x13100]  }
0x206: {  	v3 =	vmax.f32 v3, v7;
	v7 =	vld [tilespmem:s26+$0x13180]  }
0x207: {  	v3 =	vmax.f32 v3, v8;
	v8 =	vld [tilespmem:s26+$0x13200]  }
0x208: {  	v9 =	vld [tilespmem:s26+$0x13280];
	v3 =	vmax.f32 v3, v4;
	v4 =	vmov s21  }
0x209: {  	v3 =	vmax.f32 v3, v5;
	v5 =	vld [tilespmem:s26+$0x13300]  }
0x20a: {  	v3 =	vmax.f32 v3, v6;
	v6 =	vld [tilespmem:s26+$0x13380]  }
0x20b: {  	v3 =	vmax.f32 v3, v7;
	v7 =	vld [tilespmem:s26+$0x13400]  }
0x20c: {  	s30 =	simm.s32 $0x0;
	v3 =	vmax.f32 v3, v8;
	v8 =	vld [tilespmem:s26+$0x13480]  }
0x20d: {  	v3 =	vmax.f32 v3, v9;
	v9 =	vld.idx.msk [tilespmem:v4+s30+$0x0 ss:$0x1], $0xffff  }
0x20e: {  	v3 =	vmax.f32 v3, v5  }
0x20f: {  	s26 =	simm.s32 $0x80;
	v3 =	vmax.f32 v3, v6  }
0x210: {  	v10 =	vld.idx.msk [tilespmem:v4+s26+$0x0 ss:$0x1], $0xffff;
	v3 =	vmax.f32 v3, v7  }
0x211: {  	v3 =	vmax.f32 v3, v8  }
0x212: {  	v6 =	vsub.f32 v9, v3;
	_ =	sdelay $0x1  }
0x213: {  	v6 =	vmul.f32 $1.442695020e+00, v6  }
0x214: {  	v7 =	vsub.f32 v10, v3  }
0x215: {  	v5 =	vmov s22;
	(erf) = vpow2.f32 v6  }
0x216: {  	v9 =	vmul.f32 $1.442695020e+00, v7  }
0x217: {  	s28 =	simm.s32 $0x100  }
0x218: {  	v8 =	vld.idx.msk [tilespmem:v4+s28+$0x0 ss:$0x1], $0xffff;
	(erf) = vpow2.f32 v9;
	_ =	sdelay $0x1  }
0x219: {  	v7 =	vld.idx.msk [tilespmem:v5+s30+$0x0 ss:$0x1], $0xffff  }
0x21a: {  	s29 =	simm.s32 $0x600;
	v6 =	vimm.f32 $0.0e+00  }
.LBB2_19:
0x21b: {  	s30 =	sshra.s32 s29, $0x2;
	p0 =	sne.s32 s29, $0x1E00;
	s29 =	sadd.s32 $0x200, s29  }
.Ltmp8:
0x21c: {  	v9 =	vsub.f32 v8, v3;
	v8 =	vld.idx.msk [tilespmem:v4+s30+$0x0 ss:$0x1], $0xffff;
	(pc) =	sbr.rel @p0 .LBB2_19-.Ltmp8, $3  }
0x21d: {  	v10 =	vpop (erf)  }
0x21e: {  	v9 =	vmul.f32 $1.442695020e+00, v9;
	v10 =	vmul.f32 v10, v7;
	v7 =	vld.idx.msk [tilespmem:v5+s26+$0x0 ss:$0x1], $0xffff;
	s26 =	smov.u32 s28;
	s28 =	smov.u32 s30;
	_ =	sdelay $0x1  }
0x21f: {  	(erf) = vpow2.f32 v9;
	v6 =	vadd.f32 v10, v6  }
0x220: {  	v4 =	vsub.f32 v8, v3;
	_ =	sdelay $0x1  }
0x221: {  	v4 =	vmul.f32 $1.442695020e+00, v4;
	_ =	sdelay $0x1  }
0x222: {  	(erf) = vpow2.f32 v4;
	_ =	sdelay $0x2  }
0x223: {  	v59 =	vld.idx.msk [tilespmem:v5+s26+$0x0 ss:$0x1], $0xffff;
	_ =	sdelay $0x1  }
0x224: {  	v60 =	vpop (erf);
	v61 =	vld.idx.msk [tilespmem:v5+s28+$0x0 ss:$0x1], $0xffff  }
0x225: {  	v7 =	vmul.f32 v60, v7  }
0x226: {  	v62 =	vpop (erf)  }
0x227: {  	v6 =	vadd.f32 v7, v6;
	v4 =	vmul.f32 v62, v59  }
0x228: {  	v63 =	vpop (erf)  }
0x229: {  	v4 =	vadd.f32 v4, v6;
	v5 =	vmul.f32 v63, v61;
	_ =	sdelay $0x1  }
0x22a: {  	v4 =	vadd.f32 v5, v4;
	_ =	sdelay $0x1  }
0x22b: {  	v4 =	vadd.f32 $9.999999710e-10, v4;
	_ =	sdelay $0x1  }
0x22c: {  	(erf) = vrcp.f32 v4;
	_ =	sdelay $0x3  }
0x22d: {  	s24 =	sadd.s32 $0x1, s24  }
0x22e: {  	p0 =	sne.s32 s24, $0x8  }
.Ltmp9:
0x22f: {  	_ = 	snop;
	(pc) =	sbr.rel @p0 .LBB2_18-.Ltmp9, $3  }
0x230: {  	_ =	sdelay $0x1  }
0x231: {  	[tilespmem:s25+$0x12600] =	vst v3;
	v3 =	vpop (erf)  }
0x232: {  	s22 =	sadd.s32 $0x10, s22;
	s21 =	sadd.s32 $0x10, s21;
	[tilespmem:s25+$0x12A00] =	vst v3  }
0x233: {  	s21 =	simm.s32 $0x12D00;
	s22 =	rddreg [dreg:$0xf]  }
0x234: {  	[tilespmem:s21], [sflag:$0x2] =	stream.strided.gather [spmem:s22], $0x800, s15, s14, $0x38;
	[tilespmem:$0x1E780] =	vst v63  }
0x235: {  	_ =	swait.ge [sflag:s9], $0x800  }
0x236: {  	[sflag:s9] =	ssyncset.done $0x0  }
0x237: {  	s22 =	simm.s32 $0x13500;
	s24 =	rddreg [dreg:$0x15];
	[sflag:s9] =	ssyncadd.s32 $0xFFFFF800  }
0x238: {  	[tilespmem:s22], [sflag:$0x2] =	stream.strided.gather [spmem:s24], $0x800, s15, s14, $0x38;
	[tilespmem:$0x1E780] =	vst v63  }
0x239: {  	_ =	swait.ge [sflag:s9], $0x800  }
0x23a: {  	[sflag:s9] =	ssyncset.done $0x0  }
0x23b: {  	s24 =	simm.s32 $0x0;
	[sflag:s9] =	ssyncadd.s32 $0xFFFFF800  }
.LBB2_22:
0x23c: {  	s25 =	sshll.u32 s24, $0x4  }
0x23d: {  	s26 =	sand.u32 $0x3FFFFFF0, s25  }
0x23e: {  	v3 =	vld [tilespmem:s26+$0x12D00]  }
0x23f: {  	v4 =	vld [tilespmem:s26+$0x12D80]  }
0x240: {  	v5 =	vld [tilespmem:s26+$0x12E00]  }
0x241: {  	v6 =	vld [tilespmem:s26+$0x12E80]  }
0x242: {  	v7 =	vld [tilespmem:s26+$0x12F00]  }
0x243: {  	v8 =	vld [tilespmem:s26+$0x12F80];
	v3 =	vmax.f32 v3, $0.0e+00  }
0x244: {  	v3 =	vmax.f32 v3, v4;
	v4 =	vld [tilespmem:s26+$0x13000]  }
0x245: {  	v3 =	vmax.f32 v3, v5;
	v5 =	vld [tilespmem:s26+$0x13080]  }
0x246: {  	v3 =	vmax.f32 v3, v6;
	v6 =	vld [tilespmem:s26+$0x13100]  }
0x247: {  	v3 =	vmax.f32 v3, v7;
	v7 =	vld [tilespmem:s26+$0x13180]  }
0x248: {  	v3 =	vmax.f32 v3, v8;
	v8 =	vld [tilespmem:s26+$0x13200]  }
0x249: {  	v9 =	vld [tilespmem:s26+$0x13280];
	v3 =	vmax.f32 v3, v4;
	v4 =	vmov s21  }
0x24a: {  	v3 =	vmax.f32 v3, v5;
	v5 =	vld [tilespmem:s26+$0x13300]  }
0x24b: {  	v3 =	vmax.f32 v3, v6;
	v6 =	vld [tilespmem:s26+$0x13380]  }
0x24c: {  	v3 =	vmax.f32 v3, v7;
	v7 =	vld [tilespmem:s26+$0x13400]  }
0x24d: {  	s30 =	simm.s32 $0x0;
	v3 =	vmax.f32 v3, v8;
	v8 =	vld [tilespmem:s26+$0x13480]  }
0x24e: {  	v3 =	vmax.f32 v3, v9;
	v9 =	vld.idx.msk [tilespmem:v4+s30+$0x0 ss:$0x1], $0xffff  }
0x24f: {  	v3 =	vmax.f32 v3, v5  }
0x250: {  	s26 =	simm.s32 $0x80;
	v3 =	vmax.f32 v3, v6  }
0x251: {  	v10 =	vld.idx.msk [tilespmem:v4+s26+$0x0 ss:$0x1], $0xffff;
	v3 =	vmax.f32 v3, v7  }
0x252: {  	v3 =	vmax.f32 v3, v8  }
0x253: {  	v6 =	vsub.f32 v9, v3;
	_ =	sdelay $0x1  }
0x254: {  	v6 =	vmul.f32 $1.442695020e+00, v6  }
0x255: {  	v7 =	vsub.f32 v10, v3  }
0x256: {  	v5 =	vmov s22;
	(erf) = vpow2.f32 v6  }
0x257: {  	v9 =	vmul.f32 $1.442695020e+00, v7  }
0x258: {  	s28 =	simm.s32 $0x100  }
0x259: {  	v8 =	vld.idx.msk [tilespmem:v4+s28+$0x0 ss:$0x1], $0xffff;
	(erf) = vpow2.f32 v9;
	_ =	sdelay $0x1  }
0x25a: {  	v7 =	vld.idx.msk [tilespmem:v5+s30+$0x0 ss:$0x1], $0xffff  }
0x25b: {  	s29 =	simm.s32 $0x600;
	v6 =	vimm.f32 $0.0e+00  }
.LBB2_23:
0x25c: {  	s30 =	sshra.s32 s29, $0x2;
	p0 =	sne.s32 s29, $0x1E00;
	s29 =	sadd.s32 $0x200, s29  }
.Ltmp10:
0x25d: {  	v9 =	vsub.f32 v8, v3;
	v8 =	vld.idx.msk [tilespmem:v4+s30+$0x0 ss:$0x1], $0xffff;
	(pc) =	sbr.rel @p0 .LBB2_23-.Ltmp10, $3  }
0x25e: {  	v10 =	vpop (erf)  }
0x25f: {  	v9 =	vmul.f32 $1.442695020e+00, v9;
	v10 =	vmul.f32 v10, v7;
	v7 =	vld.idx.msk [tilespmem:v5+s26+$0x0 ss:$0x1], $0xffff;
	s26 =	smov.u32 s28;
	s28 =	smov.u32 s30;
	_ =	sdelay $0x1  }
0x260: {  	(erf) = vpow2.f32 v9;
	v6 =	vadd.f32 v10, v6  }
0x261: {  	v4 =	vsub.f32 v8, v3;
	_ =	sdelay $0x1  }
0x262: {  	v4 =	vmul.f32 $1.442695020e+00, v4;
	_ =	sdelay $0x1  }
0x263: {  	(erf) = vpow2.f32 v4;
	_ =	sdelay $0x2  }
0x264: {  	v59 =	vld.idx.msk [tilespmem:v5+s26+$0x0 ss:$0x1], $0xffff;
	_ =	sdelay $0x1  }
0x265: {  	v60 =	vpop (erf);
	v61 =	vld.idx.msk [tilespmem:v5+s28+$0x0 ss:$0x1], $0xffff  }
0x266: {  	v7 =	vmul.f32 v60, v7  }
0x267: {  	v62 =	vpop (erf)  }
0x268: {  	v6 =	vadd.f32 v7, v6;
	v4 =	vmul.f32 v62, v59  }
0x269: {  	v63 =	vpop (erf)  }
0x26a: {  	v4 =	vadd.f32 v4, v6;
	v5 =	vmul.f32 v63, v61;
	_ =	sdelay $0x1  }
0x26b: {  	v4 =	vadd.f32 v5, v4;
	_ =	sdelay $0x1  }
0x26c: {  	v4 =	vadd.f32 $9.999999710e-10, v4;
	_ =	sdelay $0x1  }
0x26d: {  	(erf) = vrcp.f32 v4;
	_ =	sdelay $0x3  }
0x26e: {  	s24 =	sadd.s32 $0x1, s24  }
0x26f: {  	p0 =	sne.s32 s24, $0x8  }
.Ltmp11:
0x270: {  	_ = 	snop;
	(pc) =	sbr.rel @p0 .LBB2_22-.Ltmp11, $3  }
0x271: {  	_ =	sdelay $0x1  }
0x272: {  	[tilespmem:s25+$0x12680] =	vst v3;
	v3 =	vpop (erf)  }
0x273: {  	s22 =	sadd.s32 $0x10, s22;
	s21 =	sadd.s32 $0x10, s21;
	[tilespmem:s25+$0x12A80] =	vst v3  }
0x274: {  	s21 =	simm.s32 $0x12D00;
	s22 =	rddreg [dreg:$0x16]  }
0x275: {  	[tilespmem:s21], [sflag:$0x2] =	stream.strided.gather [spmem:s22], $0x800, s15, s14, $0x38;
	[tilespmem:$0x1E780] =	vst v63  }
0x276: {  	_ =	swait.ge [sflag:s9], $0x800  }
0x277: {  	[sflag:s9] =	ssyncset.done $0x0  }
0x278: {  	s22 =	simm.s32 $0x13500;
	s24 =	rddreg [dreg:$0x17];
	[sflag:s9] =	ssyncadd.s32 $0xFFFFF800  }
0x279: {  	[tilespmem:s22], [sflag:$0x2] =	stream.strided.gather [spmem:s24], $0x800, s15, s14, $0x38;
	[tilespmem:$0x1E780] =	vst v63  }
0x27a: {  	_ =	swait.ge [sflag:s9], $0x800  }
0x27b: {  	[sflag:s9] =	ssyncset.done $0x0  }
0x27c: {  	s24 =	simm.s32 $0x0;
	[sflag:s9] =	ssyncadd.s32 $0xFFFFF800  }
.LBB2_26:
0x27d: {  	s25 =	sshll.u32 s24, $0x4  }
0x27e: {  	s26 =	sand.u32 $0x3FFFFFF0, s25  }
0x27f: {  	v3 =	vld [tilespmem:s26+$0x12D00]  }
0x280: {  	v4 =	vld [tilespmem:s26+$0x12D80]  }
0x281: {  	v5 =	vld [tilespmem:s26+$0x12E00]  }
0x282: {  	v6 =	vld [tilespmem:s26+$0x12E80]  }
0x283: {  	v7 =	vld [tilespmem:s26+$0x12F00]  }
0x284: {  	v8 =	vld [tilespmem:s26+$0x12F80];
	v3 =	vmax.f32 v3, $0.0e+00  }
0x285: {  	v3 =	vmax.f32 v3, v4;
	v4 =	vld [tilespmem:s26+$0x13000]  }
0x286: {  	v3 =	vmax.f32 v3, v5;
	v5 =	vld [tilespmem:s26+$0x13080]  }
0x287: {  	v3 =	vmax.f32 v3, v6;
	v6 =	vld [tilespmem:s26+$0x13100]  }
0x288: {  	v3 =	vmax.f32 v3, v7;
	v7 =	vld [tilespmem:s26+$0x13180]  }
0x289: {  	v3 =	vmax.f32 v3, v8;
	v8 =	vld [tilespmem:s26+$0x13200]  }
0x28a: {  	v9 =	vld [tilespmem:s26+$0x13280];
	v3 =	vmax.f32 v3, v4;
	v4 =	vmov s21  }
0x28b: {  	v3 =	vmax.f32 v3, v5;
	v5 =	vld [tilespmem:s26+$0x13300]  }
0x28c: {  	v3 =	vmax.f32 v3, v6;
	v6 =	vld [tilespmem:s26+$0x13380]  }
0x28d: {  	v3 =	vmax.f32 v3, v7;
	v7 =	vld [tilespmem:s26+$0x13400]  }
0x28e: {  	s30 =	simm.s32 $0x0;
	v3 =	vmax.f32 v3, v8;
	v8 =	vld [tilespmem:s26+$0x13480]  }
0x28f: {  	v3 =	vmax.f32 v3, v9;
	v9 =	vld.idx.msk [tilespmem:v4+s30+$0x0 ss:$0x1], $0xffff  }
0x290: {  	v3 =	vmax.f32 v3, v5  }
0x291: {  	s26 =	simm.s32 $0x80;
	v3 =	vmax.f32 v3, v6  }
0x292: {  	v10 =	vld.idx.msk [tilespmem:v4+s26+$0x0 ss:$0x1], $0xffff;
	v3 =	vmax.f32 v3, v7  }
0x293: {  	v3 =	vmax.f32 v3, v8  }
0x294: {  	v6 =	vsub.f32 v9, v3;
	_ =	sdelay $0x1  }
0x295: {  	v6 =	vmul.f32 $1.442695020e+00, v6  }
0x296: {  	v7 =	vsub.f32 v10, v3  }
0x297: {  	v5 =	vmov s22;
	(erf) = vpow2.f32 v6  }
0x298: {  	v9 =	vmul.f32 $1.442695020e+00, v7  }
0x299: {  	s28 =	simm.s32 $0x100  }
0x29a: {  	v8 =	vld.idx.msk [tilespmem:v4+s28+$0x0 ss:$0x1], $0xffff;
	(erf) = vpow2.f32 v9;
	_ =	sdelay $0x1  }
0x29b: {  	v7 =	vld.idx.msk [tilespmem:v5+s30+$0x0 ss:$0x1], $0xffff  }
0x29c: {  	s29 =	simm.s32 $0x600;
	v6 =	vimm.f32 $0.0e+00  }
.LBB2_27:
0x29d: {  	s30 =	sshra.s32 s29, $0x2;
	p0 =	sne.s32 s29, $0x1E00;
	s29 =	sadd.s32 $0x200, s29  }
.Ltmp12:
0x29e: {  	v9 =	vsub.f32 v8, v3;
	v8 =	vld.idx.msk [tilespmem:v4+s30+$0x0 ss:$0x1], $0xffff;
	(pc) =	sbr.rel @p0 .LBB2_27-.Ltmp12, $3  }
0x29f: {  	v10 =	vpop (erf)  }
0x2a0: {  	v9 =	vmul.f32 $1.442695020e+00, v9;
	v10 =	vmul.f32 v10, v7;
	v7 =	vld.idx.msk [tilespmem:v5+s26+$0x0 ss:$0x1], $0xffff;
	s26 =	smov.u32 s28;
	s28 =	smov.u32 s30;
	_ =	sdelay $0x1  }
0x2a1: {  	(erf) = vpow2.f32 v9;
	v6 =	vadd.f32 v10, v6  }
0x2a2: {  	v4 =	vsub.f32 v8, v3;
	_ =	sdelay $0x1  }
0x2a3: {  	v4 =	vmul.f32 $1.442695020e+00, v4;
	_ =	sdelay $0x1  }
0x2a4: {  	(erf) = vpow2.f32 v4;
	_ =	sdelay $0x2  }
0x2a5: {  	v59 =	vld.idx.msk [tilespmem:v5+s26+$0x0 ss:$0x1], $0xffff;
	_ =	sdelay $0x1  }
0x2a6: {  	v60 =	vpop (erf);
	v61 =	vld.idx.msk [tilespmem:v5+s28+$0x0 ss:$0x1], $0xffff  }
0x2a7: {  	v7 =	vmul.f32 v60, v7  }
0x2a8: {  	v62 =	vpop (erf)  }
0x2a9: {  	v6 =	vadd.f32 v7, v6;
	v4 =	vmul.f32 v62, v59  }
0x2aa: {  	v63 =	vpop (erf)  }
0x2ab: {  	v4 =	vadd.f32 v4, v6;
	v5 =	vmul.f32 v63, v61;
	_ =	sdelay $0x1  }
0x2ac: {  	v4 =	vadd.f32 v5, v4;
	_ =	sdelay $0x1  }
0x2ad: {  	v4 =	vadd.f32 $9.999999710e-10, v4;
	_ =	sdelay $0x1  }
0x2ae: {  	(erf) = vrcp.f32 v4;
	_ =	sdelay $0x3  }
0x2af: {  	s24 =	sadd.s32 $0x1, s24  }
0x2b0: {  	p0 =	sne.s32 s24, $0x8  }
.Ltmp13:
0x2b1: {  	_ = 	snop;
	(pc) =	sbr.rel @p0 .LBB2_26-.Ltmp13, $3  }
0x2b2: {  	_ =	sdelay $0x1  }
0x2b3: {  	[tilespmem:s25+$0x12700] =	vst v3;
	v3 =	vpop (erf)  }
0x2b4: {  	s22 =	sadd.s32 $0x10, s22;
	s21 =	sadd.s32 $0x10, s21;
	[tilespmem:s25+$0x12B00] =	vst v3  }
0x2b5: {  	s21 =	simm.s32 $0x12D00;
	s22 =	rddreg [dreg:$0x18]  }
0x2b6: {  	[tilespmem:s21], [sflag:$0x2] =	stream.strided.gather [spmem:s22], $0x800, s15, s14, $0x38;
	[tilespmem:$0x1E780] =	vst v63  }
0x2b7: {  	_ =	swait.ge [sflag:s9], $0x800  }
0x2b8: {  	[sflag:s9] =	ssyncset.done $0x0  }
0x2b9: {  	s22 =	simm.s32 $0x13500;
	s24 =	rddreg [dreg:$0x19];
	[sflag:s9] =	ssyncadd.s32 $0xFFFFF800  }
0x2ba: {  	[tilespmem:s22], [sflag:$0x2] =	stream.strided.gather [spmem:s24], $0x800, s15, s14, $0x38;
	[tilespmem:$0x1E780] =	vst v63  }
0x2bb: {  	_ =	swait.ge [sflag:s9], $0x800  }
0x2bc: {  	[sflag:s9] =	ssyncset.done $0x0  }
0x2bd: {  	s24 =	simm.s32 $0x0;
	[sflag:s9] =	ssyncadd.s32 $0xFFFFF800  }
.LBB2_30:
0x2be: {  	s25 =	sshll.u32 s24, $0x4  }
0x2bf: {  	s26 =	sand.u32 $0x3FFFFFF0, s25  }
0x2c0: {  	v3 =	vld [tilespmem:s26+$0x12D00]  }
0x2c1: {  	v4 =	vld [tilespmem:s26+$0x12D80]  }
0x2c2: {  	v5 =	vld [tilespmem:s26+$0x12E00]  }
0x2c3: {  	v6 =	vld [tilespmem:s26+$0x12E80]  }
0x2c4: {  	v7 =	vld [tilespmem:s26+$0x12F00]  }
0x2c5: {  	v8 =	vld [tilespmem:s26+$0x12F80];
	v3 =	vmax.f32 v3, $0.0e+00  }
0x2c6: {  	v3 =	vmax.f32 v3, v4;
	v4 =	vld [tilespmem:s26+$0x13000]  }
0x2c7: {  	v3 =	vmax.f32 v3, v5;
	v5 =	vld [tilespmem:s26+$0x13080]  }
0x2c8: {  	v3 =	vmax.f32 v3, v6;
	v6 =	vld [tilespmem:s26+$0x13100]  }
0x2c9: {  	v3 =	vmax.f32 v3, v7;
	v7 =	vld [tilespmem:s26+$0x13180]  }
0x2ca: {  	v3 =	vmax.f32 v3, v8;
	v8 =	vld [tilespmem:s26+$0x13200]  }
0x2cb: {  	v9 =	vld [tilespmem:s26+$0x13280];
	v3 =	vmax.f32 v3, v4;
	v4 =	vmov s21  }
0x2cc: {  	v3 =	vmax.f32 v3, v5;
	v5 =	vld [tilespmem:s26+$0x13300]  }
0x2cd: {  	v3 =	vmax.f32 v3, v6;
	v6 =	vld [tilespmem:s26+$0x13380]  }
0x2ce: {  	v3 =	vmax.f32 v3, v7;
	v7 =	vld [tilespmem:s26+$0x13400]  }
0x2cf: {  	s30 =	simm.s32 $0x0;
	v3 =	vmax.f32 v3, v8;
	v8 =	vld [tilespmem:s26+$0x13480]  }
0x2d0: {  	v3 =	vmax.f32 v3, v9;
	v9 =	vld.idx.msk [tilespmem:v4+s30+$0x0 ss:$0x1], $0xffff  }
0x2d1: {  	v3 =	vmax.f32 v3, v5  }
0x2d2: {  	s26 =	simm.s32 $0x80;
	v3 =	vmax.f32 v3, v6  }
0x2d3: {  	v10 =	vld.idx.msk [tilespmem:v4+s26+$0x0 ss:$0x1], $0xffff;
	v3 =	vmax.f32 v3, v7  }
0x2d4: {  	v3 =	vmax.f32 v3, v8  }
0x2d5: {  	v6 =	vsub.f32 v9, v3;
	_ =	sdelay $0x1  }
0x2d6: {  	v6 =	vmul.f32 $1.442695020e+00, v6  }
0x2d7: {  	v7 =	vsub.f32 v10, v3  }
0x2d8: {  	v5 =	vmov s22;
	(erf) = vpow2.f32 v6  }
0x2d9: {  	v9 =	vmul.f32 $1.442695020e+00, v7  }
0x2da: {  	s28 =	simm.s32 $0x100  }
0x2db: {  	v8 =	vld.idx.msk [tilespmem:v4+s28+$0x0 ss:$0x1], $0xffff;
	(erf) = vpow2.f32 v9;
	_ =	sdelay $0x1  }
0x2dc: {  	v7 =	vld.idx.msk [tilespmem:v5+s30+$0x0 ss:$0x1], $0xffff  }
0x2dd: {  	s29 =	simm.s32 $0x600;
	v6 =	vimm.f32 $0.0e+00  }
.LBB2_31:
0x2de: {  	s30 =	sshra.s32 s29, $0x2;
	p0 =	sne.s32 s29, $0x1E00;
	s29 =	sadd.s32 $0x200, s29  }
.Ltmp14:
0x2df: {  	v9 =	vsub.f32 v8, v3;
	v8 =	vld.idx.msk [tilespmem:v4+s30+$0x0 ss:$0x1], $0xffff;
	(pc) =	sbr.rel @p0 .LBB2_31-.Ltmp14, $3  }
0x2e0: {  	v10 =	vpop (erf)  }
0x2e1: {  	v9 =	vmul.f32 $1.442695020e+00, v9;
	v10 =	vmul.f32 v10, v7;
	v7 =	vld.idx.msk [tilespmem:v5+s26+$0x0 ss:$0x1], $0xffff;
	s26 =	smov.u32 s28;
	s28 =	smov.u32 s30;
	_ =	sdelay $0x1  }
0x2e2: {  	(erf) = vpow2.f32 v9;
	v6 =	vadd.f32 v10, v6  }
0x2e3: {  	v4 =	vsub.f32 v8, v3;
	_ =	sdelay $0x1  }
0x2e4: {  	v4 =	vmul.f32 $1.442695020e+00, v4;
	_ =	sdelay $0x1  }
0x2e5: {  	(erf) = vpow2.f32 v4;
	_ =	sdelay $0x2  }
0x2e6: {  	v59 =	vld.idx.msk [tilespmem:v5+s26+$0x0 ss:$0x1], $0xffff;
	_ =	sdelay $0x1  }
0x2e7: {  	v60 =	vpop (erf);
	v61 =	vld.idx.msk [tilespmem:v5+s28+$0x0 ss:$0x1], $0xffff  }
0x2e8: {  	v7 =	vmul.f32 v60, v7  }
0x2e9: {  	v62 =	vpop (erf)  }
0x2ea: {  	v6 =	vadd.f32 v7, v6;
	v4 =	vmul.f32 v62, v59  }
0x2eb: {  	v63 =	vpop (erf)  }
0x2ec: {  	v4 =	vadd.f32 v4, v6;
	v5 =	vmul.f32 v63, v61;
	_ =	sdelay $0x1  }
0x2ed: {  	v4 =	vadd.f32 v5, v4;
	_ =	sdelay $0x1  }
0x2ee: {  	v4 =	vadd.f32 $9.999999710e-10, v4;
	_ =	sdelay $0x1  }
0x2ef: {  	(erf) = vrcp.f32 v4;
	_ =	sdelay $0x3  }
0x2f0: {  	s24 =	sadd.s32 $0x1, s24  }
0x2f1: {  	p0 =	sne.s32 s24, $0x8  }
.Ltmp15:
0x2f2: {  	_ = 	snop;
	(pc) =	sbr.rel @p0 .LBB2_30-.Ltmp15, $3  }
0x2f3: {  	_ =	sdelay $0x1  }
0x2f4: {  	[tilespmem:s25+$0x12780] =	vst v3;
	v3 =	vpop (erf)  }
0x2f5: {  	s22 =	sadd.s32 $0x10, s22;
	s21 =	sadd.s32 $0x10, s21;
	[tilespmem:s25+$0x12B80] =	vst v3  }
0x2f6: {  	s21 =	simm.s32 $0x12D00  }
0x2f7: {  	[tilespmem:s21], [sflag:$0x2] =	stream.strided.gather [spmem:s0], $0x800, s15, s14, $0x38;
	[tilespmem:$0x1E780] =	vst v63  }
0x2f8: {  	_ =	swait.ge [sflag:s9], $0x800  }
0x2f9: {  	[sflag:s9] =	ssyncset.done $0x0  }
0x2fa: {  	s22 =	simm.s32 $0x13500;
	[sflag:s9] =	ssyncadd.s32 $0xFFFFF800  }
0x2fb: {  	[tilespmem:s22], [sflag:$0x2] =	stream.strided.gather [spmem:s5], $0x800, s15, s14, $0x38;
	[tilespmem:$0x1E780] =	vst v63  }
0x2fc: {  	_ =	swait.ge [sflag:s9], $0x800  }
0x2fd: {  	[sflag:s9] =	ssyncset.done $0x0  }
0x2fe: {  	s24 =	simm.s32 $0x0;
	[sflag:s9] =	ssyncadd.s32 $0xFFFFF800  }
.LBB2_34:
0x2ff: {  	s25 =	sshll.u32 s24, $0x4  }
0x300: {  	s26 =	sand.u32 $0x3FFFFFF0, s25  }
0x301: {  	v3 =	vld [tilespmem:s26+$0x12D00]  }
0x302: {  	v4 =	vld [tilespmem:s26+$0x12D80]  }
0x303: {  	v5 =	vld [tilespmem:s26+$0x12E00]  }
0x304: {  	v6 =	vld [tilespmem:s26+$0x12E80]  }
0x305: {  	v7 =	vld [tilespmem:s26+$0x12F00]  }
0x306: {  	v8 =	vld [tilespmem:s26+$0x12F80];
	v3 =	vmax.f32 v3, $0.0e+00  }
0x307: {  	v3 =	vmax.f32 v3, v4;
	v4 =	vld [tilespmem:s26+$0x13000]  }
0x308: {  	v3 =	vmax.f32 v3, v5;
	v5 =	vld [tilespmem:s26+$0x13080]  }
0x309: {  	v3 =	vmax.f32 v3, v6;
	v6 =	vld [tilespmem:s26+$0x13100]  }
0x30a: {  	v3 =	vmax.f32 v3, v7;
	v7 =	vld [tilespmem:s26+$0x13180]  }
0x30b: {  	v3 =	vmax.f32 v3, v8;
	v8 =	vld [tilespmem:s26+$0x13200]  }
0x30c: {  	v9 =	vld [tilespmem:s26+$0x13280];
	v3 =	vmax.f32 v3, v4;
	v4 =	vmov s21  }
0x30d: {  	v3 =	vmax.f32 v3, v5;
	v5 =	vld [tilespmem:s26+$0x13300]  }
0x30e: {  	v3 =	vmax.f32 v3, v6;
	v6 =	vld [tilespmem:s26+$0x13380]  }
0x30f: {  	v3 =	vmax.f32 v3, v7;
	v7 =	vld [tilespmem:s26+$0x13400]  }
0x310: {  	s30 =	simm.s32 $0x0;
	v3 =	vmax.f32 v3, v8;
	v8 =	vld [tilespmem:s26+$0x13480]  }
0x311: {  	v3 =	vmax.f32 v3, v9;
	v9 =	vld.idx.msk [tilespmem:v4+s30+$0x0 ss:$0x1], $0xffff  }
0x312: {  	v3 =	vmax.f32 v3, v5  }
0x313: {  	s26 =	simm.s32 $0x80;
	v3 =	vmax.f32 v3, v6  }
0x314: {  	v10 =	vld.idx.msk [tilespmem:v4+s26+$0x0 ss:$0x1], $0xffff;
	v3 =	vmax.f32 v3, v7  }
0x315: {  	v3 =	vmax.f32 v3, v8  }
0x316: {  	v6 =	vsub.f32 v9, v3;
	_ =	sdelay $0x1  }
0x317: {  	v6 =	vmul.f32 $1.442695020e+00, v6  }
0x318: {  	v7 =	vsub.f32 v10, v3  }
0x319: {  	v5 =	vmov s22;
	(erf) = vpow2.f32 v6  }
0x31a: {  	v9 =	vmul.f32 $1.442695020e+00, v7  }
0x31b: {  	s28 =	simm.s32 $0x100  }
0x31c: {  	v8 =	vld.idx.msk [tilespmem:v4+s28+$0x0 ss:$0x1], $0xffff;
	(erf) = vpow2.f32 v9;
	_ =	sdelay $0x1  }
0x31d: {  	v7 =	vld.idx.msk [tilespmem:v5+s30+$0x0 ss:$0x1], $0xffff  }
0x31e: {  	s29 =	simm.s32 $0x600;
	v6 =	vimm.f32 $0.0e+00  }
.LBB2_35:
0x31f: {  	s30 =	sshra.s32 s29, $0x2;
	p0 =	sne.s32 s29, $0x1E00;
	s29 =	sadd.s32 $0x200, s29  }
.Ltmp16:
0x320: {  	v9 =	vsub.f32 v8, v3;
	v8 =	vld.idx.msk [tilespmem:v4+s30+$0x0 ss:$0x1], $0xffff;
	(pc) =	sbr.rel @p0 .LBB2_35-.Ltmp16, $3  }
0x321: {  	v10 =	vpop (erf)  }
0x322: {  	v9 =	vmul.f32 $1.442695020e+00, v9;
	v10 =	vmul.f32 v10, v7;
	v7 =	vld.idx.msk [tilespmem:v5+s26+$0x0 ss:$0x1], $0xffff;
	s26 =	smov.u32 s28;
	s28 =	smov.u32 s30;
	_ =	sdelay $0x1  }
0x323: {  	(erf) = vpow2.f32 v9;
	v6 =	vadd.f32 v10, v6  }
0x324: {  	v4 =	vsub.f32 v8, v3;
	_ =	sdelay $0x1  }
0x325: {  	v4 =	vmul.f32 $1.442695020e+00, v4;
	_ =	sdelay $0x1  }
0x326: {  	(erf) = vpow2.f32 v4;
	_ =	sdelay $0x2  }
0x327: {  	v59 =	vld.idx.msk [tilespmem:v5+s26+$0x0 ss:$0x1], $0xffff;
	_ =	sdelay $0x1  }
0x328: {  	v60 =	vpop (erf);
	v61 =	vld.idx.msk [tilespmem:v5+s28+$0x0 ss:$0x1], $0xffff  }
0x329: {  	v7 =	vmul.f32 v60, v7  }
0x32a: {  	v62 =	vpop (erf)  }
0x32b: {  	v6 =	vadd.f32 v7, v6;
	v4 =	vmul.f32 v62, v59  }
0x32c: {  	v63 =	vpop (erf)  }
0x32d: {  	v4 =	vadd.f32 v4, v6;
	v5 =	vmul.f32 v63, v61;
	_ =	sdelay $0x1  }
0x32e: {  	v4 =	vadd.f32 v5, v4;
	_ =	sdelay $0x1  }
0x32f: {  	v4 =	vadd.f32 $9.999999710e-10, v4;
	_ =	sdelay $0x1  }
0x330: {  	(erf) = vrcp.f32 v4;
	_ =	sdelay $0x3  }
0x331: {  	s24 =	sadd.s32 $0x1, s24  }
0x332: {  	p0 =	sne.s32 s24, $0x8  }
.Ltmp17:
0x333: {  	_ = 	snop;
	(pc) =	sbr.rel @p0 .LBB2_34-.Ltmp17, $3  }
0x334: {  	_ =	sdelay $0x1  }
0x335: {  	[tilespmem:s25+$0x12800] =	vst v3;
	v3 =	vpop (erf)  }
0x336: {  	s22 =	sadd.s32 $0x10, s22;
	s21 =	sadd.s32 $0x10, s21;
	[tilespmem:s25+$0x12C00] =	vst v3  }
0x337: {  	s21 =	simm.s32 $0x12D00  }
0x338: {  	[tilespmem:s21], [sflag:$0x2] =	stream.strided.gather [spmem:s4], $0x800, s15, s14, $0x38;
	[tilespmem:$0x1E780] =	vst v63  }
0x339: {  	_ =	swait.ge [sflag:s9], $0x800  }
0x33a: {  	[sflag:s9] =	ssyncset.done $0x0  }
0x33b: {  	s22 =	simm.s32 $0x13500;
	[sflag:s9] =	ssyncadd.s32 $0xFFFFF800  }
0x33c: {  	[tilespmem:s22], [sflag:$0x2] =	stream.strided.gather [spmem:s6], $0x800, s15, s14, $0x38;
	[tilespmem:$0x1E780] =	vst v63  }
0x33d: {  	_ =	swait.ge [sflag:s9], $0x800  }
0x33e: {  	[sflag:s9] =	ssyncset.done $0x0  }
0x33f: {  	s24 =	simm.s32 $0x0;
	[sflag:s9] =	ssyncadd.s32 $0xFFFFF800  }
.LBB2_38:
0x340: {  	s25 =	sshll.u32 s24, $0x4  }
0x341: {  	s26 =	sand.u32 $0x3FFFFFF0, s25  }
0x342: {  	v3 =	vld [tilespmem:s26+$0x12D00]  }
0x343: {  	v4 =	vld [tilespmem:s26+$0x12D80]  }
0x344: {  	v5 =	vld [tilespmem:s26+$0x12E00]  }
0x345: {  	v6 =	vld [tilespmem:s26+$0x12E80]  }
0x346: {  	v7 =	vld [tilespmem:s26+$0x12F00]  }
0x347: {  	v8 =	vld [tilespmem:s26+$0x12F80];
	v3 =	vmax.f32 v3, $0.0e+00  }
0x348: {  	v3 =	vmax.f32 v3, v4;
	v4 =	vld [tilespmem:s26+$0x13000]  }
0x349: {  	v3 =	vmax.f32 v3, v5;
	v5 =	vld [tilespmem:s26+$0x13080]  }
0x34a: {  	v3 =	vmax.f32 v3, v6;
	v6 =	vld [tilespmem:s26+$0x13100]  }
0x34b: {  	v3 =	vmax.f32 v3, v7;
	v7 =	vld [tilespmem:s26+$0x13180]  }
0x34c: {  	v3 =	vmax.f32 v3, v8;
	v8 =	vld [tilespmem:s26+$0x13200]  }
0x34d: {  	v9 =	vld [tilespmem:s26+$0x13280];
	v3 =	vmax.f32 v3, v4;
	v4 =	vmov s21  }
0x34e: {  	v3 =	vmax.f32 v3, v5;
	v5 =	vld [tilespmem:s26+$0x13300]  }
0x34f: {  	v3 =	vmax.f32 v3, v6;
	v6 =	vld [tilespmem:s26+$0x13380]  }
0x350: {  	v3 =	vmax.f32 v3, v7;
	v7 =	vld [tilespmem:s26+$0x13400]  }
0x351: {  	s30 =	simm.s32 $0x0;
	v3 =	vmax.f32 v3, v8;
	v8 =	vld [tilespmem:s26+$0x13480]  }
0x352: {  	v3 =	vmax.f32 v3, v9;
	v9 =	vld.idx.msk [tilespmem:v4+s30+$0x0 ss:$0x1], $0xffff  }
0x353: {  	v3 =	vmax.f32 v3, v5  }
0x354: {  	s26 =	simm.s32 $0x80;
	v3 =	vmax.f32 v3, v6  }
0x355: {  	v10 =	vld.idx.msk [tilespmem:v4+s26+$0x0 ss:$0x1], $0xffff;
	v3 =	vmax.f32 v3, v7  }
0x356: {  	v3 =	vmax.f32 v3, v8  }
0x357: {  	v6 =	vsub.f32 v9, v3;
	_ =	sdelay $0x1  }
0x358: {  	v6 =	vmul.f32 $1.442695020e+00, v6  }
0x359: {  	v7 =	vsub.f32 v10, v3  }
0x35a: {  	v5 =	vmov s22;
	(erf) = vpow2.f32 v6  }
0x35b: {  	v9 =	vmul.f32 $1.442695020e+00, v7  }
0x35c: {  	s28 =	simm.s32 $0x100  }
0x35d: {  	v8 =	vld.idx.msk [tilespmem:v4+s28+$0x0 ss:$0x1], $0xffff;
	(erf) = vpow2.f32 v9;
	_ =	sdelay $0x1  }
0x35e: {  	v7 =	vld.idx.msk [tilespmem:v5+s30+$0x0 ss:$0x1], $0xffff  }
0x35f: {  	s29 =	simm.s32 $0x600;
	v6 =	vimm.f32 $0.0e+00  }
.LBB2_39:
0x360: {  	s30 =	sshra.s32 s29, $0x2;
	p0 =	sne.s32 s29, $0x1E00;
	s29 =	sadd.s32 $0x200, s29  }
.Ltmp18:
0x361: {  	v9 =	vsub.f32 v8, v3;
	v8 =	vld.idx.msk [tilespmem:v4+s30+$0x0 ss:$0x1], $0xffff;
	(pc) =	sbr.rel @p0 .LBB2_39-.Ltmp18, $3  }
0x362: {  	v10 =	vpop (erf)  }
0x363: {  	v9 =	vmul.f32 $1.442695020e+00, v9;
	v10 =	vmul.f32 v10, v7;
	v7 =	vld.idx.msk [tilespmem:v5+s26+$0x0 ss:$0x1], $0xffff;
	s26 =	smov.u32 s28;
	s28 =	smov.u32 s30;
	_ =	sdelay $0x1  }
0x364: {  	(erf) = vpow2.f32 v9;
	v6 =	vadd.f32 v10, v6  }
0x365: {  	v4 =	vsub.f32 v8, v3;
	_ =	sdelay $0x1  }
0x366: {  	v4 =	vmul.f32 $1.442695020e+00, v4;
	_ =	sdelay $0x1  }
0x367: {  	(erf) = vpow2.f32 v4;
	_ =	sdelay $0x2  }
0x368: {  	v59 =	vld.idx.msk [tilespmem:v5+s26+$0x0 ss:$0x1], $0xffff;
	_ =	sdelay $0x1  }
0x369: {  	v60 =	vpop (erf);
	v61 =	vld.idx.msk [tilespmem:v5+s28+$0x0 ss:$0x1], $0xffff  }
0x36a: {  	v7 =	vmul.f32 v60, v7  }
0x36b: {  	v62 =	vpop (erf)  }
0x36c: {  	v6 =	vadd.f32 v7, v6;
	v4 =	vmul.f32 v62, v59  }
0x36d: {  	v63 =	vpop (erf)  }
0x36e: {  	v4 =	vadd.f32 v4, v6;
	v5 =	vmul.f32 v63, v61;
	_ =	sdelay $0x1  }
0x36f: {  	v4 =	vadd.f32 v5, v4;
	_ =	sdelay $0x1  }
0x370: {  	v4 =	vadd.f32 $9.999999710e-10, v4;
	_ =	sdelay $0x1  }
0x371: {  	(erf) = vrcp.f32 v4;
	_ =	sdelay $0x3  }
0x372: {  	s24 =	sadd.s32 $0x1, s24  }
0x373: {  	p0 =	sne.s32 s24, $0x8  }
.Ltmp19:
0x374: {  	_ = 	snop;
	(pc) =	sbr.rel @p0 .LBB2_38-.Ltmp19, $3  }
0x375: {  	_ =	sdelay $0x1  }
0x376: {  	[tilespmem:s25+$0x12880] =	vst v3;
	v3 =	vpop (erf)  }
0x377: {  	s22 =	sadd.s32 $0x10, s22;
	s21 =	sadd.s32 $0x10, s21;
	[tilespmem:s25+$0x12C80] =	vst v3  }
0x378: {  	s21 =	simm.s32 $0x0;
	s22 =	rddreg [dreg:$0x10]  }
0x379: {  	[tilespmem:s31], [sflag:$0x1] =	stream.linear.gather [hbm4b:s22+s21], $0x4000, $0x38;
	[tilespmem:$0x1E780] =	vst v63  }
0x37a: {  	s29 =	rddreg [dreg:$0x11];
	s24 =	simm.s32 $0x1BD00  }
0x37b: {  	[tilespmem:s24], [sflag:$0x1] =	stream.linear.gather [hbm4b:s29+s21], $0x80, $0x38;
	[tilespmem:$0x1E780] =	vst v63  }
0x37c: {  	s30 =	rddreg [dreg:$0x12];
	p0 =	por $0x0, $0x0;
	s31 =	simm.s32 $0x1BE00  }
0x37d: {  	[tilespmem:s31], [sflag:$0x1] =	stream.linear.gather [hbm4b:s30+s21], $0x80, $0x38;
	[tilespmem:$0x1E780] =	vst v63  }
.LBB2_42:
0x37e: {  	s25 =	sand.u32 $0x1, s21;
	s21 =	sadd.s32 $0x1, s21  }
0x37f: {  	p1 =	sge.u32 s21, s19  }
0x380: {  	s22 =	sshll.u32 @!p1 s21, $0xC  }
0x381: {  	s24 =	sxor.u32 @!p1 $0x1, s25;
	s29 =	simm.s32 @!p1 $0x0;
	s22 =	sor.u32 @!p1 s23, s22  }
0x382: {  	s26 =	sshll.u32 @!p1 s24, $0xE;
	s24 =	sshll.u32 @!p1 s24, $0x7;
	s28 =	sshll.u32 @!p1 s22, $0x4  }
0x383: {  	s26 =	sor.u32 @!p1 $0x13D00, s26;
	s22 =	sshrl.u32 @!p1 s22, $0x3;
	s28 =	sadd.s32 @!p1 s1, s28  }
0x384: {  	[tilespmem:s26], [sflag:$0x1] =	stream.linear.gather @!p1 [hbm4b:s28+s29], $0x4000, $0x38;
	[tilespmem:$0x1E780] =	vst v63  }
0x385: {  	s26 =	sor.u32 @!p1 $0x1BD00, s24;
	s28 =	sadd.s32 @!p1 s2, s22  }
0x386: {  	[tilespmem:s26], [sflag:$0x1] =	stream.linear.gather @!p1 [hbm4b:s28+s29], $0x80, $0x38;
	[tilespmem:$0x1E780] =	vst v63  }
0x387: {  	s24 =	sor.u32 @!p1 $0x1BE00, s24;
	s22 =	sadd.s32 @!p1 s8, s22  }
0x388: {  	[tilespmem:s24], [sflag:$0x1] =	stream.linear.gather @!p1 [hbm4b:s22+s29], $0x80, $0x38;
	[tilespmem:$0x1E780] =	vst v63  }
0x389: {  	_ =	swait.ge [sflag:s16], $0x4000  }
0x38a: {  	[sflag:s16] =	ssyncset.done $0x0  }
0x38b: {  	[sflag:s16] =	ssyncadd.s32 $0xFFFFC000  }
0x38c: {  	_ =	swait.ge [sflag:s16], $0x80  }
0x38d: {  	[sflag:s16] =	ssyncset.done $0x0  }
0x38e: {  	[sflag:s16] =	ssyncadd.s32 $0xFFFFFF80  }
0x38f: {  	_ =	swait.ge [sflag:s16], $0x80  }
0x390: {  	[sflag:s16] =	ssyncset.done $0x0  }
0x391: {  	s24 =	sshll.u32 s25, $0x7;
	[sflag:s16] =	ssyncadd.s32 $0xFFFFFF80  }
0x392: {  	v3 =	vld [tilespmem:s24+$0x1BD00];
	_ =	sdelay $0x6  }
0x393: {  	v4 =	vld [tilespmem:s24+$0x1BE00]  }
0x394: {  	v5 =	vld.idx.msk [tilespmem:v3+s17+$0x0], $0xffff;
	_ =	sdelay $0x4  }
0x395: {  	v4 =	vsub.f32 v4, v5;
	_ =	sdelay $0x1  }
0x396: {  	v4 =	vmul.f32 $1.442695020e+00, v4;
	_ =	sdelay $0x1  }
0x397: {  	(erf) = vpow2.f32 v4;
	_ =	sdelay $0x4  }
0x398: {  	v3 =	vld.idx.msk [tilespmem:v3+s18+$0x0], $0xffff;
	_ =	sdelay $0x3  }
0x399: {  	v4 =	vpop (erf)  }
0x39a: {  	v3 =	vmul.f32 v4, v3;
	_ =	sdelay $0x1  }
0x39b: {  	[tilespmem:$0x1BF00] =	vst v3  }
0x39c: {  	v3 =	vld [tilespmem:s24+$0x1BD10];
	_ =	sdelay $0x6  }
0x39d: {  	v4 =	vld [tilespmem:s24+$0x1BE10]  }
0x39e: {  	v5 =	vld.idx.msk [tilespmem:v3+s17+$0x0], $0xffff;
	_ =	sdelay $0x4  }
0x39f: {  	v4 =	vsub.f32 v4, v5;
	_ =	sdelay $0x1  }
0x3a0: {  	v4 =	vmul.f32 $1.442695020e+00, v4;
	_ =	sdelay $0x1  }
0x3a1: {  	(erf) = vpow2.f32 v4;
	_ =	sdelay $0x4  }
0x3a2: {  	v3 =	vld.idx.msk [tilespmem:v3+s18+$0x0], $0xffff;
	_ =	sdelay $0x3  }
0x3a3: {  	v4 =	vpop (erf)  }
0x3a4: {  	v3 =	vmul.f32 v4, v3;
	_ =	sdelay $0x1  }
0x3a5: {  	[tilespmem:$0x1BF10] =	vst v3  }
0x3a6: {  	v3 =	vld [tilespmem:s24+$0x1BD20];
	_ =	sdelay $0x6  }
0x3a7: {  	v4 =	vld [tilespmem:s24+$0x1BE20]  }
0x3a8: {  	v5 =	vld.idx.msk [tilespmem:v3+s17+$0x0], $0xffff;
	_ =	sdelay $0x4  }
0x3a9: {  	v4 =	vsub.f32 v4, v5;
	_ =	sdelay $0x1  }
0x3aa: {  	v4 =	vmul.f32 $1.442695020e+00, v4;
	_ =	sdelay $0x1  }
0x3ab: {  	(erf) = vpow2.f32 v4;
	_ =	sdelay $0x4  }
0x3ac: {  	v3 =	vld.idx.msk [tilespmem:v3+s18+$0x0], $0xffff;
	_ =	sdelay $0x3  }
0x3ad: {  	v4 =	vpop (erf)  }
0x3ae: {  	v3 =	vmul.f32 v4, v3;
	_ =	sdelay $0x1  }
0x3af: {  	[tilespmem:$0x1BF20] =	vst v3  }
0x3b0: {  	v3 =	vld [tilespmem:s24+$0x1BD30];
	_ =	sdelay $0x6  }
0x3b1: {  	v4 =	vld [tilespmem:s24+$0x1BE30]  }
0x3b2: {  	v5 =	vld.idx.msk [tilespmem:v3+s17+$0x0], $0xffff;
	_ =	sdelay $0x4  }
0x3b3: {  	v4 =	vsub.f32 v4, v5;
	_ =	sdelay $0x1  }
0x3b4: {  	v4 =	vmul.f32 $1.442695020e+00, v4;
	_ =	sdelay $0x1  }
0x3b5: {  	(erf) = vpow2.f32 v4;
	_ =	sdelay $0x4  }
0x3b6: {  	v3 =	vld.idx.msk [tilespmem:v3+s18+$0x0], $0xffff;
	_ =	sdelay $0x3  }
0x3b7: {  	v4 =	vpop (erf)  }
0x3b8: {  	v3 =	vmul.f32 v4, v3;
	_ =	sdelay $0x1  }
0x3b9: {  	[tilespmem:$0x1BF30] =	vst v3  }
0x3ba: {  	v3 =	vld [tilespmem:s24+$0x1BD40];
	_ =	sdelay $0x6  }
0x3bb: {  	v4 =	vld [tilespmem:s24+$0x1BE40]  }
0x3bc: {  	v5 =	vld.idx.msk [tilespmem:v3+s17+$0x0], $0xffff;
	_ =	sdelay $0x4  }
0x3bd: {  	v4 =	vsub.f32 v4, v5;
	_ =	sdelay $0x1  }
0x3be: {  	v4 =	vmul.f32 $1.442695020e+00, v4;
	_ =	sdelay $0x1  }
0x3bf: {  	(erf) = vpow2.f32 v4;
	_ =	sdelay $0x4  }
0x3c0: {  	v3 =	vld.idx.msk [tilespmem:v3+s18+$0x0], $0xffff;
	_ =	sdelay $0x3  }
0x3c1: {  	v4 =	vpop (erf)  }
0x3c2: {  	v3 =	vmul.f32 v4, v3;
	_ =	sdelay $0x1  }
0x3c3: {  	[tilespmem:$0x1BF40] =	vst v3  }
0x3c4: {  	v3 =	vld [tilespmem:s24+$0x1BD50];
	_ =	sdelay $0x6  }
0x3c5: {  	v4 =	vld [tilespmem:s24+$0x1BE50]  }
0x3c6: {  	v5 =	vld.idx.msk [tilespmem:v3+s17+$0x0], $0xffff;
	_ =	sdelay $0x4  }
0x3c7: {  	v4 =	vsub.f32 v4, v5;
	_ =	sdelay $0x1  }
0x3c8: {  	v4 =	vmul.f32 $1.442695020e+00, v4;
	_ =	sdelay $0x1  }
0x3c9: {  	(erf) = vpow2.f32 v4;
	_ =	sdelay $0x4  }
0x3ca: {  	v3 =	vld.idx.msk [tilespmem:v3+s18+$0x0], $0xffff;
	_ =	sdelay $0x3  }
0x3cb: {  	v4 =	vpop (erf)  }
0x3cc: {  	v3 =	vmul.f32 v4, v3;
	_ =	sdelay $0x1  }
0x3cd: {  	[tilespmem:$0x1BF50] =	vst v3  }
0x3ce: {  	v3 =	vld [tilespmem:s24+$0x1BD60];
	_ =	sdelay $0x6  }
0x3cf: {  	v4 =	vld [tilespmem:s24+$0x1BE60]  }
0x3d0: {  	v5 =	vld.idx.msk [tilespmem:v3+s17+$0x0], $0xffff;
	_ =	sdelay $0x4  }
0x3d1: {  	v4 =	vsub.f32 v4, v5;
	_ =	sdelay $0x1  }
0x3d2: {  	v4 =	vmul.f32 $1.442695020e+00, v4;
	_ =	sdelay $0x1  }
0x3d3: {  	(erf) = vpow2.f32 v4;
	_ =	sdelay $0x4  }
0x3d4: {  	v3 =	vld.idx.msk [tilespmem:v3+s18+$0x0], $0xffff;
	_ =	sdelay $0x3  }
0x3d5: {  	v4 =	vpop (erf)  }
0x3d6: {  	v3 =	vmul.f32 v4, v3;
	_ =	sdelay $0x1  }
0x3d7: {  	[tilespmem:$0x1BF60] =	vst v3  }
0x3d8: {  	v3 =	vld [tilespmem:s24+$0x1BD70];
	_ =	sdelay $0x6  }
0x3d9: {  	v4 =	vld [tilespmem:s24+$0x1BE70]  }
0x3da: {  	v5 =	vld.idx.msk [tilespmem:v3+s17+$0x0], $0xffff;
	_ =	sdelay $0x4  }
0x3db: {  	v4 =	vsub.f32 v4, v5;
	_ =	sdelay $0x1  }
0x3dc: {  	v4 =	vmul.f32 $1.442695020e+00, v4;
	_ =	sdelay $0x1  }
0x3dd: {  	(erf) = vpow2.f32 v4;
	_ =	sdelay $0x4  }
0x3de: {  	s26 =	simm.s32 $0x0;
	v3 =	vld.idx.msk [tilespmem:v3+s18+$0x0], $0xffff  }
0x3df: {  	v4 =	vmov s26  }
0x3e0: {  	v4 =	vand.u32 $0xFFFFFFF8, v4  }
0x3e1: {  	v4 =	vbroadcast v4, $0x0  }
0x3e2: {  	s22 =	simm.s32 $0x1;
	v5 =	vpop (erf)  }
0x3e3: {  	s22 =	simm.s32 @!p0 $0x0;
	v3 =	vmul.f32 v5, v3  }
0x3e4: {  	s22 =	sshll.u32 s22, $0xE  }
0x3e5: {  	s22 =	sor.u32 $0x13F00, s22;
	[tilespmem:$0x1BF70] =	vst v3  }
0x3e6: {  	v5 =	vld [tilespmem:s22+$0xFFFFFE70]  }
0x3e7: {  	v4 =	vld.idx.msk [tilespmem:v4+s20+$0x0], $0xffff  }
0x3e8: {  	v6 =	vld [tilespmem:s22+$0xFFFFFE00]  }
0x3e9: {  	v7 =	vld [tilespmem:s22+$0xFFFFFE20]  }
0x3ea: {  	v8 =	vld [tilespmem:s22+$0xFFFFFE30]  }
0x3eb: {  	v3 =	vld [tilespmem:s22+$0xFFFFFE50]  }
0x3ec: {  	v10 =	vld [tilespmem:s22+$0xFFFFFE10];
	v5 =	vmul.f32 v5, v4  }
0x3ed: {  	s30 =	simm.s32 $0x1;
	v9 =	vld [tilespmem:s22+$0xFFFFFE60];
	v6 =	vmul.f32 v6, v4  }
0x3ee: {  	v11 =	vld [tilespmem:s22+$0xFFFFFE40];
	v7 =	vmul.f32 v7, v4;
	[tilespmem:s22+$0xFFFFFE70] =	vst v5;
	v5 =	vmov s30  }
0x3ef: {  	v8 =	vmul.f32 v8, v4;
	[tilespmem:s22+$0xFFFFFE00] =	vst v6;
	v5 =	vand.u32 $0xFFFFFFF9, v5  }
0x3f0: {  	v3 =	vmul.f32 v3, v4;
	[tilespmem:s22+$0xFFFFFE20] =	vst v7;
	v5 =	vbroadcast v5, $0x0  }
0x3f1: {  	v6 =	vmul.f32 v10, v4;
	[tilespmem:s22+$0xFFFFFE30] =	vst v8  }
0x3f2: {  	v7 =	vmul.f32 v9, v4;
	[tilespmem:s22+$0xFFFFFE50] =	vst v3  }
0x3f3: {  	v3 =	vmul.f32 v11, v4;
	[tilespmem:s22+$0xFFFFFE10] =	vst v6  }
0x3f4: {  	[tilespmem:s22+$0xFFFFFE60] =	vst v7  }
0x3f5: {  	[tilespmem:s22+$0xFFFFFE40] =	vst v3  }
0x3f6: {  	v3 =	vld.idx.msk [tilespmem:v5+s20+$0x0], $0xffff  }
0x3f7: {  	v5 =	vld [tilespmem:s22+$0xFFFFFE90]  }
0x3f8: {  	v6 =	vld [tilespmem:s22+$0xFFFFFEC0]  }
0x3f9: {  	v7 =	vld [tilespmem:s22+$0xFFFFFE80]  }
0x3fa: {  	v8 =	vld [tilespmem:s22+$0xFFFFFED0]  }
0x3fb: {  	v4 =	vld [tilespmem:s22+$0xFFFFFEF0]  }
0x3fc: {  	v9 =	vld [tilespmem:s22+$0xFFFFFEE0];
	v5 =	vmul.f32 v5, v3  }
0x3fd: {  	s31 =	simm.s32 $0x2;
	v10 =	vld [tilespmem:s22+$0xFFFFFEB0];
	v6 =	vmul.f32 v6, v3  }
0x3fe: {  	v11 =	vld [tilespmem:s22+$0xFFFFFEA0];
	v7 =	vmul.f32 v7, v3;
	[tilespmem:s22+$0xFFFFFE90] =	vst v5;
	v5 =	vmov s31  }
0x3ff: {  	v8 =	vmul.f32 v8, v3;
	[tilespmem:s22+$0xFFFFFEC0] =	vst v6;
	v5 =	vand.u32 $0xFFFFFFFA, v5  }
0x400: {  	v4 =	vmul.f32 v4, v3;
	[tilespmem:s22+$0xFFFFFE80] =	vst v7;
	v5 =	vbroadcast v5, $0x0  }
0x401: {  	v6 =	vmul.f32 v9, v3;
	[tilespmem:s22+$0xFFFFFED0] =	vst v8  }
0x402: {  	v7 =	vmul.f32 v10, v3;
	[tilespmem:s22+$0xFFFFFEF0] =	vst v4  }
0x403: {  	v3 =	vmul.f32 v11, v3;
	[tilespmem:s22+$0xFFFFFEE0] =	vst v6  }
0x404: {  	[tilespmem:s22+$0xFFFFFEB0] =	vst v7  }
0x405: {  	v4 =	vld [tilespmem:s22+$0xFFFFFF00];
	[tilespmem:s22+$0xFFFFFEA0] =	vst v3  }
0x406: {  	v3 =	vld.idx.msk [tilespmem:v5+s20+$0x0], $0xffff  }
0x407: {  	v5 =	vld [tilespmem:s22+$0xFFFFFF60]  }
0x408: {  	v6 =	vld [tilespmem:s22+$0xFFFFFF10]  }
0x409: {  	v7 =	vld [tilespmem:s22+$0xFFFFFF50]  }
0x40a: {  	v8 =	vld [tilespmem:s22+$0xFFFFFF70]  }
0x40b: {  	v9 =	vld [tilespmem:s22+$0xFFFFFF20];
	v4 =	vmul.f32 v4, v3  }
0x40c: {  	s30 =	simm.s32 $0x3;
	v10 =	vld [tilespmem:s22+$0xFFFFFF30];
	v5 =	vmul.f32 v5, v3  }
0x40d: {  	v11 =	vld [tilespmem:s22+$0xFFFFFF40];
	v6 =	vmul.f32 v6, v3;
	[tilespmem:s22+$0xFFFFFF00] =	vst v4;
	v4 =	vmov s30  }
0x40e: {  	v7 =	vmul.f32 v7, v3;
	[tilespmem:s22+$0xFFFFFF60] =	vst v5;
	v4 =	vand.u32 $0xFFFFFFFB, v4  }
0x40f: {  	v5 =	vmul.f32 v8, v3;
	[tilespmem:s22+$0xFFFFFF10] =	vst v6;
	v4 =	vbroadcast v4, $0x0  }
0x410: {  	v6 =	vmul.f32 v9, v3;
	[tilespmem:s22+$0xFFFFFF50] =	vst v7  }
0x411: {  	v7 =	vmul.f32 v10, v3;
	[tilespmem:s22+$0xFFFFFF70] =	vst v5  }
0x412: {  	v3 =	vmul.f32 v11, v3;
	[tilespmem:s22+$0xFFFFFF20] =	vst v6  }
0x413: {  	[tilespmem:s22+$0xFFFFFF30] =	vst v7  }
0x414: {  	[tilespmem:s22+$0xFFFFFF40] =	vst v3  }
0x415: {  	v3 =	vld.idx.msk [tilespmem:v4+s20+$0x0], $0xffff  }
0x416: {  	v4 =	vld [tilespmem:s22+$0xFFFFFFB0]  }
0x417: {  	v6 =	vld [tilespmem:s22+$0xFFFFFFE0]  }
0x418: {  	v7 =	vld [tilespmem:s22+$0xFFFFFF80]  }
0x419: {  	v8 =	vld [tilespmem:s22+$0xFFFFFFD0]  }
0x41a: {  	v5 =	vld [tilespmem:s22+$0xFFFFFFF0]  }
0x41b: {  	v10 =	vld [tilespmem:s22+$0xFFFFFFA0];
	v4 =	vmul.f32 v4, v3  }
0x41c: {  	s31 =	simm.s32 $0x4;
	v9 =	vld [tilespmem:s22+$0xFFFFFF90];
	v6 =	vmul.f32 v6, v3  }
0x41d: {  	v11 =	vld [tilespmem:s22+$0xFFFFFFC0];
	v7 =	vmul.f32 v7, v3;
	[tilespmem:s22+$0xFFFFFFB0] =	vst v4;
	v4 =	vmov s31  }
0x41e: {  	v8 =	vmul.f32 v8, v3;
	[tilespmem:s22+$0xFFFFFFE0] =	vst v6;
	v4 =	vand.u32 $0xFFFFFFFC, v4  }
0x41f: {  	v5 =	vmul.f32 v5, v3;
	[tilespmem:s22+$0xFFFFFF80] =	vst v7;
	v4 =	vbroadcast v4, $0x0  }
0x420: {  	v12 =	vld [tilespmem:s22+$0x40];
	v6 =	vmul.f32 v10, v3;
	[tilespmem:s22+$0xFFFFFFD0] =	vst v8  }
0x421: {  	v7 =	vmul.f32 v9, v3;
	[tilespmem:s22+$0xFFFFFFF0] =	vst v5;
	v10 =	vld [tilespmem:s22+$0x0]  }
0x422: {  	v5 =	vmul.f32 v11, v3;
	v3 =	vld [tilespmem:s22+$0x70];
	[tilespmem:s22+$0xFFFFFFA0] =	vst v6  }
0x423: {  	v9 =	vld [tilespmem:s22+$0x20];
	[tilespmem:s22+$0xFFFFFF90] =	vst v7  }
0x424: {  	v8 =	vld [tilespmem:s22+$0x30];
	[tilespmem:s22+$0xFFFFFFC0] =	vst v5  }
0x425: {  	v4 =	vld.idx.msk [tilespmem:v4+s20+$0x0], $0xffff  }
0x426: {  	v5 =	vld [tilespmem:s22+$0x50]  }
0x427: {  	v6 =	vld [tilespmem:s22+$0x10]  }
0x428: {  	v7 =	vld [tilespmem:s22+$0x60]  }
0x429: {  	s28 =	simm.s32 $0x7;
	s25 =	sshll.u32 s25, $0xE;
	s29 =	simm.s32 $0xF  }
0x42a: {  	s25 =	sor.u32 $0x13D00, s25;
	s24 =	sor.u32 $0x1BD00, s24;
	s26 =	smov.u32 s22;
	v11 =	vmul.f32 v10, v4;
	v10 =	vmul.f32 v12, v4  }
.LBB2_43:
0x42b: {  	p1 =	sne.s32 s29, $0x7F;
	v9 =	vmul.f32 v9, v4;
	v8 =	vmul.f32 v8, v4;
	s30 =	sadd.s32 $0xFFFFFFFE, s28;
	s22 =	sadd.s32 $0x400, s22  }
0x42c: {  	v5 =	vmul.f32 v5, v4;
	[tilespmem:s26+$0x0] =	vst v11;
	v6 =	vmul.f32 v6, v4;
	v11 =	vmov s30;
	s30 =	smov.u32 s29;
	s29 =	sadd.s32 $0x8, s29  }
0x42d: {  	v3 =	vmul.f32 v3, v4;
	[tilespmem:s26+$0x40] =	vst v10;
	v7 =	vmul.f32 v7, v4;
	v4 =	vand.u32 $0xFFFFFFFD, v11  }
0x42e: {  	[tilespmem:s26+$0x20] =	vst v9;
	v4 =	vbroadcast v4, $0x0  }
0x42f: {  	[tilespmem:s26+$0x50] =	vst v5  }
0x430: {  	[tilespmem:s26+$0x70] =	vst v3;
	v3 =	vld [tilespmem:s26+$0xA0]  }
0x431: {  	[tilespmem:s26+$0x30] =	vst v8;
	v5 =	vld [tilespmem:s26+$0x80]  }
0x432: {  	[tilespmem:s26+$0x60] =	vst v7;
	v7 =	vld [tilespmem:s26+$0xD0]  }
0x433: {  	[tilespmem:s26+$0x10] =	vst v6;
	v6 =	vld [tilespmem:s26+$0xF0]  }
0x434: {  	v4 =	vld.idx.msk [tilespmem:v4+s20+$0x0], $0xffff  }
0x435: {  	v8 =	vld [tilespmem:s26+$0xC0]  }
0x436: {  	v9 =	vld [tilespmem:s26+$0xB0]  }
0x437: {  	v10 =	vld [tilespmem:s26+$0x90]  }
0x438: {  	v11 =	vld [tilespmem:s26+$0xE0];
	_ =	sdelay $0x1  }
0x439: {  	v5 =	vmul.f32 v5, v4;
	v8 =	vmul.f32 v8, v4  }
0x43a: {  	s31 =	sadd.s32 $0xFFFFFFFF, s28;
	v3 =	vmul.f32 v3, v4;
	v9 =	vmul.f32 v9, v4  }
0x43b: {  	v7 =	vmul.f32 v7, v4;
	[tilespmem:s26+$0x80] =	vst v5;
	v5 =	vmul.f32 v10, v4;
	v10 =	vmov s31  }
0x43c: {  	[tilespmem:s26+$0xA0] =	vst v3;
	v3 =	vmul.f32 v11, v4;
	v4 =	vmul.f32 v6, v4;
	v6 =	vand.u32 $0xFFFFFFFE, v10  }
0x43d: {  	[tilespmem:s26+$0xD0] =	vst v7;
	v6 =	vbroadcast v6, $0x0  }
0x43e: {  	[tilespmem:s26+$0xC0] =	vst v8  }
0x43f: {  	[tilespmem:s26+$0xF0] =	vst v4;
	v4 =	vld [tilespmem:s26+$0x120]  }
0x440: {  	[tilespmem:s26+$0xB0] =	vst v9;
	v7 =	vld [tilespmem:s26+$0x100]  }
0x441: {  	[tilespmem:s26+$0x90] =	vst v5;
	v5 =	vld [tilespmem:s26+$0x140]  }
0x442: {  	[tilespmem:s26+$0xE0] =	vst v3;
	v3 =	vld [tilespmem:s26+$0x130]  }
0x443: {  	v6 =	vld.idx.msk [tilespmem:v6+s20+$0x0], $0xffff  }
0x444: {  	v8 =	vld [tilespmem:s26+$0x110]  }
0x445: {  	v9 =	vld [tilespmem:s26+$0x160]  }
0x446: {  	v10 =	vld [tilespmem:s26+$0x150]  }
0x447: {  	v11 =	vld [tilespmem:s26+$0x170];
	_ =	sdelay $0x1  }
0x448: {  	v7 =	vmul.f32 v7, v6;
	v8 =	vmul.f32 v8, v6  }
0x449: {  	v4 =	vmul.f32 v4, v6;
	v3 =	vmul.f32 v3, v6  }
0x44a: {  	v5 =	vmul.f32 v5, v6;
	[tilespmem:s26+$0x100] =	vst v7;
	v7 =	vmul.f32 v10, v6  }
0x44b: {  	[tilespmem:s26+$0x120] =	vst v4;
	v4 =	vmul.f32 v9, v6;
	v6 =	vmul.f32 v11, v6  }
0x44c: {  	[tilespmem:s26+$0x130] =	vst v3  }
0x44d: {  	v3 =	vmov s28;
	s28 =	smov.u32 s30;
	[tilespmem:s26+$0x140] =	vst v5  }
0x44e: {  	[tilespmem:s26+$0x160] =	vst v4;
	v4 =	vld [tilespmem:s26+$0x180]  }
0x44f: {  	[tilespmem:s26+$0x110] =	vst v8;
	v5 =	vld [tilespmem:s26+$0x1A0]  }
0x450: {  	[tilespmem:s26+$0x150] =	vst v7;
	v7 =	vld [tilespmem:s26+$0x1F0]  }
0x451: {  	[tilespmem:s26+$0x170] =	vst v6;
	v6 =	vld [tilespmem:s26+$0x1D0]  }
0x452: {  	v3 =	vld.idx.msk [tilespmem:v3+s20+$0x0], $0xffff  }
0x453: {  	v8 =	vld [tilespmem:s26+$0x190]  }
0x454: {  	v9 =	vld [tilespmem:s26+$0x1B0]  }
0x455: {  	v10 =	vld [tilespmem:s26+$0x1C0]  }
0x456: {  	v11 =	vld [tilespmem:s26+$0x1E0];
	_ =	sdelay $0x1  }
0x457: {  	v4 =	vmul.f32 v4, v3;
	v8 =	vmul.f32 v8, v3  }
0x458: {  	s30 =	sadd.s32 $0xFFFFFFF9, s28;
	v5 =	vmul.f32 v5, v3;
	v9 =	vmul.f32 v9, v3  }
0x459: {  	v12 =	vmov s30;
	v6 =	vmul.f32 v6, v3;
	[tilespmem:s26+$0x180] =	vst v4;
	v4 =	vmul.f32 v10, v3  }
0x45a: {  	v10 =	vand.u32 $0xFFFFFFF8, v12;
	[tilespmem:s26+$0x190] =	vst v8;
	v8 =	vmul.f32 v11, v3;
	v3 =	vmul.f32 v7, v3  }
0x45b: {  	v7 =	vbroadcast v10, $0x0;
	[tilespmem:s26+$0x1A0] =	vst v5  }
0x45c: {  	[tilespmem:s26+$0x1F0] =	vst v3  }
0x45d: {  	v3 =	vld [tilespmem:s22+$0xFFFFFE50];
	[tilespmem:s26+$0x1D0] =	vst v6  }
0x45e: {  	v5 =	vld [tilespmem:s22+$0xFFFFFE30];
	[tilespmem:s26+$0x1B0] =	vst v9  }
0x45f: {  	v6 =	vld [tilespmem:s22+$0xFFFFFE60];
	[tilespmem:s26+$0x1E0] =	vst v8  }
0x460: {  	v8 =	vld [tilespmem:s22+$0xFFFFFE70];
	[tilespmem:s26+$0x1C0] =	vst v4;
	s26 =	smov.u32 s22  }
0x461: {  	v4 =	vld.idx.msk [tilespmem:v7+s20+$0x0], $0xffff  }
0x462: {  	v7 =	vld [tilespmem:s22+$0xFFFFFE00]  }
0x463: {  	v9 =	vld [tilespmem:s22+$0xFFFFFE20]  }
0x464: {  	v10 =	vld [tilespmem:s22+$0xFFFFFE10]  }
0x465: {  	v11 =	vld [tilespmem:s22+$0xFFFFFE40];
	_ =	sdelay $0x1  }
0x466: {  	v8 =	vmul.f32 v8, v4;
	v7 =	vmul.f32 v7, v4  }
0x467: {  	s30 =	sadd.s32 $0xFFFFFFFA, s28;
	v6 =	vmul.f32 v6, v4;
	v9 =	vmul.f32 v9, v4  }
0x468: {  	v5 =	vmul.f32 v5, v4;
	v10 =	vmul.f32 v10, v4;
	[tilespmem:s22+$0xFFFFFE70] =	vst v8;
	v8 =	vmov s30  }
0x469: {  	v3 =	vmul.f32 v3, v4;
	[tilespmem:s22+$0xFFFFFE00] =	vst v7;
	v7 =	vmul.f32 v11, v4;
	v4 =	vand.u32 $0xFFFFFFF9, v8  }
0x46a: {  	[tilespmem:s22+$0xFFFFFE20] =	vst v9;
	v4 =	vbroadcast v4, $0x0  }
0x46b: {  	[tilespmem:s22+$0xFFFFFE30] =	vst v5  }
0x46c: {  	[tilespmem:s22+$0xFFFFFE50] =	vst v3;
	v3 =	vld [tilespmem:s22+$0xFFFFFEF0]  }
0x46d: {  	[tilespmem:s22+$0xFFFFFE10] =	vst v10;
	v5 =	vld [tilespmem:s22+$0xFFFFFED0]  }
0x46e: {  	[tilespmem:s22+$0xFFFFFE60] =	vst v6;
	v6 =	vld [tilespmem:s22+$0xFFFFFEB0]  }
0x46f: {  	[tilespmem:s22+$0xFFFFFE40] =	vst v7;
	v7 =	vld [tilespmem:s22+$0xFFFFFEC0]  }
0x470: {  	v4 =	vld.idx.msk [tilespmem:v4+s20+$0x0], $0xffff  }
0x471: {  	v8 =	vld [tilespmem:s22+$0xFFFFFE90]  }
0x472: {  	v9 =	vld [tilespmem:s22+$0xFFFFFE80]  }
0x473: {  	v10 =	vld [tilespmem:s22+$0xFFFFFEA0]  }
0x474: {  	v11 =	vld [tilespmem:s22+$0xFFFFFEE0];
	_ =	sdelay $0x1  }
0x475: {  	v7 =	vmul.f32 v7, v4;
	v8 =	vmul.f32 v8, v4  }
0x476: {  	s30 =	sadd.s32 $0xFFFFFFFB, s28;
	v6 =	vmul.f32 v6, v4;
	v9 =	vmul.f32 v9, v4  }
0x477: {  	v5 =	vmul.f32 v5, v4;
	[tilespmem:s22+$0xFFFFFE90] =	vst v8;
	v8 =	vmul.f32 v10, v4;
	v10 =	vmov s30  }
0x478: {  	v3 =	vmul.f32 v3, v4;
	[tilespmem:s22+$0xFFFFFEC0] =	vst v7;
	v7 =	vmul.f32 v11, v4;
	v4 =	vand.u32 $0xFFFFFFFA, v10  }
0x479: {  	[tilespmem:s22+$0xFFFFFE80] =	vst v9;
	v4 =	vbroadcast v4, $0x0  }
0x47a: {  	[tilespmem:s22+$0xFFFFFED0] =	vst v5  }
0x47b: {  	[tilespmem:s22+$0xFFFFFEE0] =	vst v7;
	v5 =	vld [tilespmem:s22+$0xFFFFFF70]  }
0x47c: {  	[tilespmem:s22+$0xFFFFFEB0] =	vst v6;
	v6 =	vld [tilespmem:s22+$0xFFFFFF50]  }
0x47d: {  	[tilespmem:s22+$0xFFFFFEF0] =	vst v3;
	v3 =	vld [tilespmem:s22+$0xFFFFFF20]  }
0x47e: {  	[tilespmem:s22+$0xFFFFFEA0] =	vst v8;
	v7 =	vld [tilespmem:s22+$0xFFFFFF60]  }
0x47f: {  	v4 =	vld.idx.msk [tilespmem:v4+s20+$0x0], $0xffff  }
0x480: {  	v8 =	vld [tilespmem:s22+$0xFFFFFF00]  }
0x481: {  	v9 =	vld [tilespmem:s22+$0xFFFFFF10]  }
0x482: {  	v10 =	vld [tilespmem:s22+$0xFFFFFF40]  }
0x483: {  	v11 =	vld [tilespmem:s22+$0xFFFFFF30];
	_ =	sdelay $0x1  }
0x484: {  	v7 =	vmul.f32 v7, v4;
	v8 =	vmul.f32 v8, v4  }
0x485: {  	s30 =	sadd.s32 $0xFFFFFFFC, s28;
	v3 =	vmul.f32 v3, v4;
	v9 =	vmul.f32 v9, v4  }
0x486: {  	v6 =	vmul.f32 v6, v4;
	[tilespmem:s22+$0xFFFFFF00] =	vst v8;
	v8 =	vmul.f32 v10, v4;
	v10 =	vmov s30  }
0x487: {  	v11 =	vmul.f32 v11, v4;
	[tilespmem:s22+$0xFFFFFF60] =	vst v7;
	v4 =	vmul.f32 v5, v4;
	v5 =	vand.u32 $0xFFFFFFFB, v10  }
0x488: {  	[tilespmem:s22+$0xFFFFFF10] =	vst v9;
	v5 =	vbroadcast v5, $0x0  }
0x489: {  	[tilespmem:s22+$0xFFFFFF50] =	vst v6  }
0x48a: {  	[tilespmem:s22+$0xFFFFFF70] =	vst v4;
	v4 =	vld [tilespmem:s22+$0xFFFFFFF0]  }
0x48b: {  	[tilespmem:s22+$0xFFFFFF20] =	vst v3;
	v3 =	vld [tilespmem:s22+$0xFFFFFFD0]  }
0x48c: {  	[tilespmem:s22+$0xFFFFFF30] =	vst v11;
	v6 =	vld [tilespmem:s22+$0xFFFFFF90]  }
0x48d: {  	[tilespmem:s22+$0xFFFFFF40] =	vst v8;
	v7 =	vld [tilespmem:s22+$0xFFFFFFE0]  }
0x48e: {  	v5 =	vld.idx.msk [tilespmem:v5+s20+$0x0], $0xffff  }
0x48f: {  	v8 =	vld [tilespmem:s22+$0xFFFFFFB0]  }
0x490: {  	v9 =	vld [tilespmem:s22+$0xFFFFFF80]  }
0x491: {  	v10 =	vld [tilespmem:s22+$0xFFFFFFC0]  }
0x492: {  	v11 =	vld [tilespmem:s22+$0xFFFFFFA0];
	_ =	sdelay $0x1  }
0x493: {  	v7 =	vmul.f32 v7, v5;
	v8 =	vmul.f32 v8, v5  }
0x494: {  	s30 =	sadd.s32 $0xFFFFFFFD, s28;
	v6 =	vmul.f32 v6, v5;
	v9 =	vmul.f32 v9, v5  }
0x495: {  	v3 =	vmul.f32 v3, v5;
	[tilespmem:s22+$0xFFFFFFB0] =	vst v8;
	v8 =	vmul.f32 v10, v5;
	v10 =	vmov s30  }
0x496: {  	v4 =	vmul.f32 v4, v5;
	v11 =	vmul.f32 v11, v5;
	[tilespmem:s22+$0xFFFFFFE0] =	vst v7;
	v5 =	vand.u32 $0xFFFFFFFC, v10  }
0x497: {  	[tilespmem:s22+$0xFFFFFF80] =	vst v9;
	v7 =	vbroadcast v5, $0x0  }
0x498: {  	[tilespmem:s22+$0xFFFFFFD0] =	vst v3  }
0x499: {  	[tilespmem:s22+$0xFFFFFFF0] =	vst v4;
	v10 =	vld [tilespmem:s22+$0x0]  }
0x49a: {  	[tilespmem:s22+$0xFFFFFFA0] =	vst v11;
	v3 =	vld [tilespmem:s22+$0x70]  }
0x49b: {  	[tilespmem:s22+$0xFFFFFF90] =	vst v6;
	v5 =	vld [tilespmem:s22+$0x50]  }
0x49c: {  	[tilespmem:s22+$0xFFFFFFC0] =	vst v8;
	v9 =	vld [tilespmem:s22+$0x20]  }
0x49d: {  	v4 =	vld.idx.msk [tilespmem:v7+s20+$0x0], $0xffff  }
0x49e: {  	v12 =	vld [tilespmem:s22+$0x40]  }
.Ltmp20:
0x49f: {  	v8 =	vld [tilespmem:s22+$0x30];
	(pc) =	sbr.rel @p1 .LBB2_43-.Ltmp20, $3  }
0x4a0: {  	v6 =	vld [tilespmem:s22+$0x10]  }
0x4a1: {  	v7 =	vld [tilespmem:s22+$0x60];
	_ =	sdelay $0x1  }
0x4a2: {  	v11 =	vmul.f32 v10, v4;
	v10 =	vmul.f32 v12, v4  }
0x4a3: {  	s22 =	sadd.s32 $0xFFFFFFFE, s28  }
0x4a4: {  	v9 =	vmul.f32 v9, v4;
	[tilespmem:s26+$0x0] =	vst v11;
	v20 =	vmov s22  }
0x4a5: {  	v5 =	vmul.f32 v5, v4;
	[tilespmem:s26+$0x40] =	vst v10;
	v21 =	vand.u32 $0xFFFFFFFD, v20  }
0x4a6: {  	v3 =	vmul.f32 v3, v4;
	[tilespmem:s26+$0x20] =	vst v9;
	v22 =	vbroadcast v21, $0x0  }
0x4a7: {  	v8 =	vmul.f32 v8, v4;
	[tilespmem:s26+$0x50] =	vst v5  }
0x4a8: {  	v23 =	vmul.f32 v7, v4;
	[tilespmem:s26+$0x70] =	vst v3  }
0x4a9: {  	v3 =	vmul.f32 v6, v4;
	[tilespmem:s26+$0x30] =	vst v8  }
0x4aa: {  	[tilespmem:s26+$0x60] =	vst v23  }
0x4ab: {  	v24 =	vld [tilespmem:s26+$0x80];
	[tilespmem:s26+$0x10] =	vst v3  }
0x4ac: {  	v3 =	vld.idx.msk [tilespmem:v22+s20+$0x0], $0xffff  }
0x4ad: {  	v25 =	vld [tilespmem:s26+$0xA0]  }
0x4ae: {  	v26 =	vld [tilespmem:s26+$0xD0]  }
0x4af: {  	v27 =	vld [tilespmem:s26+$0xC0]  }
0x4b0: {  	v28 =	vld [tilespmem:s26+$0xF0]  }
0x4b1: {  	v29 =	vld [tilespmem:s26+$0xB0];
	v4 =	vmul.f32 v24, v3  }
0x4b2: {  	v30 =	vld [tilespmem:s26+$0x90];
	s31 =	sadd.s32 $0xFFFFFFFF, s28;
	v5 =	vmul.f32 v25, v3  }
0x4b3: {  	v31 =	vld [tilespmem:s26+$0xE0];
	v33 =	vmov s31;
	v32 =	vmul.f32 v26, v3;
	[tilespmem:s26+$0x80] =	vst v4  }
0x4b4: {  	v34 =	vand.u32 $0xFFFFFFFE, v33;
	v7 =	vmul.f32 v27, v3;
	[tilespmem:s26+$0xA0] =	vst v5  }
0x4b5: {  	v36 =	vbroadcast v34, $0x0;
	v35 =	vmul.f32 v28, v3;
	[tilespmem:s26+$0xD0] =	vst v32  }
0x4b6: {  	v37 =	vmul.f32 v29, v3;
	[tilespmem:s26+$0xC0] =	vst v7  }
0x4b7: {  	v38 =	vmul.f32 v30, v3;
	[tilespmem:s26+$0xF0] =	vst v35  }
0x4b8: {  	v3 =	vmul.f32 v31, v3;
	[tilespmem:s26+$0xB0] =	vst v37  }
0x4b9: {  	[tilespmem:s26+$0x90] =	vst v38  }
0x4ba: {  	v39 =	vld [tilespmem:s26+$0x100];
	[tilespmem:s26+$0xE0] =	vst v3  }
0x4bb: {  	v3 =	vld.idx.msk [tilespmem:v36+s20+$0x0], $0xffff  }
0x4bc: {  	v40 =	vld [tilespmem:s26+$0x120]  }
0x4bd: {  	v41 =	vld [tilespmem:s26+$0x130]  }
0x4be: {  	v42 =	vld [tilespmem:s26+$0x140]  }
0x4bf: {  	v43 =	vld [tilespmem:s26+$0x160]  }
0x4c0: {  	v44 =	vld [tilespmem:s26+$0x110];
	v5 =	vmul.f32 v39, v3  }
0x4c1: {  	v45 =	vld [tilespmem:s26+$0x150];
	v4 =	vmul.f32 v40, v3  }
0x4c2: {  	v46 =	vld [tilespmem:s26+$0x170];
	v6 =	vmul.f32 v41, v3;
	[tilespmem:s26+$0x100] =	vst v5  }
0x4c3: {  	v47 =	vmul.f32 v42, v3;
	[tilespmem:s26+$0x120] =	vst v4  }
0x4c4: {  	v48 =	vmul.f32 v43, v3;
	[tilespmem:s26+$0x130] =	vst v6  }
0x4c5: {  	v50 =	vmov s28;
	v49 =	vmul.f32 v44, v3;
	[tilespmem:s26+$0x140] =	vst v47  }
0x4c6: {  	v51 =	vmul.f32 v45, v3;
	[tilespmem:s26+$0x160] =	vst v48  }
0x4c7: {  	v3 =	vmul.f32 v46, v3;
	[tilespmem:s26+$0x110] =	vst v49  }
0x4c8: {  	[tilespmem:s26+$0x150] =	vst v51  }
0x4c9: {  	v52 =	vld [tilespmem:s26+$0x180];
	[tilespmem:s26+$0x170] =	vst v3  }
0x4ca: {  	v3 =	vld.idx.msk [tilespmem:v50+s20+$0x0], $0xffff  }
0x4cb: {  	v54 =	vld [tilespmem:s26+$0x190]  }
0x4cc: {  	v53 =	vld [tilespmem:s26+$0x1A0]  }
0x4cd: {  	v55 =	vld [tilespmem:s26+$0x1F0]  }
0x4ce: {  	v56 =	vld [tilespmem:s26+$0x1D0]  }
0x4cf: {  	v57 =	vld [tilespmem:s26+$0x1B0];
	v4 =	vmul.f32 v52, v3  }
0x4d0: {  	v58 =	vld [tilespmem:s26+$0x1E0];
	v5 =	vmul.f32 v54, v3  }
0x4d1: {  	v59 =	vld [tilespmem:s26+$0x1C0];
	v6 =	vmul.f32 v53, v3;
	[tilespmem:s26+$0x180] =	vst v4  }
0x4d2: {  	v60 =	vmul.f32 v55, v3;
	[tilespmem:s26+$0x190] =	vst v5  }
0x4d3: {  	v61 =	vmul.f32 v56, v3;
	[tilespmem:s26+$0x1A0] =	vst v6  }
0x4d4: {  	v62 =	vmul.f32 v57, v3;
	[tilespmem:s26+$0x1F0] =	vst v60  }
0x4d5: {  	v63 =	vmul.f32 v58, v3;
	[tilespmem:s26+$0x1D0] =	vst v61  }
0x4d6: {  	v3 =	vmul.f32 v59, v3;
	[tilespmem:s26+$0x1B0] =	vst v62  }
0x4d7: {  	p1 =	sne.s32 s21, s19;
	[tilespmem:s26+$0x1E0] =	vst v63  }
.Ltmp21:
0x4d8: {  	[tilespmem:s26+$0x1C0] =	vst v3;
	(pc) =	sbr.rel @p1 .LBB2_42-.Ltmp21, $4  }
0x4d9: {  	[spmem:s3] =	stream.indirect.scatter.add.f32 [tilespmem:s25], [sflag:$0x2], $0x80, s24, s12, $0xb8;
	[tilespmem:$0x1E780] =	vst v63  }
0x4da: {  	_ =	swait.ge [sflag:s9], $0x4000  }
0x4db: {  	[sflag:s9] =	ssyncset.done $0x0  }
0x4dc: {  	p0 =	por !p0, !p0;
	[sflag:s9] =	ssyncadd.s32 $0xFFFFC000  }
0x4dd: {  	s21 =	stileid.u32  }
0x4de: {  	[bflag:$0x0] =	sbarrier.arrive $0xFFFF;
	s21 =	sshll.u32 s21, $0x6  }
0x4df: {  	s22 =	sshrl.u32 s13, $0x3;
	s24 =	rddreg [dreg:$0x13];
	s21 =	sor.u32 $0x1C02, s21  }
0x4e0: {  	[hbm:s24], [sflag:s21] =	dma.local [spmem:s22], $0x400  }
0x4e1: {  	_ =	swait.ge [sflag:s9], $0x400  }
0x4e2: {  	s7 =	sadd.s32 $0x1, s7;
	s30 =	rddreg [dreg:$0x14]  }
0x4e3: {  	p0 =	sne.s32 s7, s30  }
.Ltmp22:
0x4e4: {  	_ = 	snop;
	(pc) =	sbr.rel @p0 .LBB2_1-.Ltmp22, $3  }
0x4e5: {  	_ =	sdelay $0x1  }
0x4e6: {  	[sflag:s9] =	ssyncset.done $0x0  }
0x4e7: {  	s31 =	simm.s32 $0x13D00;
	[sflag:s9] =	ssyncadd.s32 $0xFFFFFC00  }
0x4e8: {  	_ =	sfence.sel $0x180000  }
0x4e9: {  	[bflag:$0x0] =	sbarrier.arrive $0xFFFF  }
0x4ea: {  	_ =	strace $0x90000047  }
0x4eb: {  	s0 =	stileid.u32;
	[bflag:$0x2] =	sbarrier.arrive $0xFFFF  }
0x4ec: {  	p0 =	sne.s32 s0, $0x0;
	s0 =	rddreg [dreg:$0x6]  }
0x4ed: {  	s0 =	sadd.s32 @!p0 $0x100000, s0  }
0x4ee: {  	[sflag:s0] =	ssyncadd.tile.s32 @!p0 $0x1;
	_ =	shalt  }
.Lfunc_end2:
_tile_overlayer_lowered:
.L_overlay_start_2:
0x4ef: {  	(tag) =	ssettag $0x2  }
0x4f0: {  	s0 =	rddreg [dreg:$0x0];
	s2 =	stileid.u32  }
0x4f1: {  	s1 =	rddreg [dreg:$0x1];
	p0 =	sne.s32 s2, $0x0  }
0x4f2: {  	s3 =	rddreg [dreg:$0x2];
	[bflag:$0x3] =	sbarrier.arrive $0xFFFF;
	s2 =	simm.s32 @!p0 $0x1C02  }
0x4f3: {  	[timem:s3], [sflag:s2] =	dma.local @!p0 [hbm:s0], s1  }
0x4f4: {  	s0 =	simm.s32 @!p0 $0x2  }
0x4f5: {  	_ =	swait.ge @!p0 [sflag:s0], s1  }
0x4f6: {  	s1 =	ssub.s32 @!p0 $0x0, s1;
	[sflag:s0] =	ssyncset.done @!p0 $0x0  }
0x4f7: {  	[sflag:s0] =	ssyncadd.s32 @!p0 s1  }
0x4f8: {  	[bflag:$0x3] =	sbarrier.arrive $0xFFFF  }
0x4f9: {  	_ =	shalt  }

</sc_bundles>
